<compile_context>
chip_gen: v7x
topology: tpu7x:2x2x1
jax: 0.10.2.dev20260603
libtpu: 0.0.44.dev20260713+nightly
codegen_flags: <defaults>
</compile_context>

<pallas_src>
import functools

import jax
import jax.numpy as jnp
from jax import lax
from jax.experimental import pallas as pl
from jax.experimental.pallas import tpu as pltpu
from jax.experimental.pallas import tpu_sc as plsc

_N = 10000
_D = 128
_H = 64
_E_RAW = 320000
_E2 = _E_RAW + _N
_CH = 256
_NC, _NS = 2, 16
_NW = _NC * _NS
_GRAN = _NW * 512
_EP = ((_E2 + _GRAN - 1) // _GRAN) * _GRAN
_EPW = _EP // _NW
_EPH = _EP // 2
_EPWH = _EPW // 2
_NCHS = _EPWH // _CH
_NPAD = 10240
_RPT = _NPAD // _NS
_BLKN = 512
_EB = 4096

_sc_mesh = plsc.VectorSubcoreMesh(
    core_axis_name="c", subcore_axis_name="s", num_cores=_NC, num_subcores=_NS)



_DG = _D


def _node_tables_kernel(x_ref, pos_ref, win_ref, bin_ref, wq_ref, wk_ref,
                        wv_ref, wa1_ref, wp1_ref, t1_ref, t2_ref, v_ref):
    x1 = jnp.maximum(
        jnp.dot(x_ref[...], win_ref[...], preferred_element_type=jnp.float32)
        + bin_ref[...], 0.0)
    qa = jnp.dot(jnp.dot(x1, wq_ref[...], preferred_element_type=jnp.float32),
                 wa1_ref[...], preferred_element_type=jnp.float32)
    ka = jnp.dot(jnp.dot(x1, wk_ref[...], preferred_element_type=jnp.float32),
                 wa1_ref[...], preferred_element_type=jnp.float32)
    pp = jnp.dot(pos_ref[...], wp1_ref[...], preferred_element_type=jnp.float32)
    t1_ref[...] = jnp.concatenate([qa, pp], axis=1)
    t2_ref[...] = jnp.concatenate([ka, pp], axis=1)
    v_ref[...] = jnp.dot(x1, wv_ref[...], preferred_element_type=jnp.float32)


def _edge_mlp_kernel(g_ref, vs_ref, bp1_ref, wp2_ref, bp2_ref, wa1_ref,
                     ba1_ref, wa2_ref, ba2_ref, ex_ref, m_ref):
    g = g_ref[...]
    hp = jnp.maximum(g[:, _H:] + bp1_ref[...], 0.0)
    delta = jnp.maximum(
        jnp.dot(hp, wp2_ref[...], preferred_element_type=jnp.float32)
        + bp2_ref[...], 0.0)
    da = jnp.dot(delta, wa1_ref[...], preferred_element_type=jnp.float32)
    h1 = jnp.maximum(g[:, :_H] + da + ba1_ref[...], 0.0)
    a = jnp.maximum(
        jnp.dot(h1, wa2_ref[...], preferred_element_type=jnp.float32)
        + ba2_ref[...], 0.0)
    ex = jnp.exp(a)
    ex_ref[...] = ex
    m_ref[...] = ex * (vs_ref[...] + delta)


def _out_kernel(n0l_ref, n0h_ref, n1l_ref, n1h_ref, d0l_ref, d0h_ref,
                d1l_ref, d1h_ref, wout_ref, bout_ref, o_ref):
    num = n0l_ref[...] + n0h_ref[...] + n1l_ref[...] + n1h_ref[...]
    den = d0l_ref[...] + d0h_ref[...] + d1l_ref[...] + d1h_ref[...]
    node = num / (den + 1e-16)
    o_ref[...] = jnp.maximum(
        jnp.dot(node, wout_ref[...], preferred_element_type=jnp.float32)
        + bout_ref[...], 0.0)



_CG = 128
_NPAIR = _EPWH // (2 * _CG)


def _make_gather(half):
    @functools.partial(
        pl.kernel,
        out_type=[
            jax.ShapeDtypeStruct((_EPH, _DG), jnp.float32),
            jax.ShapeDtypeStruct((_EPH, _D), jnp.float32),
        ],
        mesh=_sc_mesh,
        scratch_types=[
            pltpu.VMEM((_CG,), jnp.int32),
            pltpu.VMEM((_CG,), jnp.int32),
            pltpu.VMEM((_CG,), jnp.int32),
            pltpu.VMEM((_CG,), jnp.int32),
            pltpu.VMEM((_CG, _DG), jnp.float32),
            pltpu.VMEM((_CG, _DG), jnp.float32),
            pltpu.VMEM((_CG, _D), jnp.float32),
            pltpu.VMEM((_CG, _DG), jnp.float32),
            pltpu.VMEM((_CG, _DG), jnp.float32),
            pltpu.VMEM((_CG, _D), jnp.float32),
        ] + [pltpu.SemaphoreType.DMA] * 10,
    )
    def gath(t1, t2, vtab, dstr, srcr, g, vs,
             dia, sia, dib, sib, b1a, b2a, bva, b1b, b2b, bvb,
             sa1, sa2, sa3, sb1, sb2, sb3, swa1, swa2, swb1, swb2):
        c = lax.axis_index("c")
        s = lax.axis_index("s")
        lbase0 = (s * _NC + c) * _EPWH
        gbase0 = half * _EPH + lbase0

        def load_idx(lbase, dib_, sib_):
            gb = gbase0 + (lbase - lbase0)
            pltpu.sync_copy(dstr.at[pl.ds(gb, _CG)], dib_)
            pltpu.sync_copy(srcr.at[pl.ds(gb, _CG)], sib_)

        def sub_rows(bx, by):
            def row(r, cr):
                for cc in range(_DG // 16):
                    sl = pl.ds(cc * 16, 16)
                    bx[r, sl] = bx[r, sl] - by[r, sl]
                return cr

            lax.fori_loop(0, _CG, row, 0)

        load_idx(lbase0, dia, sia)
        pltpu.async_copy(t1.at[dia], b1a, sa1)
        pltpu.async_copy(t2.at[sia], b2a, sa2)
        pltpu.async_copy(vtab.at[sia], bva, sa3)
        load_idx(lbase0 + _CG, dib, sib)

        def pair(i, carry):
            base_a = lbase0 + (2 * i) * _CG
            base_b = base_a + _CG
            hb1 = pltpu.async_copy(t1.at[dib], b1b, sb1)
            hb2 = pltpu.async_copy(t2.at[sib], b2b, sb2)
            hb3 = pltpu.async_copy(vtab.at[sib], bvb, sb3)
            pltpu.make_async_copy(t1.at[dia], b1a, sa1).wait()
            pltpu.make_async_copy(t2.at[sia], b2a, sa2).wait()
            pltpu.make_async_copy(vtab.at[sia], bva, sa3).wait()

            @pl.when(i < _NPAIR - 1)
            def _():
                load_idx(base_a + 2 * _CG, dia, sia)

            sub_rows(b1a, b2a)
            hwa1 = pltpu.async_copy(b1a, g.at[pl.ds(base_a, _CG)], swa1)
            hwa2 = pltpu.async_copy(bva, vs.at[pl.ds(base_a, _CG)], swa2)
            hb1.wait()
            hb2.wait()
            hb3.wait()

            @pl.when(i < _NPAIR - 1)
            def _():
                load_idx(base_b + 2 * _CG, dib, sib)

            sub_rows(b1b, b2b)
            hwb1 = pltpu.async_copy(b1b, g.at[pl.ds(base_b, _CG)], swb1)
            hwb2 = pltpu.async_copy(bvb, vs.at[pl.ds(base_b, _CG)], swb2)
            hwa1.wait()
            hwa2.wait()

            @pl.when(i < _NPAIR - 1)
            def _():
                pltpu.async_copy(t1.at[dia], b1a, sa1)
                pltpu.async_copy(t2.at[sia], b2a, sa2)
                pltpu.async_copy(vtab.at[sia], bva, sa3)

            hwb1.wait()
            hwb2.wait()
            return carry

        lax.fori_loop(0, _NPAIR, pair, 0)

    return gath


_sc_gather0 = _make_gather(0)
_sc_gather1 = _make_gather(1)


def _zero_acc(buf, acc, s):
    def zrow(r, cr):
        for cc in range(_D // 16):
            buf[r, pl.ds(cc * 16, 16)] = jnp.zeros((16,), jnp.float32)
        return cr

    lax.fori_loop(0, _CH, zrow, 0)
    off = 0
    for sz in (_CH, _CH, _RPT - 2 * _CH):
        pltpu.sync_copy(buf.at[pl.ds(0, sz)],
                        acc.at[pl.ds(s * _RPT + off, sz)])
        off += sz


def _make_scatter(half):
    @functools.partial(
        pl.kernel,
        out_type=[
            jax.ShapeDtypeStruct((2 * _NPAD, _D), jnp.float32),
            jax.ShapeDtypeStruct((2 * _NPAD, _D), jnp.float32),
        ],
        mesh=_sc_mesh,
        scratch_types=[
            pltpu.VMEM((_CH,), jnp.int32),
            pltpu.VMEM((_CH, _D), jnp.float32),
            pltpu.VMEM_SHARED((_NPAD, _D), jnp.float32),
            pltpu.SemaphoreType.DMA,
            pltpu.SemaphoreType.DMA,
        ],
    )
    def scat(mr, exr, dstr, npart, dpart, di, bval, acc, s1, s2):
        c = lax.axis_index("c")
        s = lax.axis_index("s")
        lbase0 = (s * _NC + c) * _EPWH
        gbase0 = half * _EPH + lbase0

        for valr, part in ((mr, npart), (exr, dpart)):
            _zero_acc(bval, acc, s)
            plsc.subcore_barrier()

            def chunk(i, carry):
                lbase = lbase0 + i * _CH
                gbase = gbase0 + i * _CH
                ha = pltpu.async_copy(dstr.at[pl.ds(gbase, _CH)], di, s1)
                hb = pltpu.async_copy(valr.at[pl.ds(lbase, _CH)], bval, s2)
                ha.wait()
                hb.wait()
                pltpu.sync_copy(bval, acc.at[di], add=True)
                return carry

            lax.fori_loop(0, _NCHS, chunk, 0)
            plsc.subcore_barrier()
            pltpu.sync_copy(acc.at[pl.ds(s * _RPT, _RPT)],
                            part.at[pl.ds(c * _NPAD + s * _RPT, _RPT)])
            plsc.subcore_barrier()

    return scat


_sc_scatter0 = _make_scatter(0)
_sc_scatter1 = _make_scatter(1)



def _full(shape):
    return pl.BlockSpec(shape, lambda i: (0, 0))


def kernel(x, pos, edge_index, W_in, b_in, W_q, W_k, W_v, W_p1, b_p1, W_p2,
           b_p2, W_a1, b_a1, W_a2, b_a2, W_out, b_out):
    f32 = jnp.float32
    src0, dst0 = edge_index[0], edge_index[1]
    keep = src0 != dst0
    loop = jnp.arange(_N, dtype=src0.dtype)
    padn = _EP - _E2
    src = jnp.concatenate([jnp.where(keep, src0, _N), loop,
                           jnp.full((padn,), _N, src0.dtype)])
    dst = jnp.concatenate([jnp.where(keep, dst0, _N), loop,
                           jnp.full((padn,), _N, dst0.dtype)])
    x_pad = jnp.pad(x, ((0, _NPAD - _N), (0, 0)))
    pos_pad = jnp.pad(pos.astype(f32), ((0, _NPAD - _N), (0, 14)))
    wp1_pad = jnp.pad(W_p1, ((0, 14), (0, 0)))
    r2 = lambda v: v.reshape(1, -1)

    nb = _NPAD // _BLKN
    t1, t2, vtab = pl.pallas_call(
        _node_tables_kernel,
        grid=(nb,),
        in_specs=[
            pl.BlockSpec((_BLKN, _D), lambda i: (i, 0)),
            pl.BlockSpec((_BLKN, 16), lambda i: (i, 0)),
            _full((_D, _D)), _full((1, _D)), _full((_D, _D)),
            _full((_D, _D)), _full((_D, _D)), _full((_D, _H)),
            _full((16, _H)),
        ],
        out_specs=[
            pl.BlockSpec((_BLKN, _DG), lambda i: (i, 0)),
            pl.BlockSpec((_BLKN, _DG), lambda i: (i, 0)),
            pl.BlockSpec((_BLKN, _D), lambda i: (i, 0)),
        ],
        out_shape=[
            jax.ShapeDtypeStruct((_NPAD, _DG), f32),
            jax.ShapeDtypeStruct((_NPAD, _DG), f32),
            jax.ShapeDtypeStruct((_NPAD, _D), f32),
        ],
    )(x_pad, pos_pad, W_in, r2(b_in), W_q, W_k, W_v, W_a1, wp1_pad)

    neb = _EPH // _EB

    def mlp(g, vs):
        return pl.pallas_call(
            _edge_mlp_kernel,
            grid=(neb,),
            in_specs=[
                pl.BlockSpec((_EB, _DG), lambda i: (i, 0)),
                pl.BlockSpec((_EB, _D), lambda i: (i, 0)),
                _full((1, _H)), _full((_H, _D)), _full((1, _D)),
                _full((_D, _H)), _full((1, _H)), _full((_H, _D)),
                _full((1, _D)),
            ],
            out_specs=[
                pl.BlockSpec((_EB, _D), lambda i: (i, 0)),
                pl.BlockSpec((_EB, _D), lambda i: (i, 0)),
            ],
            out_shape=[
                jax.ShapeDtypeStruct((_EPH, _D), f32),
                jax.ShapeDtypeStruct((_EPH, _D), f32),
            ],
        )(g, vs, r2(b_p1), W_p2, r2(b_p2), W_a1, r2(b_a1), W_a2, r2(b_a2))

    g0, vs0 = _sc_gather0(t1, t2, vtab, dst, src)
    ex0, m0 = mlp(g0, vs0)
    g1, vs1 = _sc_gather1(t1, t2, vtab, dst, src)
    ex1, m1 = mlp(g1, vs1)
    np0, dp0 = _sc_scatter0(m0, ex0, dst)
    np1, dp1 = _sc_scatter1(m1, ex1, dst)

    outp = pl.pallas_call(
        _out_kernel,
        grid=(nb,),
        in_specs=[
            pl.BlockSpec((_BLKN, _D), lambda i: (i, 0)),
            pl.BlockSpec((_BLKN, _D), lambda i: (i + nb, 0)),
            pl.BlockSpec((_BLKN, _D), lambda i: (i, 0)),
            pl.BlockSpec((_BLKN, _D), lambda i: (i + nb, 0)),
            pl.BlockSpec((_BLKN, _D), lambda i: (i, 0)),
            pl.BlockSpec((_BLKN, _D), lambda i: (i + nb, 0)),
            pl.BlockSpec((_BLKN, _D), lambda i: (i, 0)),
            pl.BlockSpec((_BLKN, _D), lambda i: (i + nb, 0)),
            _full((_D, _D)), _full((1, _D)),
        ],
        out_specs=pl.BlockSpec((_BLKN, _D), lambda i: (i, 0)),
        out_shape=jax.ShapeDtypeStruct((_NPAD, _D), f32),
    )(np0, np0, np1, np1, dp0, dp0, dp1, dp1, W_out, r2(b_out))

    return outp[:_N]

# --- scband reference (transcript-rebuilt; emitter-appended) ---
"""Pipeline reference for scband-transformer-block-55078660604238 (READ-ONLY COPY).

The authoritative reference and input builder live on the scoring server;
editing this copy changes nothing except your own understanding.
"""

import jax, jax.numpy as jnp
import numpy as np

N = 10000
E = 320000
D = 128
H = 64
P = 2


def setup_inputs(seed: int = 0) -> dict:
    key = jax.random.key(seed)
    ks = jax.random.split(key, 16)
    s = 0.05
    inp = {}
    inp['x'] = jax.random.normal(ks[0], (N, D), dtype=jnp.float32)
    inp['pos'] = jax.random.uniform(ks[1], (N, P), dtype=jnp.float32)
    inp['edge_index'] = jax.random.randint(ks[2], (2, E), 0, N, dtype=jnp.int32)
    inp['W_in'] = jax.random.normal(ks[3], (D, D), dtype=jnp.float32) * s
    inp['b_in'] = jnp.zeros((D,), jnp.float32)
    inp['W_q'] = jax.random.normal(ks[4], (D, D), dtype=jnp.float32) * s
    inp['W_k'] = jax.random.normal(ks[5], (D, D), dtype=jnp.float32) * s
    inp['W_v'] = jax.random.normal(ks[6], (D, D), dtype=jnp.float32) * s
    inp['W_p1'] = jax.random.normal(ks[7], (P, H), dtype=jnp.float32) * 0.5
    inp['b_p1'] = jnp.zeros((H,), jnp.float32)
    inp['W_p2'] = jax.random.normal(ks[8], (H, D), dtype=jnp.float32) * s
    inp['b_p2'] = jnp.zeros((D,), jnp.float32)
    inp['W_a1'] = jax.random.normal(ks[9], (D, H), dtype=jnp.float32) * s
    inp['b_a1'] = jnp.zeros((H,), jnp.float32)
    inp['W_a2'] = jax.random.normal(ks[10], (H, D), dtype=jnp.float32) * s
    inp['b_a2'] = jnp.zeros((D,), jnp.float32)
    inp['W_out'] = jax.random.normal(ks[11], (D, D), dtype=jnp.float32) * s
    inp['b_out'] = jnp.zeros((D,), jnp.float32)
    return inp


def _mlp2(x, W1, b1, W2, b2):
    # PyG MLP([a, 64, b], norm=None, plain_last=False): ReLU after every layer
    h = jax.nn.relu(x @ W1 + b1)
    return jax.nn.relu(h @ W2 + b2)


def _forward(x, pos, src, dst, W_in, b_in, W_q, W_k, W_v, W_p1, b_p1, W_p2, b_p2, W_a1, b_a1, W_a2, b_a2, W_out, b_out):
    # linear_in + relu
    x1 = jax.nn.relu(x @ W_in + b_in)
    # PointTransformerConv projections (bias=False): lin_dst=query, lin_src=key, lin=value
    q = x1 @ W_q
    k = x1 @ W_k
    v = x1 @ W_v
    # message: delta = pos_nn(pos_i - pos_j), i=dst, j=src
    delta = _mlp2(pos[dst] - pos[src], W_p1, b_p1, W_p2, b_p2)
    a = _mlp2(q[dst] - k[src] + delta, W_a1, b_a1, W_a2, b_a2)
    # per-destination, per-channel softmax over incoming edges
    a_max = jax.ops.segment_max(a, dst, num_segments=N + 1)
    a_max = jnp.where(jnp.isfinite(a_max), a_max, 0.0)
    ex = jnp.exp(a - jax.lax.stop_gradient(a_max)[dst])
    denom = jax.ops.segment_sum(ex, dst, num_segments=N + 1)
    alpha = ex / (denom[dst] + 1e-16)
    # aggregate alpha * (value_j + delta) at dst
    out = jax.ops.segment_sum(alpha * (v[src] + delta), dst, num_segments=N + 1)[:N]
    # linear_out + relu
    return jax.nn.relu(out @ W_out + b_out)


def reference(x, pos, edge_index, W_in, b_in, W_q, W_k, W_v, W_p1, b_p1, W_p2, b_p2, W_a1, b_a1, W_a2, b_a2, W_out, b_out):
    # PointTransformerConv default: remove self-loops, then add self-loops
    src, dst = edge_index[0], edge_index[1]
    keep = src != dst
    loop = jnp.arange(N, dtype=src.dtype)
    src = jnp.concatenate([jnp.where(keep, src, N), loop])
    dst = jnp.concatenate([jnp.where(keep, dst, N), loop])
    return _forward(x, pos, src, dst, W_in, b_in, W_q, W_k, W_v, W_p1, b_p1, W_p2, b_p2, W_a1, b_a1, W_a2, b_a2, W_out, b_out)

if __name__ == "__main__":
    import jax
    _d = setup_inputs()
    print(jax.jit(kernel)(*tuple(_d.values())))

</pallas_src>

<mosaic_0001>
#map = affine_map<(d0, d1) -> (0, 0)>
#map1 = affine_map<(d0, d1) -> (0)>
module attributes {stable_mosaic.version = 14 : i64} {
  func.func @scat(%arg0: i32, %arg1: i32, %arg2: memref<172032x128xf32, #tpu.memory_space<hbm>>, %arg3: memref<172032x128xf32, #tpu.memory_space<hbm>>, %arg4: memref<344064xi32, #tpu.memory_space<hbm>>, %arg5: memref<20480x128xf32, #tpu.memory_space<hbm>>, %arg6: memref<20480x128xf32, #tpu.memory_space<hbm>>, %arg7: memref<256xi32, #tpu.memory_space<vmem>>, %arg8: memref<256x128xf32, #tpu.memory_space<vmem>>, %arg9: memref<10240x128xf32, #tpu.memory_space<vmem_shared>>, %arg10: memref<!tpu.dma_semaphore, #tpu.memory_space<semaphore_mem>>, %arg11: memref<!tpu.dma_semaphore, #tpu.memory_space<semaphore_mem>>) attributes {dimension_semantics = [#tpu.dimension_semantics<core_parallel>, #tpu.dimension_semantics<subcore_parallel>], iteration_bounds = array<i64: 2, 16>, scalar_prefetch = 0 : i64, scratch_operands = 5 : i64, tpu.core_type = #tpu.core_type<sc_vector_subcore>, window_params = [{transform_indices = #map}, {transform_indices = #map}, {transform_indices = #map1}, {transform_indices = #map}, {transform_indices = #map}]} {
    %mul3A = arith.constant 2 : i32
    %mul3A_0 = arith.muli %arg1, %mul3A : i32
    %add3A = arith.addi %mul3A_0, %arg0 : i32
    %mul3A_1 = arith.constant 5376 : i32
    %mul3A_2 = arith.muli %add3A, %mul3A_1 : i32
    %add3A_3 = arith.constant 172032 : i32
    %add3A_4 = arith.addi %add3A_3, %mul3A_2 : i32
    %scan3A = arith.constant 0 : i32
    %scan3A_5 = arith.constant 0 : i32
    %scan3A_6 = arith.constant 256 : i32
    %scan3A_7 = arith.addi %scan3A_5, %scan3A_6 : i32
    %scan3A_8 = arith.constant 1 : i32
    scf.for %scan3A_71 = %scan3A_5 to %scan3A_7 step %scan3A_8  : i32 {
      %broadcast_in_dim3A = arith.constant 0.000000e+00 : f32
      %broadcast_in_dim3A_72 = vector.broadcast %broadcast_in_dim3A : f32 to vector<16xf32>
      %swap3A = arith.index_cast %scan3A_71 : i32 to index
      %swap3A_73 = arith.constant 0 : index
      %swap3A_74 = tpu.vector_load %arg8[%swap3A, %swap3A_73] {strides = array<i32>} : memref<256x128xf32, #tpu.memory_space<vmem>>, vector<1x16xf32>,
      %swap3A_75 = vector.shape_cast %swap3A_74 : vector<1x16xf32> to vector<16xf32>
      %swap3A_76 = vector.shape_cast %broadcast_in_dim3A_72 : vector<16xf32> to vector<1x16xf32>
      tpu.vector_store %arg8[%swap3A, %swap3A_73], %swap3A_76 {strides = array<i32>} : memref<256x128xf32, #tpu.memory_space<vmem>>, vector<1x16xf32>,
      %broadcast_in_dim3A_77 = arith.constant 0.000000e+00 : f32
      %broadcast_in_dim3A_78 = vector.broadcast %broadcast_in_dim3A_77 : f32 to vector<16xf32>
      %swap3A_79 = arith.index_cast %scan3A_71 : i32 to index
      %swap3A_80 = arith.constant 16 : index
      %swap3A_81 = tpu.vector_load %arg8[%swap3A_79, %swap3A_80] {strides = array<i32>} : memref<256x128xf32, #tpu.memory_space<vmem>>, vector<1x16xf32>,
      %swap3A_82 = vector.shape_cast %swap3A_81 : vector<1x16xf32> to vector<16xf32>
      %swap3A_83 = vector.shape_cast %broadcast_in_dim3A_78 : vector<16xf32> to vector<1x16xf32>
      tpu.vector_store %arg8[%swap3A_79, %swap3A_80], %swap3A_83 {strides = array<i32>} : memref<256x128xf32, #tpu.memory_space<vmem>>, vector<1x16xf32>,
      %broadcast_in_dim3A_84 = arith.constant 0.000000e+00 : f32
      %broadcast_in_dim3A_85 = vector.broadcast %broadcast_in_dim3A_84 : f32 to vector<16xf32>
      %swap3A_86 = arith.index_cast %scan3A_71 : i32 to index
      %swap3A_87 = arith.constant 32 : index
      %swap3A_88 = tpu.vector_load %arg8[%swap3A_86, %swap3A_87] {strides = array<i32>} : memref<256x128xf32, #tpu.memory_space<vmem>>, vector<1x16xf32>,
      %swap3A_89 = vector.shape_cast %swap3A_88 : vector<1x16xf32> to vector<16xf32>
      %swap3A_90 = vector.shape_cast %broadcast_in_dim3A_85 : vector<16xf32> to vector<1x16xf32>
      tpu.vector_store %arg8[%swap3A_86, %swap3A_87], %swap3A_90 {strides = array<i32>} : memref<256x128xf32, #tpu.memory_space<vmem>>, vector<1x16xf32>,
      %broadcast_in_dim3A_91 = arith.constant 0.000000e+00 : f32
      %broadcast_in_dim3A_92 = vector.broadcast %broadcast_in_dim3A_91 : f32 to vector<16xf32>
      %swap3A_93 = arith.index_cast %scan3A_71 : i32 to index
      %swap3A_94 = arith.constant 48 : index
      %swap3A_95 = tpu.vector_load %arg8[%swap3A_93, %swap3A_94] {strides = array<i32>} : memref<256x128xf32, #tpu.memory_space<vmem>>, vector<1x16xf32>,
      %swap3A_96 = vector.shape_cast %swap3A_95 : vector<1x16xf32> to vector<16xf32>
      %swap3A_97 = vector.shape_cast %broadcast_in_dim3A_92 : vector<16xf32> to vector<1x16xf32>
      tpu.vector_store %arg8[%swap3A_93, %swap3A_94], %swap3A_97 {strides = array<i32>} : memref<256x128xf32, #tpu.memory_space<vmem>>, vector<1x16xf32>,
      %broadcast_in_dim3A_98 = arith.constant 0.000000e+00 : f32
      %broadcast_in_dim3A_99 = vector.broadcast %broadcast_in_dim3A_98 : f32 to vector<16xf32>
      %swap3A_100 = arith.index_cast %scan3A_71 : i32 to index
      %swap3A_101 = arith.constant 64 : index
      %swap3A_102 = tpu.vector_load %arg8[%swap3A_100, %swap3A_101] {strides = array<i32>} : memref<256x128xf32, #tpu.memory_space<vmem>>, vector<1x16xf32>,
      %swap3A_103 = vector.shape_cast %swap3A_102 : vector<1x16xf32> to vector<16xf32>
      %swap3A_104 = vector.shape_cast %broadcast_in_dim3A_99 : vector<16xf32> to vector<1x16xf32>
      tpu.vector_store %arg8[%swap3A_100, %swap3A_101], %swap3A_104 {strides = array<i32>} : memref<256x128xf32, #tpu.memory_space<vmem>>, vector<1x16xf32>,
      %broadcast_in_dim3A_105 = arith.constant 0.000000e+00 : f32
      %broadcast_in_dim3A_106 = vector.broadcast %broadcast_in_dim3A_105 : f32 to vector<16xf32>
      %swap3A_107 = arith.index_cast %scan3A_71 : i32 to index
      %swap3A_108 = arith.constant 80 : index
      %swap3A_109 = tpu.vector_load %arg8[%swap3A_107, %swap3A_108] {strides = array<i32>} : memref<256x128xf32, #tpu.memory_space<vmem>>, vector<1x16xf32>,
      %swap3A_110 = vector.shape_cast %swap3A_109 : vector<1x16xf32> to vector<16xf32>
      %swap3A_111 = vector.shape_cast %broadcast_in_dim3A_106 : vector<16xf32> to vector<1x16xf32>
      tpu.vector_store %arg8[%swap3A_107, %swap3A_108], %swap3A_111 {strides = array<i32>} : memref<256x128xf32, #tpu.memory_space<vmem>>, vector<1x16xf32>,
      %broadcast_in_dim3A_112 = arith.constant 0.000000e+00 : f32
      %broadcast_in_dim3A_113 = vector.broadcast %broadcast_in_dim3A_112 : f32 to vector<16xf32>
      %swap3A_114 = arith.index_cast %scan3A_71 : i32 to index
      %swap3A_115 = arith.constant 96 : index
      %swap3A_116 = tpu.vector_load %arg8[%swap3A_114, %swap3A_115] {strides = array<i32>} : memref<256x128xf32, #tpu.memory_space<vmem>>, vector<1x16xf32>,
      %swap3A_117 = vector.shape_cast %swap3A_116 : vector<1x16xf32> to vector<16xf32>
      %swap3A_118 = vector.shape_cast %broadcast_in_dim3A_113 : vector<16xf32> to vector<1x16xf32>
      tpu.vector_store %arg8[%swap3A_114, %swap3A_115], %swap3A_118 {strides = array<i32>} : memref<256x128xf32, #tpu.memory_space<vmem>>, vector<1x16xf32>,
      %broadcast_in_dim3A_119 = arith.constant 0.000000e+00 : f32
      %broadcast_in_dim3A_120 = vector.broadcast %broadcast_in_dim3A_119 : f32 to vector<16xf32>
      %swap3A_121 = arith.index_cast %scan3A_71 : i32 to index
      %swap3A_122 = arith.constant 112 : index
      %swap3A_123 = tpu.vector_load %arg8[%swap3A_121, %swap3A_122] {strides = array<i32>} : memref<256x128xf32, #tpu.memory_space<vmem>>, vector<1x16xf32>,
      %swap3A_124 = vector.shape_cast %swap3A_123 : vector<1x16xf32> to vector<16xf32>
      %swap3A_125 = vector.shape_cast %broadcast_in_dim3A_120 : vector<16xf32> to vector<1x16xf32>
      tpu.vector_store %arg8[%swap3A_121, %swap3A_122], %swap3A_125 {strides = array<i32>} : memref<256x128xf32, #tpu.memory_space<vmem>>, vector<1x16xf32>,
    }
    %scan3A_9 = arith.constant 256 : i32
    %mul3A_10 = arith.constant 640 : i32
    %mul3A_11 = arith.muli %arg1, %mul3A_10 : i32
    %add3A_12 = arith.constant 0 : i32
    %add3A_13 = arith.addi %mul3A_11, %add3A_12 : i32
    "tpu.region"() ({
      %run_scoped3A = tpu.sem_alloc : memref<!tpu.dma_semaphore, #tpu.memory_space<semaphore_mem>>
      %dma_start3A = arith.constant 0 : i32
      %dma_start3A_71 = arith.constant 0 : i32
      %dma_start3A_72 = tpu.memref_slice %arg8[%dma_start3A, %dma_start3A_71] : memref<256x128xf32, #tpu.memory_space<vmem>> -> memref<256x128xf32, #tpu.memory_space<vmem>>
      %dma_start3A_73 = arith.constant 0 : i32
      %dma_start3A_74 = tpu.memref_slice %arg9[%add3A_13, %dma_start3A_73] : memref<10240x128xf32, #tpu.memory_space<vmem_shared>> -> memref<256x128xf32, #tpu.memory_space<vmem_shared>>
      %dma_start3A_75 = arith.constant 0 : i32
      %dma_start3A_76 = tpu.memref_slice %arg9[%add3A_13, %dma_start3A_75] : memref<10240x128xf32, #tpu.memory_space<vmem_shared>> -> memref<256x128xf32, #tpu.memory_space<vmem_shared>>
      %dma_start3A_77 = arith.constant 0 : i32
      %dma_start3A_78 = arith.constant 0 : i32
      %dma_start3A_79 = tpu.memref_slice %arg8[%dma_start3A_77, %dma_start3A_78] : memref<256x128xf32, #tpu.memory_space<vmem>> -> memref<256x128xf32, #tpu.memory_space<vmem>>
      tpu.enqueue_dma source(%dma_start3A_79 : memref<256x128xf32, #tpu.memory_space<vmem>>) target(%dma_start3A_76 : memref<256x128xf32, #tpu.memory_space<vmem_shared>>) target_semaphore(%run_scoped3A : memref<!tpu.dma_semaphore, #tpu.memory_space<semaphore_mem>>)
      %dma_wait3A = arith.constant 0 : i32
      %dma_wait3A_80 = arith.constant 0 : i32
      %dma_wait3A_81 = tpu.memref_slice %arg8[%dma_wait3A, %dma_wait3A_80] : memref<256x128xf32, #tpu.memory_space<vmem>> -> memref<256x128xf32, #tpu.memory_space<vmem>>
      %dma_wait3A_82 = arith.constant 0 : i32
      %dma_wait3A_83 = tpu.memref_slice %arg9[%add3A_13, %dma_wait3A_82] : memref<10240x128xf32, #tpu.memory_space<vmem_shared>> -> memref<256x128xf32, #tpu.memory_space<vmem_shared>>
      %dma_wait3A_84 = arith.constant 0 : i32
      %dma_wait3A_85 = tpu.memref_slice %arg9[%add3A_13, %dma_wait3A_84] : memref<10240x128xf32, #tpu.memory_space<vmem_shared>> -> memref<256x128xf32, #tpu.memory_space<vmem_shared>>
      %dma_wait3A_86 = arith.constant 0 : i32
      %dma_wait3A_87 = arith.constant 0 : i32
      %dma_wait3A_88 = tpu.memref_slice %arg8[%dma_wait3A_86, %dma_wait3A_87] : memref<256x128xf32, #tpu.memory_space<vmem>> -> memref<256x128xf32, #tpu.memory_space<vmem>>
      tpu.wait_dma2 semaphore(%run_scoped3A : memref<!tpu.dma_semaphore, #tpu.memory_space<semaphore_mem>>) src(%dma_wait3A_88 : memref<256x128xf32, #tpu.memory_space<vmem>>) dst(%dma_wait3A_85 : memref<256x128xf32, #tpu.memory_space<vmem_shared>>)
      tpu.yield
    }) : () -> ()
    %mul3A_14 = arith.constant 640 : i32
    %mul3A_15 = arith.muli %arg1, %mul3A_14 : i32
    %add3A_16 = arith.constant 256 : i32
    %add3A_17 = arith.addi %mul3A_15, %add3A_16 : i32
    "tpu.region"() ({
      %run_scoped3A = tpu.sem_alloc : memref<!tpu.dma_semaphore, #tpu.memory_space<semaphore_mem>>
      %dma_start3A = arith.constant 0 : i32
      %dma_start3A_71 = arith.constant 0 : i32
      %dma_start3A_72 = tpu.memref_slice %arg8[%dma_start3A, %dma_start3A_71] : memref<256x128xf32, #tpu.memory_space<vmem>> -> memref<256x128xf32, #tpu.memory_space<vmem>>
      %dma_start3A_73 = arith.constant 0 : i32
      %dma_start3A_74 = tpu.memref_slice %arg9[%add3A_17, %dma_start3A_73] : memref<10240x128xf32, #tpu.memory_space<vmem_shared>> -> memref<256x128xf32, #tpu.memory_space<vmem_shared>>
      %dma_start3A_75 = arith.constant 0 : i32
      %dma_start3A_76 = tpu.memref_slice %arg9[%add3A_17, %dma_start3A_75] : memref<10240x128xf32, #tpu.memory_space<vmem_shared>> -> memref<256x128xf32, #tpu.memory_space<vmem_shared>>
      %dma_start3A_77 = arith.constant 0 : i32
      %dma_start3A_78 = arith.constant 0 : i32
      %dma_start3A_79 = tpu.memref_slice %arg8[%dma_start3A_77, %dma_start3A_78] : memref<256x128xf32, #tpu.memory_space<vmem>> -> memref<256x128xf32, #tpu.memory_space<vmem>>
      tpu.enqueue_dma source(%dma_start3A_79 : memref<256x128xf32, #tpu.memory_space<vmem>>) target(%dma_start3A_76 : memref<256x128xf32, #tpu.memory_space<vmem_shared>>) target_semaphore(%run_scoped3A : memref<!tpu.dma_semaphore, #tpu.memory_space<semaphore_mem>>)
      %dma_wait3A = arith.constant 0 : i32
      %dma_wait3A_80 = arith.constant 0 : i32
      %dma_wait3A_81 = tpu.memref_slice %arg8[%dma_wait3A, %dma_wait3A_80] : memref<256x128xf32, #tpu.memory_space<vmem>> -> memref<256x128xf32, #tpu.memory_space<vmem>>
      %dma_wait3A_82 = arith.constant 0 : i32
      %dma_wait3A_83 = tpu.memref_slice %arg9[%add3A_17, %dma_wait3A_82] : memref<10240x128xf32, #tpu.memory_space<vmem_shared>> -> memref<256x128xf32, #tpu.memory_space<vmem_shared>>
      %dma_wait3A_84 = arith.constant 0 : i32
      %dma_wait3A_85 = tpu.memref_slice %arg9[%add3A_17, %dma_wait3A_84] : memref<10240x128xf32, #tpu.memory_space<vmem_shared>> -> memref<256x128xf32, #tpu.memory_space<vmem_shared>>
      %dma_wait3A_86 = arith.constant 0 : i32
      %dma_wait3A_87 = arith.constant 0 : i32
      %dma_wait3A_88 = tpu.memref_slice %arg8[%dma_wait3A_86, %dma_wait3A_87] : memref<256x128xf32, #tpu.memory_space<vmem>> -> memref<256x128xf32, #tpu.memory_space<vmem>>
      tpu.wait_dma2 semaphore(%run_scoped3A : memref<!tpu.dma_semaphore, #tpu.memory_space<semaphore_mem>>) src(%dma_wait3A_88 : memref<256x128xf32, #tpu.memory_space<vmem>>) dst(%dma_wait3A_85 : memref<256x128xf32, #tpu.memory_space<vmem_shared>>)
      tpu.yield
    }) : () -> ()
    %mul3A_18 = arith.constant 640 : i32
    %mul3A_19 = arith.muli %arg1, %mul3A_18 : i32
    %add3A_20 = arith.constant 512 : i32
    %add3A_21 = arith.addi %mul3A_19, %add3A_20 : i32
    "tpu.region"() ({
      %run_scoped3A = tpu.sem_alloc : memref<!tpu.dma_semaphore, #tpu.memory_space<semaphore_mem>>
      %dma_start3A = arith.constant 0 : i32
      %dma_start3A_71 = arith.constant 0 : i32
      %dma_start3A_72 = tpu.memref_slice %arg8[%dma_start3A, %dma_start3A_71] : memref<256x128xf32, #tpu.memory_space<vmem>> -> memref<128x128xf32, #tpu.memory_space<vmem>>
      %dma_start3A_73 = arith.constant 0 : i32
      %dma_start3A_74 = tpu.memref_slice %arg9[%add3A_21, %dma_start3A_73] : memref<10240x128xf32, #tpu.memory_space<vmem_shared>> -> memref<128x128xf32, #tpu.memory_space<vmem_shared>>
      %dma_start3A_75 = arith.constant 0 : i32
      %dma_start3A_76 = tpu.memref_slice %arg9[%add3A_21, %dma_start3A_75] : memref<10240x128xf32, #tpu.memory_space<vmem_shared>> -> memref<128x128xf32, #tpu.memory_space<vmem_shared>>
      %dma_start3A_77 = arith.constant 0 : i32
      %dma_start3A_78 = arith.constant 0 : i32
      %dma_start3A_79 = tpu.memref_slice %arg8[%dma_start3A_77, %dma_start3A_78] : memref<256x128xf32, #tpu.memory_space<vmem>> -> memref<128x128xf32, #tpu.memory_space<vmem>>
      tpu.enqueue_dma source(%dma_start3A_79 : memref<128x128xf32, #tpu.memory_space<vmem>>) target(%dma_start3A_76 : memref<128x128xf32, #tpu.memory_space<vmem_shared>>) target_semaphore(%run_scoped3A : memref<!tpu.dma_semaphore, #tpu.memory_space<semaphore_mem>>)
      %dma_wait3A = arith.constant 0 : i32
      %dma_wait3A_80 = arith.constant 0 : i32
      %dma_wait3A_81 = tpu.memref_slice %arg8[%dma_wait3A, %dma_wait3A_80] : memref<256x128xf32, #tpu.memory_space<vmem>> -> memref<128x128xf32, #tpu.memory_space<vmem>>
      %dma_wait3A_82 = arith.constant 0 : i32
      %dma_wait3A_83 = tpu.memref_slice %arg9[%add3A_21, %dma_wait3A_82] : memref<10240x128xf32, #tpu.memory_space<vmem_shared>> -> memref<128x128xf32, #tpu.memory_space<vmem_shared>>
      %dma_wait3A_84 = arith.constant 0 : i32
      %dma_wait3A_85 = tpu.memref_slice %arg9[%add3A_21, %dma_wait3A_84] : memref<10240x128xf32, #tpu.memory_space<vmem_shared>> -> memref<128x128xf32, #tpu.memory_space<vmem_shared>>
      %dma_wait3A_86 = arith.constant 0 : i32
      %dma_wait3A_87 = arith.constant 0 : i32
      %dma_wait3A_88 = tpu.memref_slice %arg8[%dma_wait3A_86, %dma_wait3A_87] : memref<256x128xf32, #tpu.memory_space<vmem>> -> memref<128x128xf32, #tpu.memory_space<vmem>>
      tpu.wait_dma2 semaphore(%run_scoped3A : memref<!tpu.dma_semaphore, #tpu.memory_space<semaphore_mem>>) src(%dma_wait3A_88 : memref<128x128xf32, #tpu.memory_space<vmem>>) dst(%dma_wait3A_85 : memref<128x128xf32, #tpu.memory_space<vmem_shared>>)
      tpu.yield
    }) : () -> ()
    %barrier3A = arith.constant 0 : index
    tpu.barrier barrier_id(%barrier3A)
    %scan3A_22 = arith.constant 0 : i32
    %scan3A_23 = arith.constant 0 : i32
    %scan3A_24 = arith.constant 21 : i32
    %scan3A_25 = arith.addi %scan3A_23, %scan3A_24 : i32
    %scan3A_26 = arith.constant 1 : i32
    scf.for %scan3A_71 = %scan3A_23 to %scan3A_25 step %scan3A_26  : i32 {
      %mul3A_72 = arith.constant 256 : i32
      %mul3A_73 = arith.muli %scan3A_71, %mul3A_72 : i32
      %add3A_74 = arith.addi %mul3A_2, %mul3A_73 : i32
      %mul3A_75 = arith.constant 256 : i32
      %mul3A_76 = arith.muli %scan3A_71, %mul3A_75 : i32
      %add3A_77 = arith.addi %add3A_4, %mul3A_76 : i32
      %dma_start3A = tpu.memref_slice %arg4[%add3A_77] : memref<344064xi32, #tpu.memory_space<hbm>> -> memref<256xi32, #tpu.memory_space<hbm>>
      %dma_start3A_78 = tpu.memref_slice %arg4[%add3A_77] : memref<344064xi32, #tpu.memory_space<hbm>> -> memref<256xi32, #tpu.memory_space<hbm>>
      tpu.enqueue_dma source(%dma_start3A_78 : memref<256xi32, #tpu.memory_space<hbm>>) target(%arg7 : memref<256xi32, #tpu.memory_space<vmem>>) target_semaphore(%arg10 : memref<!tpu.dma_semaphore, #tpu.memory_space<semaphore_mem>>)
      %dma_start3A_79 = arith.constant 0 : i32
      %dma_start3A_80 = tpu.memref_slice %arg2[%add3A_74, %dma_start3A_79] : memref<172032x128xf32, #tpu.memory_space<hbm>> -> memref<256x128xf32, #tpu.memory_space<hbm>>
      %dma_start3A_81 = arith.constant 0 : i32
      %dma_start3A_82 = tpu.memref_slice %arg2[%add3A_74, %dma_start3A_81] : memref<172032x128xf32, #tpu.memory_space<hbm>> -> memref<256x128xf32, #tpu.memory_space<hbm>>
      tpu.enqueue_dma source(%dma_start3A_82 : memref<256x128xf32, #tpu.memory_space<hbm>>) target(%arg8 : memref<256x128xf32, #tpu.memory_space<vmem>>) target_semaphore(%arg11 : memref<!tpu.dma_semaphore, #tpu.memory_space<semaphore_mem>>)
      %dma_wait3A = tpu.memref_slice %arg4[%add3A_77] : memref<344064xi32, #tpu.memory_space<hbm>> -> memref<256xi32, #tpu.memory_space<hbm>>
      %dma_wait3A_83 = tpu.memref_slice %arg4[%add3A_77] : memref<344064xi32, #tpu.memory_space<hbm>> -> memref<256xi32, #tpu.memory_space<hbm>>
      tpu.wait_dma2 semaphore(%arg10 : memref<!tpu.dma_semaphore, #tpu.memory_space<semaphore_mem>>) src(%dma_wait3A_83 : memref<256xi32, #tpu.memory_space<hbm>>) dst(%arg7 : memref<256xi32, #tpu.memory_space<vmem>>)
      %dma_wait3A_84 = arith.constant 0 : i32
      %dma_wait3A_85 = tpu.memref_slice %arg2[%add3A_74, %dma_wait3A_84] : memref<172032x128xf32, #tpu.memory_space<hbm>> -> memref<256x128xf32, #tpu.memory_space<hbm>>
      %dma_wait3A_86 = arith.constant 0 : i32
      %dma_wait3A_87 = tpu.memref_slice %arg2[%add3A_74, %dma_wait3A_86] : memref<172032x128xf32, #tpu.memory_space<hbm>> -> memref<256x128xf32, #tpu.memory_space<hbm>>
      tpu.wait_dma2 semaphore(%arg11 : memref<!tpu.dma_semaphore, #tpu.memory_space<semaphore_mem>>) src(%dma_wait3A_87 : memref<256x128xf32, #tpu.memory_space<hbm>>) dst(%arg8 : memref<256x128xf32, #tpu.memory_space<vmem>>)
      "tpu.region"() ({
        %run_scoped3A = tpu.sem_alloc : memref<!tpu.dma_semaphore, #tpu.memory_space<semaphore_mem>>
        %dma_start3A_88 = arith.constant 0 : i32
        %dma_start3A_89 = arith.constant 0 : i32
        %dma_start3A_90 = tpu.memref_slice %arg9[%dma_start3A_88, %dma_start3A_89] : memref<10240x128xf32, #tpu.memory_space<vmem_shared>> -> memref<10240x128xf32, #tpu.memory_space<vmem_shared>>
        tpu.enqueue_indirect_dma source(%arg8 : memref<256x128xf32, #tpu.memory_space<vmem>>) target(%dma_start3A_90 : memref<10240x128xf32, #tpu.memory_space<vmem_shared>>) offsets(%arg7 : memref<256xi32, #tpu.memory_space<vmem>>) semaphore(%run_scoped3A : memref<!tpu.dma_semaphore, #tpu.memory_space<semaphore_mem>>) {add = true}
        %dma_wait3A_91 = arith.constant 0 : i32
        %dma_wait3A_92 = arith.constant 0 : i32
        %dma_wait3A_93 = tpu.memref_slice %arg9[%dma_wait3A_91, %dma_wait3A_92] : memref<10240x128xf32, #tpu.memory_space<vmem_shared>> -> memref<10240x128xf32, #tpu.memory_space<vmem_shared>>
        tpu.wait_indirect_dma semaphore(%run_scoped3A : memref<!tpu.dma_semaphore, #tpu.memory_space<semaphore_mem>>) src(%arg8 : memref<256x128xf32, #tpu.memory_space<vmem>>) dst(%dma_wait3A_93 : memref<10240x128xf32, #tpu.memory_space<vmem_shared>>)
        tpu.yield
      }) : () -> ()
    }
    %scan3A_27 = arith.constant 21 : i32
    %barrier3A_28 = arith.constant 0 : index
    tpu.barrier barrier_id(%barrier3A_28)
    %mul3A_29 = arith.constant 640 : i32
    %mul3A_30 = arith.muli %arg1, %mul3A_29 : i32
    %mul3A_31 = arith.constant 10240 : i32
    %mul3A_32 = arith.muli %arg0, %mul3A_31 : i32
    %mul3A_33 = arith.constant 640 : i32
    %mul3A_34 = arith.muli %arg1, %mul3A_33 : i32
    %add3A_35 = arith.addi %mul3A_32, %mul3A_34 : i32
    "tpu.region"() ({
      %run_scoped3A = tpu.sem_alloc : memref<!tpu.dma_semaphore, #tpu.memory_space<semaphore_mem>>
      %dma_start3A = arith.constant 0 : i32
      %dma_start3A_71 = tpu.memref_slice %arg5[%add3A_35, %dma_start3A] : memref<20480x128xf32, #tpu.memory_space<hbm>> -> memref<640x128xf32, #tpu.memory_space<hbm>>
      %dma_start3A_72 = arith.constant 0 : i32
      %dma_start3A_73 = tpu.memref_slice %arg9[%mul3A_30, %dma_start3A_72] : memref<10240x128xf32, #tpu.memory_space<vmem_shared>> -> memref<640x128xf32, #tpu.memory_space<vmem_shared>>
      tpu.enqueue_dma source(%dma_start3A_73 : memref<640x128xf32, #tpu.memory_space<vmem_shared>>) target(%dma_start3A_71 : memref<640x128xf32, #tpu.memory_space<hbm>>) target_semaphore(%run_scoped3A : memref<!tpu.dma_semaphore, #tpu.memory_space<semaphore_mem>>)
      %dma_wait3A = arith.constant 0 : i32
      %dma_wait3A_74 = tpu.memref_slice %arg5[%add3A_35, %dma_wait3A] : memref<20480x128xf32, #tpu.memory_space<hbm>> -> memref<640x128xf32, #tpu.memory_space<hbm>>
      %dma_wait3A_75 = arith.constant 0 : i32
      %dma_wait3A_76 = tpu.memref_slice %arg9[%mul3A_30, %dma_wait3A_75] : memref<10240x128xf32, #tpu.memory_space<vmem_shared>> -> memref<640x128xf32, #tpu.memory_space<vmem_shared>>
      tpu.wait_dma2 semaphore(%run_scoped3A : memref<!tpu.dma_semaphore, #tpu.memory_space<semaphore_mem>>) src(%dma_wait3A_76 : memref<640x128xf32, #tpu.memory_space<vmem_shared>>) dst(%dma_wait3A_74 : memref<640x128xf32, #tpu.memory_space<hbm>>)
      tpu.yield
    }) : () -> ()
    %barrier3A_36 = arith.constant 0 : index
    tpu.barrier barrier_id(%barrier3A_36)
    %scan3A_37 = arith.constant 0 : i32
    %scan3A_38 = arith.constant 0 : i32
    %scan3A_39 = arith.constant 256 : i32
    %scan3A_40 = arith.addi %scan3A_38, %scan3A_39 : i32
    %scan3A_41 = arith.constant 1 : i32
    scf.for %scan3A_71 = %scan3A_38 to %scan3A_40 step %scan3A_41  : i32 {
      %broadcast_in_dim3A = arith.constant 0.000000e+00 : f32
      %broadcast_in_dim3A_72 = vector.broadcast %broadcast_in_dim3A : f32 to vector<16xf32>
      %swap3A = arith.index_cast %scan3A_71 : i32 to index
      %swap3A_73 = arith.constant 0 : index
      %swap3A_74 = tpu.vector_load %arg8[%swap3A, %swap3A_73] {strides = array<i32>} : memref<256x128xf32, #tpu.memory_space<vmem>>, vector<1x16xf32>,
      %swap3A_75 = vector.shape_cast %swap3A_74 : vector<1x16xf32> to vector<16xf32>
      %swap3A_76 = vector.shape_cast %broadcast_in_dim3A_72 : vector<16xf32> to vector<1x16xf32>
      tpu.vector_store %arg8[%swap3A, %swap3A_73], %swap3A_76 {strides = array<i32>} : memref<256x128xf32, #tpu.memory_space<vmem>>, vector<1x16xf32>,
      %broadcast_in_dim3A_77 = arith.constant 0.000000e+00 : f32
      %broadcast_in_dim3A_78 = vector.broadcast %broadcast_in_dim3A_77 : f32 to vector<16xf32>
      %swap3A_79 = arith.index_cast %scan3A_71 : i32 to index
      %swap3A_80 = arith.constant 16 : index
      %swap3A_81 = tpu.vector_load %arg8[%swap3A_79, %swap3A_80] {strides = array<i32>} : memref<256x128xf32, #tpu.memory_space<vmem>>, vector<1x16xf32>,
      %swap3A_82 = vector.shape_cast %swap3A_81 : vector<1x16xf32> to vector<16xf32>
      %swap3A_83 = vector.shape_cast %broadcast_in_dim3A_78 : vector<16xf32> to vector<1x16xf32>
      tpu.vector_store %arg8[%swap3A_79, %swap3A_80], %swap3A_83 {strides = array<i32>} : memref<256x128xf32, #tpu.memory_space<vmem>>, vector<1x16xf32>,
      %broadcast_in_dim3A_84 = arith.constant 0.000000e+00 : f32
      %broadcast_in_dim3A_85 = vector.broadcast %broadcast_in_dim3A_84 : f32 to vector<16xf32>
      %swap3A_86 = arith.index_cast %scan3A_71 : i32 to index
      %swap3A_87 = arith.constant 32 : index
      %swap3A_88 = tpu.vector_load %arg8[%swap3A_86, %swap3A_87] {strides = array<i32>} : memref<256x128xf32, #tpu.memory_space<vmem>>, vector<1x16xf32>,
      %swap3A_89 = vector.shape_cast %swap3A_88 : vector<1x16xf32> to vector<16xf32>
      %swap3A_90 = vector.shape_cast %broadcast_in_dim3A_85 : vector<16xf32> to vector<1x16xf32>
      tpu.vector_store %arg8[%swap3A_86, %swap3A_87], %swap3A_90 {strides = array<i32>} : memref<256x128xf32, #tpu.memory_space<vmem>>, vector<1x16xf32>,
      %broadcast_in_dim3A_91 = arith.constant 0.000000e+00 : f32
      %broadcast_in_dim3A_92 = vector.broadcast %broadcast_in_dim3A_91 : f32 to vector<16xf32>
      %swap3A_93 = arith.index_cast %scan3A_71 : i32 to index
      %swap3A_94 = arith.constant 48 : index
      %swap3A_95 = tpu.vector_load %arg8[%swap3A_93, %swap3A_94] {strides = array<i32>} : memref<256x128xf32, #tpu.memory_space<vmem>>, vector<1x16xf32>,
      %swap3A_96 = vector.shape_cast %swap3A_95 : vector<1x16xf32> to vector<16xf32>
      %swap3A_97 = vector.shape_cast %broadcast_in_dim3A_92 : vector<16xf32> to vector<1x16xf32>
      tpu.vector_store %arg8[%swap3A_93, %swap3A_94], %swap3A_97 {strides = array<i32>} : memref<256x128xf32, #tpu.memory_space<vmem>>, vector<1x16xf32>,
      %broadcast_in_dim3A_98 = arith.constant 0.000000e+00 : f32
      %broadcast_in_dim3A_99 = vector.broadcast %broadcast_in_dim3A_98 : f32 to vector<16xf32>
      %swap3A_100 = arith.index_cast %scan3A_71 : i32 to index
      %swap3A_101 = arith.constant 64 : index
      %swap3A_102 = tpu.vector_load %arg8[%swap3A_100, %swap3A_101] {strides = array<i32>} : memref<256x128xf32, #tpu.memory_space<vmem>>, vector<1x16xf32>,
      %swap3A_103 = vector.shape_cast %swap3A_102 : vector<1x16xf32> to vector<16xf32>
      %swap3A_104 = vector.shape_cast %broadcast_in_dim3A_99 : vector<16xf32> to vector<1x16xf32>
      tpu.vector_store %arg8[%swap3A_100, %swap3A_101], %swap3A_104 {strides = array<i32>} : memref<256x128xf32, #tpu.memory_space<vmem>>, vector<1x16xf32>,
      %broadcast_in_dim3A_105 = arith.constant 0.000000e+00 : f32
      %broadcast_in_dim3A_106 = vector.broadcast %broadcast_in_dim3A_105 : f32 to vector<16xf32>
      %swap3A_107 = arith.index_cast %scan3A_71 : i32 to index
      %swap3A_108 = arith.constant 80 : index
      %swap3A_109 = tpu.vector_load %arg8[%swap3A_107, %swap3A_108] {strides = array<i32>} : memref<256x128xf32, #tpu.memory_space<vmem>>, vector<1x16xf32>,
      %swap3A_110 = vector.shape_cast %swap3A_109 : vector<1x16xf32> to vector<16xf32>
      %swap3A_111 = vector.shape_cast %broadcast_in_dim3A_106 : vector<16xf32> to vector<1x16xf32>
      tpu.vector_store %arg8[%swap3A_107, %swap3A_108], %swap3A_111 {strides = array<i32>} : memref<256x128xf32, #tpu.memory_space<vmem>>, vector<1x16xf32>,
      %broadcast_in_dim3A_112 = arith.constant 0.000000e+00 : f32
      %broadcast_in_dim3A_113 = vector.broadcast %broadcast_in_dim3A_112 : f32 to vector<16xf32>
      %swap3A_114 = arith.index_cast %scan3A_71 : i32 to index
      %swap3A_115 = arith.constant 96 : index
      %swap3A_116 = tpu.vector_load %arg8[%swap3A_114, %swap3A_115] {strides = array<i32>} : memref<256x128xf32, #tpu.memory_space<vmem>>, vector<1x16xf32>,
      %swap3A_117 = vector.shape_cast %swap3A_116 : vector<1x16xf32> to vector<16xf32>
      %swap3A_118 = vector.shape_cast %broadcast_in_dim3A_113 : vector<16xf32> to vector<1x16xf32>
      tpu.vector_store %arg8[%swap3A_114, %swap3A_115], %swap3A_118 {strides = array<i32>} : memref<256x128xf32, #tpu.memory_space<vmem>>, vector<1x16xf32>,
      %broadcast_in_dim3A_119 = arith.constant 0.000000e+00 : f32
      %broadcast_in_dim3A_120 = vector.broadcast %broadcast_in_dim3A_119 : f32 to vector<16xf32>
      %swap3A_121 = arith.index_cast %scan3A_71 : i32 to index
      %swap3A_122 = arith.constant 112 : index
      %swap3A_123 = tpu.vector_load %arg8[%swap3A_121, %swap3A_122] {strides = array<i32>} : memref<256x128xf32, #tpu.memory_space<vmem>>, vector<1x16xf32>,
      %swap3A_124 = vector.shape_cast %swap3A_123 : vector<1x16xf32> to vector<16xf32>
      %swap3A_125 = vector.shape_cast %broadcast_in_dim3A_120 : vector<16xf32> to vector<1x16xf32>
      tpu.vector_store %arg8[%swap3A_121, %swap3A_122], %swap3A_125 {strides = array<i32>} : memref<256x128xf32, #tpu.memory_space<vmem>>, vector<1x16xf32>,
    }
    %scan3A_42 = arith.constant 256 : i32
    %mul3A_43 = arith.constant 640 : i32
    %mul3A_44 = arith.muli %arg1, %mul3A_43 : i32
    %add3A_45 = arith.constant 0 : i32
    %add3A_46 = arith.addi %mul3A_44, %add3A_45 : i32
    "tpu.region"() ({
      %run_scoped3A = tpu.sem_alloc : memref<!tpu.dma_semaphore, #tpu.memory_space<semaphore_mem>>
      %dma_start3A = arith.constant 0 : i32
      %dma_start3A_71 = arith.constant 0 : i32
      %dma_start3A_72 = tpu.memref_slice %arg8[%dma_start3A, %dma_start3A_71] : memref<256x128xf32, #tpu.memory_space<vmem>> -> memref<256x128xf32, #tpu.memory_space<vmem>>
      %dma_start3A_73 = arith.constant 0 : i32
      %dma_start3A_74 = tpu.memref_slice %arg9[%add3A_46, %dma_start3A_73] : memref<10240x128xf32, #tpu.memory_space<vmem_shared>> -> memref<256x128xf32, #tpu.memory_space<vmem_shared>>
      %dma_start3A_75 = arith.constant 0 : i32
      %dma_start3A_76 = tpu.memref_slice %arg9[%add3A_46, %dma_start3A_75] : memref<10240x128xf32, #tpu.memory_space<vmem_shared>> -> memref<256x128xf32, #tpu.memory_space<vmem_shared>>
      %dma_start3A_77 = arith.constant 0 : i32
      %dma_start3A_78 = arith.constant 0 : i32
      %dma_start3A_79 = tpu.memref_slice %arg8[%dma_start3A_77, %dma_start3A_78] : memref<256x128xf32, #tpu.memory_space<vmem>> -> memref<256x128xf32, #tpu.memory_space<vmem>>
      tpu.enqueue_dma source(%dma_start3A_79 : memref<256x128xf32, #tpu.memory_space<vmem>>) target(%dma_start3A_76 : memref<256x128xf32, #tpu.memory_space<vmem_shared>>) target_semaphore(%run_scoped3A : memref<!tpu.dma_semaphore, #tpu.memory_space<semaphore_mem>>)
      %dma_wait3A = arith.constant 0 : i32
      %dma_wait3A_80 = arith.constant 0 : i32
      %dma_wait3A_81 = tpu.memref_slice %arg8[%dma_wait3A, %dma_wait3A_80] : memref<256x128xf32, #tpu.memory_space<vmem>> -> memref<256x128xf32, #tpu.memory_space<vmem>>
      %dma_wait3A_82 = arith.constant 0 : i32
      %dma_wait3A_83 = tpu.memref_slice %arg9[%add3A_46, %dma_wait3A_82] : memref<10240x128xf32, #tpu.memory_space<vmem_shared>> -> memref<256x128xf32, #tpu.memory_space<vmem_shared>>
      %dma_wait3A_84 = arith.constant 0 : i32
      %dma_wait3A_85 = tpu.memref_slice %arg9[%add3A_46, %dma_wait3A_84] : memref<10240x128xf32, #tpu.memory_space<vmem_shared>> -> memref<256x128xf32, #tpu.memory_space<vmem_shared>>
      %dma_wait3A_86 = arith.constant 0 : i32
      %dma_wait3A_87 = arith.constant 0 : i32
      %dma_wait3A_88 = tpu.memref_slice %arg8[%dma_wait3A_86, %dma_wait3A_87] : memref<256x128xf32, #tpu.memory_space<vmem>> -> memref<256x128xf32, #tpu.memory_space<vmem>>
      tpu.wait_dma2 semaphore(%run_scoped3A : memref<!tpu.dma_semaphore, #tpu.memory_space<semaphore_mem>>) src(%dma_wait3A_88 : memref<256x128xf32, #tpu.memory_space<vmem>>) dst(%dma_wait3A_85 : memref<256x128xf32, #tpu.memory_space<vmem_shared>>)
      tpu.yield
    }) : () -> ()
    %mul3A_47 = arith.constant 640 : i32
    %mul3A_48 = arith.muli %arg1, %mul3A_47 : i32
    %add3A_49 = arith.constant 256 : i32
    %add3A_50 = arith.addi %mul3A_48, %add3A_49 : i32
    "tpu.region"() ({
      %run_scoped3A = tpu.sem_alloc : memref<!tpu.dma_semaphore, #tpu.memory_space<semaphore_mem>>
      %dma_start3A = arith.constant 0 : i32
      %dma_start3A_71 = arith.constant 0 : i32
      %dma_start3A_72 = tpu.memref_slice %arg8[%dma_start3A, %dma_start3A_71] : memref<256x128xf32, #tpu.memory_space<vmem>> -> memref<256x128xf32, #tpu.memory_space<vmem>>
      %dma_start3A_73 = arith.constant 0 : i32
      %dma_start3A_74 = tpu.memref_slice %arg9[%add3A_50, %dma_start3A_73] : memref<10240x128xf32, #tpu.memory_space<vmem_shared>> -> memref<256x128xf32, #tpu.memory_space<vmem_shared>>
      %dma_start3A_75 = arith.constant 0 : i32
      %dma_start3A_76 = tpu.memref_slice %arg9[%add3A_50, %dma_start3A_75] : memref<10240x128xf32, #tpu.memory_space<vmem_shared>> -> memref<256x128xf32, #tpu.memory_space<vmem_shared>>
      %dma_start3A_77 = arith.constant 0 : i32
      %dma_start3A_78 = arith.constant 0 : i32
      %dma_start3A_79 = tpu.memref_slice %arg8[%dma_start3A_77, %dma_start3A_78] : memref<256x128xf32, #tpu.memory_space<vmem>> -> memref<256x128xf32, #tpu.memory_space<vmem>>
      tpu.enqueue_dma source(%dma_start3A_79 : memref<256x128xf32, #tpu.memory_space<vmem>>) target(%dma_start3A_76 : memref<256x128xf32, #tpu.memory_space<vmem_shared>>) target_semaphore(%run_scoped3A : memref<!tpu.dma_semaphore, #tpu.memory_space<semaphore_mem>>)
      %dma_wait3A = arith.constant 0 : i32
      %dma_wait3A_80 = arith.constant 0 : i32
      %dma_wait3A_81 = tpu.memref_slice %arg8[%dma_wait3A, %dma_wait3A_80] : memref<256x128xf32, #tpu.memory_space<vmem>> -> memref<256x128xf32, #tpu.memory_space<vmem>>
      %dma_wait3A_82 = arith.constant 0 : i32
      %dma_wait3A_83 = tpu.memref_slice %arg9[%add3A_50, %dma_wait3A_82] : memref<10240x128xf32, #tpu.memory_space<vmem_shared>> -> memref<256x128xf32, #tpu.memory_space<vmem_shared>>
      %dma_wait3A_84 = arith.constant 0 : i32
      %dma_wait3A_85 = tpu.memref_slice %arg9[%add3A_50, %dma_wait3A_84] : memref<10240x128xf32, #tpu.memory_space<vmem_shared>> -> memref<256x128xf32, #tpu.memory_space<vmem_shared>>
      %dma_wait3A_86 = arith.constant 0 : i32
      %dma_wait3A_87 = arith.constant 0 : i32
      %dma_wait3A_88 = tpu.memref_slice %arg8[%dma_wait3A_86, %dma_wait3A_87] : memref<256x128xf32, #tpu.memory_space<vmem>> -> memref<256x128xf32, #tpu.memory_space<vmem>>
      tpu.wait_dma2 semaphore(%run_scoped3A : memref<!tpu.dma_semaphore, #tpu.memory_space<semaphore_mem>>) src(%dma_wait3A_88 : memref<256x128xf32, #tpu.memory_space<vmem>>) dst(%dma_wait3A_85 : memref<256x128xf32, #tpu.memory_space<vmem_shared>>)
      tpu.yield
    }) : () -> ()
    %mul3A_51 = arith.constant 640 : i32
    %mul3A_52 = arith.muli %arg1, %mul3A_51 : i32
    %add3A_53 = arith.constant 512 : i32
    %add3A_54 = arith.addi %mul3A_52, %add3A_53 : i32
    "tpu.region"() ({
      %run_scoped3A = tpu.sem_alloc : memref<!tpu.dma_semaphore, #tpu.memory_space<semaphore_mem>>
      %dma_start3A = arith.constant 0 : i32
      %dma_start3A_71 = arith.constant 0 : i32
      %dma_start3A_72 = tpu.memref_slice %arg8[%dma_start3A, %dma_start3A_71] : memref<256x128xf32, #tpu.memory_space<vmem>> -> memref<128x128xf32, #tpu.memory_space<vmem>>
      %dma_start3A_73 = arith.constant 0 : i32
      %dma_start3A_74 = tpu.memref_slice %arg9[%add3A_54, %dma_start3A_73] : memref<10240x128xf32, #tpu.memory_space<vmem_shared>> -> memref<128x128xf32, #tpu.memory_space<vmem_shared>>
      %dma_start3A_75 = arith.constant 0 : i32
      %dma_start3A_76 = tpu.memref_slice %arg9[%add3A_54, %dma_start3A_75] : memref<10240x128xf32, #tpu.memory_space<vmem_shared>> -> memref<128x128xf32, #tpu.memory_space<vmem_shared>>
      %dma_start3A_77 = arith.constant 0 : i32
      %dma_start3A_78 = arith.constant 0 : i32
      %dma_start3A_79 = tpu.memref_slice %arg8[%dma_start3A_77, %dma_start3A_78] : memref<256x128xf32, #tpu.memory_space<vmem>> -> memref<128x128xf32, #tpu.memory_space<vmem>>
      tpu.enqueue_dma source(%dma_start3A_79 : memref<128x128xf32, #tpu.memory_space<vmem>>) target(%dma_start3A_76 : memref<128x128xf32, #tpu.memory_space<vmem_shared>>) target_semaphore(%run_scoped3A : memref<!tpu.dma_semaphore, #tpu.memory_space<semaphore_mem>>)
      %dma_wait3A = arith.constant 0 : i32
      %dma_wait3A_80 = arith.constant 0 : i32
      %dma_wait3A_81 = tpu.memref_slice %arg8[%dma_wait3A, %dma_wait3A_80] : memref<256x128xf32, #tpu.memory_space<vmem>> -> memref<128x128xf32, #tpu.memory_space<vmem>>
      %dma_wait3A_82 = arith.constant 0 : i32
      %dma_wait3A_83 = tpu.memref_slice %arg9[%add3A_54, %dma_wait3A_82] : memref<10240x128xf32, #tpu.memory_space<vmem_shared>> -> memref<128x128xf32, #tpu.memory_space<vmem_shared>>
      %dma_wait3A_84 = arith.constant 0 : i32
      %dma_wait3A_85 = tpu.memref_slice %arg9[%add3A_54, %dma_wait3A_84] : memref<10240x128xf32, #tpu.memory_space<vmem_shared>> -> memref<128x128xf32, #tpu.memory_space<vmem_shared>>
      %dma_wait3A_86 = arith.constant 0 : i32
      %dma_wait3A_87 = arith.constant 0 : i32
      %dma_wait3A_88 = tpu.memref_slice %arg8[%dma_wait3A_86, %dma_wait3A_87] : memref<256x128xf32, #tpu.memory_space<vmem>> -> memref<128x128xf32, #tpu.memory_space<vmem>>
      tpu.wait_dma2 semaphore(%run_scoped3A : memref<!tpu.dma_semaphore, #tpu.memory_space<semaphore_mem>>) src(%dma_wait3A_88 : memref<128x128xf32, #tpu.memory_space<vmem>>) dst(%dma_wait3A_85 : memref<128x128xf32, #tpu.memory_space<vmem_shared>>)
      tpu.yield
    }) : () -> ()
    %barrier3A_55 = arith.constant 0 : index
    tpu.barrier barrier_id(%barrier3A_55)
    %scan3A_56 = arith.constant 0 : i32
    %scan3A_57 = arith.constant 0 : i32
    %scan3A_58 = arith.constant 21 : i32
    %scan3A_59 = arith.addi %scan3A_57, %scan3A_58 : i32
    %scan3A_60 = arith.constant 1 : i32
    scf.for %scan3A_71 = %scan3A_57 to %scan3A_59 step %scan3A_60  : i32 {
      %mul3A_72 = arith.constant 256 : i32
      %mul3A_73 = arith.muli %scan3A_71, %mul3A_72 : i32
      %add3A_74 = arith.addi %mul3A_2, %mul3A_73 : i32
      %mul3A_75 = arith.constant 256 : i32
      %mul3A_76 = arith.muli %scan3A_71, %mul3A_75 : i32
      %add3A_77 = arith.addi %add3A_4, %mul3A_76 : i32
      %dma_start3A = tpu.memref_slice %arg4[%add3A_77] : memref<344064xi32, #tpu.memory_space<hbm>> -> memref<256xi32, #tpu.memory_space<hbm>>
      %dma_start3A_78 = tpu.memref_slice %arg4[%add3A_77] : memref<344064xi32, #tpu.memory_space<hbm>> -> memref<256xi32, #tpu.memory_space<hbm>>
      tpu.enqueue_dma source(%dma_start3A_78 : memref<256xi32, #tpu.memory_space<hbm>>) target(%arg7 : memref<256xi32, #tpu.memory_space<vmem>>) target_semaphore(%arg10 : memref<!tpu.dma_semaphore, #tpu.memory_space<semaphore_mem>>)
      %dma_start3A_79 = arith.constant 0 : i32
      %dma_start3A_80 = tpu.memref_slice %arg3[%add3A_74, %dma_start3A_79] : memref<172032x128xf32, #tpu.memory_space<hbm>> -> memref<256x128xf32, #tpu.memory_space<hbm>>
      %dma_start3A_81 = arith.constant 0 : i32
      %dma_start3A_82 = tpu.memref_slice %arg3[%add3A_74, %dma_start3A_81] : memref<172032x128xf32, #tpu.memory_space<hbm>> -> memref<256x128xf32, #tpu.memory_space<hbm>>
      tpu.enqueue_dma source(%dma_start3A_82 : memref<256x128xf32, #tpu.memory_space<hbm>>) target(%arg8 : memref<256x128xf32, #tpu.memory_space<vmem>>) target_semaphore(%arg11 : memref<!tpu.dma_semaphore, #tpu.memory_space<semaphore_mem>>)
      %dma_wait3A = tpu.memref_slice %arg4[%add3A_77] : memref<344064xi32, #tpu.memory_space<hbm>> -> memref<256xi32, #tpu.memory_space<hbm>>
      %dma_wait3A_83 = tpu.memref_slice %arg4[%add3A_77] : memref<344064xi32, #tpu.memory_space<hbm>> -> memref<256xi32, #tpu.memory_space<hbm>>
      tpu.wait_dma2 semaphore(%arg10 : memref<!tpu.dma_semaphore, #tpu.memory_space<semaphore_mem>>) src(%dma_wait3A_83 : memref<256xi32, #tpu.memory_space<hbm>>) dst(%arg7 : memref<256xi32, #tpu.memory_space<vmem>>)
      %dma_wait3A_84 = arith.constant 0 : i32
      %dma_wait3A_85 = tpu.memref_slice %arg3[%add3A_74, %dma_wait3A_84] : memref<172032x128xf32, #tpu.memory_space<hbm>> -> memref<256x128xf32, #tpu.memory_space<hbm>>
      %dma_wait3A_86 = arith.constant 0 : i32
      %dma_wait3A_87 = tpu.memref_slice %arg3[%add3A_74, %dma_wait3A_86] : memref<172032x128xf32, #tpu.memory_space<hbm>> -> memref<256x128xf32, #tpu.memory_space<hbm>>
      tpu.wait_dma2 semaphore(%arg11 : memref<!tpu.dma_semaphore, #tpu.memory_space<semaphore_mem>>) src(%dma_wait3A_87 : memref<256x128xf32, #tpu.memory_space<hbm>>) dst(%arg8 : memref<256x128xf32, #tpu.memory_space<vmem>>)
      "tpu.region"() ({
        %run_scoped3A = tpu.sem_alloc : memref<!tpu.dma_semaphore, #tpu.memory_space<semaphore_mem>>
        %dma_start3A_88 = arith.constant 0 : i32
        %dma_start3A_89 = arith.constant 0 : i32
        %dma_start3A_90 = tpu.memref_slice %arg9[%dma_start3A_88, %dma_start3A_89] : memref<10240x128xf32, #tpu.memory_space<vmem_shared>> -> memref<10240x128xf32, #tpu.memory_space<vmem_shared>>
        tpu.enqueue_indirect_dma source(%arg8 : memref<256x128xf32, #tpu.memory_space<vmem>>) target(%dma_start3A_90 : memref<10240x128xf32, #tpu.memory_space<vmem_shared>>) offsets(%arg7 : memref<256xi32, #tpu.memory_space<vmem>>) semaphore(%run_scoped3A : memref<!tpu.dma_semaphore, #tpu.memory_space<semaphore_mem>>) {add = true}
        %dma_wait3A_91 = arith.constant 0 : i32
        %dma_wait3A_92 = arith.constant 0 : i32
        %dma_wait3A_93 = tpu.memref_slice %arg9[%dma_wait3A_91, %dma_wait3A_92] : memref<10240x128xf32, #tpu.memory_space<vmem_shared>> -> memref<10240x128xf32, #tpu.memory_space<vmem_shared>>
        tpu.wait_indirect_dma semaphore(%run_scoped3A : memref<!tpu.dma_semaphore, #tpu.memory_space<semaphore_mem>>) src(%arg8 : memref<256x128xf32, #tpu.memory_space<vmem>>) dst(%dma_wait3A_93 : memref<10240x128xf32, #tpu.memory_space<vmem_shared>>)
        tpu.yield
      }) : () -> ()
    }
    %scan3A_61 = arith.constant 21 : i32
    %barrier3A_62 = arith.constant 0 : index
    tpu.barrier barrier_id(%barrier3A_62)
    %mul3A_63 = arith.constant 640 : i32
    %mul3A_64 = arith.muli %arg1, %mul3A_63 : i32
    %mul3A_65 = arith.constant 10240 : i32
    %mul3A_66 = arith.muli %arg0, %mul3A_65 : i32
    %mul3A_67 = arith.constant 640 : i32
    %mul3A_68 = arith.muli %arg1, %mul3A_67 : i32
    %add3A_69 = arith.addi %mul3A_66, %mul3A_68 : i32
    "tpu.region"() ({
      %run_scoped3A = tpu.sem_alloc : memref<!tpu.dma_semaphore, #tpu.memory_space<semaphore_mem>>
      %dma_start3A = arith.constant 0 : i32
      %dma_start3A_71 = tpu.memref_slice %arg6[%add3A_69, %dma_start3A] : memref<20480x128xf32, #tpu.memory_space<hbm>> -> memref<640x128xf32, #tpu.memory_space<hbm>>
      %dma_start3A_72 = arith.constant 0 : i32
      %dma_start3A_73 = tpu.memref_slice %arg9[%mul3A_64, %dma_start3A_72] : memref<10240x128xf32, #tpu.memory_space<vmem_shared>> -> memref<640x128xf32, #tpu.memory_space<vmem_shared>>
      tpu.enqueue_dma source(%dma_start3A_73 : memref<640x128xf32, #tpu.memory_space<vmem_shared>>) target(%dma_start3A_71 : memref<640x128xf32, #tpu.memory_space<hbm>>) target_semaphore(%run_scoped3A : memref<!tpu.dma_semaphore, #tpu.memory_space<semaphore_mem>>)
      %dma_wait3A = arith.constant 0 : i32
      %dma_wait3A_74 = tpu.memref_slice %arg6[%add3A_69, %dma_wait3A] : memref<20480x128xf32, #tpu.memory_space<hbm>> -> memref<640x128xf32, #tpu.memory_space<hbm>>
      %dma_wait3A_75 = arith.constant 0 : i32
      %dma_wait3A_76 = tpu.memref_slice %arg9[%mul3A_64, %dma_wait3A_75] : memref<10240x128xf32, #tpu.memory_space<vmem_shared>> -> memref<640x128xf32, #tpu.memory_space<vmem_shared>>
      tpu.wait_dma2 semaphore(%run_scoped3A : memref<!tpu.dma_semaphore, #tpu.memory_space<semaphore_mem>>) src(%dma_wait3A_76 : memref<640x128xf32, #tpu.memory_space<vmem_shared>>) dst(%dma_wait3A_74 : memref<640x128xf32, #tpu.memory_space<hbm>>)
      tpu.yield
    }) : () -> ()
    %barrier3A_70 = arith.constant 0 : index
    tpu.barrier barrier_id(%barrier3A_70)
    return
  }
}

#map = affine_map<(d0, d1) -> (0, 0)>
#map1 = affine_map<(d0, d1) -> (0)>
module attributes {stable_mosaic.version = 14 : i64} {
  func.func @gath(%arg0: i32, %arg1: i32, %arg2: memref<10240x128xf32, #tpu.memory_space<hbm>>, %arg3: memref<10240x128xf32, #tpu.memory_space<hbm>>, %arg4: memref<10240x128xf32, #tpu.memory_space<hbm>>, %arg5: memref<344064xi32, #tpu.memory_space<hbm>>, %arg6: memref<344064xi32, #tpu.memory_space<hbm>>, %arg7: memref<172032x128xf32, #tpu.memory_space<hbm>>, %arg8: memref<172032x128xf32, #tpu.memory_space<hbm>>, %arg9: memref<128xi32, #tpu.memory_space<vmem>>, %arg10: memref<128xi32, #tpu.memory_space<vmem>>, %arg11: memref<128xi32, #tpu.memory_space<vmem>>, %arg12: memref<128xi32, #tpu.memory_space<vmem>>, %arg13: memref<128x128xf32, #tpu.memory_space<vmem>>, %arg14: memref<128x128xf32, #tpu.memory_space<vmem>>, %arg15: memref<128x128xf32, #tpu.memory_space<vmem>>, %arg16: memref<128x128xf32, #tpu.memory_space<vmem>>, %arg17: memref<128x128xf32, #tpu.memory_space<vmem>>, %arg18: memref<128x128xf32, #tpu.memory_space<vmem>>, %arg19: memref<!tpu.dma_semaphore, #tpu.memory_space<semaphore_mem>>, %arg20: memref<!tpu.dma_semaphore, #tpu.memory_space<semaphore_mem>>, %arg21: memref<!tpu.dma_semaphore, #tpu.memory_space<semaphore_mem>>, %arg22: memref<!tpu.dma_semaphore, #tpu.memory_space<semaphore_mem>>, %arg23: memref<!tpu.dma_semaphore, #tpu.memory_space<semaphore_mem>>, %arg24: memref<!tpu.dma_semaphore, #tpu.memory_space<semaphore_mem>>, %arg25: memref<!tpu.dma_semaphore, #tpu.memory_space<semaphore_mem>>, %arg26: memref<!tpu.dma_semaphore, #tpu.memory_space<semaphore_mem>>, %arg27: memref<!tpu.dma_semaphore, #tpu.memory_space<semaphore_mem>>, %arg28: memref<!tpu.dma_semaphore, #tpu.memory_space<semaphore_mem>>) attributes {dimension_semantics = [#tpu.dimension_semantics<core_parallel>, #tpu.dimension_semantics<subcore_parallel>], iteration_bounds = array<i64: 2, 16>, scalar_prefetch = 0 : i64, scratch_operands = 20 : i64, tpu.core_type = #tpu.core_type<sc_vector_subcore>, window_params = [{transform_indices = #map}, {transform_indices = #map}, {transform_indices = #map}, {transform_indices = #map1}, {transform_indices = #map1}, {transform_indices = #map}, {transform_indices = #map}]} {
    %mul3A = arith.constant 2 : i32
    %mul3A_0 = arith.muli %arg1, %mul3A : i32
    %add3A = arith.addi %mul3A_0, %arg0 : i32
    %mul3A_1 = arith.constant 5376 : i32
    %mul3A_2 = arith.muli %add3A, %mul3A_1 : i32
    %add3A_3 = arith.constant 172032 : i32
    %add3A_4 = arith.addi %add3A_3, %mul3A_2 : i32
    %sub3A = arith.subi %mul3A_2, %mul3A_2 : i32
    %add3A_5 = arith.addi %add3A_4, %sub3A : i32
    "tpu.region"() ({
      %run_scoped3A = tpu.sem_alloc : memref<!tpu.dma_semaphore, #tpu.memory_space<semaphore_mem>>
      %dma_start3A_23 = tpu.memref_slice %arg5[%add3A_5] : memref<344064xi32, #tpu.memory_space<hbm>> -> memref<128xi32, #tpu.memory_space<hbm>>
      %dma_start3A_24 = tpu.memref_slice %arg5[%add3A_5] : memref<344064xi32, #tpu.memory_space<hbm>> -> memref<128xi32, #tpu.memory_space<hbm>>
      tpu.enqueue_dma source(%dma_start3A_24 : memref<128xi32, #tpu.memory_space<hbm>>) target(%arg9 : memref<128xi32, #tpu.memory_space<vmem>>) target_semaphore(%run_scoped3A : memref<!tpu.dma_semaphore, #tpu.memory_space<semaphore_mem>>)
      %dma_wait3A = tpu.memref_slice %arg5[%add3A_5] : memref<344064xi32, #tpu.memory_space<hbm>> -> memref<128xi32, #tpu.memory_space<hbm>>
      %dma_wait3A_25 = tpu.memref_slice %arg5[%add3A_5] : memref<344064xi32, #tpu.memory_space<hbm>> -> memref<128xi32, #tpu.memory_space<hbm>>
      tpu.wait_dma2 semaphore(%run_scoped3A : memref<!tpu.dma_semaphore, #tpu.memory_space<semaphore_mem>>) src(%dma_wait3A_25 : memref<128xi32, #tpu.memory_space<hbm>>) dst(%arg9 : memref<128xi32, #tpu.memory_space<vmem>>)
      tpu.yield
    }) : () -> ()
    "tpu.region"() ({
      %run_scoped3A = tpu.sem_alloc : memref<!tpu.dma_semaphore, #tpu.memory_space<semaphore_mem>>
      %dma_start3A_23 = tpu.memref_slice %arg6[%add3A_5] : memref<344064xi32, #tpu.memory_space<hbm>> -> memref<128xi32, #tpu.memory_space<hbm>>
      %dma_start3A_24 = tpu.memref_slice %arg6[%add3A_5] : memref<344064xi32, #tpu.memory_space<hbm>> -> memref<128xi32, #tpu.memory_space<hbm>>
      tpu.enqueue_dma source(%dma_start3A_24 : memref<128xi32, #tpu.memory_space<hbm>>) target(%arg10 : memref<128xi32, #tpu.memory_space<vmem>>) target_semaphore(%run_scoped3A : memref<!tpu.dma_semaphore, #tpu.memory_space<semaphore_mem>>)
      %dma_wait3A = tpu.memref_slice %arg6[%add3A_5] : memref<344064xi32, #tpu.memory_space<hbm>> -> memref<128xi32, #tpu.memory_space<hbm>>
      %dma_wait3A_25 = tpu.memref_slice %arg6[%add3A_5] : memref<344064xi32, #tpu.memory_space<hbm>> -> memref<128xi32, #tpu.memory_space<hbm>>
      tpu.wait_dma2 semaphore(%run_scoped3A : memref<!tpu.dma_semaphore, #tpu.memory_space<semaphore_mem>>) src(%dma_wait3A_25 : memref<128xi32, #tpu.memory_space<hbm>>) dst(%arg10 : memref<128xi32, #tpu.memory_space<vmem>>)
      tpu.yield
    }) : () -> ()
    %dma_start3A = arith.constant 0 : i32
    %dma_start3A_6 = arith.constant 0 : i32
    %dma_start3A_7 = tpu.memref_slice %arg2[%dma_start3A, %dma_start3A_6] : memref<10240x128xf32, #tpu.memory_space<hbm>> -> memref<10240x128xf32, #tpu.memory_space<hbm>>
    tpu.enqueue_indirect_dma source(%dma_start3A_7 : memref<10240x128xf32, #tpu.memory_space<hbm>>) target(%arg13 : memref<128x128xf32, #tpu.memory_space<vmem>>) offsets(%arg9 : memref<128xi32, #tpu.memory_space<vmem>>) semaphore(%arg19 : memref<!tpu.dma_semaphore, #tpu.memory_space<semaphore_mem>>)
    %dma_start3A_8 = arith.constant 0 : i32
    %dma_start3A_9 = arith.constant 0 : i32
    %dma_start3A_10 = tpu.memref_slice %arg3[%dma_start3A_8, %dma_start3A_9] : memref<10240x128xf32, #tpu.memory_space<hbm>> -> memref<10240x128xf32, #tpu.memory_space<hbm>>
    tpu.enqueue_indirect_dma source(%dma_start3A_10 : memref<10240x128xf32, #tpu.memory_space<hbm>>) target(%arg14 : memref<128x128xf32, #tpu.memory_space<vmem>>) offsets(%arg10 : memref<128xi32, #tpu.memory_space<vmem>>) semaphore(%arg20 : memref<!tpu.dma_semaphore, #tpu.memory_space<semaphore_mem>>)
    %dma_start3A_11 = arith.constant 0 : i32
    %dma_start3A_12 = arith.constant 0 : i32
    %dma_start3A_13 = tpu.memref_slice %arg4[%dma_start3A_11, %dma_start3A_12] : memref<10240x128xf32, #tpu.memory_space<hbm>> -> memref<10240x128xf32, #tpu.memory_space<hbm>>
    tpu.enqueue_indirect_dma source(%dma_start3A_13 : memref<10240x128xf32, #tpu.memory_space<hbm>>) target(%arg15 : memref<128x128xf32, #tpu.memory_space<vmem>>) offsets(%arg10 : memref<128xi32, #tpu.memory_space<vmem>>) semaphore(%arg21 : memref<!tpu.dma_semaphore, #tpu.memory_space<semaphore_mem>>)
    %add3A_14 = arith.constant 128 : i32
    %add3A_15 = arith.addi %mul3A_2, %add3A_14 : i32
    %sub3A_16 = arith.subi %add3A_15, %mul3A_2 : i32
    %add3A_17 = arith.addi %add3A_4, %sub3A_16 : i32
    "tpu.region"() ({
      %run_scoped3A = tpu.sem_alloc : memref<!tpu.dma_semaphore, #tpu.memory_space<semaphore_mem>>
      %dma_start3A_23 = tpu.memref_slice %arg5[%add3A_17] : memref<344064xi32, #tpu.memory_space<hbm>> -> memref<128xi32, #tpu.memory_space<hbm>>
      %dma_start3A_24 = tpu.memref_slice %arg5[%add3A_17] : memref<344064xi32, #tpu.memory_space<hbm>> -> memref<128xi32, #tpu.memory_space<hbm>>
      tpu.enqueue_dma source(%dma_start3A_24 : memref<128xi32, #tpu.memory_space<hbm>>) target(%arg11 : memref<128xi32, #tpu.memory_space<vmem>>) target_semaphore(%run_scoped3A : memref<!tpu.dma_semaphore, #tpu.memory_space<semaphore_mem>>)
      %dma_wait3A = tpu.memref_slice %arg5[%add3A_17] : memref<344064xi32, #tpu.memory_space<hbm>> -> memref<128xi32, #tpu.memory_space<hbm>>
      %dma_wait3A_25 = tpu.memref_slice %arg5[%add3A_17] : memref<344064xi32, #tpu.memory_space<hbm>> -> memref<128xi32, #tpu.memory_space<hbm>>
      tpu.wait_dma2 semaphore(%run_scoped3A : memref<!tpu.dma_semaphore, #tpu.memory_space<semaphore_mem>>) src(%dma_wait3A_25 : memref<128xi32, #tpu.memory_space<hbm>>) dst(%arg11 : memref<128xi32, #tpu.memory_space<vmem>>)
      tpu.yield
    }) : () -> ()
    "tpu.region"() ({
      %run_scoped3A = tpu.sem_alloc : memref<!tpu.dma_semaphore, #tpu.memory_space<semaphore_mem>>
      %dma_start3A_23 = tpu.memref_slice %arg6[%add3A_17] : memref<344064xi32, #tpu.memory_space<hbm>> -> memref<128xi32, #tpu.memory_space<hbm>>
      %dma_start3A_24 = tpu.memref_slice %arg6[%add3A_17] : memref<344064xi32, #tpu.memory_space<hbm>> -> memref<128xi32, #tpu.memory_space<hbm>>
      tpu.enqueue_dma source(%dma_start3A_24 : memref<128xi32, #tpu.memory_space<hbm>>) target(%arg12 : memref<128xi32, #tpu.memory_space<vmem>>) target_semaphore(%run_scoped3A : memref<!tpu.dma_semaphore, #tpu.memory_space<semaphore_mem>>)
      %dma_wait3A = tpu.memref_slice %arg6[%add3A_17] : memref<344064xi32, #tpu.memory_space<hbm>> -> memref<128xi32, #tpu.memory_space<hbm>>
      %dma_wait3A_25 = tpu.memref_slice %arg6[%add3A_17] : memref<344064xi32, #tpu.memory_space<hbm>> -> memref<128xi32, #tpu.memory_space<hbm>>
      tpu.wait_dma2 semaphore(%run_scoped3A : memref<!tpu.dma_semaphore, #tpu.memory_space<semaphore_mem>>) src(%dma_wait3A_25 : memref<128xi32, #tpu.memory_space<hbm>>) dst(%arg12 : memref<128xi32, #tpu.memory_space<vmem>>)
      tpu.yield
    }) : () -> ()
    %scan3A = arith.constant 0 : i32
    %scan3A_18 = arith.constant 0 : i32
    %scan3A_19 = arith.constant 21 : i32
    %scan3A_20 = arith.addi %scan3A_18, %scan3A_19 : i32
    %scan3A_21 = arith.constant 1 : i32
    scf.for %scan3A_23 = %scan3A_18 to %scan3A_20 step %scan3A_21  : i32 {
      %mul3A_24 = arith.constant 2 : i32
      %mul3A_25 = arith.muli %mul3A_24, %scan3A_23 : i32
      %mul3A_26 = arith.constant 128 : i32
      %mul3A_27 = arith.muli %mul3A_25, %mul3A_26 : i32
      %add3A_28 = arith.addi %mul3A_2, %mul3A_27 : i32
      %add3A_29 = arith.constant 128 : i32
      %add3A_30 = arith.addi %add3A_28, %add3A_29 : i32
      %dma_start3A_31 = arith.constant 0 : i32
      %dma_start3A_32 = arith.constant 0 : i32
      %dma_start3A_33 = tpu.memref_slice %arg2[%dma_start3A_31, %dma_start3A_32] : memref<10240x128xf32, #tpu.memory_space<hbm>> -> memref<10240x128xf32, #tpu.memory_space<hbm>>
      tpu.enqueue_indirect_dma source(%dma_start3A_33 : memref<10240x128xf32, #tpu.memory_space<hbm>>) target(%arg16 : memref<128x128xf32, #tpu.memory_space<vmem>>) offsets(%arg11 : memref<128xi32, #tpu.memory_space<vmem>>) semaphore(%arg22 : memref<!tpu.dma_semaphore, #tpu.memory_space<semaphore_mem>>)
      %dma_start3A_34 = arith.constant 0 : i32
      %dma_start3A_35 = arith.constant 0 : i32
      %dma_start3A_36 = tpu.memref_slice %arg3[%dma_start3A_34, %dma_start3A_35] : memref<10240x128xf32, #tpu.memory_space<hbm>> -> memref<10240x128xf32, #tpu.memory_space<hbm>>
      tpu.enqueue_indirect_dma source(%dma_start3A_36 : memref<10240x128xf32, #tpu.memory_space<hbm>>) target(%arg17 : memref<128x128xf32, #tpu.memory_space<vmem>>) offsets(%arg12 : memref<128xi32, #tpu.memory_space<vmem>>) semaphore(%arg23 : memref<!tpu.dma_semaphore, #tpu.memory_space<semaphore_mem>>)
      %dma_start3A_37 = arith.constant 0 : i32
      %dma_start3A_38 = arith.constant 0 : i32
      %dma_start3A_39 = tpu.memref_slice %arg4[%dma_start3A_37, %dma_start3A_38] : memref<10240x128xf32, #tpu.memory_space<hbm>> -> memref<10240x128xf32, #tpu.memory_space<hbm>>
      tpu.enqueue_indirect_dma source(%dma_start3A_39 : memref<10240x128xf32, #tpu.memory_space<hbm>>) target(%arg18 : memref<128x128xf32, #tpu.memory_space<vmem>>) offsets(%arg12 : memref<128xi32, #tpu.memory_space<vmem>>) semaphore(%arg24 : memref<!tpu.dma_semaphore, #tpu.memory_space<semaphore_mem>>)
      %dma_wait3A = arith.constant 0 : i32
      %dma_wait3A_40 = arith.constant 0 : i32
      %dma_wait3A_41 = tpu.memref_slice %arg2[%dma_wait3A, %dma_wait3A_40] : memref<10240x128xf32, #tpu.memory_space<hbm>> -> memref<10240x128xf32, #tpu.memory_space<hbm>>
      tpu.wait_indirect_dma semaphore(%arg19 : memref<!tpu.dma_semaphore, #tpu.memory_space<semaphore_mem>>) src(%dma_wait3A_41 : memref<10240x128xf32, #tpu.memory_space<hbm>>) dst(%arg13 : memref<128x128xf32, #tpu.memory_space<vmem>>)
      %dma_wait3A_42 = arith.constant 0 : i32
      %dma_wait3A_43 = arith.constant 0 : i32
      %dma_wait3A_44 = tpu.memref_slice %arg3[%dma_wait3A_42, %dma_wait3A_43] : memref<10240x128xf32, #tpu.memory_space<hbm>> -> memref<10240x128xf32, #tpu.memory_space<hbm>>
      tpu.wait_indirect_dma semaphore(%arg20 : memref<!tpu.dma_semaphore, #tpu.memory_space<semaphore_mem>>) src(%dma_wait3A_44 : memref<10240x128xf32, #tpu.memory_space<hbm>>) dst(%arg14 : memref<128x128xf32, #tpu.memory_space<vmem>>)
      %dma_wait3A_45 = arith.constant 0 : i32
      %dma_wait3A_46 = arith.constant 0 : i32
      %dma_wait3A_47 = tpu.memref_slice %arg4[%dma_wait3A_45, %dma_wait3A_46] : memref<10240x128xf32, #tpu.memory_space<hbm>> -> memref<10240x128xf32, #tpu.memory_space<hbm>>
      tpu.wait_indirect_dma semaphore(%arg21 : memref<!tpu.dma_semaphore, #tpu.memory_space<semaphore_mem>>) src(%dma_wait3A_47 : memref<10240x128xf32, #tpu.memory_space<hbm>>) dst(%arg15 : memref<128x128xf32, #tpu.memory_space<vmem>>)
      %lt3A = arith.constant 20 : i32
      %lt3A_48 = arith.cmpi slt, %scan3A_23, %lt3A : i32
      %convert_element_type3A = arith.extui %lt3A_48 : i1 to i32
      %cond3A = arith.constant 0 : i32
      %cond3A_49 = arith.cmpi ne, %convert_element_type3A, %cond3A : i32
      scf.if %cond3A_49 {
        %add3A_113 = arith.constant 256 : i32
        %add3A_114 = arith.addi %add3A_28, %add3A_113 : i32
        %sub3A_115 = arith.subi %add3A_114, %mul3A_2 : i32
        %add3A_116 = arith.addi %add3A_4, %sub3A_115 : i32
        "tpu.region"() ({
          %run_scoped3A = tpu.sem_alloc : memref<!tpu.dma_semaphore, #tpu.memory_space<semaphore_mem>>
          %dma_start3A_117 = tpu.memref_slice %arg5[%add3A_116] : memref<344064xi32, #tpu.memory_space<hbm>> -> memref<128xi32, #tpu.memory_space<hbm>>
          %dma_start3A_118 = tpu.memref_slice %arg5[%add3A_116] : memref<344064xi32, #tpu.memory_space<hbm>> -> memref<128xi32, #tpu.memory_space<hbm>>
          tpu.enqueue_dma source(%dma_start3A_118 : memref<128xi32, #tpu.memory_space<hbm>>) target(%arg9 : memref<128xi32, #tpu.memory_space<vmem>>) target_semaphore(%run_scoped3A : memref<!tpu.dma_semaphore, #tpu.memory_space<semaphore_mem>>)
          %dma_wait3A_119 = tpu.memref_slice %arg5[%add3A_116] : memref<344064xi32, #tpu.memory_space<hbm>> -> memref<128xi32, #tpu.memory_space<hbm>>
          %dma_wait3A_120 = tpu.memref_slice %arg5[%add3A_116] : memref<344064xi32, #tpu.memory_space<hbm>> -> memref<128xi32, #tpu.memory_space<hbm>>
          tpu.wait_dma2 semaphore(%run_scoped3A : memref<!tpu.dma_semaphore, #tpu.memory_space<semaphore_mem>>) src(%dma_wait3A_120 : memref<128xi32, #tpu.memory_space<hbm>>) dst(%arg9 : memref<128xi32, #tpu.memory_space<vmem>>)
          tpu.yield
        }) : () -> ()
        "tpu.region"() ({
          %run_scoped3A = tpu.sem_alloc : memref<!tpu.dma_semaphore, #tpu.memory_space<semaphore_mem>>
          %dma_start3A_117 = tpu.memref_slice %arg6[%add3A_116] : memref<344064xi32, #tpu.memory_space<hbm>> -> memref<128xi32, #tpu.memory_space<hbm>>
          %dma_start3A_118 = tpu.memref_slice %arg6[%add3A_116] : memref<344064xi32, #tpu.memory_space<hbm>> -> memref<128xi32, #tpu.memory_space<hbm>>
          tpu.enqueue_dma source(%dma_start3A_118 : memref<128xi32, #tpu.memory_space<hbm>>) target(%arg10 : memref<128xi32, #tpu.memory_space<vmem>>) target_semaphore(%run_scoped3A : memref<!tpu.dma_semaphore, #tpu.memory_space<semaphore_mem>>)
          %dma_wait3A_119 = tpu.memref_slice %arg6[%add3A_116] : memref<344064xi32, #tpu.memory_space<hbm>> -> memref<128xi32, #tpu.memory_space<hbm>>
          %dma_wait3A_120 = tpu.memref_slice %arg6[%add3A_116] : memref<344064xi32, #tpu.memory_space<hbm>> -> memref<128xi32, #tpu.memory_space<hbm>>
          tpu.wait_dma2 semaphore(%run_scoped3A : memref<!tpu.dma_semaphore, #tpu.memory_space<semaphore_mem>>) src(%dma_wait3A_120 : memref<128xi32, #tpu.memory_space<hbm>>) dst(%arg10 : memref<128xi32, #tpu.memory_space<vmem>>)
          tpu.yield
        }) : () -> ()
      } else {
      }
      %scan3A_50 = arith.constant 0 : i32
      %scan3A_51 = arith.constant 0 : i32
      %scan3A_52 = arith.constant 128 : i32
      %scan3A_53 = arith.addi %scan3A_51, %scan3A_52 : i32
      %scan3A_54 = arith.constant 1 : i32
      scf.for %scan3A_113 = %scan3A_51 to %scan3A_53 step %scan3A_54  : i32 {
        %get3A = arith.index_cast %scan3A_113 : i32 to index
        %get3A_114 = arith.constant 0 : index
        %get3A_115 = tpu.vector_load %arg13[%get3A, %get3A_114] {strides = array<i32>} : memref<128x128xf32, #tpu.memory_space<vmem>>, vector<1x16xf32>,
        %get3A_116 = vector.shape_cast %get3A_115 : vector<1x16xf32> to vector<16xf32>
        %get3A_117 = arith.index_cast %scan3A_113 : i32 to index
        %get3A_118 = arith.constant 0 : index
        %get3A_119 = tpu.vector_load %arg14[%get3A_117, %get3A_118] {strides = array<i32>} : memref<128x128xf32, #tpu.memory_space<vmem>>, vector<1x16xf32>,
        %get3A_120 = vector.shape_cast %get3A_119 : vector<1x16xf32> to vector<16xf32>
        %sub3A_121 = arith.subf %get3A_116, %get3A_120 : vector<16xf32>
        %swap3A = arith.index_cast %scan3A_113 : i32 to index
        %swap3A_122 = arith.constant 0 : index
        %swap3A_123 = tpu.vector_load %arg13[%swap3A, %swap3A_122] {strides = array<i32>} : memref<128x128xf32, #tpu.memory_space<vmem>>, vector<1x16xf32>,
        %swap3A_124 = vector.shape_cast %swap3A_123 : vector<1x16xf32> to vector<16xf32>
        %swap3A_125 = vector.shape_cast %sub3A_121 : vector<16xf32> to vector<1x16xf32>
        tpu.vector_store %arg13[%swap3A, %swap3A_122], %swap3A_125 {strides = array<i32>} : memref<128x128xf32, #tpu.memory_space<vmem>>, vector<1x16xf32>,
        %get3A_126 = arith.index_cast %scan3A_113 : i32 to index
        %get3A_127 = arith.constant 16 : index
        %get3A_128 = tpu.vector_load %arg13[%get3A_126, %get3A_127] {strides = array<i32>} : memref<128x128xf32, #tpu.memory_space<vmem>>, vector<1x16xf32>,
        %get3A_129 = vector.shape_cast %get3A_128 : vector<1x16xf32> to vector<16xf32>
        %get3A_130 = arith.index_cast %scan3A_113 : i32 to index
        %get3A_131 = arith.constant 16 : index
        %get3A_132 = tpu.vector_load %arg14[%get3A_130, %get3A_131] {strides = array<i32>} : memref<128x128xf32, #tpu.memory_space<vmem>>, vector<1x16xf32>,
        %get3A_133 = vector.shape_cast %get3A_132 : vector<1x16xf32> to vector<16xf32>
        %sub3A_134 = arith.subf %get3A_129, %get3A_133 : vector<16xf32>
        %swap3A_135 = arith.index_cast %scan3A_113 : i32 to index
        %swap3A_136 = arith.constant 16 : index
        %swap3A_137 = tpu.vector_load %arg13[%swap3A_135, %swap3A_136] {strides = array<i32>} : memref<128x128xf32, #tpu.memory_space<vmem>>, vector<1x16xf32>,
        %swap3A_138 = vector.shape_cast %swap3A_137 : vector<1x16xf32> to vector<16xf32>
        %swap3A_139 = vector.shape_cast %sub3A_134 : vector<16xf32> to vector<1x16xf32>
        tpu.vector_store %arg13[%swap3A_135, %swap3A_136], %swap3A_139 {strides = array<i32>} : memref<128x128xf32, #tpu.memory_space<vmem>>, vector<1x16xf32>,
        %get3A_140 = arith.index_cast %scan3A_113 : i32 to index
        %get3A_141 = arith.constant 32 : index
        %get3A_142 = tpu.vector_load %arg13[%get3A_140, %get3A_141] {strides = array<i32>} : memref<128x128xf32, #tpu.memory_space<vmem>>, vector<1x16xf32>,
        %get3A_143 = vector.shape_cast %get3A_142 : vector<1x16xf32> to vector<16xf32>
        %get3A_144 = arith.index_cast %scan3A_113 : i32 to index
        %get3A_145 = arith.constant 32 : index
        %get3A_146 = tpu.vector_load %arg14[%get3A_144, %get3A_145] {strides = array<i32>} : memref<128x128xf32, #tpu.memory_space<vmem>>, vector<1x16xf32>,
        %get3A_147 = vector.shape_cast %get3A_146 : vector<1x16xf32> to vector<16xf32>
        %sub3A_148 = arith.subf %get3A_143, %get3A_147 : vector<16xf32>
        %swap3A_149 = arith.index_cast %scan3A_113 : i32 to index
        %swap3A_150 = arith.constant 32 : index
        %swap3A_151 = tpu.vector_load %arg13[%swap3A_149, %swap3A_150] {strides = array<i32>} : memref<128x128xf32, #tpu.memory_space<vmem>>, vector<1x16xf32>,
        %swap3A_152 = vector.shape_cast %swap3A_151 : vector<1x16xf32> to vector<16xf32>
        %swap3A_153 = vector.shape_cast %sub3A_148 : vector<16xf32> to vector<1x16xf32>
        tpu.vector_store %arg13[%swap3A_149, %swap3A_150], %swap3A_153 {strides = array<i32>} : memref<128x128xf32, #tpu.memory_space<vmem>>, vector<1x16xf32>,
        %get3A_154 = arith.index_cast %scan3A_113 : i32 to index
        %get3A_155 = arith.constant 48 : index
        %get3A_156 = tpu.vector_load %arg13[%get3A_154, %get3A_155] {strides = array<i32>} : memref<128x128xf32, #tpu.memory_space<vmem>>, vector<1x16xf32>,
        %get3A_157 = vector.shape_cast %get3A_156 : vector<1x16xf32> to vector<16xf32>
        %get3A_158 = arith.index_cast %scan3A_113 : i32 to index
        %get3A_159 = arith.constant 48 : index
        %get3A_160 = tpu.vector_load %arg14[%get3A_158, %get3A_159] {strides = array<i32>} : memref<128x128xf32, #tpu.memory_space<vmem>>, vector<1x16xf32>,
        %get3A_161 = vector.shape_cast %get3A_160 : vector<1x16xf32> to vector<16xf32>
        %sub3A_162 = arith.subf %get3A_157, %get3A_161 : vector<16xf32>
        %swap3A_163 = arith.index_cast %scan3A_113 : i32 to index
        %swap3A_164 = arith.constant 48 : index
        %swap3A_165 = tpu.vector_load %arg13[%swap3A_163, %swap3A_164] {strides = array<i32>} : memref<128x128xf32, #tpu.memory_space<vmem>>, vector<1x16xf32>,
        %swap3A_166 = vector.shape_cast %swap3A_165 : vector<1x16xf32> to vector<16xf32>
        %swap3A_167 = vector.shape_cast %sub3A_162 : vector<16xf32> to vector<1x16xf32>
        tpu.vector_store %arg13[%swap3A_163, %swap3A_164], %swap3A_167 {strides = array<i32>} : memref<128x128xf32, #tpu.memory_space<vmem>>, vector<1x16xf32>,
        %get3A_168 = arith.index_cast %scan3A_113 : i32 to index
        %get3A_169 = arith.constant 64 : index
        %get3A_170 = tpu.vector_load %arg13[%get3A_168, %get3A_169] {strides = array<i32>} : memref<128x128xf32, #tpu.memory_space<vmem>>, vector<1x16xf32>,
        %get3A_171 = vector.shape_cast %get3A_170 : vector<1x16xf32> to vector<16xf32>
        %get3A_172 = arith.index_cast %scan3A_113 : i32 to index
        %get3A_173 = arith.constant 64 : index
        %get3A_174 = tpu.vector_load %arg14[%get3A_172, %get3A_173] {strides = array<i32>} : memref<128x128xf32, #tpu.memory_space<vmem>>, vector<1x16xf32>,
        %get3A_175 = vector.shape_cast %get3A_174 : vector<1x16xf32> to vector<16xf32>
        %sub3A_176 = arith.subf %get3A_171, %get3A_175 : vector<16xf32>
        %swap3A_177 = arith.index_cast %scan3A_113 : i32 to index
        %swap3A_178 = arith.constant 64 : index
        %swap3A_179 = tpu.vector_load %arg13[%swap3A_177, %swap3A_178] {strides = array<i32>} : memref<128x128xf32, #tpu.memory_space<vmem>>, vector<1x16xf32>,
        %swap3A_180 = vector.shape_cast %swap3A_179 : vector<1x16xf32> to vector<16xf32>
        %swap3A_181 = vector.shape_cast %sub3A_176 : vector<16xf32> to vector<1x16xf32>
        tpu.vector_store %arg13[%swap3A_177, %swap3A_178], %swap3A_181 {strides = array<i32>} : memref<128x128xf32, #tpu.memory_space<vmem>>, vector<1x16xf32>,
        %get3A_182 = arith.index_cast %scan3A_113 : i32 to index
        %get3A_183 = arith.constant 80 : index
        %get3A_184 = tpu.vector_load %arg13[%get3A_182, %get3A_183] {strides = array<i32>} : memref<128x128xf32, #tpu.memory_space<vmem>>, vector<1x16xf32>,
        %get3A_185 = vector.shape_cast %get3A_184 : vector<1x16xf32> to vector<16xf32>
        %get3A_186 = arith.index_cast %scan3A_113 : i32 to index
        %get3A_187 = arith.constant 80 : index
        %get3A_188 = tpu.vector_load %arg14[%get3A_186, %get3A_187] {strides = array<i32>} : memref<128x128xf32, #tpu.memory_space<vmem>>, vector<1x16xf32>,
        %get3A_189 = vector.shape_cast %get3A_188 : vector<1x16xf32> to vector<16xf32>
        %sub3A_190 = arith.subf %get3A_185, %get3A_189 : vector<16xf32>
        %swap3A_191 = arith.index_cast %scan3A_113 : i32 to index
        %swap3A_192 = arith.constant 80 : index
        %swap3A_193 = tpu.vector_load %arg13[%swap3A_191, %swap3A_192] {strides = array<i32>} : memref<128x128xf32, #tpu.memory_space<vmem>>, vector<1x16xf32>,
        %swap3A_194 = vector.shape_cast %swap3A_193 : vector<1x16xf32> to vector<16xf32>
        %swap3A_195 = vector.shape_cast %sub3A_190 : vector<16xf32> to vector<1x16xf32>
        tpu.vector_store %arg13[%swap3A_191, %swap3A_192], %swap3A_195 {strides = array<i32>} : memref<128x128xf32, #tpu.memory_space<vmem>>, vector<1x16xf32>,
        %get3A_196 = arith.index_cast %scan3A_113 : i32 to index
        %get3A_197 = arith.constant 96 : index
        %get3A_198 = tpu.vector_load %arg13[%get3A_196, %get3A_197] {strides = array<i32>} : memref<128x128xf32, #tpu.memory_space<vmem>>, vector<1x16xf32>,
        %get3A_199 = vector.shape_cast %get3A_198 : vector<1x16xf32> to vector<16xf32>
        %get3A_200 = arith.index_cast %scan3A_113 : i32 to index
        %get3A_201 = arith.constant 96 : index
        %get3A_202 = tpu.vector_load %arg14[%get3A_200, %get3A_201] {strides = array<i32>} : memref<128x128xf32, #tpu.memory_space<vmem>>, vector<1x16xf32>,
        %get3A_203 = vector.shape_cast %get3A_202 : vector<1x16xf32> to vector<16xf32>
        %sub3A_204 = arith.subf %get3A_199, %get3A_203 : vector<16xf32>
        %swap3A_205 = arith.index_cast %scan3A_113 : i32 to index
        %swap3A_206 = arith.constant 96 : index
        %swap3A_207 = tpu.vector_load %arg13[%swap3A_205, %swap3A_206] {strides = array<i32>} : memref<128x128xf32, #tpu.memory_space<vmem>>, vector<1x16xf32>,
        %swap3A_208 = vector.shape_cast %swap3A_207 : vector<1x16xf32> to vector<16xf32>
        %swap3A_209 = vector.shape_cast %sub3A_204 : vector<16xf32> to vector<1x16xf32>
        tpu.vector_store %arg13[%swap3A_205, %swap3A_206], %swap3A_209 {strides = array<i32>} : memref<128x128xf32, #tpu.memory_space<vmem>>, vector<1x16xf32>,
        %get3A_210 = arith.index_cast %scan3A_113 : i32 to index
        %get3A_211 = arith.constant 112 : index
        %get3A_212 = tpu.vector_load %arg13[%get3A_210, %get3A_211] {strides = array<i32>} : memref<128x128xf32, #tpu.memory_space<vmem>>, vector<1x16xf32>,
        %get3A_213 = vector.shape_cast %get3A_212 : vector<1x16xf32> to vector<16xf32>
        %get3A_214 = arith.index_cast %scan3A_113 : i32 to index
        %get3A_215 = arith.constant 112 : index
        %get3A_216 = tpu.vector_load %arg14[%get3A_214, %get3A_215] {strides = array<i32>} : memref<128x128xf32, #tpu.memory_space<vmem>>, vector<1x16xf32>,
        %get3A_217 = vector.shape_cast %get3A_216 : vector<1x16xf32> to vector<16xf32>
        %sub3A_218 = arith.subf %get3A_213, %get3A_217 : vector<16xf32>
        %swap3A_219 = arith.index_cast %scan3A_113 : i32 to index
        %swap3A_220 = arith.constant 112 : index
        %swap3A_221 = tpu.vector_load %arg13[%swap3A_219, %swap3A_220] {strides = array<i32>} : memref<128x128xf32, #tpu.memory_space<vmem>>, vector<1x16xf32>,
        %swap3A_222 = vector.shape_cast %swap3A_221 : vector<1x16xf32> to vector<16xf32>
        %swap3A_223 = vector.shape_cast %sub3A_218 : vector<16xf32> to vector<1x16xf32>
        tpu.vector_store %arg13[%swap3A_219, %swap3A_220], %swap3A_223 {strides = array<i32>} : memref<128x128xf32, #tpu.memory_space<vmem>>, vector<1x16xf32>,
      }
      %scan3A_55 = arith.constant 128 : i32
      %dma_start3A_56 = arith.constant 0 : i32
      %dma_start3A_57 = tpu.memref_slice %arg7[%add3A_28, %dma_start3A_56] : memref<172032x128xf32, #tpu.memory_space<hbm>> -> memref<128x128xf32, #tpu.memory_space<hbm>>
      %dma_start3A_58 = arith.constant 0 : i32
      %dma_start3A_59 = tpu.memref_slice %arg7[%add3A_28, %dma_start3A_58] : memref<172032x128xf32, #tpu.memory_space<hbm>> -> memref<128x128xf32, #tpu.memory_space<hbm>>
      tpu.enqueue_dma source(%arg13 : memref<128x128xf32, #tpu.memory_space<vmem>>) target(%dma_start3A_59 : memref<128x128xf32, #tpu.memory_space<hbm>>) target_semaphore(%arg25 : memref<!tpu.dma_semaphore, #tpu.memory_space<semaphore_mem>>)
      %dma_start3A_60 = arith.constant 0 : i32
      %dma_start3A_61 = tpu.memref_slice %arg8[%add3A_28, %dma_start3A_60] : memref<172032x128xf32, #tpu.memory_space<hbm>> -> memref<128x128xf32, #tpu.memory_space<hbm>>
      %dma_start3A_62 = arith.constant 0 : i32
      %dma_start3A_63 = tpu.memref_slice %arg8[%add3A_28, %dma_start3A_62] : memref<172032x128xf32, #tpu.memory_space<hbm>> -> memref<128x128xf32, #tpu.memory_space<hbm>>
      tpu.enqueue_dma source(%arg15 : memref<128x128xf32, #tpu.memory_space<vmem>>) target(%dma_start3A_63 : memref<128x128xf32, #tpu.memory_space<hbm>>) target_semaphore(%arg26 : memref<!tpu.dma_semaphore, #tpu.memory_space<semaphore_mem>>)
      %dma_wait3A_64 = arith.constant 0 : i32
      %dma_wait3A_65 = arith.constant 0 : i32
      %dma_wait3A_66 = tpu.memref_slice %arg2[%dma_wait3A_64, %dma_wait3A_65] : memref<10240x128xf32, #tpu.memory_space<hbm>> -> memref<10240x128xf32, #tpu.memory_space<hbm>>
      tpu.wait_indirect_dma semaphore(%arg22 : memref<!tpu.dma_semaphore, #tpu.memory_space<semaphore_mem>>) src(%dma_wait3A_66 : memref<10240x128xf32, #tpu.memory_space<hbm>>) dst(%arg16 : memref<128x128xf32, #tpu.memory_space<vmem>>)
      %dma_wait3A_67 = arith.constant 0 : i32
      %dma_wait3A_68 = arith.constant 0 : i32
      %dma_wait3A_69 = tpu.memref_slice %arg3[%dma_wait3A_67, %dma_wait3A_68] : memref<10240x128xf32, #tpu.memory_space<hbm>> -> memref<10240x128xf32, #tpu.memory_space<hbm>>
      tpu.wait_indirect_dma semaphore(%arg23 : memref<!tpu.dma_semaphore, #tpu.memory_space<semaphore_mem>>) src(%dma_wait3A_69 : memref<10240x128xf32, #tpu.memory_space<hbm>>) dst(%arg17 : memref<128x128xf32, #tpu.memory_space<vmem>>)
      %dma_wait3A_70 = arith.constant 0 : i32
      %dma_wait3A_71 = arith.constant 0 : i32
      %dma_wait3A_72 = tpu.memref_slice %arg4[%dma_wait3A_70, %dma_wait3A_71] : memref<10240x128xf32, #tpu.memory_space<hbm>> -> memref<10240x128xf32, #tpu.memory_space<hbm>>
      tpu.wait_indirect_dma semaphore(%arg24 : memref<!tpu.dma_semaphore, #tpu.memory_space<semaphore_mem>>) src(%dma_wait3A_72 : memref<10240x128xf32, #tpu.memory_space<hbm>>) dst(%arg18 : memref<128x128xf32, #tpu.memory_space<vmem>>)
      %lt3A_73 = arith.constant 20 : i32
      %lt3A_74 = arith.cmpi slt, %scan3A_23, %lt3A_73 : i32
      %convert_element_type3A_75 = arith.extui %lt3A_74 : i1 to i32
      %cond3A_76 = arith.constant 0 : i32
      %cond3A_77 = arith.cmpi ne, %convert_element_type3A_75, %cond3A_76 : i32
      scf.if %cond3A_77 {
        %add3A_113 = arith.constant 256 : i32
        %add3A_114 = arith.addi %add3A_30, %add3A_113 : i32
        %sub3A_115 = arith.subi %add3A_114, %mul3A_2 : i32
        %add3A_116 = arith.addi %add3A_4, %sub3A_115 : i32
        "tpu.region"() ({
          %run_scoped3A = tpu.sem_alloc : memref<!tpu.dma_semaphore, #tpu.memory_space<semaphore_mem>>
          %dma_start3A_117 = tpu.memref_slice %arg5[%add3A_116] : memref<344064xi32, #tpu.memory_space<hbm>> -> memref<128xi32, #tpu.memory_space<hbm>>
          %dma_start3A_118 = tpu.memref_slice %arg5[%add3A_116] : memref<344064xi32, #tpu.memory_space<hbm>> -> memref<128xi32, #tpu.memory_space<hbm>>
          tpu.enqueue_dma source(%dma_start3A_118 : memref<128xi32, #tpu.memory_space<hbm>>) target(%arg11 : memref<128xi32, #tpu.memory_space<vmem>>) target_semaphore(%run_scoped3A : memref<!tpu.dma_semaphore, #tpu.memory_space<semaphore_mem>>)
          %dma_wait3A_119 = tpu.memref_slice %arg5[%add3A_116] : memref<344064xi32, #tpu.memory_space<hbm>> -> memref<128xi32, #tpu.memory_space<hbm>>
          %dma_wait3A_120 = tpu.memref_slice %arg5[%add3A_116] : memref<344064xi32, #tpu.memory_space<hbm>> -> memref<128xi32, #tpu.memory_space<hbm>>
          tpu.wait_dma2 semaphore(%run_scoped3A : memref<!tpu.dma_semaphore, #tpu.memory_space<semaphore_mem>>) src(%dma_wait3A_120 : memref<128xi32, #tpu.memory_space<hbm>>) dst(%arg11 : memref<128xi32, #tpu.memory_space<vmem>>)
          tpu.yield
        }) : () -> ()
        "tpu.region"() ({
          %run_scoped3A = tpu.sem_alloc : memref<!tpu.dma_semaphore, #tpu.memory_space<semaphore_mem>>
          %dma_start3A_117 = tpu.memref_slice %arg6[%add3A_116] : memref<344064xi32, #tpu.memory_space<hbm>> -> memref<128xi32, #tpu.memory_space<hbm>>
          %dma_start3A_118 = tpu.memref_slice %arg6[%add3A_116] : memref<344064xi32, #tpu.memory_space<hbm>> -> memref<128xi32, #tpu.memory_space<hbm>>
          tpu.enqueue_dma source(%dma_start3A_118 : memref<128xi32, #tpu.memory_space<hbm>>) target(%arg12 : memref<128xi32, #tpu.memory_space<vmem>>) target_semaphore(%run_scoped3A : memref<!tpu.dma_semaphore, #tpu.memory_space<semaphore_mem>>)
          %dma_wait3A_119 = tpu.memref_slice %arg6[%add3A_116] : memref<344064xi32, #tpu.memory_space<hbm>> -> memref<128xi32, #tpu.memory_space<hbm>>
          %dma_wait3A_120 = tpu.memref_slice %arg6[%add3A_116] : memref<344064xi32, #tpu.memory_space<hbm>> -> memref<128xi32, #tpu.memory_space<hbm>>
          tpu.wait_dma2 semaphore(%run_scoped3A : memref<!tpu.dma_semaphore, #tpu.memory_space<semaphore_mem>>) src(%dma_wait3A_120 : memref<128xi32, #tpu.memory_space<hbm>>) dst(%arg12 : memref<128xi32, #tpu.memory_space<vmem>>)
          tpu.yield
        }) : () -> ()
      } else {
      }
      %scan3A_78 = arith.constant 0 : i32
      %scan3A_79 = arith.constant 0 : i32
      %scan3A_80 = arith.constant 128 : i32
      %scan3A_81 = arith.addi %scan3A_79, %scan3A_80 : i32
      %scan3A_82 = arith.constant 1 : i32
      scf.for %scan3A_113 = %scan3A_79 to %scan3A_81 step %scan3A_82  : i32 {
        %get3A = arith.index_cast %scan3A_113 : i32 to index
        %get3A_114 = arith.constant 0 : index
        %get3A_115 = tpu.vector_load %arg16[%get3A, %get3A_114] {strides = array<i32>} : memref<128x128xf32, #tpu.memory_space<vmem>>, vector<1x16xf32>,
        %get3A_116 = vector.shape_cast %get3A_115 : vector<1x16xf32> to vector<16xf32>
        %get3A_117 = arith.index_cast %scan3A_113 : i32 to index
        %get3A_118 = arith.constant 0 : index
        %get3A_119 = tpu.vector_load %arg17[%get3A_117, %get3A_118] {strides = array<i32>} : memref<128x128xf32, #tpu.memory_space<vmem>>, vector<1x16xf32>,
        %get3A_120 = vector.shape_cast %get3A_119 : vector<1x16xf32> to vector<16xf32>
        %sub3A_121 = arith.subf %get3A_116, %get3A_120 : vector<16xf32>
        %swap3A = arith.index_cast %scan3A_113 : i32 to index
        %swap3A_122 = arith.constant 0 : index
        %swap3A_123 = tpu.vector_load %arg16[%swap3A, %swap3A_122] {strides = array<i32>} : memref<128x128xf32, #tpu.memory_space<vmem>>, vector<1x16xf32>,
        %swap3A_124 = vector.shape_cast %swap3A_123 : vector<1x16xf32> to vector<16xf32>
        %swap3A_125 = vector.shape_cast %sub3A_121 : vector<16xf32> to vector<1x16xf32>
        tpu.vector_store %arg16[%swap3A, %swap3A_122], %swap3A_125 {strides = array<i32>} : memref<128x128xf32, #tpu.memory_space<vmem>>, vector<1x16xf32>,
        %get3A_126 = arith.index_cast %scan3A_113 : i32 to index
        %get3A_127 = arith.constant 16 : index
        %get3A_128 = tpu.vector_load %arg16[%get3A_126, %get3A_127] {strides = array<i32>} : memref<128x128xf32, #tpu.memory_space<vmem>>, vector<1x16xf32>,
        %get3A_129 = vector.shape_cast %get3A_128 : vector<1x16xf32> to vector<16xf32>
        %get3A_130 = arith.index_cast %scan3A_113 : i32 to index
        %get3A_131 = arith.constant 16 : index
        %get3A_132 = tpu.vector_load %arg17[%get3A_130, %get3A_131] {strides = array<i32>} : memref<128x128xf32, #tpu.memory_space<vmem>>, vector<1x16xf32>,
        %get3A_133 = vector.shape_cast %get3A_132 : vector<1x16xf32> to vector<16xf32>
        %sub3A_134 = arith.subf %get3A_129, %get3A_133 : vector<16xf32>
        %swap3A_135 = arith.index_cast %scan3A_113 : i32 to index
        %swap3A_136 = arith.constant 16 : index
        %swap3A_137 = tpu.vector_load %arg16[%swap3A_135, %swap3A_136] {strides = array<i32>} : memref<128x128xf32, #tpu.memory_space<vmem>>, vector<1x16xf32>,
        %swap3A_138 = vector.shape_cast %swap3A_137 : vector<1x16xf32> to vector<16xf32>
        %swap3A_139 = vector.shape_cast %sub3A_134 : vector<16xf32> to vector<1x16xf32>
        tpu.vector_store %arg16[%swap3A_135, %swap3A_136], %swap3A_139 {strides = array<i32>} : memref<128x128xf32, #tpu.memory_space<vmem>>, vector<1x16xf32>,
        %get3A_140 = arith.index_cast %scan3A_113 : i32 to index
        %get3A_141 = arith.constant 32 : index
        %get3A_142 = tpu.vector_load %arg16[%get3A_140, %get3A_141] {strides = array<i32>} : memref<128x128xf32, #tpu.memory_space<vmem>>, vector<1x16xf32>,
        %get3A_143 = vector.shape_cast %get3A_142 : vector<1x16xf32> to vector<16xf32>
        %get3A_144 = arith.index_cast %scan3A_113 : i32 to index
        %get3A_145 = arith.constant 32 : index
        %get3A_146 = tpu.vector_load %arg17[%get3A_144, %get3A_145] {strides = array<i32>} : memref<128x128xf32, #tpu.memory_space<vmem>>, vector<1x16xf32>,
        %get3A_147 = vector.shape_cast %get3A_146 : vector<1x16xf32> to vector<16xf32>
        %sub3A_148 = arith.subf %get3A_143, %get3A_147 : vector<16xf32>
        %swap3A_149 = arith.index_cast %scan3A_113 : i32 to index
        %swap3A_150 = arith.constant 32 : index
        %swap3A_151 = tpu.vector_load %arg16[%swap3A_149, %swap3A_150] {strides = array<i32>} : memref<128x128xf32, #tpu.memory_space<vmem>>, vector<1x16xf32>,
        %swap3A_152 = vector.shape_cast %swap3A_151 : vector<1x16xf32> to vector<16xf32>
        %swap3A_153 = vector.shape_cast %sub3A_148 : vector<16xf32> to vector<1x16xf32>
        tpu.vector_store %arg16[%swap3A_149, %swap3A_150], %swap3A_153 {strides = array<i32>} : memref<128x128xf32, #tpu.memory_space<vmem>>, vector<1x16xf32>,
        %get3A_154 = arith.index_cast %scan3A_113 : i32 to index
        %get3A_155 = arith.constant 48 : index
        %get3A_156 = tpu.vector_load %arg16[%get3A_154, %get3A_155] {strides = array<i32>} : memref<128x128xf32, #tpu.memory_space<vmem>>, vector<1x16xf32>,
        %get3A_157 = vector.shape_cast %get3A_156 : vector<1x16xf32> to vector<16xf32>
        %get3A_158 = arith.index_cast %scan3A_113 : i32 to index
        %get3A_159 = arith.constant 48 : index
        %get3A_160 = tpu.vector_load %arg17[%get3A_158, %get3A_159] {strides = array<i32>} : memref<128x128xf32, #tpu.memory_space<vmem>>, vector<1x16xf32>,
        %get3A_161 = vector.shape_cast %get3A_160 : vector<1x16xf32> to vector<16xf32>
        %sub3A_162 = arith.subf %get3A_157, %get3A_161 : vector<16xf32>
        %swap3A_163 = arith.index_cast %scan3A_113 : i32 to index
        %swap3A_164 = arith.constant 48 : index
        %swap3A_165 = tpu.vector_load %arg16[%swap3A_163, %swap3A_164] {strides = array<i32>} : memref<128x128xf32, #tpu.memory_space<vmem>>, vector<1x16xf32>,
        %swap3A_166 = vector.shape_cast %swap3A_165 : vector<1x16xf32> to vector<16xf32>
        %swap3A_167 = vector.shape_cast %sub3A_162 : vector<16xf32> to vector<1x16xf32>
        tpu.vector_store %arg16[%swap3A_163, %swap3A_164], %swap3A_167 {strides = array<i32>} : memref<128x128xf32, #tpu.memory_space<vmem>>, vector<1x16xf32>,
        %get3A_168 = arith.index_cast %scan3A_113 : i32 to index
        %get3A_169 = arith.constant 64 : index
        %get3A_170 = tpu.vector_load %arg16[%get3A_168, %get3A_169] {strides = array<i32>} : memref<128x128xf32, #tpu.memory_space<vmem>>, vector<1x16xf32>,
        %get3A_171 = vector.shape_cast %get3A_170 : vector<1x16xf32> to vector<16xf32>
        %get3A_172 = arith.index_cast %scan3A_113 : i32 to index
        %get3A_173 = arith.constant 64 : index
        %get3A_174 = tpu.vector_load %arg17[%get3A_172, %get3A_173] {strides = array<i32>} : memref<128x128xf32, #tpu.memory_space<vmem>>, vector<1x16xf32>,
        %get3A_175 = vector.shape_cast %get3A_174 : vector<1x16xf32> to vector<16xf32>
        %sub3A_176 = arith.subf %get3A_171, %get3A_175 : vector<16xf32>
        %swap3A_177 = arith.index_cast %scan3A_113 : i32 to index
        %swap3A_178 = arith.constant 64 : index
        %swap3A_179 = tpu.vector_load %arg16[%swap3A_177, %swap3A_178] {strides = array<i32>} : memref<128x128xf32, #tpu.memory_space<vmem>>, vector<1x16xf32>,
        %swap3A_180 = vector.shape_cast %swap3A_179 : vector<1x16xf32> to vector<16xf32>
        %swap3A_181 = vector.shape_cast %sub3A_176 : vector<16xf32> to vector<1x16xf32>
        tpu.vector_store %arg16[%swap3A_177, %swap3A_178], %swap3A_181 {strides = array<i32>} : memref<128x128xf32, #tpu.memory_space<vmem>>, vector<1x16xf32>,
        %get3A_182 = arith.index_cast %scan3A_113 : i32 to index
        %get3A_183 = arith.constant 80 : index
        %get3A_184 = tpu.vector_load %arg16[%get3A_182, %get3A_183] {strides = array<i32>} : memref<128x128xf32, #tpu.memory_space<vmem>>, vector<1x16xf32>,
        %get3A_185 = vector.shape_cast %get3A_184 : vector<1x16xf32> to vector<16xf32>
        %get3A_186 = arith.index_cast %scan3A_113 : i32 to index
        %get3A_187 = arith.constant 80 : index
        %get3A_188 = tpu.vector_load %arg17[%get3A_186, %get3A_187] {strides = array<i32>} : memref<128x128xf32, #tpu.memory_space<vmem>>, vector<1x16xf32>,
        %get3A_189 = vector.shape_cast %get3A_188 : vector<1x16xf32> to vector<16xf32>
        %sub3A_190 = arith.subf %get3A_185, %get3A_189 : vector<16xf32>
        %swap3A_191 = arith.index_cast %scan3A_113 : i32 to index
        %swap3A_192 = arith.constant 80 : index
        %swap3A_193 = tpu.vector_load %arg16[%swap3A_191, %swap3A_192] {strides = array<i32>} : memref<128x128xf32, #tpu.memory_space<vmem>>, vector<1x16xf32>,
        %swap3A_194 = vector.shape_cast %swap3A_193 : vector<1x16xf32> to vector<16xf32>
        %swap3A_195 = vector.shape_cast %sub3A_190 : vector<16xf32> to vector<1x16xf32>
        tpu.vector_store %arg16[%swap3A_191, %swap3A_192], %swap3A_195 {strides = array<i32>} : memref<128x128xf32, #tpu.memory_space<vmem>>, vector<1x16xf32>,
        %get3A_196 = arith.index_cast %scan3A_113 : i32 to index
        %get3A_197 = arith.constant 96 : index
        %get3A_198 = tpu.vector_load %arg16[%get3A_196, %get3A_197] {strides = array<i32>} : memref<128x128xf32, #tpu.memory_space<vmem>>, vector<1x16xf32>,
        %get3A_199 = vector.shape_cast %get3A_198 : vector<1x16xf32> to vector<16xf32>
        %get3A_200 = arith.index_cast %scan3A_113 : i32 to index
        %get3A_201 = arith.constant 96 : index
        %get3A_202 = tpu.vector_load %arg17[%get3A_200, %get3A_201] {strides = array<i32>} : memref<128x128xf32, #tpu.memory_space<vmem>>, vector<1x16xf32>,
        %get3A_203 = vector.shape_cast %get3A_202 : vector<1x16xf32> to vector<16xf32>
        %sub3A_204 = arith.subf %get3A_199, %get3A_203 : vector<16xf32>
        %swap3A_205 = arith.index_cast %scan3A_113 : i32 to index
        %swap3A_206 = arith.constant 96 : index
        %swap3A_207 = tpu.vector_load %arg16[%swap3A_205, %swap3A_206] {strides = array<i32>} : memref<128x128xf32, #tpu.memory_space<vmem>>, vector<1x16xf32>,
        %swap3A_208 = vector.shape_cast %swap3A_207 : vector<1x16xf32> to vector<16xf32>
        %swap3A_209 = vector.shape_cast %sub3A_204 : vector<16xf32> to vector<1x16xf32>
        tpu.vector_store %arg16[%swap3A_205, %swap3A_206], %swap3A_209 {strides = array<i32>} : memref<128x128xf32, #tpu.memory_space<vmem>>, vector<1x16xf32>,
        %get3A_210 = arith.index_cast %scan3A_113 : i32 to index
        %get3A_211 = arith.constant 112 : index
        %get3A_212 = tpu.vector_load %arg16[%get3A_210, %get3A_211] {strides = array<i32>} : memref<128x128xf32, #tpu.memory_space<vmem>>, vector<1x16xf32>,
        %get3A_213 = vector.shape_cast %get3A_212 : vector<1x16xf32> to vector<16xf32>
        %get3A_214 = arith.index_cast %scan3A_113 : i32 to index
        %get3A_215 = arith.constant 112 : index
        %get3A_216 = tpu.vector_load %arg17[%get3A_214, %get3A_215] {strides = array<i32>} : memref<128x128xf32, #tpu.memory_space<vmem>>, vector<1x16xf32>,
        %get3A_217 = vector.shape_cast %get3A_216 : vector<1x16xf32> to vector<16xf32>
        %sub3A_218 = arith.subf %get3A_213, %get3A_217 : vector<16xf32>
        %swap3A_219 = arith.index_cast %scan3A_113 : i32 to index
        %swap3A_220 = arith.constant 112 : index
        %swap3A_221 = tpu.vector_load %arg16[%swap3A_219, %swap3A_220] {strides = array<i32>} : memref<128x128xf32, #tpu.memory_space<vmem>>, vector<1x16xf32>,
        %swap3A_222 = vector.shape_cast %swap3A_221 : vector<1x16xf32> to vector<16xf32>
        %swap3A_223 = vector.shape_cast %sub3A_218 : vector<16xf32> to vector<1x16xf32>
        tpu.vector_store %arg16[%swap3A_219, %swap3A_220], %swap3A_223 {strides = array<i32>} : memref<128x128xf32, #tpu.memory_space<vmem>>, vector<1x16xf32>,
      }
      %scan3A_83 = arith.constant 128 : i32
      %dma_start3A_84 = arith.constant 0 : i32
      %dma_start3A_85 = tpu.memref_slice %arg7[%add3A_30, %dma_start3A_84] : memref<172032x128xf32, #tpu.memory_space<hbm>> -> memref<128x128xf32, #tpu.memory_space<hbm>>
      %dma_start3A_86 = arith.constant 0 : i32
      %dma_start3A_87 = tpu.memref_slice %arg7[%add3A_30, %dma_start3A_86] : memref<172032x128xf32, #tpu.memory_space<hbm>> -> memref<128x128xf32, #tpu.memory_space<hbm>>
      tpu.enqueue_dma source(%arg16 : memref<128x128xf32, #tpu.memory_space<vmem>>) target(%dma_start3A_87 : memref<128x128xf32, #tpu.memory_space<hbm>>) target_semaphore(%arg27 : memref<!tpu.dma_semaphore, #tpu.memory_space<semaphore_mem>>)
      %dma_start3A_88 = arith.constant 0 : i32
      %dma_start3A_89 = tpu.memref_slice %arg8[%add3A_30, %dma_start3A_88] : memref<172032x128xf32, #tpu.memory_space<hbm>> -> memref<128x128xf32, #tpu.memory_space<hbm>>
      %dma_start3A_90 = arith.constant 0 : i32
      %dma_start3A_91 = tpu.memref_slice %arg8[%add3A_30, %dma_start3A_90] : memref<172032x128xf32, #tpu.memory_space<hbm>> -> memref<128x128xf32, #tpu.memory_space<hbm>>
      tpu.enqueue_dma source(%arg18 : memref<128x128xf32, #tpu.memory_space<vmem>>) target(%dma_start3A_91 : memref<128x128xf32, #tpu.memory_space<hbm>>) target_semaphore(%arg28 : memref<!tpu.dma_semaphore, #tpu.memory_space<semaphore_mem>>)
      %dma_wait3A_92 = arith.constant 0 : i32
      %dma_wait3A_93 = tpu.memref_slice %arg7[%add3A_28, %dma_wait3A_92] : memref<172032x128xf32, #tpu.memory_space<hbm>> -> memref<128x128xf32, #tpu.memory_space<hbm>>
      %dma_wait3A_94 = arith.constant 0 : i32
      %dma_wait3A_95 = tpu.memref_slice %arg7[%add3A_28, %dma_wait3A_94] : memref<172032x128xf32, #tpu.memory_space<hbm>> -> memref<128x128xf32, #tpu.memory_space<hbm>>
      tpu.wait_dma2 semaphore(%arg25 : memref<!tpu.dma_semaphore, #tpu.memory_space<semaphore_mem>>) src(%arg13 : memref<128x128xf32, #tpu.memory_space<vmem>>) dst(%dma_wait3A_95 : memref<128x128xf32, #tpu.memory_space<hbm>>)
      %dma_wait3A_96 = arith.constant 0 : i32
      %dma_wait3A_97 = tpu.memref_slice %arg8[%add3A_28, %dma_wait3A_96] : memref<172032x128xf32, #tpu.memory_space<hbm>> -> memref<128x128xf32, #tpu.memory_space<hbm>>
      %dma_wait3A_98 = arith.constant 0 : i32
      %dma_wait3A_99 = tpu.memref_slice %arg8[%add3A_28, %dma_wait3A_98] : memref<172032x128xf32, #tpu.memory_space<hbm>> -> memref<128x128xf32, #tpu.memory_space<hbm>>
      tpu.wait_dma2 semaphore(%arg26 : memref<!tpu.dma_semaphore, #tpu.memory_space<semaphore_mem>>) src(%arg15 : memref<128x128xf32, #tpu.memory_space<vmem>>) dst(%dma_wait3A_99 : memref<128x128xf32, #tpu.memory_space<hbm>>)
      %lt3A_100 = arith.constant 20 : i32
      %lt3A_101 = arith.cmpi slt, %scan3A_23, %lt3A_100 : i32
      %convert_element_type3A_102 = arith.extui %lt3A_101 : i1 to i32
      %cond3A_103 = arith.constant 0 : i32
      %cond3A_104 = arith.cmpi ne, %convert_element_type3A_102, %cond3A_103 : i32
      scf.if %cond3A_104 {
        %dma_start3A_113 = arith.constant 0 : i32
        %dma_start3A_114 = arith.constant 0 : i32
        %dma_start3A_115 = tpu.memref_slice %arg2[%dma_start3A_113, %dma_start3A_114] : memref<10240x128xf32, #tpu.memory_space<hbm>> -> memref<10240x128xf32, #tpu.memory_space<hbm>>
        tpu.enqueue_indirect_dma source(%dma_start3A_115 : memref<10240x128xf32, #tpu.memory_space<hbm>>) target(%arg13 : memref<128x128xf32, #tpu.memory_space<vmem>>) offsets(%arg9 : memref<128xi32, #tpu.memory_space<vmem>>) semaphore(%arg19 : memref<!tpu.dma_semaphore, #tpu.memory_space<semaphore_mem>>)
        %dma_start3A_116 = arith.constant 0 : i32
        %dma_start3A_117 = arith.constant 0 : i32
        %dma_start3A_118 = tpu.memref_slice %arg3[%dma_start3A_116, %dma_start3A_117] : memref<10240x128xf32, #tpu.memory_space<hbm>> -> memref<10240x128xf32, #tpu.memory_space<hbm>>
        tpu.enqueue_indirect_dma source(%dma_start3A_118 : memref<10240x128xf32, #tpu.memory_space<hbm>>) target(%arg14 : memref<128x128xf32, #tpu.memory_space<vmem>>) offsets(%arg10 : memref<128xi32, #tpu.memory_space<vmem>>) semaphore(%arg20 : memref<!tpu.dma_semaphore, #tpu.memory_space<semaphore_mem>>)
        %dma_start3A_119 = arith.constant 0 : i32
        %dma_start3A_120 = arith.constant 0 : i32
        %dma_start3A_121 = tpu.memref_slice %arg4[%dma_start3A_119, %dma_start3A_120] : memref<10240x128xf32, #tpu.memory_space<hbm>> -> memref<10240x128xf32, #tpu.memory_space<hbm>>
        tpu.enqueue_indirect_dma source(%dma_start3A_121 : memref<10240x128xf32, #tpu.memory_space<hbm>>) target(%arg15 : memref<128x128xf32, #tpu.memory_space<vmem>>) offsets(%arg10 : memref<128xi32, #tpu.memory_space<vmem>>) semaphore(%arg21 : memref<!tpu.dma_semaphore, #tpu.memory_space<semaphore_mem>>)
      } else {
      }
      %dma_wait3A_105 = arith.constant 0 : i32
      %dma_wait3A_106 = tpu.memref_slice %arg7[%add3A_30, %dma_wait3A_105] : memref<172032x128xf32, #tpu.memory_space<hbm>> -> memref<128x128xf32, #tpu.memory_space<hbm>>
      %dma_wait3A_107 = arith.constant 0 : i32
      %dma_wait3A_108 = tpu.memref_slice %arg7[%add3A_30, %dma_wait3A_107] : memref<172032x128xf32, #tpu.memory_space<hbm>> -> memref<128x128xf32, #tpu.memory_space<hbm>>
      tpu.wait_dma2 semaphore(%arg27 : memref<!tpu.dma_semaphore, #tpu.memory_space<semaphore_mem>>) src(%arg16 : memref<128x128xf32, #tpu.memory_space<vmem>>) dst(%dma_wait3A_108 : memref<128x128xf32, #tpu.memory_space<hbm>>)
      %dma_wait3A_109 = arith.constant 0 : i32
      %dma_wait3A_110 = tpu.memref_slice %arg8[%add3A_30, %dma_wait3A_109] : memref<172032x128xf32, #tpu.memory_space<hbm>> -> memref<128x128xf32, #tpu.memory_space<hbm>>
      %dma_wait3A_111 = arith.constant 0 : i32
      %dma_wait3A_112 = tpu.memref_slice %arg8[%add3A_30, %dma_wait3A_111] : memref<172032x128xf32, #tpu.memory_space<hbm>> -> memref<128x128xf32, #tpu.memory_space<hbm>>
      tpu.wait_dma2 semaphore(%arg28 : memref<!tpu.dma_semaphore, #tpu.memory_space<semaphore_mem>>) src(%arg18 : memref<128x128xf32, #tpu.memory_space<vmem>>) dst(%dma_wait3A_112 : memref<128x128xf32, #tpu.memory_space<hbm>>)
    }
    %scan3A_22 = arith.constant 21 : i32
    return
  }
}

#map = affine_map<(d0, d1) -> (0, 0)>
#map1 = affine_map<(d0, d1) -> (0)>
module attributes {stable_mosaic.version = 14 : i64} {
  func.func @gath(%arg0: i32, %arg1: i32, %arg2: memref<10240x128xf32, #tpu.memory_space<hbm>>, %arg3: memref<10240x128xf32, #tpu.memory_space<hbm>>, %arg4: memref<10240x128xf32, #tpu.memory_space<hbm>>, %arg5: memref<344064xi32, #tpu.memory_space<hbm>>, %arg6: memref<344064xi32, #tpu.memory_space<hbm>>, %arg7: memref<172032x128xf32, #tpu.memory_space<hbm>>, %arg8: memref<172032x128xf32, #tpu.memory_space<hbm>>, %arg9: memref<128xi32, #tpu.memory_space<vmem>>, %arg10: memref<128xi32, #tpu.memory_space<vmem>>, %arg11: memref<128xi32, #tpu.memory_space<vmem>>, %arg12: memref<128xi32, #tpu.memory_space<vmem>>, %arg13: memref<128x128xf32, #tpu.memory_space<vmem>>, %arg14: memref<128x128xf32, #tpu.memory_space<vmem>>, %arg15: memref<128x128xf32, #tpu.memory_space<vmem>>, %arg16: memref<128x128xf32, #tpu.memory_space<vmem>>, %arg17: memref<128x128xf32, #tpu.memory_space<vmem>>, %arg18: memref<128x128xf32, #tpu.memory_space<vmem>>, %arg19: memref<!tpu.dma_semaphore, #tpu.memory_space<semaphore_mem>>, %arg20: memref<!tpu.dma_semaphore, #tpu.memory_space<semaphore_mem>>, %arg21: memref<!tpu.dma_semaphore, #tpu.memory_space<semaphore_mem>>, %arg22: memref<!tpu.dma_semaphore, #tpu.memory_space<semaphore_mem>>, %arg23: memref<!tpu.dma_semaphore, #tpu.memory_space<semaphore_mem>>, %arg24: memref<!tpu.dma_semaphore, #tpu.memory_space<semaphore_mem>>, %arg25: memref<!tpu.dma_semaphore, #tpu.memory_space<semaphore_mem>>, %arg26: memref<!tpu.dma_semaphore, #tpu.memory_space<semaphore_mem>>, %arg27: memref<!tpu.dma_semaphore, #tpu.memory_space<semaphore_mem>>, %arg28: memref<!tpu.dma_semaphore, #tpu.memory_space<semaphore_mem>>) attributes {dimension_semantics = [#tpu.dimension_semantics<core_parallel>, #tpu.dimension_semantics<subcore_parallel>], iteration_bounds = array<i64: 2, 16>, scalar_prefetch = 0 : i64, scratch_operands = 20 : i64, tpu.core_type = #tpu.core_type<sc_vector_subcore>, window_params = [{transform_indices = #map}, {transform_indices = #map}, {transform_indices = #map}, {transform_indices = #map1}, {transform_indices = #map1}, {transform_indices = #map}, {transform_indices = #map}]} {
    %mul3A = arith.constant 2 : i32
    %mul3A_0 = arith.muli %arg1, %mul3A : i32
    %add3A = arith.addi %mul3A_0, %arg0 : i32
    %mul3A_1 = arith.constant 5376 : i32
    %mul3A_2 = arith.muli %add3A, %mul3A_1 : i32
    %add3A_3 = arith.constant 0 : i32
    %add3A_4 = arith.addi %add3A_3, %mul3A_2 : i32
    %sub3A = arith.subi %mul3A_2, %mul3A_2 : i32
    %add3A_5 = arith.addi %add3A_4, %sub3A : i32
    "tpu.region"() ({
      %run_scoped3A = tpu.sem_alloc : memref<!tpu.dma_semaphore, #tpu.memory_space<semaphore_mem>>
      %dma_start3A_23 = tpu.memref_slice %arg5[%add3A_5] : memref<344064xi32, #tpu.memory_space<hbm>> -> memref<128xi32, #tpu.memory_space<hbm>>
      %dma_start3A_24 = tpu.memref_slice %arg5[%add3A_5] : memref<344064xi32, #tpu.memory_space<hbm>> -> memref<128xi32, #tpu.memory_space<hbm>>
      tpu.enqueue_dma source(%dma_start3A_24 : memref<128xi32, #tpu.memory_space<hbm>>) target(%arg9 : memref<128xi32, #tpu.memory_space<vmem>>) target_semaphore(%run_scoped3A : memref<!tpu.dma_semaphore, #tpu.memory_space<semaphore_mem>>)
      %dma_wait3A = tpu.memref_slice %arg5[%add3A_5] : memref<344064xi32, #tpu.memory_space<hbm>> -> memref<128xi32, #tpu.memory_space<hbm>>
      %dma_wait3A_25 = tpu.memref_slice %arg5[%add3A_5] : memref<344064xi32, #tpu.memory_space<hbm>> -> memref<128xi32, #tpu.memory_space<hbm>>
      tpu.wait_dma2 semaphore(%run_scoped3A : memref<!tpu.dma_semaphore, #tpu.memory_space<semaphore_mem>>) src(%dma_wait3A_25 : memref<128xi32, #tpu.memory_space<hbm>>) dst(%arg9 : memref<128xi32, #tpu.memory_space<vmem>>)
      tpu.yield
    }) : () -> ()
    "tpu.region"() ({
      %run_scoped3A = tpu.sem_alloc : memref<!tpu.dma_semaphore, #tpu.memory_space<semaphore_mem>>
      %dma_start3A_23 = tpu.memref_slice %arg6[%add3A_5] : memref<344064xi32, #tpu.memory_space<hbm>> -> memref<128xi32, #tpu.memory_space<hbm>>
      %dma_start3A_24 = tpu.memref_slice %arg6[%add3A_5] : memref<344064xi32, #tpu.memory_space<hbm>> -> memref<128xi32, #tpu.memory_space<hbm>>
      tpu.enqueue_dma source(%dma_start3A_24 : memref<128xi32, #tpu.memory_space<hbm>>) target(%arg10 : memref<128xi32, #tpu.memory_space<vmem>>) target_semaphore(%run_scoped3A : memref<!tpu.dma_semaphore, #tpu.memory_space<semaphore_mem>>)
      %dma_wait3A = tpu.memref_slice %arg6[%add3A_5] : memref<344064xi32, #tpu.memory_space<hbm>> -> memref<128xi32, #tpu.memory_space<hbm>>
      %dma_wait3A_25 = tpu.memref_slice %arg6[%add3A_5] : memref<344064xi32, #tpu.memory_space<hbm>> -> memref<128xi32, #tpu.memory_space<hbm>>
      tpu.wait_dma2 semaphore(%run_scoped3A : memref<!tpu.dma_semaphore, #tpu.memory_space<semaphore_mem>>) src(%dma_wait3A_25 : memref<128xi32, #tpu.memory_space<hbm>>) dst(%arg10 : memref<128xi32, #tpu.memory_space<vmem>>)
      tpu.yield
    }) : () -> ()
    %dma_start3A = arith.constant 0 : i32
    %dma_start3A_6 = arith.constant 0 : i32
    %dma_start3A_7 = tpu.memref_slice %arg2[%dma_start3A, %dma_start3A_6] : memref<10240x128xf32, #tpu.memory_space<hbm>> -> memref<10240x128xf32, #tpu.memory_space<hbm>>
    tpu.enqueue_indirect_dma source(%dma_start3A_7 : memref<10240x128xf32, #tpu.memory_space<hbm>>) target(%arg13 : memref<128x128xf32, #tpu.memory_space<vmem>>) offsets(%arg9 : memref<128xi32, #tpu.memory_space<vmem>>) semaphore(%arg19 : memref<!tpu.dma_semaphore, #tpu.memory_space<semaphore_mem>>)
    %dma_start3A_8 = arith.constant 0 : i32
    %dma_start3A_9 = arith.constant 0 : i32
    %dma_start3A_10 = tpu.memref_slice %arg3[%dma_start3A_8, %dma_start3A_9] : memref<10240x128xf32, #tpu.memory_space<hbm>> -> memref<10240x128xf32, #tpu.memory_space<hbm>>
    tpu.enqueue_indirect_dma source(%dma_start3A_10 : memref<10240x128xf32, #tpu.memory_space<hbm>>) target(%arg14 : memref<128x128xf32, #tpu.memory_space<vmem>>) offsets(%arg10 : memref<128xi32, #tpu.memory_space<vmem>>) semaphore(%arg20 : memref<!tpu.dma_semaphore, #tpu.memory_space<semaphore_mem>>)
    %dma_start3A_11 = arith.constant 0 : i32
    %dma_start3A_12 = arith.constant 0 : i32
    %dma_start3A_13 = tpu.memref_slice %arg4[%dma_start3A_11, %dma_start3A_12] : memref<10240x128xf32, #tpu.memory_space<hbm>> -> memref<10240x128xf32, #tpu.memory_space<hbm>>
    tpu.enqueue_indirect_dma source(%dma_start3A_13 : memref<10240x128xf32, #tpu.memory_space<hbm>>) target(%arg15 : memref<128x128xf32, #tpu.memory_space<vmem>>) offsets(%arg10 : memref<128xi32, #tpu.memory_space<vmem>>) semaphore(%arg21 : memref<!tpu.dma_semaphore, #tpu.memory_space<semaphore_mem>>)
    %add3A_14 = arith.constant 128 : i32
    %add3A_15 = arith.addi %mul3A_2, %add3A_14 : i32
    %sub3A_16 = arith.subi %add3A_15, %mul3A_2 : i32
    %add3A_17 = arith.addi %add3A_4, %sub3A_16 : i32
    "tpu.region"() ({
      %run_scoped3A = tpu.sem_alloc : memref<!tpu.dma_semaphore, #tpu.memory_space<semaphore_mem>>
      %dma_start3A_23 = tpu.memref_slice %arg5[%add3A_17] : memref<344064xi32, #tpu.memory_space<hbm>> -> memref<128xi32, #tpu.memory_space<hbm>>
      %dma_start3A_24 = tpu.memref_slice %arg5[%add3A_17] : memref<344064xi32, #tpu.memory_space<hbm>> -> memref<128xi32, #tpu.memory_space<hbm>>
      tpu.enqueue_dma source(%dma_start3A_24 : memref<128xi32, #tpu.memory_space<hbm>>) target(%arg11 : memref<128xi32, #tpu.memory_space<vmem>>) target_semaphore(%run_scoped3A : memref<!tpu.dma_semaphore, #tpu.memory_space<semaphore_mem>>)
      %dma_wait3A = tpu.memref_slice %arg5[%add3A_17] : memref<344064xi32, #tpu.memory_space<hbm>> -> memref<128xi32, #tpu.memory_space<hbm>>
      %dma_wait3A_25 = tpu.memref_slice %arg5[%add3A_17] : memref<344064xi32, #tpu.memory_space<hbm>> -> memref<128xi32, #tpu.memory_space<hbm>>
      tpu.wait_dma2 semaphore(%run_scoped3A : memref<!tpu.dma_semaphore, #tpu.memory_space<semaphore_mem>>) src(%dma_wait3A_25 : memref<128xi32, #tpu.memory_space<hbm>>) dst(%arg11 : memref<128xi32, #tpu.memory_space<vmem>>)
      tpu.yield
    }) : () -> ()
    "tpu.region"() ({
      %run_scoped3A = tpu.sem_alloc : memref<!tpu.dma_semaphore, #tpu.memory_space<semaphore_mem>>
      %dma_start3A_23 = tpu.memref_slice %arg6[%add3A_17] : memref<344064xi32, #tpu.memory_space<hbm>> -> memref<128xi32, #tpu.memory_space<hbm>>
      %dma_start3A_24 = tpu.memref_slice %arg6[%add3A_17] : memref<344064xi32, #tpu.memory_space<hbm>> -> memref<128xi32, #tpu.memory_space<hbm>>
      tpu.enqueue_dma source(%dma_start3A_24 : memref<128xi32, #tpu.memory_space<hbm>>) target(%arg12 : memref<128xi32, #tpu.memory_space<vmem>>) target_semaphore(%run_scoped3A : memref<!tpu.dma_semaphore, #tpu.memory_space<semaphore_mem>>)
      %dma_wait3A = tpu.memref_slice %arg6[%add3A_17] : memref<344064xi32, #tpu.memory_space<hbm>> -> memref<128xi32, #tpu.memory_space<hbm>>
      %dma_wait3A_25 = tpu.memref_slice %arg6[%add3A_17] : memref<344064xi32, #tpu.memory_space<hbm>> -> memref<128xi32, #tpu.memory_space<hbm>>
      tpu.wait_dma2 semaphore(%run_scoped3A : memref<!tpu.dma_semaphore, #tpu.memory_space<semaphore_mem>>) src(%dma_wait3A_25 : memref<128xi32, #tpu.memory_space<hbm>>) dst(%arg12 : memref<128xi32, #tpu.memory_space<vmem>>)
      tpu.yield
    }) : () -> ()
    %scan3A = arith.constant 0 : i32
    %scan3A_18 = arith.constant 0 : i32
    %scan3A_19 = arith.constant 21 : i32
    %scan3A_20 = arith.addi %scan3A_18, %scan3A_19 : i32
    %scan3A_21 = arith.constant 1 : i32
    scf.for %scan3A_23 = %scan3A_18 to %scan3A_20 step %scan3A_21  : i32 {
      %mul3A_24 = arith.constant 2 : i32
      %mul3A_25 = arith.muli %mul3A_24, %scan3A_23 : i32
      %mul3A_26 = arith.constant 128 : i32
      %mul3A_27 = arith.muli %mul3A_25, %mul3A_26 : i32
      %add3A_28 = arith.addi %mul3A_2, %mul3A_27 : i32
      %add3A_29 = arith.constant 128 : i32
      %add3A_30 = arith.addi %add3A_28, %add3A_29 : i32
      %dma_start3A_31 = arith.constant 0 : i32
      %dma_start3A_32 = arith.constant 0 : i32
      %dma_start3A_33 = tpu.memref_slice %arg2[%dma_start3A_31, %dma_start3A_32] : memref<10240x128xf32, #tpu.memory_space<hbm>> -> memref<10240x128xf32, #tpu.memory_space<hbm>>
      tpu.enqueue_indirect_dma source(%dma_start3A_33 : memref<10240x128xf32, #tpu.memory_space<hbm>>) target(%arg16 : memref<128x128xf32, #tpu.memory_space<vmem>>) offsets(%arg11 : memref<128xi32, #tpu.memory_space<vmem>>) semaphore(%arg22 : memref<!tpu.dma_semaphore, #tpu.memory_space<semaphore_mem>>)
      %dma_start3A_34 = arith.constant 0 : i32
      %dma_start3A_35 = arith.constant 0 : i32
      %dma_start3A_36 = tpu.memref_slice %arg3[%dma_start3A_34, %dma_start3A_35] : memref<10240x128xf32, #tpu.memory_space<hbm>> -> memref<10240x128xf32, #tpu.memory_space<hbm>>
      tpu.enqueue_indirect_dma source(%dma_start3A_36 : memref<10240x128xf32, #tpu.memory_space<hbm>>) target(%arg17 : memref<128x128xf32, #tpu.memory_space<vmem>>) offsets(%arg12 : memref<128xi32, #tpu.memory_space<vmem>>) semaphore(%arg23 : memref<!tpu.dma_semaphore, #tpu.memory_space<semaphore_mem>>)
      %dma_start3A_37 = arith.constant 0 : i32
      %dma_start3A_38 = arith.constant 0 : i32
      %dma_start3A_39 = tpu.memref_slice %arg4[%dma_start3A_37, %dma_start3A_38] : memref<10240x128xf32, #tpu.memory_space<hbm>> -> memref<10240x128xf32, #tpu.memory_space<hbm>>
      tpu.enqueue_indirect_dma source(%dma_start3A_39 : memref<10240x128xf32, #tpu.memory_space<hbm>>) target(%arg18 : memref<128x128xf32, #tpu.memory_space<vmem>>) offsets(%arg12 : memref<128xi32, #tpu.memory_space<vmem>>) semaphore(%arg24 : memref<!tpu.dma_semaphore, #tpu.memory_space<semaphore_mem>>)
      %dma_wait3A = arith.constant 0 : i32
      %dma_wait3A_40 = arith.constant 0 : i32
      %dma_wait3A_41 = tpu.memref_slice %arg2[%dma_wait3A, %dma_wait3A_40] : memref<10240x128xf32, #tpu.memory_space<hbm>> -> memref<10240x128xf32, #tpu.memory_space<hbm>>
      tpu.wait_indirect_dma semaphore(%arg19 : memref<!tpu.dma_semaphore, #tpu.memory_space<semaphore_mem>>) src(%dma_wait3A_41 : memref<10240x128xf32, #tpu.memory_space<hbm>>) dst(%arg13 : memref<128x128xf32, #tpu.memory_space<vmem>>)
      %dma_wait3A_42 = arith.constant 0 : i32
      %dma_wait3A_43 = arith.constant 0 : i32
      %dma_wait3A_44 = tpu.memref_slice %arg3[%dma_wait3A_42, %dma_wait3A_43] : memref<10240x128xf32, #tpu.memory_space<hbm>> -> memref<10240x128xf32, #tpu.memory_space<hbm>>
      tpu.wait_indirect_dma semaphore(%arg20 : memref<!tpu.dma_semaphore, #tpu.memory_space<semaphore_mem>>) src(%dma_wait3A_44 : memref<10240x128xf32, #tpu.memory_space<hbm>>) dst(%arg14 : memref<128x128xf32, #tpu.memory_space<vmem>>)
      %dma_wait3A_45 = arith.constant 0 : i32
      %dma_wait3A_46 = arith.constant 0 : i32
      %dma_wait3A_47 = tpu.memref_slice %arg4[%dma_wait3A_45, %dma_wait3A_46] : memref<10240x128xf32, #tpu.memory_space<hbm>> -> memref<10240x128xf32, #tpu.memory_space<hbm>>
      tpu.wait_indirect_dma semaphore(%arg21 : memref<!tpu.dma_semaphore, #tpu.memory_space<semaphore_mem>>) src(%dma_wait3A_47 : memref<10240x128xf32, #tpu.memory_space<hbm>>) dst(%arg15 : memref<128x128xf32, #tpu.memory_space<vmem>>)
      %lt3A = arith.constant 20 : i32
      %lt3A_48 = arith.cmpi slt, %scan3A_23, %lt3A : i32
      %convert_element_type3A = arith.extui %lt3A_48 : i1 to i32
      %cond3A = arith.constant 0 : i32
      %cond3A_49 = arith.cmpi ne, %convert_element_type3A, %cond3A : i32
      scf.if %cond3A_49 {
        %add3A_113 = arith.constant 256 : i32
        %add3A_114 = arith.addi %add3A_28, %add3A_113 : i32
        %sub3A_115 = arith.subi %add3A_114, %mul3A_2 : i32
        %add3A_116 = arith.addi %add3A_4, %sub3A_115 : i32
        "tpu.region"() ({
          %run_scoped3A = tpu.sem_alloc : memref<!tpu.dma_semaphore, #tpu.memory_space<semaphore_mem>>
          %dma_start3A_117 = tpu.memref_slice %arg5[%add3A_116] : memref<344064xi32, #tpu.memory_space<hbm>> -> memref<128xi32, #tpu.memory_space<hbm>>
          %dma_start3A_118 = tpu.memref_slice %arg5[%add3A_116] : memref<344064xi32, #tpu.memory_space<hbm>> -> memref<128xi32, #tpu.memory_space<hbm>>
          tpu.enqueue_dma source(%dma_start3A_118 : memref<128xi32, #tpu.memory_space<hbm>>) target(%arg9 : memref<128xi32, #tpu.memory_space<vmem>>) target_semaphore(%run_scoped3A : memref<!tpu.dma_semaphore, #tpu.memory_space<semaphore_mem>>)
          %dma_wait3A_119 = tpu.memref_slice %arg5[%add3A_116] : memref<344064xi32, #tpu.memory_space<hbm>> -> memref<128xi32, #tpu.memory_space<hbm>>
          %dma_wait3A_120 = tpu.memref_slice %arg5[%add3A_116] : memref<344064xi32, #tpu.memory_space<hbm>> -> memref<128xi32, #tpu.memory_space<hbm>>
          tpu.wait_dma2 semaphore(%run_scoped3A : memref<!tpu.dma_semaphore, #tpu.memory_space<semaphore_mem>>) src(%dma_wait3A_120 : memref<128xi32, #tpu.memory_space<hbm>>) dst(%arg9 : memref<128xi32, #tpu.memory_space<vmem>>)
          tpu.yield
        }) : () -> ()
        "tpu.region"() ({
          %run_scoped3A = tpu.sem_alloc : memref<!tpu.dma_semaphore, #tpu.memory_space<semaphore_mem>>
          %dma_start3A_117 = tpu.memref_slice %arg6[%add3A_116] : memref<344064xi32, #tpu.memory_space<hbm>> -> memref<128xi32, #tpu.memory_space<hbm>>
          %dma_start3A_118 = tpu.memref_slice %arg6[%add3A_116] : memref<344064xi32, #tpu.memory_space<hbm>> -> memref<128xi32, #tpu.memory_space<hbm>>
          tpu.enqueue_dma source(%dma_start3A_118 : memref<128xi32, #tpu.memory_space<hbm>>) target(%arg10 : memref<128xi32, #tpu.memory_space<vmem>>) target_semaphore(%run_scoped3A : memref<!tpu.dma_semaphore, #tpu.memory_space<semaphore_mem>>)
          %dma_wait3A_119 = tpu.memref_slice %arg6[%add3A_116] : memref<344064xi32, #tpu.memory_space<hbm>> -> memref<128xi32, #tpu.memory_space<hbm>>
          %dma_wait3A_120 = tpu.memref_slice %arg6[%add3A_116] : memref<344064xi32, #tpu.memory_space<hbm>> -> memref<128xi32, #tpu.memory_space<hbm>>
          tpu.wait_dma2 semaphore(%run_scoped3A : memref<!tpu.dma_semaphore, #tpu.memory_space<semaphore_mem>>) src(%dma_wait3A_120 : memref<128xi32, #tpu.memory_space<hbm>>) dst(%arg10 : memref<128xi32, #tpu.memory_space<vmem>>)
          tpu.yield
        }) : () -> ()
      } else {
      }
      %scan3A_50 = arith.constant 0 : i32
      %scan3A_51 = arith.constant 0 : i32
      %scan3A_52 = arith.constant 128 : i32
      %scan3A_53 = arith.addi %scan3A_51, %scan3A_52 : i32
      %scan3A_54 = arith.constant 1 : i32
      scf.for %scan3A_113 = %scan3A_51 to %scan3A_53 step %scan3A_54  : i32 {
        %get3A = arith.index_cast %scan3A_113 : i32 to index
        %get3A_114 = arith.constant 0 : index
        %get3A_115 = tpu.vector_load %arg13[%get3A, %get3A_114] {strides = array<i32>} : memref<128x128xf32, #tpu.memory_space<vmem>>, vector<1x16xf32>,
        %get3A_116 = vector.shape_cast %get3A_115 : vector<1x16xf32> to vector<16xf32>
        %get3A_117 = arith.index_cast %scan3A_113 : i32 to index
        %get3A_118 = arith.constant 0 : index
        %get3A_119 = tpu.vector_load %arg14[%get3A_117, %get3A_118] {strides = array<i32>} : memref<128x128xf32, #tpu.memory_space<vmem>>, vector<1x16xf32>,
        %get3A_120 = vector.shape_cast %get3A_119 : vector<1x16xf32> to vector<16xf32>
        %sub3A_121 = arith.subf %get3A_116, %get3A_120 : vector<16xf32>
        %swap3A = arith.index_cast %scan3A_113 : i32 to index
        %swap3A_122 = arith.constant 0 : index
        %swap3A_123 = tpu.vector_load %arg13[%swap3A, %swap3A_122] {strides = array<i32>} : memref<128x128xf32, #tpu.memory_space<vmem>>, vector<1x16xf32>,
        %swap3A_124 = vector.shape_cast %swap3A_123 : vector<1x16xf32> to vector<16xf32>
        %swap3A_125 = vector.shape_cast %sub3A_121 : vector<16xf32> to vector<1x16xf32>
        tpu.vector_store %arg13[%swap3A, %swap3A_122], %swap3A_125 {strides = array<i32>} : memref<128x128xf32, #tpu.memory_space<vmem>>, vector<1x16xf32>,
        %get3A_126 = arith.index_cast %scan3A_113 : i32 to index
        %get3A_127 = arith.constant 16 : index
        %get3A_128 = tpu.vector_load %arg13[%get3A_126, %get3A_127] {strides = array<i32>} : memref<128x128xf32, #tpu.memory_space<vmem>>, vector<1x16xf32>,
        %get3A_129 = vector.shape_cast %get3A_128 : vector<1x16xf32> to vector<16xf32>
        %get3A_130 = arith.index_cast %scan3A_113 : i32 to index
        %get3A_131 = arith.constant 16 : index
        %get3A_132 = tpu.vector_load %arg14[%get3A_130, %get3A_131] {strides = array<i32>} : memref<128x128xf32, #tpu.memory_space<vmem>>, vector<1x16xf32>,
        %get3A_133 = vector.shape_cast %get3A_132 : vector<1x16xf32> to vector<16xf32>
        %sub3A_134 = arith.subf %get3A_129, %get3A_133 : vector<16xf32>
        %swap3A_135 = arith.index_cast %scan3A_113 : i32 to index
        %swap3A_136 = arith.constant 16 : index
        %swap3A_137 = tpu.vector_load %arg13[%swap3A_135, %swap3A_136] {strides = array<i32>} : memref<128x128xf32, #tpu.memory_space<vmem>>, vector<1x16xf32>,
        %swap3A_138 = vector.shape_cast %swap3A_137 : vector<1x16xf32> to vector<16xf32>
        %swap3A_139 = vector.shape_cast %sub3A_134 : vector<16xf32> to vector<1x16xf32>
        tpu.vector_store %arg13[%swap3A_135, %swap3A_136], %swap3A_139 {strides = array<i32>} : memref<128x128xf32, #tpu.memory_space<vmem>>, vector<1x16xf32>,
        %get3A_140 = arith.index_cast %scan3A_113 : i32 to index
        %get3A_141 = arith.constant 32 : index
        %get3A_142 = tpu.vector_load %arg13[%get3A_140, %get3A_141] {strides = array<i32>} : memref<128x128xf32, #tpu.memory_space<vmem>>, vector<1x16xf32>,
        %get3A_143 = vector.shape_cast %get3A_142 : vector<1x16xf32> to vector<16xf32>
        %get3A_144 = arith.index_cast %scan3A_113 : i32 to index
        %get3A_145 = arith.constant 32 : index
        %get3A_146 = tpu.vector_load %arg14[%get3A_144, %get3A_145] {strides = array<i32>} : memref<128x128xf32, #tpu.memory_space<vmem>>, vector<1x16xf32>,
        %get3A_147 = vector.shape_cast %get3A_146 : vector<1x16xf32> to vector<16xf32>
        %sub3A_148 = arith.subf %get3A_143, %get3A_147 : vector<16xf32>
        %swap3A_149 = arith.index_cast %scan3A_113 : i32 to index
        %swap3A_150 = arith.constant 32 : index
        %swap3A_151 = tpu.vector_load %arg13[%swap3A_149, %swap3A_150] {strides = array<i32>} : memref<128x128xf32, #tpu.memory_space<vmem>>, vector<1x16xf32>,
        %swap3A_152 = vector.shape_cast %swap3A_151 : vector<1x16xf32> to vector<16xf32>
        %swap3A_153 = vector.shape_cast %sub3A_148 : vector<16xf32> to vector<1x16xf32>
        tpu.vector_store %arg13[%swap3A_149, %swap3A_150], %swap3A_153 {strides = array<i32>} : memref<128x128xf32, #tpu.memory_space<vmem>>, vector<1x16xf32>,
        %get3A_154 = arith.index_cast %scan3A_113 : i32 to index
        %get3A_155 = arith.constant 48 : index
        %get3A_156 = tpu.vector_load %arg13[%get3A_154, %get3A_155] {strides = array<i32>} : memref<128x128xf32, #tpu.memory_space<vmem>>, vector<1x16xf32>,
        %get3A_157 = vector.shape_cast %get3A_156 : vector<1x16xf32> to vector<16xf32>
        %get3A_158 = arith.index_cast %scan3A_113 : i32 to index
        %get3A_159 = arith.constant 48 : index
        %get3A_160 = tpu.vector_load %arg14[%get3A_158, %get3A_159] {strides = array<i32>} : memref<128x128xf32, #tpu.memory_space<vmem>>, vector<1x16xf32>,
        %get3A_161 = vector.shape_cast %get3A_160 : vector<1x16xf32> to vector<16xf32>
        %sub3A_162 = arith.subf %get3A_157, %get3A_161 : vector<16xf32>
        %swap3A_163 = arith.index_cast %scan3A_113 : i32 to index
        %swap3A_164 = arith.constant 48 : index
        %swap3A_165 = tpu.vector_load %arg13[%swap3A_163, %swap3A_164] {strides = array<i32>} : memref<128x128xf32, #tpu.memory_space<vmem>>, vector<1x16xf32>,
        %swap3A_166 = vector.shape_cast %swap3A_165 : vector<1x16xf32> to vector<16xf32>
        %swap3A_167 = vector.shape_cast %sub3A_162 : vector<16xf32> to vector<1x16xf32>
        tpu.vector_store %arg13[%swap3A_163, %swap3A_164], %swap3A_167 {strides = array<i32>} : memref<128x128xf32, #tpu.memory_space<vmem>>, vector<1x16xf32>,
        %get3A_168 = arith.index_cast %scan3A_113 : i32 to index
        %get3A_169 = arith.constant 64 : index
        %get3A_170 = tpu.vector_load %arg13[%get3A_168, %get3A_169] {strides = array<i32>} : memref<128x128xf32, #tpu.memory_space<vmem>>, vector<1x16xf32>,
        %get3A_171 = vector.shape_cast %get3A_170 : vector<1x16xf32> to vector<16xf32>
        %get3A_172 = arith.index_cast %scan3A_113 : i32 to index
        %get3A_173 = arith.constant 64 : index
        %get3A_174 = tpu.vector_load %arg14[%get3A_172, %get3A_173] {strides = array<i32>} : memref<128x128xf32, #tpu.memory_space<vmem>>, vector<1x16xf32>,
        %get3A_175 = vector.shape_cast %get3A_174 : vector<1x16xf32> to vector<16xf32>
        %sub3A_176 = arith.subf %get3A_171, %get3A_175 : vector<16xf32>
        %swap3A_177 = arith.index_cast %scan3A_113 : i32 to index
        %swap3A_178 = arith.constant 64 : index
        %swap3A_179 = tpu.vector_load %arg13[%swap3A_177, %swap3A_178] {strides = array<i32>} : memref<128x128xf32, #tpu.memory_space<vmem>>, vector<1x16xf32>,
        %swap3A_180 = vector.shape_cast %swap3A_179 : vector<1x16xf32> to vector<16xf32>
        %swap3A_181 = vector.shape_cast %sub3A_176 : vector<16xf32> to vector<1x16xf32>
        tpu.vector_store %arg13[%swap3A_177, %swap3A_178], %swap3A_181 {strides = array<i32>} : memref<128x128xf32, #tpu.memory_space<vmem>>, vector<1x16xf32>,
        %get3A_182 = arith.index_cast %scan3A_113 : i32 to index
        %get3A_183 = arith.constant 80 : index
        %get3A_184 = tpu.vector_load %arg13[%get3A_182, %get3A_183] {strides = array<i32>} : memref<128x128xf32, #tpu.memory_space<vmem>>, vector<1x16xf32>,
        %get3A_185 = vector.shape_cast %get3A_184 : vector<1x16xf32> to vector<16xf32>
        %get3A_186 = arith.index_cast %scan3A_113 : i32 to index
        %get3A_187 = arith.constant 80 : index
        %get3A_188 = tpu.vector_load %arg14[%get3A_186, %get3A_187] {strides = array<i32>} : memref<128x128xf32, #tpu.memory_space<vmem>>, vector<1x16xf32>,
        %get3A_189 = vector.shape_cast %get3A_188 : vector<1x16xf32> to vector<16xf32>
        %sub3A_190 = arith.subf %get3A_185, %get3A_189 : vector<16xf32>
        %swap3A_191 = arith.index_cast %scan3A_113 : i32 to index
        %swap3A_192 = arith.constant 80 : index
        %swap3A_193 = tpu.vector_load %arg13[%swap3A_191, %swap3A_192] {strides = array<i32>} : memref<128x128xf32, #tpu.memory_space<vmem>>, vector<1x16xf32>,
        %swap3A_194 = vector.shape_cast %swap3A_193 : vector<1x16xf32> to vector<16xf32>
        %swap3A_195 = vector.shape_cast %sub3A_190 : vector<16xf32> to vector<1x16xf32>
        tpu.vector_store %arg13[%swap3A_191, %swap3A_192], %swap3A_195 {strides = array<i32>} : memref<128x128xf32, #tpu.memory_space<vmem>>, vector<1x16xf32>,
        %get3A_196 = arith.index_cast %scan3A_113 : i32 to index
        %get3A_197 = arith.constant 96 : index
        %get3A_198 = tpu.vector_load %arg13[%get3A_196, %get3A_197] {strides = array<i32>} : memref<128x128xf32, #tpu.memory_space<vmem>>, vector<1x16xf32>,
        %get3A_199 = vector.shape_cast %get3A_198 : vector<1x16xf32> to vector<16xf32>
        %get3A_200 = arith.index_cast %scan3A_113 : i32 to index
        %get3A_201 = arith.constant 96 : index
        %get3A_202 = tpu.vector_load %arg14[%get3A_200, %get3A_201] {strides = array<i32>} : memref<128x128xf32, #tpu.memory_space<vmem>>, vector<1x16xf32>,
        %get3A_203 = vector.shape_cast %get3A_202 : vector<1x16xf32> to vector<16xf32>
        %sub3A_204 = arith.subf %get3A_199, %get3A_203 : vector<16xf32>
        %swap3A_205 = arith.index_cast %scan3A_113 : i32 to index
        %swap3A_206 = arith.constant 96 : index
        %swap3A_207 = tpu.vector_load %arg13[%swap3A_205, %swap3A_206] {strides = array<i32>} : memref<128x128xf32, #tpu.memory_space<vmem>>, vector<1x16xf32>,
        %swap3A_208 = vector.shape_cast %swap3A_207 : vector<1x16xf32> to vector<16xf32>
        %swap3A_209 = vector.shape_cast %sub3A_204 : vector<16xf32> to vector<1x16xf32>
        tpu.vector_store %arg13[%swap3A_205, %swap3A_206], %swap3A_209 {strides = array<i32>} : memref<128x128xf32, #tpu.memory_space<vmem>>, vector<1x16xf32>,
        %get3A_210 = arith.index_cast %scan3A_113 : i32 to index
        %get3A_211 = arith.constant 112 : index
        %get3A_212 = tpu.vector_load %arg13[%get3A_210, %get3A_211] {strides = array<i32>} : memref<128x128xf32, #tpu.memory_space<vmem>>, vector<1x16xf32>,
        %get3A_213 = vector.shape_cast %get3A_212 : vector<1x16xf32> to vector<16xf32>
        %get3A_214 = arith.index_cast %scan3A_113 : i32 to index
        %get3A_215 = arith.constant 112 : index
        %get3A_216 = tpu.vector_load %arg14[%get3A_214, %get3A_215] {strides = array<i32>} : memref<128x128xf32, #tpu.memory_space<vmem>>, vector<1x16xf32>,
        %get3A_217 = vector.shape_cast %get3A_216 : vector<1x16xf32> to vector<16xf32>
        %sub3A_218 = arith.subf %get3A_213, %get3A_217 : vector<16xf32>
        %swap3A_219 = arith.index_cast %scan3A_113 : i32 to index
        %swap3A_220 = arith.constant 112 : index
        %swap3A_221 = tpu.vector_load %arg13[%swap3A_219, %swap3A_220] {strides = array<i32>} : memref<128x128xf32, #tpu.memory_space<vmem>>, vector<1x16xf32>,
        %swap3A_222 = vector.shape_cast %swap3A_221 : vector<1x16xf32> to vector<16xf32>
        %swap3A_223 = vector.shape_cast %sub3A_218 : vector<16xf32> to vector<1x16xf32>
        tpu.vector_store %arg13[%swap3A_219, %swap3A_220], %swap3A_223 {strides = array<i32>} : memref<128x128xf32, #tpu.memory_space<vmem>>, vector<1x16xf32>,
      }
      %scan3A_55 = arith.constant 128 : i32
      %dma_start3A_56 = arith.constant 0 : i32
      %dma_start3A_57 = tpu.memref_slice %arg7[%add3A_28, %dma_start3A_56] : memref<172032x128xf32, #tpu.memory_space<hbm>> -> memref<128x128xf32, #tpu.memory_space<hbm>>
      %dma_start3A_58 = arith.constant 0 : i32
      %dma_start3A_59 = tpu.memref_slice %arg7[%add3A_28, %dma_start3A_58] : memref<172032x128xf32, #tpu.memory_space<hbm>> -> memref<128x128xf32, #tpu.memory_space<hbm>>
      tpu.enqueue_dma source(%arg13 : memref<128x128xf32, #tpu.memory_space<vmem>>) target(%dma_start3A_59 : memref<128x128xf32, #tpu.memory_space<hbm>>) target_semaphore(%arg25 : memref<!tpu.dma_semaphore, #tpu.memory_space<semaphore_mem>>)
      %dma_start3A_60 = arith.constant 0 : i32
      %dma_start3A_61 = tpu.memref_slice %arg8[%add3A_28, %dma_start3A_60] : memref<172032x128xf32, #tpu.memory_space<hbm>> -> memref<128x128xf32, #tpu.memory_space<hbm>>
      %dma_start3A_62 = arith.constant 0 : i32
      %dma_start3A_63 = tpu.memref_slice %arg8[%add3A_28, %dma_start3A_62] : memref<172032x128xf32, #tpu.memory_space<hbm>> -> memref<128x128xf32, #tpu.memory_space<hbm>>
      tpu.enqueue_dma source(%arg15 : memref<128x128xf32, #tpu.memory_space<vmem>>) target(%dma_start3A_63 : memref<128x128xf32, #tpu.memory_space<hbm>>) target_semaphore(%arg26 : memref<!tpu.dma_semaphore, #tpu.memory_space<semaphore_mem>>)
      %dma_wait3A_64 = arith.constant 0 : i32
      %dma_wait3A_65 = arith.constant 0 : i32
      %dma_wait3A_66 = tpu.memref_slice %arg2[%dma_wait3A_64, %dma_wait3A_65] : memref<10240x128xf32, #tpu.memory_space<hbm>> -> memref<10240x128xf32, #tpu.memory_space<hbm>>
      tpu.wait_indirect_dma semaphore(%arg22 : memref<!tpu.dma_semaphore, #tpu.memory_space<semaphore_mem>>) src(%dma_wait3A_66 : memref<10240x128xf32, #tpu.memory_space<hbm>>) dst(%arg16 : memref<128x128xf32, #tpu.memory_space<vmem>>)
      %dma_wait3A_67 = arith.constant 0 : i32
      %dma_wait3A_68 = arith.constant 0 : i32
      %dma_wait3A_69 = tpu.memref_slice %arg3[%dma_wait3A_67, %dma_wait3A_68] : memref<10240x128xf32, #tpu.memory_space<hbm>> -> memref<10240x128xf32, #tpu.memory_space<hbm>>
      tpu.wait_indirect_dma semaphore(%arg23 : memref<!tpu.dma_semaphore, #tpu.memory_space<semaphore_mem>>) src(%dma_wait3A_69 : memref<10240x128xf32, #tpu.memory_space<hbm>>) dst(%arg17 : memref<128x128xf32, #tpu.memory_space<vmem>>)
      %dma_wait3A_70 = arith.constant 0 : i32
      %dma_wait3A_71 = arith.constant 0 : i32
      %dma_wait3A_72 = tpu.memref_slice %arg4[%dma_wait3A_70, %dma_wait3A_71] : memref<10240x128xf32, #tpu.memory_space<hbm>> -> memref<10240x128xf32, #tpu.memory_space<hbm>>
      tpu.wait_indirect_dma semaphore(%arg24 : memref<!tpu.dma_semaphore, #tpu.memory_space<semaphore_mem>>) src(%dma_wait3A_72 : memref<10240x128xf32, #tpu.memory_space<hbm>>) dst(%arg18 : memref<128x128xf32, #tpu.memory_space<vmem>>)
      %lt3A_73 = arith.constant 20 : i32
      %lt3A_74 = arith.cmpi slt, %scan3A_23, %lt3A_73 : i32
      %convert_element_type3A_75 = arith.extui %lt3A_74 : i1 to i32
      %cond3A_76 = arith.constant 0 : i32
      %cond3A_77 = arith.cmpi ne, %convert_element_type3A_75, %cond3A_76 : i32
      scf.if %cond3A_77 {
        %add3A_113 = arith.constant 256 : i32
        %add3A_114 = arith.addi %add3A_30, %add3A_113 : i32
        %sub3A_115 = arith.subi %add3A_114, %mul3A_2 : i32
        %add3A_116 = arith.addi %add3A_4, %sub3A_115 : i32
        "tpu.region"() ({
          %run_scoped3A = tpu.sem_alloc : memref<!tpu.dma_semaphore, #tpu.memory_space<semaphore_mem>>
          %dma_start3A_117 = tpu.memref_slice %arg5[%add3A_116] : memref<344064xi32, #tpu.memory_space<hbm>> -> memref<128xi32, #tpu.memory_space<hbm>>
          %dma_start3A_118 = tpu.memref_slice %arg5[%add3A_116] : memref<344064xi32, #tpu.memory_space<hbm>> -> memref<128xi32, #tpu.memory_space<hbm>>
          tpu.enqueue_dma source(%dma_start3A_118 : memref<128xi32, #tpu.memory_space<hbm>>) target(%arg11 : memref<128xi32, #tpu.memory_space<vmem>>) target_semaphore(%run_scoped3A : memref<!tpu.dma_semaphore, #tpu.memory_space<semaphore_mem>>)
          %dma_wait3A_119 = tpu.memref_slice %arg5[%add3A_116] : memref<344064xi32, #tpu.memory_space<hbm>> -> memref<128xi32, #tpu.memory_space<hbm>>
          %dma_wait3A_120 = tpu.memref_slice %arg5[%add3A_116] : memref<344064xi32, #tpu.memory_space<hbm>> -> memref<128xi32, #tpu.memory_space<hbm>>
          tpu.wait_dma2 semaphore(%run_scoped3A : memref<!tpu.dma_semaphore, #tpu.memory_space<semaphore_mem>>) src(%dma_wait3A_120 : memref<128xi32, #tpu.memory_space<hbm>>) dst(%arg11 : memref<128xi32, #tpu.memory_space<vmem>>)
          tpu.yield
        }) : () -> ()
        "tpu.region"() ({
          %run_scoped3A = tpu.sem_alloc : memref<!tpu.dma_semaphore, #tpu.memory_space<semaphore_mem>>
          %dma_start3A_117 = tpu.memref_slice %arg6[%add3A_116] : memref<344064xi32, #tpu.memory_space<hbm>> -> memref<128xi32, #tpu.memory_space<hbm>>
          %dma_start3A_118 = tpu.memref_slice %arg6[%add3A_116] : memref<344064xi32, #tpu.memory_space<hbm>> -> memref<128xi32, #tpu.memory_space<hbm>>
          tpu.enqueue_dma source(%dma_start3A_118 : memref<128xi32, #tpu.memory_space<hbm>>) target(%arg12 : memref<128xi32, #tpu.memory_space<vmem>>) target_semaphore(%run_scoped3A : memref<!tpu.dma_semaphore, #tpu.memory_space<semaphore_mem>>)
          %dma_wait3A_119 = tpu.memref_slice %arg6[%add3A_116] : memref<344064xi32, #tpu.memory_space<hbm>> -> memref<128xi32, #tpu.memory_space<hbm>>
          %dma_wait3A_120 = tpu.memref_slice %arg6[%add3A_116] : memref<344064xi32, #tpu.memory_space<hbm>> -> memref<128xi32, #tpu.memory_space<hbm>>
          tpu.wait_dma2 semaphore(%run_scoped3A : memref<!tpu.dma_semaphore, #tpu.memory_space<semaphore_mem>>) src(%dma_wait3A_120 : memref<128xi32, #tpu.memory_space<hbm>>) dst(%arg12 : memref<128xi32, #tpu.memory_space<vmem>>)
          tpu.yield
        }) : () -> ()
      } else {
      }
      %scan3A_78 = arith.constant 0 : i32
      %scan3A_79 = arith.constant 0 : i32
      %scan3A_80 = arith.constant 128 : i32
      %scan3A_81 = arith.addi %scan3A_79, %scan3A_80 : i32
      %scan3A_82 = arith.constant 1 : i32
      scf.for %scan3A_113 = %scan3A_79 to %scan3A_81 step %scan3A_82  : i32 {
        %get3A = arith.index_cast %scan3A_113 : i32 to index
        %get3A_114 = arith.constant 0 : index
        %get3A_115 = tpu.vector_load %arg16[%get3A, %get3A_114] {strides = array<i32>} : memref<128x128xf32, #tpu.memory_space<vmem>>, vector<1x16xf32>,
        %get3A_116 = vector.shape_cast %get3A_115 : vector<1x16xf32> to vector<16xf32>
        %get3A_117 = arith.index_cast %scan3A_113 : i32 to index
        %get3A_118 = arith.constant 0 : index
        %get3A_119 = tpu.vector_load %arg17[%get3A_117, %get3A_118] {strides = array<i32>} : memref<128x128xf32, #tpu.memory_space<vmem>>, vector<1x16xf32>,
        %get3A_120 = vector.shape_cast %get3A_119 : vector<1x16xf32> to vector<16xf32>
        %sub3A_121 = arith.subf %get3A_116, %get3A_120 : vector<16xf32>
        %swap3A = arith.index_cast %scan3A_113 : i32 to index
        %swap3A_122 = arith.constant 0 : index
        %swap3A_123 = tpu.vector_load %arg16[%swap3A, %swap3A_122] {strides = array<i32>} : memref<128x128xf32, #tpu.memory_space<vmem>>, vector<1x16xf32>,
        %swap3A_124 = vector.shape_cast %swap3A_123 : vector<1x16xf32> to vector<16xf32>
        %swap3A_125 = vector.shape_cast %sub3A_121 : vector<16xf32> to vector<1x16xf32>
        tpu.vector_store %arg16[%swap3A, %swap3A_122], %swap3A_125 {strides = array<i32>} : memref<128x128xf32, #tpu.memory_space<vmem>>, vector<1x16xf32>,
        %get3A_126 = arith.index_cast %scan3A_113 : i32 to index
        %get3A_127 = arith.constant 16 : index
        %get3A_128 = tpu.vector_load %arg16[%get3A_126, %get3A_127] {strides = array<i32>} : memref<128x128xf32, #tpu.memory_space<vmem>>, vector<1x16xf32>,
        %get3A_129 = vector.shape_cast %get3A_128 : vector<1x16xf32> to vector<16xf32>
        %get3A_130 = arith.index_cast %scan3A_113 : i32 to index
        %get3A_131 = arith.constant 16 : index
        %get3A_132 = tpu.vector_load %arg17[%get3A_130, %get3A_131] {strides = array<i32>} : memref<128x128xf32, #tpu.memory_space<vmem>>, vector<1x16xf32>,
        %get3A_133 = vector.shape_cast %get3A_132 : vector<1x16xf32> to vector<16xf32>
        %sub3A_134 = arith.subf %get3A_129, %get3A_133 : vector<16xf32>
        %swap3A_135 = arith.index_cast %scan3A_113 : i32 to index
        %swap3A_136 = arith.constant 16 : index
        %swap3A_137 = tpu.vector_load %arg16[%swap3A_135, %swap3A_136] {strides = array<i32>} : memref<128x128xf32, #tpu.memory_space<vmem>>, vector<1x16xf32>,
        %swap3A_138 = vector.shape_cast %swap3A_137 : vector<1x16xf32> to vector<16xf32>
        %swap3A_139 = vector.shape_cast %sub3A_134 : vector<16xf32> to vector<1x16xf32>
        tpu.vector_store %arg16[%swap3A_135, %swap3A_136], %swap3A_139 {strides = array<i32>} : memref<128x128xf32, #tpu.memory_space<vmem>>, vector<1x16xf32>,
        %get3A_140 = arith.index_cast %scan3A_113 : i32 to index
        %get3A_141 = arith.constant 32 : index
        %get3A_142 = tpu.vector_load %arg16[%get3A_140, %get3A_141] {strides = array<i32>} : memref<128x128xf32, #tpu.memory_space<vmem>>, vector<1x16xf32>,
        %get3A_143 = vector.shape_cast %get3A_142 : vector<1x16xf32> to vector<16xf32>
        %get3A_144 = arith.index_cast %scan3A_113 : i32 to index
        %get3A_145 = arith.constant 32 : index
        %get3A_146 = tpu.vector_load %arg17[%get3A_144, %get3A_145] {strides = array<i32>} : memref<128x128xf32, #tpu.memory_space<vmem>>, vector<1x16xf32>,
        %get3A_147 = vector.shape_cast %get3A_146 : vector<1x16xf32> to vector<16xf32>
        %sub3A_148 = arith.subf %get3A_143, %get3A_147 : vector<16xf32>
        %swap3A_149 = arith.index_cast %scan3A_113 : i32 to index
        %swap3A_150 = arith.constant 32 : index
        %swap3A_151 = tpu.vector_load %arg16[%swap3A_149, %swap3A_150] {strides = array<i32>} : memref<128x128xf32, #tpu.memory_space<vmem>>, vector<1x16xf32>,
        %swap3A_152 = vector.shape_cast %swap3A_151 : vector<1x16xf32> to vector<16xf32>
        %swap3A_153 = vector.shape_cast %sub3A_148 : vector<16xf32> to vector<1x16xf32>
        tpu.vector_store %arg16[%swap3A_149, %swap3A_150], %swap3A_153 {strides = array<i32>} : memref<128x128xf32, #tpu.memory_space<vmem>>, vector<1x16xf32>,
        %get3A_154 = arith.index_cast %scan3A_113 : i32 to index
        %get3A_155 = arith.constant 48 : index
        %get3A_156 = tpu.vector_load %arg16[%get3A_154, %get3A_155] {strides = array<i32>} : memref<128x128xf32, #tpu.memory_space<vmem>>, vector<1x16xf32>,
        %get3A_157 = vector.shape_cast %get3A_156 : vector<1x16xf32> to vector<16xf32>
        %get3A_158 = arith.index_cast %scan3A_113 : i32 to index
        %get3A_159 = arith.constant 48 : index
        %get3A_160 = tpu.vector_load %arg17[%get3A_158, %get3A_159] {strides = array<i32>} : memref<128x128xf32, #tpu.memory_space<vmem>>, vector<1x16xf32>,
        %get3A_161 = vector.shape_cast %get3A_160 : vector<1x16xf32> to vector<16xf32>
        %sub3A_162 = arith.subf %get3A_157, %get3A_161 : vector<16xf32>
        %swap3A_163 = arith.index_cast %scan3A_113 : i32 to index
        %swap3A_164 = arith.constant 48 : index
        %swap3A_165 = tpu.vector_load %arg16[%swap3A_163, %swap3A_164] {strides = array<i32>} : memref<128x128xf32, #tpu.memory_space<vmem>>, vector<1x16xf32>,
        %swap3A_166 = vector.shape_cast %swap3A_165 : vector<1x16xf32> to vector<16xf32>
        %swap3A_167 = vector.shape_cast %sub3A_162 : vector<16xf32> to vector<1x16xf32>
        tpu.vector_store %arg16[%swap3A_163, %swap3A_164], %swap3A_167 {strides = array<i32>} : memref<128x128xf32, #tpu.memory_space<vmem>>, vector<1x16xf32>,
        %get3A_168 = arith.index_cast %scan3A_113 : i32 to index
        %get3A_169 = arith.constant 64 : index
        %get3A_170 = tpu.vector_load %arg16[%get3A_168, %get3A_169] {strides = array<i32>} : memref<128x128xf32, #tpu.memory_space<vmem>>, vector<1x16xf32>,
        %get3A_171 = vector.shape_cast %get3A_170 : vector<1x16xf32> to vector<16xf32>
        %get3A_172 = arith.index_cast %scan3A_113 : i32 to index
        %get3A_173 = arith.constant 64 : index
        %get3A_174 = tpu.vector_load %arg17[%get3A_172, %get3A_173] {strides = array<i32>} : memref<128x128xf32, #tpu.memory_space<vmem>>, vector<1x16xf32>,
        %get3A_175 = vector.shape_cast %get3A_174 : vector<1x16xf32> to vector<16xf32>
        %sub3A_176 = arith.subf %get3A_171, %get3A_175 : vector<16xf32>
        %swap3A_177 = arith.index_cast %scan3A_113 : i32 to index
        %swap3A_178 = arith.constant 64 : index
        %swap3A_179 = tpu.vector_load %arg16[%swap3A_177, %swap3A_178] {strides = array<i32>} : memref<128x128xf32, #tpu.memory_space<vmem>>, vector<1x16xf32>,
        %swap3A_180 = vector.shape_cast %swap3A_179 : vector<1x16xf32> to vector<16xf32>
        %swap3A_181 = vector.shape_cast %sub3A_176 : vector<16xf32> to vector<1x16xf32>
        tpu.vector_store %arg16[%swap3A_177, %swap3A_178], %swap3A_181 {strides = array<i32>} : memref<128x128xf32, #tpu.memory_space<vmem>>, vector<1x16xf32>,
        %get3A_182 = arith.index_cast %scan3A_113 : i32 to index
        %get3A_183 = arith.constant 80 : index
        %get3A_184 = tpu.vector_load %arg16[%get3A_182, %get3A_183] {strides = array<i32>} : memref<128x128xf32, #tpu.memory_space<vmem>>, vector<1x16xf32>,
        %get3A_185 = vector.shape_cast %get3A_184 : vector<1x16xf32> to vector<16xf32>
        %get3A_186 = arith.index_cast %scan3A_113 : i32 to index
        %get3A_187 = arith.constant 80 : index
        %get3A_188 = tpu.vector_load %arg17[%get3A_186, %get3A_187] {strides = array<i32>} : memref<128x128xf32, #tpu.memory_space<vmem>>, vector<1x16xf32>,
        %get3A_189 = vector.shape_cast %get3A_188 : vector<1x16xf32> to vector<16xf32>
        %sub3A_190 = arith.subf %get3A_185, %get3A_189 : vector<16xf32>
        %swap3A_191 = arith.index_cast %scan3A_113 : i32 to index
        %swap3A_192 = arith.constant 80 : index
        %swap3A_193 = tpu.vector_load %arg16[%swap3A_191, %swap3A_192] {strides = array<i32>} : memref<128x128xf32, #tpu.memory_space<vmem>>, vector<1x16xf32>,
        %swap3A_194 = vector.shape_cast %swap3A_193 : vector<1x16xf32> to vector<16xf32>
        %swap3A_195 = vector.shape_cast %sub3A_190 : vector<16xf32> to vector<1x16xf32>
        tpu.vector_store %arg16[%swap3A_191, %swap3A_192], %swap3A_195 {strides = array<i32>} : memref<128x128xf32, #tpu.memory_space<vmem>>, vector<1x16xf32>,
        %get3A_196 = arith.index_cast %scan3A_113 : i32 to index
        %get3A_197 = arith.constant 96 : index
        %get3A_198 = tpu.vector_load %arg16[%get3A_196, %get3A_197] {strides = array<i32>} : memref<128x128xf32, #tpu.memory_space<vmem>>, vector<1x16xf32>,
        %get3A_199 = vector.shape_cast %get3A_198 : vector<1x16xf32> to vector<16xf32>
        %get3A_200 = arith.index_cast %scan3A_113 : i32 to index
        %get3A_201 = arith.constant 96 : index
        %get3A_202 = tpu.vector_load %arg17[%get3A_200, %get3A_201] {strides = array<i32>} : memref<128x128xf32, #tpu.memory_space<vmem>>, vector<1x16xf32>,
        %get3A_203 = vector.shape_cast %get3A_202 : vector<1x16xf32> to vector<16xf32>
        %sub3A_204 = arith.subf %get3A_199, %get3A_203 : vector<16xf32>
        %swap3A_205 = arith.index_cast %scan3A_113 : i32 to index
        %swap3A_206 = arith.constant 96 : index
        %swap3A_207 = tpu.vector_load %arg16[%swap3A_205, %swap3A_206] {strides = array<i32>} : memref<128x128xf32, #tpu.memory_space<vmem>>, vector<1x16xf32>,
        %swap3A_208 = vector.shape_cast %swap3A_207 : vector<1x16xf32> to vector<16xf32>
        %swap3A_209 = vector.shape_cast %sub3A_204 : vector<16xf32> to vector<1x16xf32>
        tpu.vector_store %arg16[%swap3A_205, %swap3A_206], %swap3A_209 {strides = array<i32>} : memref<128x128xf32, #tpu.memory_space<vmem>>, vector<1x16xf32>,
        %get3A_210 = arith.index_cast %scan3A_113 : i32 to index
        %get3A_211 = arith.constant 112 : index
        %get3A_212 = tpu.vector_load %arg16[%get3A_210, %get3A_211] {strides = array<i32>} : memref<128x128xf32, #tpu.memory_space<vmem>>, vector<1x16xf32>,
        %get3A_213 = vector.shape_cast %get3A_212 : vector<1x16xf32> to vector<16xf32>
        %get3A_214 = arith.index_cast %scan3A_113 : i32 to index
        %get3A_215 = arith.constant 112 : index
        %get3A_216 = tpu.vector_load %arg17[%get3A_214, %get3A_215] {strides = array<i32>} : memref<128x128xf32, #tpu.memory_space<vmem>>, vector<1x16xf32>,
        %get3A_217 = vector.shape_cast %get3A_216 : vector<1x16xf32> to vector<16xf32>
        %sub3A_218 = arith.subf %get3A_213, %get3A_217 : vector<16xf32>
        %swap3A_219 = arith.index_cast %scan3A_113 : i32 to index
        %swap3A_220 = arith.constant 112 : index
        %swap3A_221 = tpu.vector_load %arg16[%swap3A_219, %swap3A_220] {strides = array<i32>} : memref<128x128xf32, #tpu.memory_space<vmem>>, vector<1x16xf32>,
        %swap3A_222 = vector.shape_cast %swap3A_221 : vector<1x16xf32> to vector<16xf32>
        %swap3A_223 = vector.shape_cast %sub3A_218 : vector<16xf32> to vector<1x16xf32>
        tpu.vector_store %arg16[%swap3A_219, %swap3A_220], %swap3A_223 {strides = array<i32>} : memref<128x128xf32, #tpu.memory_space<vmem>>, vector<1x16xf32>,
      }
      %scan3A_83 = arith.constant 128 : i32
      %dma_start3A_84 = arith.constant 0 : i32
      %dma_start3A_85 = tpu.memref_slice %arg7[%add3A_30, %dma_start3A_84] : memref<172032x128xf32, #tpu.memory_space<hbm>> -> memref<128x128xf32, #tpu.memory_space<hbm>>
      %dma_start3A_86 = arith.constant 0 : i32
      %dma_start3A_87 = tpu.memref_slice %arg7[%add3A_30, %dma_start3A_86] : memref<172032x128xf32, #tpu.memory_space<hbm>> -> memref<128x128xf32, #tpu.memory_space<hbm>>
      tpu.enqueue_dma source(%arg16 : memref<128x128xf32, #tpu.memory_space<vmem>>) target(%dma_start3A_87 : memref<128x128xf32, #tpu.memory_space<hbm>>) target_semaphore(%arg27 : memref<!tpu.dma_semaphore, #tpu.memory_space<semaphore_mem>>)
      %dma_start3A_88 = arith.constant 0 : i32
      %dma_start3A_89 = tpu.memref_slice %arg8[%add3A_30, %dma_start3A_88] : memref<172032x128xf32, #tpu.memory_space<hbm>> -> memref<128x128xf32, #tpu.memory_space<hbm>>
      %dma_start3A_90 = arith.constant 0 : i32
      %dma_start3A_91 = tpu.memref_slice %arg8[%add3A_30, %dma_start3A_90] : memref<172032x128xf32, #tpu.memory_space<hbm>> -> memref<128x128xf32, #tpu.memory_space<hbm>>
      tpu.enqueue_dma source(%arg18 : memref<128x128xf32, #tpu.memory_space<vmem>>) target(%dma_start3A_91 : memref<128x128xf32, #tpu.memory_space<hbm>>) target_semaphore(%arg28 : memref<!tpu.dma_semaphore, #tpu.memory_space<semaphore_mem>>)
      %dma_wait3A_92 = arith.constant 0 : i32
      %dma_wait3A_93 = tpu.memref_slice %arg7[%add3A_28, %dma_wait3A_92] : memref<172032x128xf32, #tpu.memory_space<hbm>> -> memref<128x128xf32, #tpu.memory_space<hbm>>
      %dma_wait3A_94 = arith.constant 0 : i32
      %dma_wait3A_95 = tpu.memref_slice %arg7[%add3A_28, %dma_wait3A_94] : memref<172032x128xf32, #tpu.memory_space<hbm>> -> memref<128x128xf32, #tpu.memory_space<hbm>>
      tpu.wait_dma2 semaphore(%arg25 : memref<!tpu.dma_semaphore, #tpu.memory_space<semaphore_mem>>) src(%arg13 : memref<128x128xf32, #tpu.memory_space<vmem>>) dst(%dma_wait3A_95 : memref<128x128xf32, #tpu.memory_space<hbm>>)
      %dma_wait3A_96 = arith.constant 0 : i32
      %dma_wait3A_97 = tpu.memref_slice %arg8[%add3A_28, %dma_wait3A_96] : memref<172032x128xf32, #tpu.memory_space<hbm>> -> memref<128x128xf32, #tpu.memory_space<hbm>>
      %dma_wait3A_98 = arith.constant 0 : i32
      %dma_wait3A_99 = tpu.memref_slice %arg8[%add3A_28, %dma_wait3A_98] : memref<172032x128xf32, #tpu.memory_space<hbm>> -> memref<128x128xf32, #tpu.memory_space<hbm>>
      tpu.wait_dma2 semaphore(%arg26 : memref<!tpu.dma_semaphore, #tpu.memory_space<semaphore_mem>>) src(%arg15 : memref<128x128xf32, #tpu.memory_space<vmem>>) dst(%dma_wait3A_99 : memref<128x128xf32, #tpu.memory_space<hbm>>)
      %lt3A_100 = arith.constant 20 : i32
      %lt3A_101 = arith.cmpi slt, %scan3A_23, %lt3A_100 : i32
      %convert_element_type3A_102 = arith.extui %lt3A_101 : i1 to i32
      %cond3A_103 = arith.constant 0 : i32
      %cond3A_104 = arith.cmpi ne, %convert_element_type3A_102, %cond3A_103 : i32
      scf.if %cond3A_104 {
        %dma_start3A_113 = arith.constant 0 : i32
        %dma_start3A_114 = arith.constant 0 : i32
        %dma_start3A_115 = tpu.memref_slice %arg2[%dma_start3A_113, %dma_start3A_114] : memref<10240x128xf32, #tpu.memory_space<hbm>> -> memref<10240x128xf32, #tpu.memory_space<hbm>>
        tpu.enqueue_indirect_dma source(%dma_start3A_115 : memref<10240x128xf32, #tpu.memory_space<hbm>>) target(%arg13 : memref<128x128xf32, #tpu.memory_space<vmem>>) offsets(%arg9 : memref<128xi32, #tpu.memory_space<vmem>>) semaphore(%arg19 : memref<!tpu.dma_semaphore, #tpu.memory_space<semaphore_mem>>)
        %dma_start3A_116 = arith.constant 0 : i32
        %dma_start3A_117 = arith.constant 0 : i32
        %dma_start3A_118 = tpu.memref_slice %arg3[%dma_start3A_116, %dma_start3A_117] : memref<10240x128xf32, #tpu.memory_space<hbm>> -> memref<10240x128xf32, #tpu.memory_space<hbm>>
        tpu.enqueue_indirect_dma source(%dma_start3A_118 : memref<10240x128xf32, #tpu.memory_space<hbm>>) target(%arg14 : memref<128x128xf32, #tpu.memory_space<vmem>>) offsets(%arg10 : memref<128xi32, #tpu.memory_space<vmem>>) semaphore(%arg20 : memref<!tpu.dma_semaphore, #tpu.memory_space<semaphore_mem>>)
        %dma_start3A_119 = arith.constant 0 : i32
        %dma_start3A_120 = arith.constant 0 : i32
        %dma_start3A_121 = tpu.memref_slice %arg4[%dma_start3A_119, %dma_start3A_120] : memref<10240x128xf32, #tpu.memory_space<hbm>> -> memref<10240x128xf32, #tpu.memory_space<hbm>>
        tpu.enqueue_indirect_dma source(%dma_start3A_121 : memref<10240x128xf32, #tpu.memory_space<hbm>>) target(%arg15 : memref<128x128xf32, #tpu.memory_space<vmem>>) offsets(%arg10 : memref<128xi32, #tpu.memory_space<vmem>>) semaphore(%arg21 : memref<!tpu.dma_semaphore, #tpu.memory_space<semaphore_mem>>)
      } else {
      }
      %dma_wait3A_105 = arith.constant 0 : i32
      %dma_wait3A_106 = tpu.memref_slice %arg7[%add3A_30, %dma_wait3A_105] : memref<172032x128xf32, #tpu.memory_space<hbm>> -> memref<128x128xf32, #tpu.memory_space<hbm>>
      %dma_wait3A_107 = arith.constant 0 : i32
      %dma_wait3A_108 = tpu.memref_slice %arg7[%add3A_30, %dma_wait3A_107] : memref<172032x128xf32, #tpu.memory_space<hbm>> -> memref<128x128xf32, #tpu.memory_space<hbm>>
      tpu.wait_dma2 semaphore(%arg27 : memref<!tpu.dma_semaphore, #tpu.memory_space<semaphore_mem>>) src(%arg16 : memref<128x128xf32, #tpu.memory_space<vmem>>) dst(%dma_wait3A_108 : memref<128x128xf32, #tpu.memory_space<hbm>>)
      %dma_wait3A_109 = arith.constant 0 : i32
      %dma_wait3A_110 = tpu.memref_slice %arg8[%add3A_30, %dma_wait3A_109] : memref<172032x128xf32, #tpu.memory_space<hbm>> -> memref<128x128xf32, #tpu.memory_space<hbm>>
      %dma_wait3A_111 = arith.constant 0 : i32
      %dma_wait3A_112 = tpu.memref_slice %arg8[%add3A_30, %dma_wait3A_111] : memref<172032x128xf32, #tpu.memory_space<hbm>> -> memref<128x128xf32, #tpu.memory_space<hbm>>
      tpu.wait_dma2 semaphore(%arg28 : memref<!tpu.dma_semaphore, #tpu.memory_space<semaphore_mem>>) src(%arg18 : memref<128x128xf32, #tpu.memory_space<vmem>>) dst(%dma_wait3A_112 : memref<128x128xf32, #tpu.memory_space<hbm>>)
    }
    %scan3A_22 = arith.constant 21 : i32
    return
  }
}

#map = affine_map<(d0, d1) -> (0, 0)>
#map1 = affine_map<(d0, d1) -> (0)>
module attributes {stable_mosaic.version = 14 : i64} {
  func.func @scat(%arg0: i32, %arg1: i32, %arg2: memref<172032x128xf32, #tpu.memory_space<hbm>>, %arg3: memref<172032x128xf32, #tpu.memory_space<hbm>>, %arg4: memref<344064xi32, #tpu.memory_space<hbm>>, %arg5: memref<20480x128xf32, #tpu.memory_space<hbm>>, %arg6: memref<20480x128xf32, #tpu.memory_space<hbm>>, %arg7: memref<256xi32, #tpu.memory_space<vmem>>, %arg8: memref<256x128xf32, #tpu.memory_space<vmem>>, %arg9: memref<10240x128xf32, #tpu.memory_space<vmem_shared>>, %arg10: memref<!tpu.dma_semaphore, #tpu.memory_space<semaphore_mem>>, %arg11: memref<!tpu.dma_semaphore, #tpu.memory_space<semaphore_mem>>) attributes {dimension_semantics = [#tpu.dimension_semantics<core_parallel>, #tpu.dimension_semantics<subcore_parallel>], iteration_bounds = array<i64: 2, 16>, scalar_prefetch = 0 : i64, scratch_operands = 5 : i64, tpu.core_type = #tpu.core_type<sc_vector_subcore>, window_params = [{transform_indices = #map}, {transform_indices = #map}, {transform_indices = #map1}, {transform_indices = #map}, {transform_indices = #map}]} {
    %mul3A = arith.constant 2 : i32
    %mul3A_0 = arith.muli %arg1, %mul3A : i32
    %add3A = arith.addi %mul3A_0, %arg0 : i32
    %mul3A_1 = arith.constant 5376 : i32
    %mul3A_2 = arith.muli %add3A, %mul3A_1 : i32
    %add3A_3 = arith.constant 0 : i32
    %add3A_4 = arith.addi %add3A_3, %mul3A_2 : i32
    %scan3A = arith.constant 0 : i32
    %scan3A_5 = arith.constant 0 : i32
    %scan3A_6 = arith.constant 256 : i32
    %scan3A_7 = arith.addi %scan3A_5, %scan3A_6 : i32
    %scan3A_8 = arith.constant 1 : i32
    scf.for %scan3A_71 = %scan3A_5 to %scan3A_7 step %scan3A_8  : i32 {
      %broadcast_in_dim3A = arith.constant 0.000000e+00 : f32
      %broadcast_in_dim3A_72 = vector.broadcast %broadcast_in_dim3A : f32 to vector<16xf32>
      %swap3A = arith.index_cast %scan3A_71 : i32 to index
      %swap3A_73 = arith.constant 0 : index
      %swap3A_74 = tpu.vector_load %arg8[%swap3A, %swap3A_73] {strides = array<i32>} : memref<256x128xf32, #tpu.memory_space<vmem>>, vector<1x16xf32>,
      %swap3A_75 = vector.shape_cast %swap3A_74 : vector<1x16xf32> to vector<16xf32>
      %swap3A_76 = vector.shape_cast %broadcast_in_dim3A_72 : vector<16xf32> to vector<1x16xf32>
      tpu.vector_store %arg8[%swap3A, %swap3A_73], %swap3A_76 {strides = array<i32>} : memref<256x128xf32, #tpu.memory_space<vmem>>, vector<1x16xf32>,
      %broadcast_in_dim3A_77 = arith.constant 0.000000e+00 : f32
      %broadcast_in_dim3A_78 = vector.broadcast %broadcast_in_dim3A_77 : f32 to vector<16xf32>
      %swap3A_79 = arith.index_cast %scan3A_71 : i32 to index
      %swap3A_80 = arith.constant 16 : index
      %swap3A_81 = tpu.vector_load %arg8[%swap3A_79, %swap3A_80] {strides = array<i32>} : memref<256x128xf32, #tpu.memory_space<vmem>>, vector<1x16xf32>,
      %swap3A_82 = vector.shape_cast %swap3A_81 : vector<1x16xf32> to vector<16xf32>
      %swap3A_83 = vector.shape_cast %broadcast_in_dim3A_78 : vector<16xf32> to vector<1x16xf32>
      tpu.vector_store %arg8[%swap3A_79, %swap3A_80], %swap3A_83 {strides = array<i32>} : memref<256x128xf32, #tpu.memory_space<vmem>>, vector<1x16xf32>,
      %broadcast_in_dim3A_84 = arith.constant 0.000000e+00 : f32
      %broadcast_in_dim3A_85 = vector.broadcast %broadcast_in_dim3A_84 : f32 to vector<16xf32>
      %swap3A_86 = arith.index_cast %scan3A_71 : i32 to index
      %swap3A_87 = arith.constant 32 : index
      %swap3A_88 = tpu.vector_load %arg8[%swap3A_86, %swap3A_87] {strides = array<i32>} : memref<256x128xf32, #tpu.memory_space<vmem>>, vector<1x16xf32>,
      %swap3A_89 = vector.shape_cast %swap3A_88 : vector<1x16xf32> to vector<16xf32>
      %swap3A_90 = vector.shape_cast %broadcast_in_dim3A_85 : vector<16xf32> to vector<1x16xf32>
      tpu.vector_store %arg8[%swap3A_86, %swap3A_87], %swap3A_90 {strides = array<i32>} : memref<256x128xf32, #tpu.memory_space<vmem>>, vector<1x16xf32>,
      %broadcast_in_dim3A_91 = arith.constant 0.000000e+00 : f32
      %broadcast_in_dim3A_92 = vector.broadcast %broadcast_in_dim3A_91 : f32 to vector<16xf32>
      %swap3A_93 = arith.index_cast %scan3A_71 : i32 to index
      %swap3A_94 = arith.constant 48 : index
      %swap3A_95 = tpu.vector_load %arg8[%swap3A_93, %swap3A_94] {strides = array<i32>} : memref<256x128xf32, #tpu.memory_space<vmem>>, vector<1x16xf32>,
      %swap3A_96 = vector.shape_cast %swap3A_95 : vector<1x16xf32> to vector<16xf32>
      %swap3A_97 = vector.shape_cast %broadcast_in_dim3A_92 : vector<16xf32> to vector<1x16xf32>
      tpu.vector_store %arg8[%swap3A_93, %swap3A_94], %swap3A_97 {strides = array<i32>} : memref<256x128xf32, #tpu.memory_space<vmem>>, vector<1x16xf32>,
      %broadcast_in_dim3A_98 = arith.constant 0.000000e+00 : f32
      %broadcast_in_dim3A_99 = vector.broadcast %broadcast_in_dim3A_98 : f32 to vector<16xf32>
      %swap3A_100 = arith.index_cast %scan3A_71 : i32 to index
      %swap3A_101 = arith.constant 64 : index
      %swap3A_102 = tpu.vector_load %arg8[%swap3A_100, %swap3A_101] {strides = array<i32>} : memref<256x128xf32, #tpu.memory_space<vmem>>, vector<1x16xf32>,
      %swap3A_103 = vector.shape_cast %swap3A_102 : vector<1x16xf32> to vector<16xf32>
      %swap3A_104 = vector.shape_cast %broadcast_in_dim3A_99 : vector<16xf32> to vector<1x16xf32>
      tpu.vector_store %arg8[%swap3A_100, %swap3A_101], %swap3A_104 {strides = array<i32>} : memref<256x128xf32, #tpu.memory_space<vmem>>, vector<1x16xf32>,
      %broadcast_in_dim3A_105 = arith.constant 0.000000e+00 : f32
      %broadcast_in_dim3A_106 = vector.broadcast %broadcast_in_dim3A_105 : f32 to vector<16xf32>
      %swap3A_107 = arith.index_cast %scan3A_71 : i32 to index
      %swap3A_108 = arith.constant 80 : index
      %swap3A_109 = tpu.vector_load %arg8[%swap3A_107, %swap3A_108] {strides = array<i32>} : memref<256x128xf32, #tpu.memory_space<vmem>>, vector<1x16xf32>,
      %swap3A_110 = vector.shape_cast %swap3A_109 : vector<1x16xf32> to vector<16xf32>
      %swap3A_111 = vector.shape_cast %broadcast_in_dim3A_106 : vector<16xf32> to vector<1x16xf32>
      tpu.vector_store %arg8[%swap3A_107, %swap3A_108], %swap3A_111 {strides = array<i32>} : memref<256x128xf32, #tpu.memory_space<vmem>>, vector<1x16xf32>,
      %broadcast_in_dim3A_112 = arith.constant 0.000000e+00 : f32
      %broadcast_in_dim3A_113 = vector.broadcast %broadcast_in_dim3A_112 : f32 to vector<16xf32>
      %swap3A_114 = arith.index_cast %scan3A_71 : i32 to index
      %swap3A_115 = arith.constant 96 : index
      %swap3A_116 = tpu.vector_load %arg8[%swap3A_114, %swap3A_115] {strides = array<i32>} : memref<256x128xf32, #tpu.memory_space<vmem>>, vector<1x16xf32>,
      %swap3A_117 = vector.shape_cast %swap3A_116 : vector<1x16xf32> to vector<16xf32>
      %swap3A_118 = vector.shape_cast %broadcast_in_dim3A_113 : vector<16xf32> to vector<1x16xf32>
      tpu.vector_store %arg8[%swap3A_114, %swap3A_115], %swap3A_118 {strides = array<i32>} : memref<256x128xf32, #tpu.memory_space<vmem>>, vector<1x16xf32>,
      %broadcast_in_dim3A_119 = arith.constant 0.000000e+00 : f32
      %broadcast_in_dim3A_120 = vector.broadcast %broadcast_in_dim3A_119 : f32 to vector<16xf32>
      %swap3A_121 = arith.index_cast %scan3A_71 : i32 to index
      %swap3A_122 = arith.constant 112 : index
      %swap3A_123 = tpu.vector_load %arg8[%swap3A_121, %swap3A_122] {strides = array<i32>} : memref<256x128xf32, #tpu.memory_space<vmem>>, vector<1x16xf32>,
      %swap3A_124 = vector.shape_cast %swap3A_123 : vector<1x16xf32> to vector<16xf32>
      %swap3A_125 = vector.shape_cast %broadcast_in_dim3A_120 : vector<16xf32> to vector<1x16xf32>
      tpu.vector_store %arg8[%swap3A_121, %swap3A_122], %swap3A_125 {strides = array<i32>} : memref<256x128xf32, #tpu.memory_space<vmem>>, vector<1x16xf32>,
    }
    %scan3A_9 = arith.constant 256 : i32
    %mul3A_10 = arith.constant 640 : i32
    %mul3A_11 = arith.muli %arg1, %mul3A_10 : i32
    %add3A_12 = arith.constant 0 : i32
    %add3A_13 = arith.addi %mul3A_11, %add3A_12 : i32
    "tpu.region"() ({
      %run_scoped3A = tpu.sem_alloc : memref<!tpu.dma_semaphore, #tpu.memory_space<semaphore_mem>>
      %dma_start3A = arith.constant 0 : i32
      %dma_start3A_71 = arith.constant 0 : i32
      %dma_start3A_72 = tpu.memref_slice %arg8[%dma_start3A, %dma_start3A_71] : memref<256x128xf32, #tpu.memory_space<vmem>> -> memref<256x128xf32, #tpu.memory_space<vmem>>
      %dma_start3A_73 = arith.constant 0 : i32
      %dma_start3A_74 = tpu.memref_slice %arg9[%add3A_13, %dma_start3A_73] : memref<10240x128xf32, #tpu.memory_space<vmem_shared>> -> memref<256x128xf32, #tpu.memory_space<vmem_shared>>
      %dma_start3A_75 = arith.constant 0 : i32
      %dma_start3A_76 = tpu.memref_slice %arg9[%add3A_13, %dma_start3A_75] : memref<10240x128xf32, #tpu.memory_space<vmem_shared>> -> memref<256x128xf32, #tpu.memory_space<vmem_shared>>
      %dma_start3A_77 = arith.constant 0 : i32
      %dma_start3A_78 = arith.constant 0 : i32
      %dma_start3A_79 = tpu.memref_slice %arg8[%dma_start3A_77, %dma_start3A_78] : memref<256x128xf32, #tpu.memory_space<vmem>> -> memref<256x128xf32, #tpu.memory_space<vmem>>
      tpu.enqueue_dma source(%dma_start3A_79 : memref<256x128xf32, #tpu.memory_space<vmem>>) target(%dma_start3A_76 : memref<256x128xf32, #tpu.memory_space<vmem_shared>>) target_semaphore(%run_scoped3A : memref<!tpu.dma_semaphore, #tpu.memory_space<semaphore_mem>>)
      %dma_wait3A = arith.constant 0 : i32
      %dma_wait3A_80 = arith.constant 0 : i32
      %dma_wait3A_81 = tpu.memref_slice %arg8[%dma_wait3A, %dma_wait3A_80] : memref<256x128xf32, #tpu.memory_space<vmem>> -> memref<256x128xf32, #tpu.memory_space<vmem>>
      %dma_wait3A_82 = arith.constant 0 : i32
      %dma_wait3A_83 = tpu.memref_slice %arg9[%add3A_13, %dma_wait3A_82] : memref<10240x128xf32, #tpu.memory_space<vmem_shared>> -> memref<256x128xf32, #tpu.memory_space<vmem_shared>>
      %dma_wait3A_84 = arith.constant 0 : i32
      %dma_wait3A_85 = tpu.memref_slice %arg9[%add3A_13, %dma_wait3A_84] : memref<10240x128xf32, #tpu.memory_space<vmem_shared>> -> memref<256x128xf32, #tpu.memory_space<vmem_shared>>
      %dma_wait3A_86 = arith.constant 0 : i32
      %dma_wait3A_87 = arith.constant 0 : i32
      %dma_wait3A_88 = tpu.memref_slice %arg8[%dma_wait3A_86, %dma_wait3A_87] : memref<256x128xf32, #tpu.memory_space<vmem>> -> memref<256x128xf32, #tpu.memory_space<vmem>>
      tpu.wait_dma2 semaphore(%run_scoped3A : memref<!tpu.dma_semaphore, #tpu.memory_space<semaphore_mem>>) src(%dma_wait3A_88 : memref<256x128xf32, #tpu.memory_space<vmem>>) dst(%dma_wait3A_85 : memref<256x128xf32, #tpu.memory_space<vmem_shared>>)
      tpu.yield
    }) : () -> ()
    %mul3A_14 = arith.constant 640 : i32
    %mul3A_15 = arith.muli %arg1, %mul3A_14 : i32
    %add3A_16 = arith.constant 256 : i32
    %add3A_17 = arith.addi %mul3A_15, %add3A_16 : i32
    "tpu.region"() ({
      %run_scoped3A = tpu.sem_alloc : memref<!tpu.dma_semaphore, #tpu.memory_space<semaphore_mem>>
      %dma_start3A = arith.constant 0 : i32
      %dma_start3A_71 = arith.constant 0 : i32
      %dma_start3A_72 = tpu.memref_slice %arg8[%dma_start3A, %dma_start3A_71] : memref<256x128xf32, #tpu.memory_space<vmem>> -> memref<256x128xf32, #tpu.memory_space<vmem>>
      %dma_start3A_73 = arith.constant 0 : i32
      %dma_start3A_74 = tpu.memref_slice %arg9[%add3A_17, %dma_start3A_73] : memref<10240x128xf32, #tpu.memory_space<vmem_shared>> -> memref<256x128xf32, #tpu.memory_space<vmem_shared>>
      %dma_start3A_75 = arith.constant 0 : i32
      %dma_start3A_76 = tpu.memref_slice %arg9[%add3A_17, %dma_start3A_75] : memref<10240x128xf32, #tpu.memory_space<vmem_shared>> -> memref<256x128xf32, #tpu.memory_space<vmem_shared>>
      %dma_start3A_77 = arith.constant 0 : i32
      %dma_start3A_78 = arith.constant 0 : i32
      %dma_start3A_79 = tpu.memref_slice %arg8[%dma_start3A_77, %dma_start3A_78] : memref<256x128xf32, #tpu.memory_space<vmem>> -> memref<256x128xf32, #tpu.memory_space<vmem>>
      tpu.enqueue_dma source(%dma_start3A_79 : memref<256x128xf32, #tpu.memory_space<vmem>>) target(%dma_start3A_76 : memref<256x128xf32, #tpu.memory_space<vmem_shared>>) target_semaphore(%run_scoped3A : memref<!tpu.dma_semaphore, #tpu.memory_space<semaphore_mem>>)
      %dma_wait3A = arith.constant 0 : i32
      %dma_wait3A_80 = arith.constant 0 : i32
      %dma_wait3A_81 = tpu.memref_slice %arg8[%dma_wait3A, %dma_wait3A_80] : memref<256x128xf32, #tpu.memory_space<vmem>> -> memref<256x128xf32, #tpu.memory_space<vmem>>
      %dma_wait3A_82 = arith.constant 0 : i32
      %dma_wait3A_83 = tpu.memref_slice %arg9[%add3A_17, %dma_wait3A_82] : memref<10240x128xf32, #tpu.memory_space<vmem_shared>> -> memref<256x128xf32, #tpu.memory_space<vmem_shared>>
      %dma_wait3A_84 = arith.constant 0 : i32
      %dma_wait3A_85 = tpu.memref_slice %arg9[%add3A_17, %dma_wait3A_84] : memref<10240x128xf32, #tpu.memory_space<vmem_shared>> -> memref<256x128xf32, #tpu.memory_space<vmem_shared>>
      %dma_wait3A_86 = arith.constant 0 : i32
      %dma_wait3A_87 = arith.constant 0 : i32
      %dma_wait3A_88 = tpu.memref_slice %arg8[%dma_wait3A_86, %dma_wait3A_87] : memref<256x128xf32, #tpu.memory_space<vmem>> -> memref<256x128xf32, #tpu.memory_space<vmem>>
      tpu.wait_dma2 semaphore(%run_scoped3A : memref<!tpu.dma_semaphore, #tpu.memory_space<semaphore_mem>>) src(%dma_wait3A_88 : memref<256x128xf32, #tpu.memory_space<vmem>>) dst(%dma_wait3A_85 : memref<256x128xf32, #tpu.memory_space<vmem_shared>>)
      tpu.yield
    }) : () -> ()
    %mul3A_18 = arith.constant 640 : i32
    %mul3A_19 = arith.muli %arg1, %mul3A_18 : i32
    %add3A_20 = arith.constant 512 : i32
    %add3A_21 = arith.addi %mul3A_19, %add3A_20 : i32
    "tpu.region"() ({
      %run_scoped3A = tpu.sem_alloc : memref<!tpu.dma_semaphore, #tpu.memory_space<semaphore_mem>>
      %dma_start3A = arith.constant 0 : i32
      %dma_start3A_71 = arith.constant 0 : i32
      %dma_start3A_72 = tpu.memref_slice %arg8[%dma_start3A, %dma_start3A_71] : memref<256x128xf32, #tpu.memory_space<vmem>> -> memref<128x128xf32, #tpu.memory_space<vmem>>
      %dma_start3A_73 = arith.constant 0 : i32
      %dma_start3A_74 = tpu.memref_slice %arg9[%add3A_21, %dma_start3A_73] : memref<10240x128xf32, #tpu.memory_space<vmem_shared>> -> memref<128x128xf32, #tpu.memory_space<vmem_shared>>
      %dma_start3A_75 = arith.constant 0 : i32
      %dma_start3A_76 = tpu.memref_slice %arg9[%add3A_21, %dma_start3A_75] : memref<10240x128xf32, #tpu.memory_space<vmem_shared>> -> memref<128x128xf32, #tpu.memory_space<vmem_shared>>
      %dma_start3A_77 = arith.constant 0 : i32
      %dma_start3A_78 = arith.constant 0 : i32
      %dma_start3A_79 = tpu.memref_slice %arg8[%dma_start3A_77, %dma_start3A_78] : memref<256x128xf32, #tpu.memory_space<vmem>> -> memref<128x128xf32, #tpu.memory_space<vmem>>
      tpu.enqueue_dma source(%dma_start3A_79 : memref<128x128xf32, #tpu.memory_space<vmem>>) target(%dma_start3A_76 : memref<128x128xf32, #tpu.memory_space<vmem_shared>>) target_semaphore(%run_scoped3A : memref<!tpu.dma_semaphore, #tpu.memory_space<semaphore_mem>>)
      %dma_wait3A = arith.constant 0 : i32
      %dma_wait3A_80 = arith.constant 0 : i32
      %dma_wait3A_81 = tpu.memref_slice %arg8[%dma_wait3A, %dma_wait3A_80] : memref<256x128xf32, #tpu.memory_space<vmem>> -> memref<128x128xf32, #tpu.memory_space<vmem>>
      %dma_wait3A_82 = arith.constant 0 : i32
      %dma_wait3A_83 = tpu.memref_slice %arg9[%add3A_21, %dma_wait3A_82] : memref<10240x128xf32, #tpu.memory_space<vmem_shared>> -> memref<128x128xf32, #tpu.memory_space<vmem_shared>>
      %dma_wait3A_84 = arith.constant 0 : i32
      %dma_wait3A_85 = tpu.memref_slice %arg9[%add3A_21, %dma_wait3A_84] : memref<10240x128xf32, #tpu.memory_space<vmem_shared>> -> memref<128x128xf32, #tpu.memory_space<vmem_shared>>
      %dma_wait3A_86 = arith.constant 0 : i32
      %dma_wait3A_87 = arith.constant 0 : i32
      %dma_wait3A_88 = tpu.memref_slice %arg8[%dma_wait3A_86, %dma_wait3A_87] : memref<256x128xf32, #tpu.memory_space<vmem>> -> memref<128x128xf32, #tpu.memory_space<vmem>>
      tpu.wait_dma2 semaphore(%run_scoped3A : memref<!tpu.dma_semaphore, #tpu.memory_space<semaphore_mem>>) src(%dma_wait3A_88 : memref<128x128xf32, #tpu.memory_space<vmem>>) dst(%dma_wait3A_85 : memref<128x128xf32, #tpu.memory_space<vmem_shared>>)
      tpu.yield
    }) : () -> ()
    %barrier3A = arith.constant 0 : index
    tpu.barrier barrier_id(%barrier3A)
    %scan3A_22 = arith.constant 0 : i32
    %scan3A_23 = arith.constant 0 : i32
    %scan3A_24 = arith.constant 21 : i32
    %scan3A_25 = arith.addi %scan3A_23, %scan3A_24 : i32
    %scan3A_26 = arith.constant 1 : i32
    scf.for %scan3A_71 = %scan3A_23 to %scan3A_25 step %scan3A_26  : i32 {
      %mul3A_72 = arith.constant 256 : i32
      %mul3A_73 = arith.muli %scan3A_71, %mul3A_72 : i32
      %add3A_74 = arith.addi %mul3A_2, %mul3A_73 : i32
      %mul3A_75 = arith.constant 256 : i32
      %mul3A_76 = arith.muli %scan3A_71, %mul3A_75 : i32
      %add3A_77 = arith.addi %add3A_4, %mul3A_76 : i32
      %dma_start3A = tpu.memref_slice %arg4[%add3A_77] : memref<344064xi32, #tpu.memory_space<hbm>> -> memref<256xi32, #tpu.memory_space<hbm>>
      %dma_start3A_78 = tpu.memref_slice %arg4[%add3A_77] : memref<344064xi32, #tpu.memory_space<hbm>> -> memref<256xi32, #tpu.memory_space<hbm>>
      tpu.enqueue_dma source(%dma_start3A_78 : memref<256xi32, #tpu.memory_space<hbm>>) target(%arg7 : memref<256xi32, #tpu.memory_space<vmem>>) target_semaphore(%arg10 : memref<!tpu.dma_semaphore, #tpu.memory_space<semaphore_mem>>)
      %dma_start3A_79 = arith.constant 0 : i32
      %dma_start3A_80 = tpu.memref_slice %arg2[%add3A_74, %dma_start3A_79] : memref<172032x128xf32, #tpu.memory_space<hbm>> -> memref<256x128xf32, #tpu.memory_space<hbm>>
      %dma_start3A_81 = arith.constant 0 : i32
      %dma_start3A_82 = tpu.memref_slice %arg2[%add3A_74, %dma_start3A_81] : memref<172032x128xf32, #tpu.memory_space<hbm>> -> memref<256x128xf32, #tpu.memory_space<hbm>>
      tpu.enqueue_dma source(%dma_start3A_82 : memref<256x128xf32, #tpu.memory_space<hbm>>) target(%arg8 : memref<256x128xf32, #tpu.memory_space<vmem>>) target_semaphore(%arg11 : memref<!tpu.dma_semaphore, #tpu.memory_space<semaphore_mem>>)
      %dma_wait3A = tpu.memref_slice %arg4[%add3A_77] : memref<344064xi32, #tpu.memory_space<hbm>> -> memref<256xi32, #tpu.memory_space<hbm>>
      %dma_wait3A_83 = tpu.memref_slice %arg4[%add3A_77] : memref<344064xi32, #tpu.memory_space<hbm>> -> memref<256xi32, #tpu.memory_space<hbm>>
      tpu.wait_dma2 semaphore(%arg10 : memref<!tpu.dma_semaphore, #tpu.memory_space<semaphore_mem>>) src(%dma_wait3A_83 : memref<256xi32, #tpu.memory_space<hbm>>) dst(%arg7 : memref<256xi32, #tpu.memory_space<vmem>>)
      %dma_wait3A_84 = arith.constant 0 : i32
      %dma_wait3A_85 = tpu.memref_slice %arg2[%add3A_74, %dma_wait3A_84] : memref<172032x128xf32, #tpu.memory_space<hbm>> -> memref<256x128xf32, #tpu.memory_space<hbm>>
      %dma_wait3A_86 = arith.constant 0 : i32
      %dma_wait3A_87 = tpu.memref_slice %arg2[%add3A_74, %dma_wait3A_86] : memref<172032x128xf32, #tpu.memory_space<hbm>> -> memref<256x128xf32, #tpu.memory_space<hbm>>
      tpu.wait_dma2 semaphore(%arg11 : memref<!tpu.dma_semaphore, #tpu.memory_space<semaphore_mem>>) src(%dma_wait3A_87 : memref<256x128xf32, #tpu.memory_space<hbm>>) dst(%arg8 : memref<256x128xf32, #tpu.memory_space<vmem>>)
      "tpu.region"() ({
        %run_scoped3A = tpu.sem_alloc : memref<!tpu.dma_semaphore, #tpu.memory_space<semaphore_mem>>
        %dma_start3A_88 = arith.constant 0 : i32
        %dma_start3A_89 = arith.constant 0 : i32
        %dma_start3A_90 = tpu.memref_slice %arg9[%dma_start3A_88, %dma_start3A_89] : memref<10240x128xf32, #tpu.memory_space<vmem_shared>> -> memref<10240x128xf32, #tpu.memory_space<vmem_shared>>
        tpu.enqueue_indirect_dma source(%arg8 : memref<256x128xf32, #tpu.memory_space<vmem>>) target(%dma_start3A_90 : memref<10240x128xf32, #tpu.memory_space<vmem_shared>>) offsets(%arg7 : memref<256xi32, #tpu.memory_space<vmem>>) semaphore(%run_scoped3A : memref<!tpu.dma_semaphore, #tpu.memory_space<semaphore_mem>>) {add = true}
        %dma_wait3A_91 = arith.constant 0 : i32
        %dma_wait3A_92 = arith.constant 0 : i32
        %dma_wait3A_93 = tpu.memref_slice %arg9[%dma_wait3A_91, %dma_wait3A_92] : memref<10240x128xf32, #tpu.memory_space<vmem_shared>> -> memref<10240x128xf32, #tpu.memory_space<vmem_shared>>
        tpu.wait_indirect_dma semaphore(%run_scoped3A : memref<!tpu.dma_semaphore, #tpu.memory_space<semaphore_mem>>) src(%arg8 : memref<256x128xf32, #tpu.memory_space<vmem>>) dst(%dma_wait3A_93 : memref<10240x128xf32, #tpu.memory_space<vmem_shared>>)
        tpu.yield
      }) : () -> ()
    }
    %scan3A_27 = arith.constant 21 : i32
    %barrier3A_28 = arith.constant 0 : index
    tpu.barrier barrier_id(%barrier3A_28)
    %mul3A_29 = arith.constant 640 : i32
    %mul3A_30 = arith.muli %arg1, %mul3A_29 : i32
    %mul3A_31 = arith.constant 10240 : i32
    %mul3A_32 = arith.muli %arg0, %mul3A_31 : i32
    %mul3A_33 = arith.constant 640 : i32
    %mul3A_34 = arith.muli %arg1, %mul3A_33 : i32
    %add3A_35 = arith.addi %mul3A_32, %mul3A_34 : i32
    "tpu.region"() ({
      %run_scoped3A = tpu.sem_alloc : memref<!tpu.dma_semaphore, #tpu.memory_space<semaphore_mem>>
      %dma_start3A = arith.constant 0 : i32
      %dma_start3A_71 = tpu.memref_slice %arg5[%add3A_35, %dma_start3A] : memref<20480x128xf32, #tpu.memory_space<hbm>> -> memref<640x128xf32, #tpu.memory_space<hbm>>
      %dma_start3A_72 = arith.constant 0 : i32
      %dma_start3A_73 = tpu.memref_slice %arg9[%mul3A_30, %dma_start3A_72] : memref<10240x128xf32, #tpu.memory_space<vmem_shared>> -> memref<640x128xf32, #tpu.memory_space<vmem_shared>>
      tpu.enqueue_dma source(%dma_start3A_73 : memref<640x128xf32, #tpu.memory_space<vmem_shared>>) target(%dma_start3A_71 : memref<640x128xf32, #tpu.memory_space<hbm>>) target_semaphore(%run_scoped3A : memref<!tpu.dma_semaphore, #tpu.memory_space<semaphore_mem>>)
      %dma_wait3A = arith.constant 0 : i32
      %dma_wait3A_74 = tpu.memref_slice %arg5[%add3A_35, %dma_wait3A] : memref<20480x128xf32, #tpu.memory_space<hbm>> -> memref<640x128xf32, #tpu.memory_space<hbm>>
      %dma_wait3A_75 = arith.constant 0 : i32
      %dma_wait3A_76 = tpu.memref_slice %arg9[%mul3A_30, %dma_wait3A_75] : memref<10240x128xf32, #tpu.memory_space<vmem_shared>> -> memref<640x128xf32, #tpu.memory_space<vmem_shared>>
      tpu.wait_dma2 semaphore(%run_scoped3A : memref<!tpu.dma_semaphore, #tpu.memory_space<semaphore_mem>>) src(%dma_wait3A_76 : memref<640x128xf32, #tpu.memory_space<vmem_shared>>) dst(%dma_wait3A_74 : memref<640x128xf32, #tpu.memory_space<hbm>>)
      tpu.yield
    }) : () -> ()
    %barrier3A_36 = arith.constant 0 : index
    tpu.barrier barrier_id(%barrier3A_36)
    %scan3A_37 = arith.constant 0 : i32
    %scan3A_38 = arith.constant 0 : i32
    %scan3A_39 = arith.constant 256 : i32
    %scan3A_40 = arith.addi %scan3A_38, %scan3A_39 : i32
    %scan3A_41 = arith.constant 1 : i32
    scf.for %scan3A_71 = %scan3A_38 to %scan3A_40 step %scan3A_41  : i32 {
      %broadcast_in_dim3A = arith.constant 0.000000e+00 : f32
      %broadcast_in_dim3A_72 = vector.broadcast %broadcast_in_dim3A : f32 to vector<16xf32>
      %swap3A = arith.index_cast %scan3A_71 : i32 to index
      %swap3A_73 = arith.constant 0 : index
      %swap3A_74 = tpu.vector_load %arg8[%swap3A, %swap3A_73] {strides = array<i32>} : memref<256x128xf32, #tpu.memory_space<vmem>>, vector<1x16xf32>,
      %swap3A_75 = vector.shape_cast %swap3A_74 : vector<1x16xf32> to vector<16xf32>
      %swap3A_76 = vector.shape_cast %broadcast_in_dim3A_72 : vector<16xf32> to vector<1x16xf32>
      tpu.vector_store %arg8[%swap3A, %swap3A_73], %swap3A_76 {strides = array<i32>} : memref<256x128xf32, #tpu.memory_space<vmem>>, vector<1x16xf32>,
      %broadcast_in_dim3A_77 = arith.constant 0.000000e+00 : f32
      %broadcast_in_dim3A_78 = vector.broadcast %broadcast_in_dim3A_77 : f32 to vector<16xf32>
      %swap3A_79 = arith.index_cast %scan3A_71 : i32 to index
      %swap3A_80 = arith.constant 16 : index
      %swap3A_81 = tpu.vector_load %arg8[%swap3A_79, %swap3A_80] {strides = array<i32>} : memref<256x128xf32, #tpu.memory_space<vmem>>, vector<1x16xf32>,
      %swap3A_82 = vector.shape_cast %swap3A_81 : vector<1x16xf32> to vector<16xf32>
      %swap3A_83 = vector.shape_cast %broadcast_in_dim3A_78 : vector<16xf32> to vector<1x16xf32>
      tpu.vector_store %arg8[%swap3A_79, %swap3A_80], %swap3A_83 {strides = array<i32>} : memref<256x128xf32, #tpu.memory_space<vmem>>, vector<1x16xf32>,
      %broadcast_in_dim3A_84 = arith.constant 0.000000e+00 : f32
      %broadcast_in_dim3A_85 = vector.broadcast %broadcast_in_dim3A_84 : f32 to vector<16xf32>
      %swap3A_86 = arith.index_cast %scan3A_71 : i32 to index
      %swap3A_87 = arith.constant 32 : index
      %swap3A_88 = tpu.vector_load %arg8[%swap3A_86, %swap3A_87] {strides = array<i32>} : memref<256x128xf32, #tpu.memory_space<vmem>>, vector<1x16xf32>,
      %swap3A_89 = vector.shape_cast %swap3A_88 : vector<1x16xf32> to vector<16xf32>
      %swap3A_90 = vector.shape_cast %broadcast_in_dim3A_85 : vector<16xf32> to vector<1x16xf32>
      tpu.vector_store %arg8[%swap3A_86, %swap3A_87], %swap3A_90 {strides = array<i32>} : memref<256x128xf32, #tpu.memory_space<vmem>>, vector<1x16xf32>,
      %broadcast_in_dim3A_91 = arith.constant 0.000000e+00 : f32
      %broadcast_in_dim3A_92 = vector.broadcast %broadcast_in_dim3A_91 : f32 to vector<16xf32>
      %swap3A_93 = arith.index_cast %scan3A_71 : i32 to index
      %swap3A_94 = arith.constant 48 : index
      %swap3A_95 = tpu.vector_load %arg8[%swap3A_93, %swap3A_94] {strides = array<i32>} : memref<256x128xf32, #tpu.memory_space<vmem>>, vector<1x16xf32>,
      %swap3A_96 = vector.shape_cast %swap3A_95 : vector<1x16xf32> to vector<16xf32>
      %swap3A_97 = vector.shape_cast %broadcast_in_dim3A_92 : vector<16xf32> to vector<1x16xf32>
      tpu.vector_store %arg8[%swap3A_93, %swap3A_94], %swap3A_97 {strides = array<i32>} : memref<256x128xf32, #tpu.memory_space<vmem>>, vector<1x16xf32>,
      %broadcast_in_dim3A_98 = arith.constant 0.000000e+00 : f32
      %broadcast_in_dim3A_99 = vector.broadcast %broadcast_in_dim3A_98 : f32 to vector<16xf32>
      %swap3A_100 = arith.index_cast %scan3A_71 : i32 to index
      %swap3A_101 = arith.constant 64 : index
      %swap3A_102 = tpu.vector_load %arg8[%swap3A_100, %swap3A_101] {strides = array<i32>} : memref<256x128xf32, #tpu.memory_space<vmem>>, vector<1x16xf32>,
      %swap3A_103 = vector.shape_cast %swap3A_102 : vector<1x16xf32> to vector<16xf32>
      %swap3A_104 = vector.shape_cast %broadcast_in_dim3A_99 : vector<16xf32> to vector<1x16xf32>
      tpu.vector_store %arg8[%swap3A_100, %swap3A_101], %swap3A_104 {strides = array<i32>} : memref<256x128xf32, #tpu.memory_space<vmem>>, vector<1x16xf32>,
      %broadcast_in_dim3A_105 = arith.constant 0.000000e+00 : f32
      %broadcast_in_dim3A_106 = vector.broadcast %broadcast_in_dim3A_105 : f32 to vector<16xf32>
      %swap3A_107 = arith.index_cast %scan3A_71 : i32 to index
      %swap3A_108 = arith.constant 80 : index
      %swap3A_109 = tpu.vector_load %arg8[%swap3A_107, %swap3A_108] {strides = array<i32>} : memref<256x128xf32, #tpu.memory_space<vmem>>, vector<1x16xf32>,
      %swap3A_110 = vector.shape_cast %swap3A_109 : vector<1x16xf32> to vector<16xf32>
      %swap3A_111 = vector.shape_cast %broadcast_in_dim3A_106 : vector<16xf32> to vector<1x16xf32>
      tpu.vector_store %arg8[%swap3A_107, %swap3A_108], %swap3A_111 {strides = array<i32>} : memref<256x128xf32, #tpu.memory_space<vmem>>, vector<1x16xf32>,
      %broadcast_in_dim3A_112 = arith.constant 0.000000e+00 : f32
      %broadcast_in_dim3A_113 = vector.broadcast %broadcast_in_dim3A_112 : f32 to vector<16xf32>
      %swap3A_114 = arith.index_cast %scan3A_71 : i32 to index
      %swap3A_115 = arith.constant 96 : index
      %swap3A_116 = tpu.vector_load %arg8[%swap3A_114, %swap3A_115] {strides = array<i32>} : memref<256x128xf32, #tpu.memory_space<vmem>>, vector<1x16xf32>,
      %swap3A_117 = vector.shape_cast %swap3A_116 : vector<1x16xf32> to vector<16xf32>
      %swap3A_118 = vector.shape_cast %broadcast_in_dim3A_113 : vector<16xf32> to vector<1x16xf32>
      tpu.vector_store %arg8[%swap3A_114, %swap3A_115], %swap3A_118 {strides = array<i32>} : memref<256x128xf32, #tpu.memory_space<vmem>>, vector<1x16xf32>,
      %broadcast_in_dim3A_119 = arith.constant 0.000000e+00 : f32
      %broadcast_in_dim3A_120 = vector.broadcast %broadcast_in_dim3A_119 : f32 to vector<16xf32>
      %swap3A_121 = arith.index_cast %scan3A_71 : i32 to index
      %swap3A_122 = arith.constant 112 : index
      %swap3A_123 = tpu.vector_load %arg8[%swap3A_121, %swap3A_122] {strides = array<i32>} : memref<256x128xf32, #tpu.memory_space<vmem>>, vector<1x16xf32>,
      %swap3A_124 = vector.shape_cast %swap3A_123 : vector<1x16xf32> to vector<16xf32>
      %swap3A_125 = vector.shape_cast %broadcast_in_dim3A_120 : vector<16xf32> to vector<1x16xf32>
      tpu.vector_store %arg8[%swap3A_121, %swap3A_122], %swap3A_125 {strides = array<i32>} : memref<256x128xf32, #tpu.memory_space<vmem>>, vector<1x16xf32>,
    }
    %scan3A_42 = arith.constant 256 : i32
    %mul3A_43 = arith.constant 640 : i32
    %mul3A_44 = arith.muli %arg1, %mul3A_43 : i32
    %add3A_45 = arith.constant 0 : i32
    %add3A_46 = arith.addi %mul3A_44, %add3A_45 : i32
    "tpu.region"() ({
      %run_scoped3A = tpu.sem_alloc : memref<!tpu.dma_semaphore, #tpu.memory_space<semaphore_mem>>
      %dma_start3A = arith.constant 0 : i32
      %dma_start3A_71 = arith.constant 0 : i32
      %dma_start3A_72 = tpu.memref_slice %arg8[%dma_start3A, %dma_start3A_71] : memref<256x128xf32, #tpu.memory_space<vmem>> -> memref<256x128xf32, #tpu.memory_space<vmem>>
      %dma_start3A_73 = arith.constant 0 : i32
      %dma_start3A_74 = tpu.memref_slice %arg9[%add3A_46, %dma_start3A_73] : memref<10240x128xf32, #tpu.memory_space<vmem_shared>> -> memref<256x128xf32, #tpu.memory_space<vmem_shared>>
      %dma_start3A_75 = arith.constant 0 : i32
      %dma_start3A_76 = tpu.memref_slice %arg9[%add3A_46, %dma_start3A_75] : memref<10240x128xf32, #tpu.memory_space<vmem_shared>> -> memref<256x128xf32, #tpu.memory_space<vmem_shared>>
      %dma_start3A_77 = arith.constant 0 : i32
      %dma_start3A_78 = arith.constant 0 : i32
      %dma_start3A_79 = tpu.memref_slice %arg8[%dma_start3A_77, %dma_start3A_78] : memref<256x128xf32, #tpu.memory_space<vmem>> -> memref<256x128xf32, #tpu.memory_space<vmem>>
      tpu.enqueue_dma source(%dma_start3A_79 : memref<256x128xf32, #tpu.memory_space<vmem>>) target(%dma_start3A_76 : memref<256x128xf32, #tpu.memory_space<vmem_shared>>) target_semaphore(%run_scoped3A : memref<!tpu.dma_semaphore, #tpu.memory_space<semaphore_mem>>)
      %dma_wait3A = arith.constant 0 : i32
      %dma_wait3A_80 = arith.constant 0 : i32
      %dma_wait3A_81 = tpu.memref_slice %arg8[%dma_wait3A, %dma_wait3A_80] : memref<256x128xf32, #tpu.memory_space<vmem>> -> memref<256x128xf32, #tpu.memory_space<vmem>>
      %dma_wait3A_82 = arith.constant 0 : i32
      %dma_wait3A_83 = tpu.memref_slice %arg9[%add3A_46, %dma_wait3A_82] : memref<10240x128xf32, #tpu.memory_space<vmem_shared>> -> memref<256x128xf32, #tpu.memory_space<vmem_shared>>
      %dma_wait3A_84 = arith.constant 0 : i32
      %dma_wait3A_85 = tpu.memref_slice %arg9[%add3A_46, %dma_wait3A_84] : memref<10240x128xf32, #tpu.memory_space<vmem_shared>> -> memref<256x128xf32, #tpu.memory_space<vmem_shared>>
      %dma_wait3A_86 = arith.constant 0 : i32
      %dma_wait3A_87 = arith.constant 0 : i32
      %dma_wait3A_88 = tpu.memref_slice %arg8[%dma_wait3A_86, %dma_wait3A_87] : memref<256x128xf32, #tpu.memory_space<vmem>> -> memref<256x128xf32, #tpu.memory_space<vmem>>
      tpu.wait_dma2 semaphore(%run_scoped3A : memref<!tpu.dma_semaphore, #tpu.memory_space<semaphore_mem>>) src(%dma_wait3A_88 : memref<256x128xf32, #tpu.memory_space<vmem>>) dst(%dma_wait3A_85 : memref<256x128xf32, #tpu.memory_space<vmem_shared>>)
      tpu.yield
    }) : () -> ()
    %mul3A_47 = arith.constant 640 : i32
    %mul3A_48 = arith.muli %arg1, %mul3A_47 : i32
    %add3A_49 = arith.constant 256 : i32
    %add3A_50 = arith.addi %mul3A_48, %add3A_49 : i32
    "tpu.region"() ({
      %run_scoped3A = tpu.sem_alloc : memref<!tpu.dma_semaphore, #tpu.memory_space<semaphore_mem>>
      %dma_start3A = arith.constant 0 : i32
      %dma_start3A_71 = arith.constant 0 : i32
      %dma_start3A_72 = tpu.memref_slice %arg8[%dma_start3A, %dma_start3A_71] : memref<256x128xf32, #tpu.memory_space<vmem>> -> memref<256x128xf32, #tpu.memory_space<vmem>>
      %dma_start3A_73 = arith.constant 0 : i32
      %dma_start3A_74 = tpu.memref_slice %arg9[%add3A_50, %dma_start3A_73] : memref<10240x128xf32, #tpu.memory_space<vmem_shared>> -> memref<256x128xf32, #tpu.memory_space<vmem_shared>>
      %dma_start3A_75 = arith.constant 0 : i32
      %dma_start3A_76 = tpu.memref_slice %arg9[%add3A_50, %dma_start3A_75] : memref<10240x128xf32, #tpu.memory_space<vmem_shared>> -> memref<256x128xf32, #tpu.memory_space<vmem_shared>>
      %dma_start3A_77 = arith.constant 0 : i32
      %dma_start3A_78 = arith.constant 0 : i32
      %dma_start3A_79 = tpu.memref_slice %arg8[%dma_start3A_77, %dma_start3A_78] : memref<256x128xf32, #tpu.memory_space<vmem>> -> memref<256x128xf32, #tpu.memory_space<vmem>>
      tpu.enqueue_dma source(%dma_start3A_79 : memref<256x128xf32, #tpu.memory_space<vmem>>) target(%dma_start3A_76 : memref<256x128xf32, #tpu.memory_space<vmem_shared>>) target_semaphore(%run_scoped3A : memref<!tpu.dma_semaphore, #tpu.memory_space<semaphore_mem>>)
      %dma_wait3A = arith.constant 0 : i32
      %dma_wait3A_80 = arith.constant 0 : i32
      %dma_wait3A_81 = tpu.memref_slice %arg8[%dma_wait3A, %dma_wait3A_80] : memref<256x128xf32, #tpu.memory_space<vmem>> -> memref<256x128xf32, #tpu.memory_space<vmem>>
      %dma_wait3A_82 = arith.constant 0 : i32
      %dma_wait3A_83 = tpu.memref_slice %arg9[%add3A_50, %dma_wait3A_82] : memref<10240x128xf32, #tpu.memory_space<vmem_shared>> -> memref<256x128xf32, #tpu.memory_space<vmem_shared>>
      %dma_wait3A_84 = arith.constant 0 : i32
      %dma_wait3A_85 = tpu.memref_slice %arg9[%add3A_50, %dma_wait3A_84] : memref<10240x128xf32, #tpu.memory_space<vmem_shared>> -> memref<256x128xf32, #tpu.memory_space<vmem_shared>>
      %dma_wait3A_86 = arith.constant 0 : i32
      %dma_wait3A_87 = arith.constant 0 : i32
      %dma_wait3A_88 = tpu.memref_slice %arg8[%dma_wait3A_86, %dma_wait3A_87] : memref<256x128xf32, #tpu.memory_space<vmem>> -> memref<256x128xf32, #tpu.memory_space<vmem>>
      tpu.wait_dma2 semaphore(%run_scoped3A : memref<!tpu.dma_semaphore, #tpu.memory_space<semaphore_mem>>) src(%dma_wait3A_88 : memref<256x128xf32, #tpu.memory_space<vmem>>) dst(%dma_wait3A_85 : memref<256x128xf32, #tpu.memory_space<vmem_shared>>)
      tpu.yield
    }) : () -> ()
    %mul3A_51 = arith.constant 640 : i32
    %mul3A_52 = arith.muli %arg1, %mul3A_51 : i32
    %add3A_53 = arith.constant 512 : i32
    %add3A_54 = arith.addi %mul3A_52, %add3A_53 : i32
    "tpu.region"() ({
      %run_scoped3A = tpu.sem_alloc : memref<!tpu.dma_semaphore, #tpu.memory_space<semaphore_mem>>
      %dma_start3A = arith.constant 0 : i32
      %dma_start3A_71 = arith.constant 0 : i32
      %dma_start3A_72 = tpu.memref_slice %arg8[%dma_start3A, %dma_start3A_71] : memref<256x128xf32, #tpu.memory_space<vmem>> -> memref<128x128xf32, #tpu.memory_space<vmem>>
      %dma_start3A_73 = arith.constant 0 : i32
      %dma_start3A_74 = tpu.memref_slice %arg9[%add3A_54, %dma_start3A_73] : memref<10240x128xf32, #tpu.memory_space<vmem_shared>> -> memref<128x128xf32, #tpu.memory_space<vmem_shared>>
      %dma_start3A_75 = arith.constant 0 : i32
      %dma_start3A_76 = tpu.memref_slice %arg9[%add3A_54, %dma_start3A_75] : memref<10240x128xf32, #tpu.memory_space<vmem_shared>> -> memref<128x128xf32, #tpu.memory_space<vmem_shared>>
      %dma_start3A_77 = arith.constant 0 : i32
      %dma_start3A_78 = arith.constant 0 : i32
      %dma_start3A_79 = tpu.memref_slice %arg8[%dma_start3A_77, %dma_start3A_78] : memref<256x128xf32, #tpu.memory_space<vmem>> -> memref<128x128xf32, #tpu.memory_space<vmem>>
      tpu.enqueue_dma source(%dma_start3A_79 : memref<128x128xf32, #tpu.memory_space<vmem>>) target(%dma_start3A_76 : memref<128x128xf32, #tpu.memory_space<vmem_shared>>) target_semaphore(%run_scoped3A : memref<!tpu.dma_semaphore, #tpu.memory_space<semaphore_mem>>)
      %dma_wait3A = arith.constant 0 : i32
      %dma_wait3A_80 = arith.constant 0 : i32
      %dma_wait3A_81 = tpu.memref_slice %arg8[%dma_wait3A, %dma_wait3A_80] : memref<256x128xf32, #tpu.memory_space<vmem>> -> memref<128x128xf32, #tpu.memory_space<vmem>>
      %dma_wait3A_82 = arith.constant 0 : i32
      %dma_wait3A_83 = tpu.memref_slice %arg9[%add3A_54, %dma_wait3A_82] : memref<10240x128xf32, #tpu.memory_space<vmem_shared>> -> memref<128x128xf32, #tpu.memory_space<vmem_shared>>
      %dma_wait3A_84 = arith.constant 0 : i32
      %dma_wait3A_85 = tpu.memref_slice %arg9[%add3A_54, %dma_wait3A_84] : memref<10240x128xf32, #tpu.memory_space<vmem_shared>> -> memref<128x128xf32, #tpu.memory_space<vmem_shared>>
      %dma_wait3A_86 = arith.constant 0 : i32
      %dma_wait3A_87 = arith.constant 0 : i32
      %dma_wait3A_88 = tpu.memref_slice %arg8[%dma_wait3A_86, %dma_wait3A_87] : memref<256x128xf32, #tpu.memory_space<vmem>> -> memref<128x128xf32, #tpu.memory_space<vmem>>
      tpu.wait_dma2 semaphore(%run_scoped3A : memref<!tpu.dma_semaphore, #tpu.memory_space<semaphore_mem>>) src(%dma_wait3A_88 : memref<128x128xf32, #tpu.memory_space<vmem>>) dst(%dma_wait3A_85 : memref<128x128xf32, #tpu.memory_space<vmem_shared>>)
      tpu.yield
    }) : () -> ()
    %barrier3A_55 = arith.constant 0 : index
    tpu.barrier barrier_id(%barrier3A_55)
    %scan3A_56 = arith.constant 0 : i32
    %scan3A_57 = arith.constant 0 : i32
    %scan3A_58 = arith.constant 21 : i32
    %scan3A_59 = arith.addi %scan3A_57, %scan3A_58 : i32
    %scan3A_60 = arith.constant 1 : i32
    scf.for %scan3A_71 = %scan3A_57 to %scan3A_59 step %scan3A_60  : i32 {
      %mul3A_72 = arith.constant 256 : i32
      %mul3A_73 = arith.muli %scan3A_71, %mul3A_72 : i32
      %add3A_74 = arith.addi %mul3A_2, %mul3A_73 : i32
      %mul3A_75 = arith.constant 256 : i32
      %mul3A_76 = arith.muli %scan3A_71, %mul3A_75 : i32
      %add3A_77 = arith.addi %add3A_4, %mul3A_76 : i32
      %dma_start3A = tpu.memref_slice %arg4[%add3A_77] : memref<344064xi32, #tpu.memory_space<hbm>> -> memref<256xi32, #tpu.memory_space<hbm>>
      %dma_start3A_78 = tpu.memref_slice %arg4[%add3A_77] : memref<344064xi32, #tpu.memory_space<hbm>> -> memref<256xi32, #tpu.memory_space<hbm>>
      tpu.enqueue_dma source(%dma_start3A_78 : memref<256xi32, #tpu.memory_space<hbm>>) target(%arg7 : memref<256xi32, #tpu.memory_space<vmem>>) target_semaphore(%arg10 : memref<!tpu.dma_semaphore, #tpu.memory_space<semaphore_mem>>)
      %dma_start3A_79 = arith.constant 0 : i32
      %dma_start3A_80 = tpu.memref_slice %arg3[%add3A_74, %dma_start3A_79] : memref<172032x128xf32, #tpu.memory_space<hbm>> -> memref<256x128xf32, #tpu.memory_space<hbm>>
      %dma_start3A_81 = arith.constant 0 : i32
      %dma_start3A_82 = tpu.memref_slice %arg3[%add3A_74, %dma_start3A_81] : memref<172032x128xf32, #tpu.memory_space<hbm>> -> memref<256x128xf32, #tpu.memory_space<hbm>>
      tpu.enqueue_dma source(%dma_start3A_82 : memref<256x128xf32, #tpu.memory_space<hbm>>) target(%arg8 : memref<256x128xf32, #tpu.memory_space<vmem>>) target_semaphore(%arg11 : memref<!tpu.dma_semaphore, #tpu.memory_space<semaphore_mem>>)
      %dma_wait3A = tpu.memref_slice %arg4[%add3A_77] : memref<344064xi32, #tpu.memory_space<hbm>> -> memref<256xi32, #tpu.memory_space<hbm>>
      %dma_wait3A_83 = tpu.memref_slice %arg4[%add3A_77] : memref<344064xi32, #tpu.memory_space<hbm>> -> memref<256xi32, #tpu.memory_space<hbm>>
      tpu.wait_dma2 semaphore(%arg10 : memref<!tpu.dma_semaphore, #tpu.memory_space<semaphore_mem>>) src(%dma_wait3A_83 : memref<256xi32, #tpu.memory_space<hbm>>) dst(%arg7 : memref<256xi32, #tpu.memory_space<vmem>>)
      %dma_wait3A_84 = arith.constant 0 : i32
      %dma_wait3A_85 = tpu.memref_slice %arg3[%add3A_74, %dma_wait3A_84] : memref<172032x128xf32, #tpu.memory_space<hbm>> -> memref<256x128xf32, #tpu.memory_space<hbm>>
      %dma_wait3A_86 = arith.constant 0 : i32
      %dma_wait3A_87 = tpu.memref_slice %arg3[%add3A_74, %dma_wait3A_86] : memref<172032x128xf32, #tpu.memory_space<hbm>> -> memref<256x128xf32, #tpu.memory_space<hbm>>
      tpu.wait_dma2 semaphore(%arg11 : memref<!tpu.dma_semaphore, #tpu.memory_space<semaphore_mem>>) src(%dma_wait3A_87 : memref<256x128xf32, #tpu.memory_space<hbm>>) dst(%arg8 : memref<256x128xf32, #tpu.memory_space<vmem>>)
      "tpu.region"() ({
        %run_scoped3A = tpu.sem_alloc : memref<!tpu.dma_semaphore, #tpu.memory_space<semaphore_mem>>
        %dma_start3A_88 = arith.constant 0 : i32
        %dma_start3A_89 = arith.constant 0 : i32
        %dma_start3A_90 = tpu.memref_slice %arg9[%dma_start3A_88, %dma_start3A_89] : memref<10240x128xf32, #tpu.memory_space<vmem_shared>> -> memref<10240x128xf32, #tpu.memory_space<vmem_shared>>
        tpu.enqueue_indirect_dma source(%arg8 : memref<256x128xf32, #tpu.memory_space<vmem>>) target(%dma_start3A_90 : memref<10240x128xf32, #tpu.memory_space<vmem_shared>>) offsets(%arg7 : memref<256xi32, #tpu.memory_space<vmem>>) semaphore(%run_scoped3A : memref<!tpu.dma_semaphore, #tpu.memory_space<semaphore_mem>>) {add = true}
        %dma_wait3A_91 = arith.constant 0 : i32
        %dma_wait3A_92 = arith.constant 0 : i32
        %dma_wait3A_93 = tpu.memref_slice %arg9[%dma_wait3A_91, %dma_wait3A_92] : memref<10240x128xf32, #tpu.memory_space<vmem_shared>> -> memref<10240x128xf32, #tpu.memory_space<vmem_shared>>
        tpu.wait_indirect_dma semaphore(%run_scoped3A : memref<!tpu.dma_semaphore, #tpu.memory_space<semaphore_mem>>) src(%arg8 : memref<256x128xf32, #tpu.memory_space<vmem>>) dst(%dma_wait3A_93 : memref<10240x128xf32, #tpu.memory_space<vmem_shared>>)
        tpu.yield
      }) : () -> ()
    }
    %scan3A_61 = arith.constant 21 : i32
    %barrier3A_62 = arith.constant 0 : index
    tpu.barrier barrier_id(%barrier3A_62)
    %mul3A_63 = arith.constant 640 : i32
    %mul3A_64 = arith.muli %arg1, %mul3A_63 : i32
    %mul3A_65 = arith.constant 10240 : i32
    %mul3A_66 = arith.muli %arg0, %mul3A_65 : i32
    %mul3A_67 = arith.constant 640 : i32
    %mul3A_68 = arith.muli %arg1, %mul3A_67 : i32
    %add3A_69 = arith.addi %mul3A_66, %mul3A_68 : i32
    "tpu.region"() ({
      %run_scoped3A = tpu.sem_alloc : memref<!tpu.dma_semaphore, #tpu.memory_space<semaphore_mem>>
      %dma_start3A = arith.constant 0 : i32
      %dma_start3A_71 = tpu.memref_slice %arg6[%add3A_69, %dma_start3A] : memref<20480x128xf32, #tpu.memory_space<hbm>> -> memref<640x128xf32, #tpu.memory_space<hbm>>
      %dma_start3A_72 = arith.constant 0 : i32
      %dma_start3A_73 = tpu.memref_slice %arg9[%mul3A_64, %dma_start3A_72] : memref<10240x128xf32, #tpu.memory_space<vmem_shared>> -> memref<640x128xf32, #tpu.memory_space<vmem_shared>>
      tpu.enqueue_dma source(%dma_start3A_73 : memref<640x128xf32, #tpu.memory_space<vmem_shared>>) target(%dma_start3A_71 : memref<640x128xf32, #tpu.memory_space<hbm>>) target_semaphore(%run_scoped3A : memref<!tpu.dma_semaphore, #tpu.memory_space<semaphore_mem>>)
      %dma_wait3A = arith.constant 0 : i32
      %dma_wait3A_74 = tpu.memref_slice %arg6[%add3A_69, %dma_wait3A] : memref<20480x128xf32, #tpu.memory_space<hbm>> -> memref<640x128xf32, #tpu.memory_space<hbm>>
      %dma_wait3A_75 = arith.constant 0 : i32
      %dma_wait3A_76 = tpu.memref_slice %arg9[%mul3A_64, %dma_wait3A_75] : memref<10240x128xf32, #tpu.memory_space<vmem_shared>> -> memref<640x128xf32, #tpu.memory_space<vmem_shared>>
      tpu.wait_dma2 semaphore(%run_scoped3A : memref<!tpu.dma_semaphore, #tpu.memory_space<semaphore_mem>>) src(%dma_wait3A_76 : memref<640x128xf32, #tpu.memory_space<vmem_shared>>) dst(%dma_wait3A_74 : memref<640x128xf32, #tpu.memory_space<hbm>>)
      tpu.yield
    }) : () -> ()
    %barrier3A_70 = arith.constant 0 : index
    tpu.barrier barrier_id(%barrier3A_70)
    return
  }
}

module attributes {stable_mosaic.version = 14 : i64} {
  func.func @_node_tables_kernel(%arg0: i32, %arg1: memref<512x128xf32, #tpu.memory_space<vmem>>, %arg2: memref<512x16xf32, #tpu.memory_space<vmem>>, %arg3: memref<128x128xf32, #tpu.memory_space<vmem>>, %arg4: memref<1x128xf32, #tpu.memory_space<vmem>>, %arg5: memref<128x128xf32, #tpu.memory_space<vmem>>, %arg6: memref<128x128xf32, #tpu.memory_space<vmem>>, %arg7: memref<128x128xf32, #tpu.memory_space<vmem>>, %arg8: memref<128x64xf32, #tpu.memory_space<vmem>>, %arg9: memref<16x64xf32, #tpu.memory_space<vmem>>, %arg10: memref<512x128xf32, #tpu.memory_space<vmem>>, %arg11: memref<512x128xf32, #tpu.memory_space<vmem>>, %arg12: memref<512x128xf32, #tpu.memory_space<vmem>>) attributes {dimension_semantics = [#tpu.dimension_semantics<arbitrary>], iteration_bounds = array<i64: 20>, scalar_prefetch = 0 : i64, scratch_operands = 0 : i64, tpu.core_type = #tpu.core_type<tc>, window_params = [{transform_indices = @transform_0, window_bounds = array<i64: 512, 128>}, {transform_indices = @transform_1, window_bounds = array<i64: 512, 16>}, {pipeline_mode = #tpu.pipeline_mode<synchronous>, transform_indices = @transform_2, window_bounds = array<i64: 128, 128>}, {pipeline_mode = #tpu.pipeline_mode<synchronous>, transform_indices = @transform_3, window_bounds = array<i64: 1, 128>}, {pipeline_mode = #tpu.pipeline_mode<synchronous>, transform_indices = @transform_4, window_bounds = array<i64: 128, 128>}, {pipeline_mode = #tpu.pipeline_mode<synchronous>, transform_indices = @transform_5, window_bounds = array<i64: 128, 128>}, {pipeline_mode = #tpu.pipeline_mode<synchronous>, transform_indices = @transform_6, window_bounds = array<i64: 128, 128>}, {pipeline_mode = #tpu.pipeline_mode<synchronous>, transform_indices = @transform_7, window_bounds = array<i64: 128, 64>}, {pipeline_mode = #tpu.pipeline_mode<synchronous>, transform_indices = @transform_8, window_bounds = array<i64: 16, 64>}, {transform_indices = @transform_9, window_bounds = array<i64: 512, 128>}, {transform_indices = @transform_10, window_bounds = array<i64: 512, 128>}, {transform_indices = @transform_11, window_bounds = array<i64: 512, 128>}]} {
    %get3A = arith.constant 0 : index
    %get3A_0 = arith.constant 0 : index
    %get3A_1 = vector.load %arg1[%get3A, %get3A_0] : memref<512x128xf32, #tpu.memory_space<vmem>>, vector<512x128xf32>
    %get3A_2 = arith.constant 0 : index
    %get3A_3 = arith.constant 0 : index
    %get3A_4 = vector.load %arg3[%get3A_2, %get3A_3] : memref<128x128xf32, #tpu.memory_space<vmem>>, vector<128x128xf32>
    %dot_general3A = arith.constant dense<0.000000e+00> : vector<512x128xf32>
    %dot_general3A_5 = tpu.matmul %get3A_1, %get3A_4, %dot_general3A {dimension_numbers = #tpu.dot_dimension_numbers<[1], [0], [0], [1], [0, 0, 1, 1], [], []>, transpose_lhs_hint = false} : vector<512x128xf32>, vector<128x128xf32>, vector<512x128xf32> -> vector<512x128xf32>
    %get3A_6 = arith.constant 0 : index
    %get3A_7 = arith.constant 0 : index
    %get3A_8 = vector.load %arg4[%get3A_6, %get3A_7] : memref<1x128xf32, #tpu.memory_space<vmem>>, vector<1x128xf32>
    %add3A = vector.broadcast %get3A_8 : vector<1x128xf32> to vector<512x128xf32>
    %add3A_9 = arith.addf %dot_general3A_5, %add3A : vector<512x128xf32>
    %max3A = arith.constant 0.000000e+00 : f32
    %max3A_10 = vector.broadcast %max3A : f32 to vector<512x128xf32>
    %max3A_11 = arith.maximumf %add3A_9, %max3A_10 : vector<512x128xf32>
    %get3A_12 = arith.constant 0 : index
    %get3A_13 = arith.constant 0 : index
    %get3A_14 = vector.load %arg5[%get3A_12, %get3A_13] : memref<128x128xf32, #tpu.memory_space<vmem>>, vector<128x128xf32>
    %dot_general3A_15 = arith.constant dense<0.000000e+00> : vector<512x128xf32>
    %dot_general3A_16 = tpu.matmul %max3A_11, %get3A_14, %dot_general3A_15 {dimension_numbers = #tpu.dot_dimension_numbers<[1], [0], [0], [1], [0, 0, 1, 1], [], []>, transpose_lhs_hint = false} : vector<512x128xf32>, vector<128x128xf32>, vector<512x128xf32> -> vector<512x128xf32>
    %get3A_17 = arith.constant 0 : index
    %get3A_18 = arith.constant 0 : index
    %get3A_19 = vector.load %arg8[%get3A_17, %get3A_18] : memref<128x64xf32, #tpu.memory_space<vmem>>, vector<128x64xf32>
    %dot_general3A_20 = arith.constant dense<0.000000e+00> : vector<512x64xf32>
    %dot_general3A_21 = tpu.matmul %dot_general3A_16, %get3A_19, %dot_general3A_20 {dimension_numbers = #tpu.dot_dimension_numbers<[1], [0], [0], [1], [0, 0, 1, 1], [], []>, transpose_lhs_hint = false} : vector<512x128xf32>, vector<128x64xf32>, vector<512x64xf32> -> vector<512x64xf32>
    %get3A_22 = arith.constant 0 : index
    %get3A_23 = arith.constant 0 : index
    %get3A_24 = vector.load %arg6[%get3A_22, %get3A_23] : memref<128x128xf32, #tpu.memory_space<vmem>>, vector<128x128xf32>
    %dot_general3A_25 = arith.constant dense<0.000000e+00> : vector<512x128xf32>
    %dot_general3A_26 = tpu.matmul %max3A_11, %get3A_24, %dot_general3A_25 {dimension_numbers = #tpu.dot_dimension_numbers<[1], [0], [0], [1], [0, 0, 1, 1], [], []>, transpose_lhs_hint = false} : vector<512x128xf32>, vector<128x128xf32>, vector<512x128xf32> -> vector<512x128xf32>
    %get3A_27 = arith.constant 0 : index
    %get3A_28 = arith.constant 0 : index
    %get3A_29 = vector.load %arg8[%get3A_27, %get3A_28] : memref<128x64xf32, #tpu.memory_space<vmem>>, vector<128x64xf32>
    %dot_general3A_30 = arith.constant dense<0.000000e+00> : vector<512x64xf32>
    %dot_general3A_31 = tpu.matmul %dot_general3A_26, %get3A_29, %dot_general3A_30 {dimension_numbers = #tpu.dot_dimension_numbers<[1], [0], [0], [1], [0, 0, 1, 1], [], []>, transpose_lhs_hint = false} : vector<512x128xf32>, vector<128x64xf32>, vector<512x64xf32> -> vector<512x64xf32>
    %get3A_32 = arith.constant 0 : index
    %get3A_33 = arith.constant 0 : index
    %get3A_34 = vector.load %arg2[%get3A_32, %get3A_33] : memref<512x16xf32, #tpu.memory_space<vmem>>, vector<512x16xf32>
    %get3A_35 = arith.constant 0 : index
    %get3A_36 = arith.constant 0 : index
    %get3A_37 = vector.load %arg9[%get3A_35, %get3A_36] : memref<16x64xf32, #tpu.memory_space<vmem>>, vector<16x64xf32>
    %dot_general3A_38 = arith.constant dense<0.000000e+00> : vector<512x64xf32>
    %dot_general3A_39 = tpu.matmul %get3A_34, %get3A_37, %dot_general3A_38 {dimension_numbers = #tpu.dot_dimension_numbers<[1], [0], [0], [1], [0, 0, 1, 1], [], []>, transpose_lhs_hint = false} : vector<512x16xf32>, vector<16x64xf32>, vector<512x64xf32> -> vector<512x64xf32>
    %concatenate3A = tpu.concatenate %dot_general3A_21, %dot_general3A_39 in 1 : vector<512x64xf32>, vector<512x64xf32> -> vector<512x128xf32>
    %swap3A = arith.constant 0 : index
    %swap3A_40 = arith.constant 0 : index
    %swap3A_41 = vector.load %arg10[%swap3A, %swap3A_40] : memref<512x128xf32, #tpu.memory_space<vmem>>, vector<512x128xf32>
    tpu.vector_store %arg10[%swap3A, %swap3A_40], %concatenate3A {strides = array<i32>} : memref<512x128xf32, #tpu.memory_space<vmem>>, vector<512x128xf32>,
    %concatenate3A_42 = tpu.concatenate %dot_general3A_31, %dot_general3A_39 in 1 : vector<512x64xf32>, vector<512x64xf32> -> vector<512x128xf32>
    %swap3A_43 = arith.constant 0 : index
    %swap3A_44 = arith.constant 0 : index
    %swap3A_45 = vector.load %arg11[%swap3A_43, %swap3A_44] : memref<512x128xf32, #tpu.memory_space<vmem>>, vector<512x128xf32>
    tpu.vector_store %arg11[%swap3A_43, %swap3A_44], %concatenate3A_42 {strides = array<i32>} : memref<512x128xf32, #tpu.memory_space<vmem>>, vector<512x128xf32>,
    %get3A_46 = arith.constant 0 : index
    %get3A_47 = arith.constant 0 : index
    %get3A_48 = vector.load %arg7[%get3A_46, %get3A_47] : memref<128x128xf32, #tpu.memory_space<vmem>>, vector<128x128xf32>
    %dot_general3A_49 = arith.constant dense<0.000000e+00> : vector<512x128xf32>
    %dot_general3A_50 = tpu.matmul %max3A_11, %get3A_48, %dot_general3A_49 {dimension_numbers = #tpu.dot_dimension_numbers<[1], [0], [0], [1], [0, 0, 1, 1], [], []>, transpose_lhs_hint = false} : vector<512x128xf32>, vector<128x128xf32>, vector<512x128xf32> -> vector<512x128xf32>
    %swap3A_51 = arith.constant 0 : index
    %swap3A_52 = arith.constant 0 : index
    %swap3A_53 = vector.load %arg12[%swap3A_51, %swap3A_52] : memref<512x128xf32, #tpu.memory_space<vmem>>, vector<512x128xf32>
    tpu.vector_store %arg12[%swap3A_51, %swap3A_52], %dot_general3A_50 {strides = array<i32>} : memref<512x128xf32, #tpu.memory_space<vmem>>, vector<512x128xf32>,
    return
  }
  func.func @transform_0(%arg0: i32) -> (i32, i32) {
    %c0_i32 = arith.constant 0 : i32
    %c0_i32_0 = arith.constant 0 : i32
    return %arg0, %c0_i32 : i32, i32
  }
  func.func @transform_1(%arg0: i32) -> (i32, i32) {
    %c0_i32 = arith.constant 0 : i32
    %c0_i32_0 = arith.constant 0 : i32
    return %arg0, %c0_i32 : i32, i32
  }
  func.func @transform_2(%arg0: i32) -> (i32, i32) {
    %c0_i32 = arith.constant 0 : i32
    %c0_i32_0 = arith.constant 0 : i32
    %c0_i32_1 = arith.constant 0 : i32
    return %c0_i32, %c0_i32_0 : i32, i32
  }
  func.func @transform_3(%arg0: i32) -> (i32, i32) {
    %c0_i32 = arith.constant 0 : i32
    %c0_i32_0 = arith.constant 0 : i32
    %c0_i32_1 = arith.constant 0 : i32
    return %c0_i32, %c0_i32_0 : i32, i32
  }
  func.func @transform_4(%arg0: i32) -> (i32, i32) {
    %c0_i32 = arith.constant 0 : i32
    %c0_i32_0 = arith.constant 0 : i32
    %c0_i32_1 = arith.constant 0 : i32
    return %c0_i32, %c0_i32_0 : i32, i32
  }
  func.func @transform_5(%arg0: i32) -> (i32, i32) {
    %c0_i32 = arith.constant 0 : i32
    %c0_i32_0 = arith.constant 0 : i32
    %c0_i32_1 = arith.constant 0 : i32
    return %c0_i32, %c0_i32_0 : i32, i32
  }
  func.func @transform_6(%arg0: i32) -> (i32, i32) {
    %c0_i32 = arith.constant 0 : i32
    %c0_i32_0 = arith.constant 0 : i32
    %c0_i32_1 = arith.constant 0 : i32
    return %c0_i32, %c0_i32_0 : i32, i32
  }
  func.func @transform_7(%arg0: i32) -> (i32, i32) {
    %c0_i32 = arith.constant 0 : i32
    %c0_i32_0 = arith.constant 0 : i32
    %c0_i32_1 = arith.constant 0 : i32
    return %c0_i32, %c0_i32_0 : i32, i32
  }
  func.func @transform_8(%arg0: i32) -> (i32, i32) {
    %c0_i32 = arith.constant 0 : i32
    %c0_i32_0 = arith.constant 0 : i32
    %c0_i32_1 = arith.constant 0 : i32
    return %c0_i32, %c0_i32_0 : i32, i32
  }
  func.func @transform_9(%arg0: i32) -> (i32, i32) {
    %c0_i32 = arith.constant 0 : i32
    %c0_i32_0 = arith.constant 0 : i32
    return %arg0, %c0_i32 : i32, i32
  }
  func.func @transform_10(%arg0: i32) -> (i32, i32) {
    %c0_i32 = arith.constant 0 : i32
    %c0_i32_0 = arith.constant 0 : i32
    return %arg0, %c0_i32 : i32, i32
  }
  func.func @transform_11(%arg0: i32) -> (i32, i32) {
    %c0_i32 = arith.constant 0 : i32
    %c0_i32_0 = arith.constant 0 : i32
    return %arg0, %c0_i32 : i32, i32
  }
}

module attributes {stable_mosaic.version = 14 : i64} {
  func.func @_edge_mlp_kernel(%arg0: i32, %arg1: memref<4096x128xf32, #tpu.memory_space<vmem>>, %arg2: memref<4096x128xf32, #tpu.memory_space<vmem>>, %arg3: memref<1x64xf32, #tpu.memory_space<vmem>>, %arg4: memref<64x128xf32, #tpu.memory_space<vmem>>, %arg5: memref<1x128xf32, #tpu.memory_space<vmem>>, %arg6: memref<128x64xf32, #tpu.memory_space<vmem>>, %arg7: memref<1x64xf32, #tpu.memory_space<vmem>>, %arg8: memref<64x128xf32, #tpu.memory_space<vmem>>, %arg9: memref<1x128xf32, #tpu.memory_space<vmem>>, %arg10: memref<4096x128xf32, #tpu.memory_space<vmem>>, %arg11: memref<4096x128xf32, #tpu.memory_space<vmem>>) attributes {dimension_semantics = [#tpu.dimension_semantics<arbitrary>], iteration_bounds = array<i64: 42>, scalar_prefetch = 0 : i64, scratch_operands = 0 : i64, tpu.core_type = #tpu.core_type<tc>, window_params = [{transform_indices = @transform_0, window_bounds = array<i64: 4096, 128>}, {transform_indices = @transform_1, window_bounds = array<i64: 4096, 128>}, {pipeline_mode = #tpu.pipeline_mode<synchronous>, transform_indices = @transform_2, window_bounds = array<i64: 1, 64>}, {pipeline_mode = #tpu.pipeline_mode<synchronous>, transform_indices = @transform_3, window_bounds = array<i64: 64, 128>}, {pipeline_mode = #tpu.pipeline_mode<synchronous>, transform_indices = @transform_4, window_bounds = array<i64: 1, 128>}, {pipeline_mode = #tpu.pipeline_mode<synchronous>, transform_indices = @transform_5, window_bounds = array<i64: 128, 64>}, {pipeline_mode = #tpu.pipeline_mode<synchronous>, transform_indices = @transform_6, window_bounds = array<i64: 1, 64>}, {pipeline_mode = #tpu.pipeline_mode<synchronous>, transform_indices = @transform_7, window_bounds = array<i64: 64, 128>}, {pipeline_mode = #tpu.pipeline_mode<synchronous>, transform_indices = @transform_8, window_bounds = array<i64: 1, 128>}, {transform_indices = @transform_9, window_bounds = array<i64: 4096, 128>}, {transform_indices = @transform_10, window_bounds = array<i64: 4096, 128>}]} {
    %get3A = arith.constant 0 : index
    %get3A_0 = arith.constant 0 : index
    %get3A_1 = vector.load %arg1[%get3A, %get3A_0] : memref<4096x128xf32, #tpu.memory_space<vmem>>, vector<4096x128xf32>
    %slice3A = vector.extract_strided_slice %get3A_1 {offsets = [0, 64], sizes = [4096, 64], strides = [1, 1]} : vector<4096x128xf32> to vector<4096x64xf32>
    %get3A_2 = arith.constant 0 : index
    %get3A_3 = arith.constant 0 : index
    %get3A_4 = vector.load %arg3[%get3A_2, %get3A_3] : memref<1x64xf32, #tpu.memory_space<vmem>>, vector<1x64xf32>
    %add3A = vector.broadcast %get3A_4 : vector<1x64xf32> to vector<4096x64xf32>
    %add3A_5 = arith.addf %slice3A, %add3A : vector<4096x64xf32>
    %max3A = arith.constant 0.000000e+00 : f32
    %max3A_6 = vector.broadcast %max3A : f32 to vector<4096x64xf32>
    %max3A_7 = arith.maximumf %add3A_5, %max3A_6 : vector<4096x64xf32>
    %get3A_8 = arith.constant 0 : index
    %get3A_9 = arith.constant 0 : index
    %get3A_10 = vector.load %arg4[%get3A_8, %get3A_9] : memref<64x128xf32, #tpu.memory_space<vmem>>, vector<64x128xf32>
    %dot_general3A = arith.constant dense<0.000000e+00> : vector<4096x128xf32>
    %dot_general3A_11 = tpu.matmul %max3A_7, %get3A_10, %dot_general3A {dimension_numbers = #tpu.dot_dimension_numbers<[1], [0], [0], [1], [0, 0, 1, 1], [], []>, transpose_lhs_hint = false} : vector<4096x64xf32>, vector<64x128xf32>, vector<4096x128xf32> -> vector<4096x128xf32>
    %get3A_12 = arith.constant 0 : index
    %get3A_13 = arith.constant 0 : index
    %get3A_14 = vector.load %arg5[%get3A_12, %get3A_13] : memref<1x128xf32, #tpu.memory_space<vmem>>, vector<1x128xf32>
    %add3A_15 = vector.broadcast %get3A_14 : vector<1x128xf32> to vector<4096x128xf32>
    %add3A_16 = arith.addf %dot_general3A_11, %add3A_15 : vector<4096x128xf32>
    %max3A_17 = arith.constant 0.000000e+00 : f32
    %max3A_18 = vector.broadcast %max3A_17 : f32 to vector<4096x128xf32>
    %max3A_19 = arith.maximumf %add3A_16, %max3A_18 : vector<4096x128xf32>
    %get3A_20 = arith.constant 0 : index
    %get3A_21 = arith.constant 0 : index
    %get3A_22 = vector.load %arg6[%get3A_20, %get3A_21] : memref<128x64xf32, #tpu.memory_space<vmem>>, vector<128x64xf32>
    %dot_general3A_23 = arith.constant dense<0.000000e+00> : vector<4096x64xf32>
    %dot_general3A_24 = tpu.matmul %max3A_19, %get3A_22, %dot_general3A_23 {dimension_numbers = #tpu.dot_dimension_numbers<[1], [0], [0], [1], [0, 0, 1, 1], [], []>, transpose_lhs_hint = false} : vector<4096x128xf32>, vector<128x64xf32>, vector<4096x64xf32> -> vector<4096x64xf32>
    %slice3A_25 = vector.extract_strided_slice %get3A_1 {offsets = [0, 0], sizes = [4096, 64], strides = [1, 1]} : vector<4096x128xf32> to vector<4096x64xf32>
    %add3A_26 = arith.addf %slice3A_25, %dot_general3A_24 : vector<4096x64xf32>
    %get3A_27 = arith.constant 0 : index
    %get3A_28 = arith.constant 0 : index
    %get3A_29 = vector.load %arg7[%get3A_27, %get3A_28] : memref<1x64xf32, #tpu.memory_space<vmem>>, vector<1x64xf32>
    %add3A_30 = vector.broadcast %get3A_29 : vector<1x64xf32> to vector<4096x64xf32>
    %add3A_31 = arith.addf %add3A_26, %add3A_30 : vector<4096x64xf32>
    %max3A_32 = arith.constant 0.000000e+00 : f32
    %max3A_33 = vector.broadcast %max3A_32 : f32 to vector<4096x64xf32>
    %max3A_34 = arith.maximumf %add3A_31, %max3A_33 : vector<4096x64xf32>
    %get3A_35 = arith.constant 0 : index
    %get3A_36 = arith.constant 0 : index
    %get3A_37 = vector.load %arg8[%get3A_35, %get3A_36] : memref<64x128xf32, #tpu.memory_space<vmem>>, vector<64x128xf32>
    %dot_general3A_38 = arith.constant dense<0.000000e+00> : vector<4096x128xf32>
    %dot_general3A_39 = tpu.matmul %max3A_34, %get3A_37, %dot_general3A_38 {dimension_numbers = #tpu.dot_dimension_numbers<[1], [0], [0], [1], [0, 0, 1, 1], [], []>, transpose_lhs_hint = false} : vector<4096x64xf32>, vector<64x128xf32>, vector<4096x128xf32> -> vector<4096x128xf32>
    %get3A_40 = arith.constant 0 : index
    %get3A_41 = arith.constant 0 : index
    %get3A_42 = vector.load %arg9[%get3A_40, %get3A_41] : memref<1x128xf32, #tpu.memory_space<vmem>>, vector<1x128xf32>
    %add3A_43 = vector.broadcast %get3A_42 : vector<1x128xf32> to vector<4096x128xf32>
    %add3A_44 = arith.addf %dot_general3A_39, %add3A_43 : vector<4096x128xf32>
    %max3A_45 = arith.constant 0.000000e+00 : f32
    %max3A_46 = vector.broadcast %max3A_45 : f32 to vector<4096x128xf32>
    %max3A_47 = arith.maximumf %add3A_44, %max3A_46 : vector<4096x128xf32>
    %exp3A = math.exp %max3A_47 : vector<4096x128xf32>
    %swap3A = arith.constant 0 : index
    %swap3A_48 = arith.constant 0 : index
    %swap3A_49 = vector.load %arg10[%swap3A, %swap3A_48] : memref<4096x128xf32, #tpu.memory_space<vmem>>, vector<4096x128xf32>
    tpu.vector_store %arg10[%swap3A, %swap3A_48], %exp3A {strides = array<i32>} : memref<4096x128xf32, #tpu.memory_space<vmem>>, vector<4096x128xf32>,
    %get3A_50 = arith.constant 0 : index
    %get3A_51 = arith.constant 0 : index
    %get3A_52 = vector.load %arg2[%get3A_50, %get3A_51] : memref<4096x128xf32, #tpu.memory_space<vmem>>, vector<4096x128xf32>
    %add3A_53 = arith.addf %get3A_52, %max3A_19 : vector<4096x128xf32>
    %mul3A = arith.mulf %exp3A, %add3A_53 : vector<4096x128xf32>
    %swap3A_54 = arith.constant 0 : index
    %swap3A_55 = arith.constant 0 : index
    %swap3A_56 = vector.load %arg11[%swap3A_54, %swap3A_55] : memref<4096x128xf32, #tpu.memory_space<vmem>>, vector<4096x128xf32>
    tpu.vector_store %arg11[%swap3A_54, %swap3A_55], %mul3A {strides = array<i32>} : memref<4096x128xf32, #tpu.memory_space<vmem>>, vector<4096x128xf32>,
    return
  }
  func.func @transform_0(%arg0: i32) -> (i32, i32) {
    %c0_i32 = arith.constant 0 : i32
    %c0_i32_0 = arith.constant 0 : i32
    return %arg0, %c0_i32 : i32, i32
  }
  func.func @transform_1(%arg0: i32) -> (i32, i32) {
    %c0_i32 = arith.constant 0 : i32
    %c0_i32_0 = arith.constant 0 : i32
    return %arg0, %c0_i32 : i32, i32
  }
  func.func @transform_2(%arg0: i32) -> (i32, i32) {
    %c0_i32 = arith.constant 0 : i32
    %c0_i32_0 = arith.constant 0 : i32
    %c0_i32_1 = arith.constant 0 : i32
    return %c0_i32, %c0_i32_0 : i32, i32
  }
  func.func @transform_3(%arg0: i32) -> (i32, i32) {
    %c0_i32 = arith.constant 0 : i32
    %c0_i32_0 = arith.constant 0 : i32
    %c0_i32_1 = arith.constant 0 : i32
    return %c0_i32, %c0_i32_0 : i32, i32
  }
  func.func @transform_4(%arg0: i32) -> (i32, i32) {
    %c0_i32 = arith.constant 0 : i32
    %c0_i32_0 = arith.constant 0 : i32
    %c0_i32_1 = arith.constant 0 : i32
    return %c0_i32, %c0_i32_0 : i32, i32
  }
  func.func @transform_5(%arg0: i32) -> (i32, i32) {
    %c0_i32 = arith.constant 0 : i32
    %c0_i32_0 = arith.constant 0 : i32
    %c0_i32_1 = arith.constant 0 : i32
    return %c0_i32, %c0_i32_0 : i32, i32
  }
  func.func @transform_6(%arg0: i32) -> (i32, i32) {
    %c0_i32 = arith.constant 0 : i32
    %c0_i32_0 = arith.constant 0 : i32
    %c0_i32_1 = arith.constant 0 : i32
    return %c0_i32, %c0_i32_0 : i32, i32
  }
  func.func @transform_7(%arg0: i32) -> (i32, i32) {
    %c0_i32 = arith.constant 0 : i32
    %c0_i32_0 = arith.constant 0 : i32
    %c0_i32_1 = arith.constant 0 : i32
    return %c0_i32, %c0_i32_0 : i32, i32
  }
  func.func @transform_8(%arg0: i32) -> (i32, i32) {
    %c0_i32 = arith.constant 0 : i32
    %c0_i32_0 = arith.constant 0 : i32
    %c0_i32_1 = arith.constant 0 : i32
    return %c0_i32, %c0_i32_0 : i32, i32
  }
  func.func @transform_9(%arg0: i32) -> (i32, i32) {
    %c0_i32 = arith.constant 0 : i32
    %c0_i32_0 = arith.constant 0 : i32
    return %arg0, %c0_i32 : i32, i32
  }
  func.func @transform_10(%arg0: i32) -> (i32, i32) {
    %c0_i32 = arith.constant 0 : i32
    %c0_i32_0 = arith.constant 0 : i32
    return %arg0, %c0_i32 : i32, i32
  }
}

module attributes {stable_mosaic.version = 14 : i64} {
  func.func @_out_kernel(%arg0: i32, %arg1: memref<512x128xf32, #tpu.memory_space<vmem>>, %arg2: memref<512x128xf32, #tpu.memory_space<vmem>>, %arg3: memref<512x128xf32, #tpu.memory_space<vmem>>, %arg4: memref<512x128xf32, #tpu.memory_space<vmem>>, %arg5: memref<512x128xf32, #tpu.memory_space<vmem>>, %arg6: memref<512x128xf32, #tpu.memory_space<vmem>>, %arg7: memref<512x128xf32, #tpu.memory_space<vmem>>, %arg8: memref<512x128xf32, #tpu.memory_space<vmem>>, %arg9: memref<128x128xf32, #tpu.memory_space<vmem>>, %arg10: memref<1x128xf32, #tpu.memory_space<vmem>>, %arg11: memref<512x128xf32, #tpu.memory_space<vmem>>) attributes {dimension_semantics = [#tpu.dimension_semantics<arbitrary>], iteration_bounds = array<i64: 20>, scalar_prefetch = 0 : i64, scratch_operands = 0 : i64, tpu.core_type = #tpu.core_type<tc>, window_params = [{transform_indices = @transform_0, window_bounds = array<i64: 512, 128>}, {transform_indices = @transform_1, window_bounds = array<i64: 512, 128>}, {transform_indices = @transform_2, window_bounds = array<i64: 512, 128>}, {transform_indices = @transform_3, window_bounds = array<i64: 512, 128>}, {transform_indices = @transform_4, window_bounds = array<i64: 512, 128>}, {transform_indices = @transform_5, window_bounds = array<i64: 512, 128>}, {transform_indices = @transform_6, window_bounds = array<i64: 512, 128>}, {transform_indices = @transform_7, window_bounds = array<i64: 512, 128>}, {pipeline_mode = #tpu.pipeline_mode<synchronous>, transform_indices = @transform_8, window_bounds = array<i64: 128, 128>}, {pipeline_mode = #tpu.pipeline_mode<synchronous>, transform_indices = @transform_9, window_bounds = array<i64: 1, 128>}, {transform_indices = @transform_10, window_bounds = array<i64: 512, 128>}]} {
    %get3A = arith.constant 0 : index
    %get3A_0 = arith.constant 0 : index
    %get3A_1 = vector.load %arg1[%get3A, %get3A_0] : memref<512x128xf32, #tpu.memory_space<vmem>>, vector<512x128xf32>
    %get3A_2 = arith.constant 0 : index
    %get3A_3 = arith.constant 0 : index
    %get3A_4 = vector.load %arg2[%get3A_2, %get3A_3] : memref<512x128xf32, #tpu.memory_space<vmem>>, vector<512x128xf32>
    %add3A = arith.addf %get3A_1, %get3A_4 : vector<512x128xf32>
    %get3A_5 = arith.constant 0 : index
    %get3A_6 = arith.constant 0 : index
    %get3A_7 = vector.load %arg3[%get3A_5, %get3A_6] : memref<512x128xf32, #tpu.memory_space<vmem>>, vector<512x128xf32>
    %add3A_8 = arith.addf %add3A, %get3A_7 : vector<512x128xf32>
    %get3A_9 = arith.constant 0 : index
    %get3A_10 = arith.constant 0 : index
    %get3A_11 = vector.load %arg4[%get3A_9, %get3A_10] : memref<512x128xf32, #tpu.memory_space<vmem>>, vector<512x128xf32>
    %add3A_12 = arith.addf %add3A_8, %get3A_11 : vector<512x128xf32>
    %get3A_13 = arith.constant 0 : index
    %get3A_14 = arith.constant 0 : index
    %get3A_15 = vector.load %arg5[%get3A_13, %get3A_14] : memref<512x128xf32, #tpu.memory_space<vmem>>, vector<512x128xf32>
    %get3A_16 = arith.constant 0 : index
    %get3A_17 = arith.constant 0 : index
    %get3A_18 = vector.load %arg6[%get3A_16, %get3A_17] : memref<512x128xf32, #tpu.memory_space<vmem>>, vector<512x128xf32>
    %add3A_19 = arith.addf %get3A_15, %get3A_18 : vector<512x128xf32>
    %get3A_20 = arith.constant 0 : index
    %get3A_21 = arith.constant 0 : index
    %get3A_22 = vector.load %arg7[%get3A_20, %get3A_21] : memref<512x128xf32, #tpu.memory_space<vmem>>, vector<512x128xf32>
    %add3A_23 = arith.addf %add3A_19, %get3A_22 : vector<512x128xf32>
    %get3A_24 = arith.constant 0 : index
    %get3A_25 = arith.constant 0 : index
    %get3A_26 = vector.load %arg8[%get3A_24, %get3A_25] : memref<512x128xf32, #tpu.memory_space<vmem>>, vector<512x128xf32>
    %add3A_27 = arith.addf %add3A_23, %get3A_26 : vector<512x128xf32>
    %add3A_28 = arith.constant 1.000000e-16 : f32
    %add3A_29 = vector.broadcast %add3A_28 : f32 to vector<512x128xf32>
    %add3A_30 = arith.addf %add3A_27, %add3A_29 : vector<512x128xf32>
    %div3A = arith.divf %add3A_12, %add3A_30 : vector<512x128xf32>
    %get3A_31 = arith.constant 0 : index
    %get3A_32 = arith.constant 0 : index
    %get3A_33 = vector.load %arg9[%get3A_31, %get3A_32] : memref<128x128xf32, #tpu.memory_space<vmem>>, vector<128x128xf32>
    %dot_general3A = arith.constant dense<0.000000e+00> : vector<512x128xf32>
    %dot_general3A_34 = tpu.matmul %div3A, %get3A_33, %dot_general3A {dimension_numbers = #tpu.dot_dimension_numbers<[1], [0], [0], [1], [0, 0, 1, 1], [], []>, transpose_lhs_hint = false} : vector<512x128xf32>, vector<128x128xf32>, vector<512x128xf32> -> vector<512x128xf32>
    %get3A_35 = arith.constant 0 : index
    %get3A_36 = arith.constant 0 : index
    %get3A_37 = vector.load %arg10[%get3A_35, %get3A_36] : memref<1x128xf32, #tpu.memory_space<vmem>>, vector<1x128xf32>
    %add3A_38 = vector.broadcast %get3A_37 : vector<1x128xf32> to vector<512x128xf32>
    %add3A_39 = arith.addf %dot_general3A_34, %add3A_38 : vector<512x128xf32>
    %max3A = arith.constant 0.000000e+00 : f32
    %max3A_40 = vector.broadcast %max3A : f32 to vector<512x128xf32>
    %max3A_41 = arith.maximumf %add3A_39, %max3A_40 : vector<512x128xf32>
    %swap3A = arith.constant 0 : index
    %swap3A_42 = arith.constant 0 : index
    %swap3A_43 = vector.load %arg11[%swap3A, %swap3A_42] : memref<512x128xf32, #tpu.memory_space<vmem>>, vector<512x128xf32>
    tpu.vector_store %arg11[%swap3A, %swap3A_42], %max3A_41 {strides = array<i32>} : memref<512x128xf32, #tpu.memory_space<vmem>>, vector<512x128xf32>,
    return
  }
  func.func @transform_0(%arg0: i32) -> (i32, i32) {
    %c0_i32 = arith.constant 0 : i32
    %c0_i32_0 = arith.constant 0 : i32
    return %arg0, %c0_i32 : i32, i32
  }
  func.func @transform_1(%arg0: i32) -> (i32, i32) {
    %add3A = arith.constant 20 : i32
    %add3A_0 = arith.addi %arg0, %add3A : i32
    %c0_i32 = arith.constant 0 : i32
    %c0_i32_1 = arith.constant 0 : i32
    return %add3A_0, %c0_i32 : i32, i32
  }
  func.func @transform_2(%arg0: i32) -> (i32, i32) {
    %c0_i32 = arith.constant 0 : i32
    %c0_i32_0 = arith.constant 0 : i32
    return %arg0, %c0_i32 : i32, i32
  }
  func.func @transform_3(%arg0: i32) -> (i32, i32) {
    %add3A = arith.constant 20 : i32
    %add3A_0 = arith.addi %arg0, %add3A : i32
    %c0_i32 = arith.constant 0 : i32
    %c0_i32_1 = arith.constant 0 : i32
    return %add3A_0, %c0_i32 : i32, i32
  }
  func.func @transform_4(%arg0: i32) -> (i32, i32) {
    %c0_i32 = arith.constant 0 : i32
    %c0_i32_0 = arith.constant 0 : i32
    return %arg0, %c0_i32 : i32, i32
  }
  func.func @transform_5(%arg0: i32) -> (i32, i32) {
    %add3A = arith.constant 20 : i32
    %add3A_0 = arith.addi %arg0, %add3A : i32
    %c0_i32 = arith.constant 0 : i32
    %c0_i32_1 = arith.constant 0 : i32
    return %add3A_0, %c0_i32 : i32, i32
  }
  func.func @transform_6(%arg0: i32) -> (i32, i32) {
    %c0_i32 = arith.constant 0 : i32
    %c0_i32_0 = arith.constant 0 : i32
    return %arg0, %c0_i32 : i32, i32
  }
  func.func @transform_7(%arg0: i32) -> (i32, i32) {
    %add3A = arith.constant 20 : i32
    %add3A_0 = arith.addi %arg0, %add3A : i32
    %c0_i32 = arith.constant 0 : i32
    %c0_i32_1 = arith.constant 0 : i32
    return %add3A_0, %c0_i32 : i32, i32
  }
  func.func @transform_8(%arg0: i32) -> (i32, i32) {
    %c0_i32 = arith.constant 0 : i32
    %c0_i32_0 = arith.constant 0 : i32
    %c0_i32_1 = arith.constant 0 : i32
    return %c0_i32, %c0_i32_0 : i32, i32
  }
  func.func @transform_9(%arg0: i32) -> (i32, i32) {
    %c0_i32 = arith.constant 0 : i32
    %c0_i32_0 = arith.constant 0 : i32
    %c0_i32_1 = arith.constant 0 : i32
    return %c0_i32, %c0_i32_0 : i32, i32
  }
  func.func @transform_10(%arg0: i32) -> (i32, i32) {
    %c0_i32 = arith.constant 0 : i32
    %c0_i32_0 = arith.constant 0 : i32
    return %arg0, %c0_i32 : i32, i32
  }
}

</mosaic_0001>

<sc_bundles>
// kernel: kernel.10.cloned.1.call-start
scs
__scs_entry_jumppad:
0x0: {  	(pc) =	sbr.rel $0x88, $3  }
0x1: {  	(tag) =	ssettag $0x0;
	lr =	simm.s32 $0x1  }
0x2: {  	[smem:$0x3F8F] =	sst lr;
	_ =	strace $0xD0000000  }
0x3: {  	_ = 	snop  }
0x4: {  	_ = 	snop  }
0x5: {  	_ = 	snop  }
0x6: {  	_ = 	snop  }
0x7: {  	_ = 	snop  }
__scs_overlays_trampoline_lowered:
0x8: {  	[smem:$0x3F9E] =	sst s0  }
0x9: {  	[smem:$0x3F9F] =	sst s1  }
0xa: {  	[smem:$0x3FA0] =	sst s2  }
0xb: {  	[smem:$0x3FA1] =	sst s3  }
0xc: {  	[smem:$0x3FA2] =	sst s4  }
0xd: {  	[smem:$0x3FA3] =	sst s5  }
0xe: {  	[smem:$0x3FA4] =	sst s6  }
0xf: {  	[smem:$0x3FA5] =	sst s7  }
0x10: {  	[smem:$0x3FA6] =	sst s8  }
0x11: {  	[smem:$0x3FA7] =	sst s9;
	s0 =	simm.s32 @!p0 $0x0  }
0x12: {  	s1 =	sld [smem:$0x3F8D];
	s0 =	simm.s32 @p0 $0x1  }
0x13: {  	[smem:$0x3FA8] =	sst s0;
	s0 =	simm.s32 @!p1 $0x0  }
0x14: {  	s2 =	sld [smem:$0x3F8C];
	s0 =	simm.s32 @p1 $0x1  }
0x15: {  	[smem:$0x3FA9] =	sst s0;
	s0 =	simm.s32 @!p2 $0x0  }
0x16: {  	s3 =	sld [smem:$0x3FDB];
	s0 =	simm.s32 @p2 $0x1  }
0x17: {  	s4 =	simm.s32 $0x1BF5;
	[smem:$0x3FAB] =	sst s0  }
0x18: {  	s0 =	sld [smem:$0x3F8E];
	_ =	swait.ge [sflag:s4], $0x0  }
0x19: {  	s7 =	sld [smem:$0x3F8F]  }
0x1a: {  	s8 =	sadd.s32 $0xFFFFE003, lr  }
0x1b: {  	s9 =	sadd.s32 $0xFFFFFEF7, lr;
	s5 =	simm.s32 $0xFFFFFFFF;
	p2 =	slt.u32 s8, $0xFFFFF086  }
0x1c: {  	p1 =	slt.u32 s9, $0xF7A;
	s5 =	simm.s32 @!p2 $0x0  }
0x1d: {  	s5 =	simm.s32 @p1 $0x1;
	p0 =	seq.s32 s7, s2  }
0x1e: {  	s7 =	smul.u32 @!p0 $0xF7A, s2;
	p2 =	seq.s32 @!p0 s5, $0x0  }
0x1f: {  	s9 =	smul.u32 $0xF7A, s1;
	s8 =	simm.s32 @!p0 $0x1BF5;
	p2 =	por !p2, p0  }
0x20: {  	[sflag:s8] =	ssyncset.s32 @!p0 $0xFFFFF086;
	s6 =	sadd.s32 @!p0 s3, s7;
	s7 =	simm.s32 @!p0 $0x108  }
0x21: {  	s3 =	sadd.s32 s3, s9;
	s6 =	sadd.s32 @!p0 $0x88, s6;
	s7 =	simm.s32 @p2 $0x1082  }
0x22: {  	[simem:s7], [sflag:s8] =	dma.local @!p0 [hbm:s6], $0xF7A  }
0x23: {  	s9 =	sor.u32 $0xD0000000, s2;
	s6 =	simm.s32 $0x108;
	_ =	swait.ge @!p0 [sflag:s8], $0x0  }
0x24: {  	s3 =	sadd.s32 $0x88, s3;
	s6 =	simm.s32 @!p1 $0x1082;
	[sflag:s4] =	ssyncset.s32 $0xFFFFF086  }
0x25: {  	[simem:s6], [sflag:s4] =	dma.local [hbm:s3], $0xF7A  }
0x26: {  	[smem:$0x3F8F] =	sst s1;
	(tag) =	ssettag s2;
	_ =	strace s9  }
0x27: {  	s1 =	sld [smem:$0x3F9F]  }
0x28: {  	s2 =	sld [smem:$0x3FA0]  }
0x29: {  	s4 =	sld [smem:$0x3FA2]  }
0x2a: {  	p0 =	seq.s32 s5, $0x0;
	s5 =	sld [smem:$0x3FA3]  }
0x2b: {  	s6 =	sld [smem:$0x3FA4]  }
0x2c: {  	s7 =	sld [smem:$0x3FA5]  }
0x2d: {  	s3 =	simm.s32 $0x108;
	s8 =	sld [smem:$0x3FA6]  }
0x2e: {  	s3 =	simm.s32 @!p0 $0x1082;
	s9 =	sld [smem:$0x3FA7]  }
0x2f: {  	lr =	sadd.s32 s0, s3;
	s0 =	sld [smem:$0x3F9E]  }
0x30: {  	s3 =	sld [smem:$0x3FA1]  }
0x31: {  	[smem:$0x3FAA] =	sst s10  }
0x32: {  	s10 =	sld [smem:$0x3FA8];
	_ =	sdelay $0x3  }
0x33: {  	p0 =	seq.s32 s10, $0x1;
	s10 =	sld [smem:$0x3FAA];
	_ =	sdelay $0x3  }
0x34: {  	[smem:$0x3FAA] =	sst s10  }
0x35: {  	s10 =	sld [smem:$0x3FA9];
	_ =	sdelay $0x3  }
0x36: {  	p1 =	seq.s32 s10, $0x1;
	s10 =	sld [smem:$0x3FAA];
	_ =	sdelay $0x3  }
0x37: {  	[smem:$0x3FAA] =	sst s10  }
0x38: {  	s10 =	sld [smem:$0x3FAB]  }
0x39: {  	_ = 	snop;
	(pc) =	sbr.ind lr, $3  }
0x3a: {  	_ = 	snop  }
0x3b: {  	_ = 	snop  }
0x3c: {  	p2 =	seq.s32 s10, $0x1;
	s10 =	sld [smem:$0x3FAA]  }
0x3d: {  	_ =	shalt  }
0x3e: {  	_ =	shalt  }
0x3f: {  	_ =	shalt  }
0x40: {  	_ =	shalt  }
0x41: {  	_ =	shalt  }
0x42: {  	_ =	shalt  }
0x43: {  	_ =	shalt  }
0x44: {  	_ =	shalt  }
0x45: {  	_ =	shalt  }
0x46: {  	_ =	shalt  }
0x47: {  	_ =	shalt  }
0x48: {  	_ =	shalt  }
0x49: {  	_ =	shalt  }
0x4a: {  	_ =	shalt  }
0x4b: {  	_ =	shalt  }
0x4c: {  	_ =	shalt  }
0x4d: {  	_ =	shalt  }
0x4e: {  	_ =	shalt  }
0x4f: {  	_ =	shalt  }
0x50: {  	_ =	shalt  }
0x51: {  	_ =	shalt  }
0x52: {  	_ =	shalt  }
0x53: {  	_ =	shalt  }
0x54: {  	_ =	shalt  }
0x55: {  	_ =	shalt  }
0x56: {  	_ =	shalt  }
0x57: {  	_ =	shalt  }
0x58: {  	_ =	shalt  }
0x59: {  	_ =	shalt  }
0x5a: {  	_ =	shalt  }
0x5b: {  	_ =	shalt  }
0x5c: {  	_ =	shalt  }
0x5d: {  	_ =	shalt  }
0x5e: {  	_ =	shalt  }
0x5f: {  	_ =	shalt  }
0x60: {  	_ =	shalt  }
0x61: {  	_ =	shalt  }
0x62: {  	_ =	shalt  }
0x63: {  	_ =	shalt  }
0x64: {  	_ =	shalt  }
0x65: {  	_ =	shalt  }
0x66: {  	_ =	shalt  }
0x67: {  	_ =	shalt  }
0x68: {  	_ =	shalt  }
0x69: {  	_ =	shalt  }
0x6a: {  	_ =	shalt  }
0x6b: {  	_ =	shalt  }
0x6c: {  	_ =	shalt  }
0x6d: {  	_ =	shalt  }
0x6e: {  	_ =	shalt  }
0x6f: {  	_ =	shalt  }
0x70: {  	_ =	shalt  }
0x71: {  	_ =	shalt  }
0x72: {  	_ =	shalt  }
0x73: {  	_ =	shalt  }
0x74: {  	_ =	shalt  }
0x75: {  	_ =	shalt  }
0x76: {  	_ =	shalt  }
0x77: {  	_ =	shalt  }
0x78: {  	_ =	shalt  }
0x79: {  	_ =	shalt  }
0x7a: {  	_ =	shalt  }
0x7b: {  	_ =	shalt  }
0x7c: {  	_ =	shalt  }
0x7d: {  	_ =	shalt  }
0x7e: {  	_ =	shalt  }
0x7f: {  	_ =	shalt  }
0x80: {  	_ =	shalt  }
0x81: {  	_ =	shalt  }
0x82: {  	_ =	shalt  }
0x83: {  	_ =	shalt  }
0x84: {  	_ =	shalt  }
0x85: {  	_ =	shalt  }
0x86: {  	_ =	shalt  }
0x87: {  	_ =	shalt  }
.Lfunc_end0:
.L_simem_size_0:
called_computation_lowered:
.L_overlay_start_0:
0x88: {  	s2 =	sld [smem:$0x3FD9]  }
0x89: {  	s3 =	sld [smem:$0x3FFE];
	_ =	sdelay $0x1  }
0x8a: {  	s1 =	srdreg.scid  }
0x8b: {  	s0 =	sand.u32 $0x1, s1  }
0x8c: {  	s17 =	sshll.u32 s0, $0xA;
	s2 =	sadd.s32 s3, s2  }
0x8d: {  	s2 =	sadd.s32 s2, s17  }
0x8e: {  	[smem:$0x3FB6] =	sst s2  }
0x8f: {  	_ = 	snop  }
0x90: {  	s18 =	sld [smem:$0x3FD0];
	(tm) =	ssettm $0x1  }
0x91: {  	s19 =	sld [smem:$0x3FFB];
	_ =	sdelay $0x3  }
0x92: {  	_ =	strace s19  }
0x93: {  	s2 =	sld [smem:$0x3FFC];
	_ =	sdelay $0x3  }
0x94: {  	_ =	strace s2  }
0x95: {  	s2 =	sld [smem:$0x3FFD];
	_ =	sdelay $0x3  }
0x96: {  	_ =	strace s2  }
0x97: {  	_ =	strace $0x8FFFFFFF  }
0x98: {  	s20 =	sld [smem:$0x3FDB];
	_ =	sdelay $0x1  }
0x99: {  	s4 =	simm.s32 $_scs_section_size  }
0x9a: {  	s5 =	simm.s32 $_size__tile_overlayer_lowered;
	s6 =	simm.s32 $_tile_overlayer_lowered  }
0x9b: {  	s7 =	simm.s32 $0x1BFF;
	s21 =	sshll.u32 s6, $0x1;
	s4 =	sadd.s32 s4, s20  }
0x9c: {  	s22 =	simm.s32 $0x0;
	s5 =	sshll.u32 s5, $0x1;
	s6 =	sadd.s32 s21, s4  }
0x9d: {  	[timem:s22], [sflag:s7] =	dma.local [hbm:s6], s5  }
0x9e: {  	_ =	swait.ge [sflag:s7], s5  }
0x9f: {  	s5 =	ssub.s32 $0x0, s5;
	[sflag:s7] =	ssyncset.done $0x0  }
0xa0: {  	[sflag:s7] =	ssyncadd.s32 s5;
	_ =	sdelay $0x1  }
0xa1: {  	s23 =	simm.s32 $0x1B8B  }
0xa2: {  	_ =	swait.ge [sflag:s23], $0x1  }
0xa3: {  	[sflag:s23] =	ssyncset.done $0x0  }
0xa4: {  	[sflag:s23] =	ssyncadd.s32 $0xFFFFFFFF  }
0xa5: {  	s5 =	sld [smem:$0x0]  }
0xa6: {  	s6 =	sand.u32 $0xFFFFFFFE, s1  }
0xa7: {  	p0 =	sne.s32 s1, s6  }
0xa8: {  	s6 =	sshll.u32 @p0 s6, $0xE  }
0xa9: {  	s6 =	sadd.s32 @p0 $0x11B8D, s6;
	s7 =	sshll.u32 @p0 s5, $0x11  }
0xaa: {  	s6 =	sor.u32 @p0 s7, s6  }
0xab: {  	[sflag:s6] =	ssyncadd.remote.s32 @p0 $0x1;
	_ =	sdelay $0x1  }
0xac: {  	s6 =	simm.s32 @p0 $0x1B8D  }
0xad: {  	_ =	swait.eq @p0 [sflag:s6], $0x1  }
0xae: {  	[sflag:s6] =	ssyncadd.s32 @p0 $0xFFFFFFFF  }
0xaf: {  	s7 =	sshll.u32 @!p0 s1, $0xE  }
0xb0: {  	s7 =	sor.u32 @!p0 $0x4000, s7;
	s6 =	simm.s32 @!p0 $0x1B8D  }
0xb1: {  	s5 =	sshll.u32 @!p0 s5, $0x11;
	s7 =	sadd.s32 @!p0 $0x11B8D, s7;
	_ =	swait.eq @!p0 [sflag:s6], $0x1  }
0xb2: {  	s5 =	sor.u32 @!p0 s5, s7;
	[sflag:s6] =	ssyncadd.s32 @!p0 $0xFFFFFFFF  }
0xb3: {  	s25 =	simm.s32 $0x1B8E;
	s24 =	sld [smem:$0x3FFE];
	[sflag:s5] =	ssyncadd.remote.s32 @!p0 $0x1  }
0xb4: {  	s26 =	simm.s32 $execute0_lowered;
	[smem:$0x3FD2] =	sst s25  }
0xb5: {  	s6 =	sshll.u32 s26, $0x1;
	_ =	strace $0x80000049;
	[dreg:$0x1] =	wrdreg $0xFFFFFFFF  }
0xb6: {  	s28 =	simm.s32 $_size_execute0_lowered;
	s4 =	sadd.s32 s4, s6;
	[dreg:$0x0] =	wrdreg $0x0  }
0xb7: {  	s6 =	sshll.u32 s28, $0x1;
	[dreg:$0x2] =	wrdreg s4  }
0xb8: {  	[dreg:$0x3] =	wrdreg s6  }
0xb9: {  	[dreg:$0x4] =	wrdreg $0xC0  }
0xba: {  	_ =	task [dreg:s22], $0x5FFFF  }
0xbb: {  	[dreg:$0x1] =	wrdreg $0xFFFFFFFF  }
0xbc: {  	[dreg:$0x0] =	wrdreg $0x60  }
0xbd: {  	[dreg:$0x2] =	wrdreg s24  }
0xbe: {  	[dreg:$0x3] =	wrdreg s18  }
0xbf: {  	[dreg:$0x4] =	wrdreg $0x9  }
0xc0: {  	_ =	task.clear_ibuf [dreg:s22], $0x5FFFF;
	_ =	strace $0x90000049  }
0xc1: {  	s29 =	simm.s32 $0x9;
	_ =	strace $0x8000004B  }
0xc2: {  	_ =	swait.ge [sflag:s29], $0x1  }
0xc3: {  	[sflag:s29] =	ssyncadd.s32 $0xFFFFFFFF  }
0xc4: {  	_ =	strace $0x9000004B  }
0xc5: {  	_ =	sfence  }
0xc6: {  	s30 =	sld [smem:$0x0];
	_ =	sdelay $0x2  }
0xc7: {  	s31 =	sshll.u32 s1, $0xD;
	s1 =	sshrl.u32 s1, $0x2  }
0xc8: {  	s4 =	sand.u32 $0x4000, s31;
	s1 =	sadd.s32 s1, s30  }
0xc9: {  	s0 =	sor.u32 s4, s0;
	s1 =	sshll.u32 s1, $0x11  }
0xca: {  	s0 =	sor.u32 s1, s0  }
0xcb: {  	s0 =	sadd.s32 $0x8F2B, s0  }
0xcc: {  	[sflag:s0] =	ssyncadd.remote.s32 $0x1  }
0xcd: {  	_ =	sfence.sel $0xFFFF  }
0xce: {  	[dreg:$0x0] =	wrdreg $0xFFFFFFFF;
	(pc) =	sbr.abs _section_cstart, $3  }
0xcf: {  	[dreg:$0x1] =	wrdreg $0xFFFFFFFF  }
0xd0: {  	_ =	task.clear_ibuf [dreg:s22], $0x2FFFF;
	_ =	strace $0x9FFFFFFF  }
0xd1: {  	(tm) =	ssettm $0x7FFFFFFF  }
tec
execute0_lowered:
.L_overlay_start_1:
0x0: {  	(tag) =	ssettag $0x1  }
0x1: {  	s0 =	rddreg [dreg:$0x0]  }
0x2: {  	s1 =	rddreg [dreg:$0x1];
	s3 =	simm.s32 $0x0  }
0x3: {  	s2 =	srdreg.scid;
	s4 =	stileid.u32;
	s17 =	simm.s32 $0x80  }
0x4: {  	s21 =	simm.s32 $0x100;
	s28 =	simm.s32 $0x2;
	s29 =	simm.s32 $0x3  }
0x5: {  	s30 =	simm.s32 $0x4;
	s31 =	simm.s32 $0x5;
	s19 =	simm.s32 $0x8  }
0x6: {  	s12 =	simm.s32 $0xA;
	s14 =	simm.s32 $0x0;
	[smem:$0x7FF] =	sst s3  }
0x7: {  	s2 =	sand.u32 $0x1, s2;
	s6 =	sshll.u32 s4, $0x1;
	s4 =	sadd.s32 $0xF600, s0  }
0x8: {  	s5 =	sadd.s32 $0x37600, s0;
	s8 =	sadd.s32 $0x4E00, s0;
	s9 =	sadd.s32 $0x5C7600, s0  }
0x9: {  	s10 =	sadd.s32 $0x867600, s0;
	s7 =	sor.u32 s2, s6;
	s2 =	ssub.s32 $0x2, s2  }
0xa: {  	_ =	strace $0x8000004A;
	s7 =	smul.u32 $0x1500, s7;
	s11 =	sshrl.u32 s2, $0x1  }
0xb: {  	s6 =	sadd.s32 $0x5F600, s0;
	s22 =	ssub.s32 s2, s11;
	s11 =	simm.s32 $0x9  }
0xc: {  	s23 =	sshrl.u32 s7, $0x3;
	s0 =	smax.u32 s22, $0x1;
	s22 =	simm.s32 $0x180  }
0xd: {  	s24 =	sadd.s32 s1, s23;
	s25 =	sadd.s32 s8, s23;
	[dreg:$0x7] =	wrdreg s0  }
0xe: {  	s2 =	sor.u32 $0x10, s23;
	s23 =	simm.s32 $0xC200;
	[dreg:$0x3] =	wrdreg s24  }
0xf: {  	s0 =	simm.s32 $0x6;
	[dreg:$0x4] =	wrdreg s25;
	s26 =	sadd.s32 s1, s2  }
0x10: {  	s2 =	sadd.s32 s8, s2;
	s25 =	simm.s32 $0x14200;
	[dreg:$0x5] =	wrdreg s26  }
0x11: {  	[dreg:$0x6] =	wrdreg s2;
	s26 =	simm.s32 $0x1;
	s2 =	simm.s32 $0x7  }
.LBB2_1:
0x12: {  	[dreg:$0x8] =	wrdreg s14  }
0x13: {  	s13 =	rddreg [dreg:$0x3];
	s14 =	simm.s32 $0xB  }
0x14: {  	[tilespmem:s3], [sflag:$0xB] =	stream.linear.gather [hbm4b:s13+s3], $0x80, $0x38;
	[tilespmem:$0x18200] =	vst v63  }
0x15: {  	_ =	swait.ge [sflag:s14], $0x80  }
0x16: {  	[sflag:s14] =	ssyncset.done $0x0  }
0x17: {  	s24 =	rddreg [dreg:$0x4];
	[sflag:s14] =	ssyncadd.s32 $0xFFFFFF80  }
0x18: {  	[tilespmem:s17], [sflag:$0xB] =	stream.linear.gather [hbm4b:s24+s3], $0x80, $0x38;
	[tilespmem:$0x18200] =	vst v63  }
0x19: {  	_ =	swait.ge [sflag:s14], $0x80  }
0x1a: {  	[sflag:s14] =	ssyncset.done $0x0  }
0x1b: {  	s15 =	simm.s32 $0x200;
	[sflag:s14] =	ssyncadd.s32 $0xFFFFFF80  }
0x1c: {  	[tilespmem:s15], [sflag:$0x1] =	stream.indirect.gather [hbm4b:s4+s17], $0x80, s3, s17, $0xb8;
	[tilespmem:$0x18200] =	vst v63  }
0x1d: {  	s16 =	simm.s32 $0x4200  }
0x1e: {  	[tilespmem:s16], [sflag:$0x2] =	stream.indirect.gather [hbm4b:s5+s17], $0x80, s17, s17, $0xb8;
	[tilespmem:$0x18200] =	vst v63  }
0x1f: {  	s18 =	simm.s32 $0x8200  }
0x20: {  	[tilespmem:s18], [sflag:$0x3] =	stream.indirect.gather [hbm4b:s6+s17], $0x80, s17, s17, $0xb8;
	[tilespmem:$0x18200] =	vst v63  }
0x21: {  	s20 =	rddreg [dreg:$0x5]  }
0x22: {  	[tilespmem:s21], [sflag:$0xB] =	stream.linear.gather [hbm4b:s20+s3], $0x80, $0x38;
	[tilespmem:$0x18200] =	vst v63  }
0x23: {  	_ =	swait.ge [sflag:s14], $0x80  }
0x24: {  	[sflag:s14] =	ssyncset.done $0x0  }
0x25: {  	s24 =	rddreg [dreg:$0x6];
	[sflag:s14] =	ssyncadd.s32 $0xFFFFFF80  }
0x26: {  	[tilespmem:s22], [sflag:$0xB] =	stream.linear.gather [hbm4b:s24+s3], $0x80, $0x38;
	[tilespmem:$0x18200] =	vst v63  }
0x27: {  	_ =	swait.ge [sflag:s14], $0x80  }
0x28: {  	[sflag:s14] =	ssyncset.done $0x0  }
0x29: {  	[sflag:s14] =	ssyncadd.s32 $0xFFFFFF80;
	s14 =	simm.s32 $0x0  }
.LBB2_2:
0x2a: {  	[tilespmem:s23], [sflag:$0x4] =	stream.indirect.gather [hbm4b:s4+s17], $0x80, s21, s17, $0xb8;
	[tilespmem:$0x18200] =	vst v63  }
0x2b: {  	s13 =	simm.s32 $0x10200  }
0x2c: {  	[tilespmem:s13], [sflag:$0x5] =	stream.indirect.gather [hbm4b:s5+s17], $0x80, s22, s17, $0xb8;
	[tilespmem:$0x18200] =	vst v63  }
0x2d: {  	_ = 	snop  }
0x2e: {  	[tilespmem:s25], [sflag:$0x6] =	stream.indirect.gather [hbm4b:s6+s17], $0x80, s22, s17, $0xb8;
	[tilespmem:$0x18200] =	vst v63  }
0x2f: {  	_ =	swait.ge [sflag:s26], $0x4000  }
0x30: {  	[sflag:s26] =	ssyncset.done $0x0  }
0x31: {  	[sflag:s26] =	ssyncadd.s32 $0xFFFFC000  }
0x32: {  	_ =	swait.ge [sflag:s28], $0x4000  }
0x33: {  	s24 =	sshll.u32 s14, $0x8;
	[sflag:s28] =	ssyncset.done $0x0  }
0x34: {  	p0 =	seq.s32 s14, $0x14;
	s16 =	sadd.s32 s7, s24;
	[sflag:s28] =	ssyncadd.s32 $0xFFFFC000  }
0x35: {  	s15 =	sshrl.u32 @!p0 s16, $0x3;
	_ =	swait.ge [sflag:s29], $0x4000  }
0x36: {  	s13 =	sadd.s32 @!p0 $0x20, s15;
	[sflag:s29] =	ssyncset.done $0x0  }
0x37: {  	s18 =	simm.s32 @!p0 $0x0;
	s24 =	sadd.s32 @!p0 s1, s13;
	[sflag:s29] =	ssyncadd.s32 $0xFFFFC000  }
0x38: {  	[tilespmem:s18], [sflag:$0xB] =	stream.linear.gather @!p0 [hbm4b:s24+s18], $0x80, $0x38;
	[tilespmem:$0x18200] =	vst v63  }
0x39: {  	s24 =	simm.s32 @!p0 $0xB  }
0x3a: {  	_ =	swait.ge @!p0 [sflag:s24], $0x80  }
0x3b: {  	[sflag:s24] =	ssyncset.done @!p0 $0x0  }
0x3c: {  	s20 =	simm.s32 @!p0 $0x80;
	s13 =	sadd.s32 @!p0 s8, s13;
	[sflag:s24] =	ssyncadd.s32 @!p0 $0xFFFFFF80  }
0x3d: {  	[tilespmem:s20], [sflag:$0xB] =	stream.linear.gather @!p0 [hbm4b:s13+s18], $0x80, $0x38;
	[tilespmem:$0x18200] =	vst v63  }
0x3e: {  	_ =	swait.ge @!p0 [sflag:s24], $0x80  }
0x3f: {  	[sflag:s24] =	ssyncset.done @!p0 $0x0  }
0x40: {  	s13 =	simm.s32 $0x0;
	[sflag:s24] =	ssyncadd.s32 @!p0 $0xFFFFFF80  }
0x41: {  	v7 =	vld [tilespmem:s13+$0x4200]  }
0x42: {  	v11 =	vld [tilespmem:s13+$0x4210]  }
0x43: {  	v5 =	vld [tilespmem:s13+$0x4220]  }
0x44: {  	v4 =	vld [tilespmem:s13+$0x4230]  }
0x45: {  	v3 =	vld [tilespmem:s13+$0x4240]  }
0x46: {  	v2 =	vld [tilespmem:s13+$0x4250]  }
0x47: {  	v1 =	vld [tilespmem:s13+$0x4260]  }
0x48: {  	v0 =	vld [tilespmem:s13+$0x4270]  }
0x49: {  	v12 =	vld [tilespmem:s13+$0x200]  }
0x4a: {  	v13 =	vld [tilespmem:s13+$0x210]  }
0x4b: {  	v10 =	vld [tilespmem:s13+$0x220]  }
0x4c: {  	v9 =	vld [tilespmem:s13+$0x230]  }
0x4d: {  	v8 =	vld [tilespmem:s13+$0x240]  }
0x4e: {  	v6 =	vld [tilespmem:s13+$0x250];
	v12 =	vsub.f32 v12, v7  }
0x4f: {  	s24 =	simm.s32 $0x200;
	v11 =	vsub.f32 v13, v11;
	v7 =	vld [tilespmem:s13+$0x260]  }
.LBB2_3:
0x50: {  	s18 =	sshra.s32 s24, $0x2;
	p1 =	sne.s32 s24, $0xFE00;
	[tilespmem:s13+$0x200] =	vst v12;
	v5 =	vsub.f32 v10, v5;
	v10 =	vld [tilespmem:s13+$0x270]  }
0x51: {  	v12 =	vld [tilespmem:s18+$0x4200];
	[tilespmem:s13+$0x210] =	vst v11;
	v4 =	vsub.f32 v9, v4  }
0x52: {  	v11 =	vld [tilespmem:s18+$0x4210];
	[tilespmem:s13+$0x220] =	vst v5;
	v3 =	vsub.f32 v8, v3  }
0x53: {  	v5 =	vld [tilespmem:s18+$0x4220];
	[tilespmem:s13+$0x230] =	vst v4;
	v2 =	vsub.f32 v6, v2  }
0x54: {  	v4 =	vld [tilespmem:s18+$0x4230];
	[tilespmem:s13+$0x240] =	vst v3;
	v1 =	vsub.f32 v7, v1  }
0x55: {  	v3 =	vld [tilespmem:s18+$0x4240];
	[tilespmem:s13+$0x250] =	vst v2;
	v0 =	vsub.f32 v10, v0  }
0x56: {  	v2 =	vld [tilespmem:s18+$0x4250];
	[tilespmem:s13+$0x260] =	vst v1  }
0x57: {  	v1 =	vld [tilespmem:s18+$0x4260];
	[tilespmem:s13+$0x270] =	vst v0;
	s13 =	smov.u32 s18  }
0x58: {  	v0 =	vld [tilespmem:s13+$0x4270]  }
0x59: {  	v6 =	vld [tilespmem:s13+$0x200]  }
0x5a: {  	v7 =	vld [tilespmem:s13+$0x210]  }
.Ltmp0:
0x5b: {  	v10 =	vld [tilespmem:s13+$0x220];
	(pc) =	sbr.rel @p1 .LBB2_3-.Ltmp0, $4  }
0x5c: {  	v9 =	vld [tilespmem:s13+$0x230]  }
0x5d: {  	v8 =	vld [tilespmem:s13+$0x240]  }
0x5e: {  	v12 =	vsub.f32 v6, v12;
	v6 =	vld [tilespmem:s13+$0x250]  }
0x5f: {  	s24 =	sadd.s32 $0x200, s24;
	v11 =	vsub.f32 v7, v11;
	v7 =	vld [tilespmem:s13+$0x260]  }
0x60: {  	[tilespmem:s13+$0x200] =	vst v12;
	v5 =	vsub.f32 v10, v5;
	v10 =	vld [tilespmem:s13+$0x270]  }
0x61: {  	[tilespmem:s13+$0x210] =	vst v11;
	v4 =	vsub.f32 v9, v4  }
0x62: {  	[tilespmem:s13+$0x220] =	vst v5;
	v3 =	vsub.f32 v8, v3  }
0x63: {  	[tilespmem:s13+$0x230] =	vst v4;
	v2 =	vsub.f32 v6, v2  }
0x64: {  	[tilespmem:s13+$0x240] =	vst v3;
	v1 =	vsub.f32 v7, v1  }
0x65: {  	[tilespmem:s13+$0x250] =	vst v2;
	v0 =	vsub.f32 v10, v0  }
0x66: {  	s16 =	sshll.u32 s16, $0x4;
	[tilespmem:s13+$0x260] =	vst v1  }
0x67: {  	s18 =	simm.s32 $0x200;
	s24 =	sadd.s32 s9, s16;
	[tilespmem:s13+$0x270] =	vst v0  }
0x68: {  	[hbm4b:s24+s3] =	stream.linear.scatter [tilespmem:s18], [sflag:$0x7], $0x4000, $0x38;
	[tilespmem:$0x18200] =	vst v63  }
0x69: {  	s20 =	sadd.s32 s10, s16;
	s24 =	simm.s32 $0x8200  }
0x6a: {  	[hbm4b:s20+s3] =	stream.linear.scatter [tilespmem:s24], [sflag:$0x8], $0x4000, $0x38;
	[tilespmem:$0x18200] =	vst v63  }
0x6b: {  	_ =	swait.ge [sflag:s30], $0x4000  }
0x6c: {  	[sflag:s30] =	ssyncset.done $0x0  }
0x6d: {  	[sflag:s30] =	ssyncadd.s32 $0xFFFFC000  }
0x6e: {  	_ =	swait.ge [sflag:s31], $0x4000  }
0x6f: {  	[sflag:s31] =	ssyncset.done $0x0  }
0x70: {  	[sflag:s31] =	ssyncadd.s32 $0xFFFFC000  }
0x71: {  	s13 =	sadd.s32 @!p0 $0x30, s15;
	_ =	swait.ge [sflag:s0], $0x4000  }
0x72: {  	s15 =	sadd.s32 @!p0 s1, s13;
	[sflag:s0] =	ssyncset.done $0x0  }
0x73: {  	s18 =	simm.s32 @!p0 $0x0;
	s20 =	simm.s32 @!p0 $0x100;
	[sflag:s0] =	ssyncadd.s32 $0xFFFFC000  }
0x74: {  	[tilespmem:s20], [sflag:$0xB] =	stream.linear.gather @!p0 [hbm4b:s15+s18], $0x80, $0x38;
	[tilespmem:$0x18200] =	vst v63  }
0x75: {  	s15 =	simm.s32 @!p0 $0xB  }
0x76: {  	_ =	swait.ge @!p0 [sflag:s15], $0x80  }
0x77: {  	[sflag:s15] =	ssyncset.done @!p0 $0x0  }
0x78: {  	s13 =	sadd.s32 @!p0 s8, s13;
	s20 =	simm.s32 @!p0 $0x180;
	[sflag:s15] =	ssyncadd.s32 @!p0 $0xFFFFFF80  }
0x79: {  	[tilespmem:s20], [sflag:$0xB] =	stream.linear.gather @!p0 [hbm4b:s13+s18], $0x80, $0x38;
	[tilespmem:$0x18200] =	vst v63  }
0x7a: {  	_ =	swait.ge @!p0 [sflag:s15], $0x80  }
0x7b: {  	[sflag:s15] =	ssyncset.done @!p0 $0x0  }
0x7c: {  	s13 =	simm.s32 $0x0;
	[sflag:s15] =	ssyncadd.s32 @!p0 $0xFFFFFF80  }
0x7d: {  	v7 =	vld [tilespmem:s13+$0x10200]  }
0x7e: {  	v11 =	vld [tilespmem:s13+$0x10210]  }
0x7f: {  	v5 =	vld [tilespmem:s13+$0x10220]  }
0x80: {  	v4 =	vld [tilespmem:s13+$0x10230]  }
0x81: {  	v3 =	vld [tilespmem:s13+$0x10240]  }
0x82: {  	v2 =	vld [tilespmem:s13+$0x10250]  }
0x83: {  	v1 =	vld [tilespmem:s13+$0x10260]  }
0x84: {  	v0 =	vld [tilespmem:s13+$0x10270]  }
0x85: {  	v12 =	vld [tilespmem:s13+$0xC200]  }
0x86: {  	v13 =	vld [tilespmem:s13+$0xC210]  }
0x87: {  	v10 =	vld [tilespmem:s13+$0xC220]  }
0x88: {  	v9 =	vld [tilespmem:s13+$0xC230]  }
0x89: {  	v8 =	vld [tilespmem:s13+$0xC240]  }
0x8a: {  	v6 =	vld [tilespmem:s13+$0xC250];
	v12 =	vsub.f32 v12, v7  }
0x8b: {  	s15 =	simm.s32 $0x200;
	v11 =	vsub.f32 v13, v11;
	v7 =	vld [tilespmem:s13+$0xC260]  }
.LBB2_5:
0x8c: {  	s18 =	sshra.s32 s15, $0x2;
	p1 =	sne.s32 s15, $0xFE00;
	[tilespmem:s13+$0xC200] =	vst v12;
	v5 =	vsub.f32 v10, v5;
	v10 =	vld [tilespmem:s13+$0xC270]  }
0x8d: {  	v12 =	vld [tilespmem:s18+$0x10200];
	[tilespmem:s13+$0xC210] =	vst v11;
	v4 =	vsub.f32 v9, v4  }
0x8e: {  	v11 =	vld [tilespmem:s18+$0x10210];
	[tilespmem:s13+$0xC220] =	vst v5;
	v3 =	vsub.f32 v8, v3  }
0x8f: {  	v5 =	vld [tilespmem:s18+$0x10220];
	[tilespmem:s13+$0xC230] =	vst v4;
	v2 =	vsub.f32 v6, v2  }
0x90: {  	v4 =	vld [tilespmem:s18+$0x10230];
	[tilespmem:s13+$0xC240] =	vst v3;
	v1 =	vsub.f32 v7, v1  }
0x91: {  	v3 =	vld [tilespmem:s18+$0x10240];
	[tilespmem:s13+$0xC250] =	vst v2;
	v0 =	vsub.f32 v10, v0  }
0x92: {  	v2 =	vld [tilespmem:s18+$0x10250];
	[tilespmem:s13+$0xC260] =	vst v1  }
0x93: {  	v1 =	vld [tilespmem:s18+$0x10260];
	[tilespmem:s13+$0xC270] =	vst v0;
	s13 =	smov.u32 s18  }
0x94: {  	v0 =	vld [tilespmem:s13+$0x10270]  }
0x95: {  	v6 =	vld [tilespmem:s13+$0xC200]  }
0x96: {  	v7 =	vld [tilespmem:s13+$0xC210]  }
.Ltmp1:
0x97: {  	v10 =	vld [tilespmem:s13+$0xC220];
	(pc) =	sbr.rel @p1 .LBB2_5-.Ltmp1, $4  }
0x98: {  	v9 =	vld [tilespmem:s13+$0xC230]  }
0x99: {  	v8 =	vld [tilespmem:s13+$0xC240]  }
0x9a: {  	v12 =	vsub.f32 v6, v12;
	v6 =	vld [tilespmem:s13+$0xC250]  }
0x9b: {  	s15 =	sadd.s32 $0x200, s15;
	v11 =	vsub.f32 v7, v11;
	v7 =	vld [tilespmem:s13+$0xC260]  }
0x9c: {  	[tilespmem:s13+$0xC200] =	vst v12;
	v5 =	vsub.f32 v10, v5;
	v63 =	vld [tilespmem:s13+$0xC270]  }
0x9d: {  	[tilespmem:s13+$0xC210] =	vst v11;
	v4 =	vsub.f32 v9, v4  }
0x9e: {  	[tilespmem:s13+$0xC220] =	vst v5;
	v3 =	vsub.f32 v8, v3  }
0x9f: {  	[tilespmem:s13+$0xC230] =	vst v4;
	v2 =	vsub.f32 v6, v2  }
0xa0: {  	[tilespmem:s13+$0xC240] =	vst v3;
	v1 =	vsub.f32 v7, v1  }
0xa1: {  	[tilespmem:s13+$0xC250] =	vst v2;
	v0 =	vsub.f32 v63, v0  }
0xa2: {  	s15 =	sor.u32 $0x800, s16;
	[tilespmem:s13+$0xC260] =	vst v1  }
0xa3: {  	s20 =	sadd.s32 s9, s15;
	[tilespmem:s13+$0xC270] =	vst v0  }
0xa4: {  	[hbm4b:s20+s3] =	stream.linear.scatter [tilespmem:s23], [sflag:$0x9], $0x4000, $0x38;
	[tilespmem:$0x18200] =	vst v63  }
0xa5: {  	s24 =	sadd.s32 s10, s15  }
0xa6: {  	[hbm4b:s24+s3] =	stream.linear.scatter [tilespmem:s25], [sflag:$0xA], $0x4000, $0x38;
	[tilespmem:$0x18200] =	vst v63  }
0xa7: {  	_ =	swait.ge [sflag:s2], $0x4000  }
0xa8: {  	[sflag:s2] =	ssyncset.done $0x0  }
0xa9: {  	[sflag:s2] =	ssyncadd.s32 $0xFFFFC000  }
0xaa: {  	_ =	swait.ge [sflag:s19], $0x4000  }
0xab: {  	s16 =	simm.s32 @!p0 $0x200;
	[sflag:s19] =	ssyncset.done $0x0  }
0xac: {  	s15 =	simm.s32 @!p0 $0x0;
	s13 =	simm.s32 @!p0 $0x80;
	[sflag:s19] =	ssyncadd.s32 $0xFFFFC000  }
0xad: {  	[tilespmem:s16], [sflag:$0x1] =	stream.indirect.gather @!p0 [hbm4b:s4+s13], $0x80, s15, s13, $0xb8;
	[tilespmem:$0x18200] =	vst v63  }
0xae: {  	s15 =	simm.s32 @!p0 $0x4200  }
0xaf: {  	[tilespmem:s15], [sflag:$0x2] =	stream.indirect.gather @!p0 [hbm4b:s5+s13], $0x80, s13, s13, $0xb8;
	[tilespmem:$0x18200] =	vst v63  }
0xb0: {  	s14 =	sadd.s32 $0x1, s14;
	s15 =	simm.s32 @!p0 $0x8200  }
0xb1: {  	[tilespmem:s15], [sflag:$0x3] =	stream.indirect.gather @!p0 [hbm4b:s6+s13], $0x80, s13, s13, $0xb8;
	[tilespmem:$0x18200] =	vst v63  }
0xb2: {  	p0 =	sne.s32 s14, $0x15;
	_ =	swait.ge [sflag:s11], $0x4000  }
.Ltmp2:
0xb3: {  	[sflag:s11] =	ssyncset.done $0x0;
	(pc) =	sbr.rel @p0 .LBB2_2-.Ltmp2, $4  }
0xb4: {  	[sflag:s11] =	ssyncadd.s32 $0xFFFFC000  }
0xb5: {  	_ =	swait.ge [sflag:s12], $0x4000  }
0xb6: {  	[sflag:s12] =	ssyncset.done $0x0  }
0xb7: {  	[sflag:s12] =	ssyncadd.s32 $0xFFFFC000  }
0xb8: {  	s14 =	rddreg [dreg:$0x8]  }
0xb9: {  	s13 =	rddreg [dreg:$0x7];
	s14 =	sadd.s32 $0x1, s14  }
0xba: {  	p0 =	sne.s32 s14, s13  }
.Ltmp3:
0xbb: {  	_ = 	snop;
	(pc) =	sbr.rel @p0 .LBB2_1-.Ltmp3, $1  }
0xbc: {  	_ =	sdelay $0x3  }
0xbd: {  	_ =	sfence.sel $0x180000  }
0xbe: {  	[bflag:$0x0] =	sbarrier.arrive $0xFFFF  }
0xbf: {  	_ =	strace $0x9000004A  }
0xc0: {  	s0 =	stileid.u32;
	[bflag:$0x2] =	sbarrier.arrive $0xFFFF  }
0xc1: {  	p0 =	sne.s32 s0, $0x0;
	s0 =	rddreg [dreg:$0x2]  }
0xc2: {  	s0 =	sadd.s32 @!p0 $0x100000, s0  }
0xc3: {  	[sflag:s0] =	ssyncadd.tile.s32 @!p0 $0x1;
	_ =	shalt  }
.Lfunc_end2:
_tile_overlayer_lowered:
.L_overlay_start_2:
0xc4: {  	(tag) =	ssettag $0x2  }
0xc5: {  	s0 =	rddreg [dreg:$0x0];
	s2 =	stileid.u32  }
0xc6: {  	s1 =	rddreg [dreg:$0x1];
	p0 =	sne.s32 s2, $0x0  }
0xc7: {  	s3 =	rddreg [dreg:$0x2];
	[bflag:$0x3] =	sbarrier.arrive $0xFFFF;
	s2 =	simm.s32 @!p0 $0x1C0B  }
0xc8: {  	[timem:s3], [sflag:s2] =	dma.local @!p0 [hbm:s0], s1  }
0xc9: {  	s0 =	simm.s32 @!p0 $0xB  }
0xca: {  	_ =	swait.ge @!p0 [sflag:s0], s1  }
0xcb: {  	s1 =	ssub.s32 @!p0 $0x0, s1;
	[sflag:s0] =	ssyncset.done @!p0 $0x0  }
0xcc: {  	[sflag:s0] =	ssyncadd.s32 @!p0 s1  }
0xcd: {  	[bflag:$0x3] =	sbarrier.arrive $0xFFFF  }
0xce: {  	_ =	shalt  }

// kernel: kernel.13.cloned.1.call-start
scs
__scs_entry_jumppad:
0x0: {  	(pc) =	sbr.rel $0x88, $3  }
0x1: {  	(tag) =	ssettag $0x0;
	lr =	simm.s32 $0x1  }
0x2: {  	[smem:$0x3F8F] =	sst lr;
	_ =	strace $0xD0000000  }
0x3: {  	_ = 	snop  }
0x4: {  	_ = 	snop  }
0x5: {  	_ = 	snop  }
0x6: {  	_ = 	snop  }
0x7: {  	_ = 	snop  }
__scs_overlays_trampoline_lowered:
0x8: {  	[smem:$0x3F9E] =	sst s0  }
0x9: {  	[smem:$0x3F9F] =	sst s1  }
0xa: {  	[smem:$0x3FA0] =	sst s2  }
0xb: {  	[smem:$0x3FA1] =	sst s3  }
0xc: {  	[smem:$0x3FA2] =	sst s4  }
0xd: {  	[smem:$0x3FA3] =	sst s5  }
0xe: {  	[smem:$0x3FA4] =	sst s6  }
0xf: {  	[smem:$0x3FA5] =	sst s7  }
0x10: {  	[smem:$0x3FA6] =	sst s8  }
0x11: {  	[smem:$0x3FA7] =	sst s9;
	s0 =	simm.s32 @!p0 $0x0  }
0x12: {  	s1 =	sld [smem:$0x3F8D];
	s0 =	simm.s32 @p0 $0x1  }
0x13: {  	[smem:$0x3FA8] =	sst s0;
	s0 =	simm.s32 @!p1 $0x0  }
0x14: {  	s2 =	sld [smem:$0x3F8C];
	s0 =	simm.s32 @p1 $0x1  }
0x15: {  	[smem:$0x3FA9] =	sst s0;
	s0 =	simm.s32 @!p2 $0x0  }
0x16: {  	s3 =	sld [smem:$0x3FDB];
	s0 =	simm.s32 @p2 $0x1  }
0x17: {  	s4 =	simm.s32 $0x1BF5;
	[smem:$0x3FAB] =	sst s0  }
0x18: {  	s0 =	sld [smem:$0x3F8E];
	_ =	swait.ge [sflag:s4], $0x0  }
0x19: {  	s7 =	sld [smem:$0x3F8F]  }
0x1a: {  	s8 =	sadd.s32 $0xFFFFE003, lr  }
0x1b: {  	s9 =	sadd.s32 $0xFFFFFEF7, lr;
	s5 =	simm.s32 $0xFFFFFFFF;
	p2 =	slt.u32 s8, $0xFFFFF086  }
0x1c: {  	p1 =	slt.u32 s9, $0xF7A;
	s5 =	simm.s32 @!p2 $0x0  }
0x1d: {  	s5 =	simm.s32 @p1 $0x1;
	p0 =	seq.s32 s7, s2  }
0x1e: {  	s7 =	smul.u32 @!p0 $0xF7A, s2;
	p2 =	seq.s32 @!p0 s5, $0x0  }
0x1f: {  	s9 =	smul.u32 $0xF7A, s1;
	s8 =	simm.s32 @!p0 $0x1BF5;
	p2 =	por !p2, p0  }
0x20: {  	[sflag:s8] =	ssyncset.s32 @!p0 $0xFFFFF086;
	s6 =	sadd.s32 @!p0 s3, s7;
	s7 =	simm.s32 @!p0 $0x108  }
0x21: {  	s3 =	sadd.s32 s3, s9;
	s6 =	sadd.s32 @!p0 $0x88, s6;
	s7 =	simm.s32 @p2 $0x1082  }
0x22: {  	[simem:s7], [sflag:s8] =	dma.local @!p0 [hbm:s6], $0xF7A  }
0x23: {  	s9 =	sor.u32 $0xD0000000, s2;
	s6 =	simm.s32 $0x108;
	_ =	swait.ge @!p0 [sflag:s8], $0x0  }
0x24: {  	s3 =	sadd.s32 $0x88, s3;
	s6 =	simm.s32 @!p1 $0x1082;
	[sflag:s4] =	ssyncset.s32 $0xFFFFF086  }
0x25: {  	[simem:s6], [sflag:s4] =	dma.local [hbm:s3], $0xF7A  }
0x26: {  	[smem:$0x3F8F] =	sst s1;
	(tag) =	ssettag s2;
	_ =	strace s9  }
0x27: {  	s1 =	sld [smem:$0x3F9F]  }
0x28: {  	s2 =	sld [smem:$0x3FA0]  }
0x29: {  	s4 =	sld [smem:$0x3FA2]  }
0x2a: {  	p0 =	seq.s32 s5, $0x0;
	s5 =	sld [smem:$0x3FA3]  }
0x2b: {  	s6 =	sld [smem:$0x3FA4]  }
0x2c: {  	s7 =	sld [smem:$0x3FA5]  }
0x2d: {  	s3 =	simm.s32 $0x108;
	s8 =	sld [smem:$0x3FA6]  }
0x2e: {  	s3 =	simm.s32 @!p0 $0x1082;
	s9 =	sld [smem:$0x3FA7]  }
0x2f: {  	lr =	sadd.s32 s0, s3;
	s0 =	sld [smem:$0x3F9E]  }
0x30: {  	s3 =	sld [smem:$0x3FA1]  }
0x31: {  	[smem:$0x3FAA] =	sst s10  }
0x32: {  	s10 =	sld [smem:$0x3FA8];
	_ =	sdelay $0x3  }
0x33: {  	p0 =	seq.s32 s10, $0x1;
	s10 =	sld [smem:$0x3FAA];
	_ =	sdelay $0x3  }
0x34: {  	[smem:$0x3FAA] =	sst s10  }
0x35: {  	s10 =	sld [smem:$0x3FA9];
	_ =	sdelay $0x3  }
0x36: {  	p1 =	seq.s32 s10, $0x1;
	s10 =	sld [smem:$0x3FAA];
	_ =	sdelay $0x3  }
0x37: {  	[smem:$0x3FAA] =	sst s10  }
0x38: {  	s10 =	sld [smem:$0x3FAB]  }
0x39: {  	_ = 	snop;
	(pc) =	sbr.ind lr, $3  }
0x3a: {  	_ = 	snop  }
0x3b: {  	_ = 	snop  }
0x3c: {  	p2 =	seq.s32 s10, $0x1;
	s10 =	sld [smem:$0x3FAA]  }
0x3d: {  	_ =	shalt  }
0x3e: {  	_ =	shalt  }
0x3f: {  	_ =	shalt  }
0x40: {  	_ =	shalt  }
0x41: {  	_ =	shalt  }
0x42: {  	_ =	shalt  }
0x43: {  	_ =	shalt  }
0x44: {  	_ =	shalt  }
0x45: {  	_ =	shalt  }
0x46: {  	_ =	shalt  }
0x47: {  	_ =	shalt  }
0x48: {  	_ =	shalt  }
0x49: {  	_ =	shalt  }
0x4a: {  	_ =	shalt  }
0x4b: {  	_ =	shalt  }
0x4c: {  	_ =	shalt  }
0x4d: {  	_ =	shalt  }
0x4e: {  	_ =	shalt  }
0x4f: {  	_ =	shalt  }
0x50: {  	_ =	shalt  }
0x51: {  	_ =	shalt  }
0x52: {  	_ =	shalt  }
0x53: {  	_ =	shalt  }
0x54: {  	_ =	shalt  }
0x55: {  	_ =	shalt  }
0x56: {  	_ =	shalt  }
0x57: {  	_ =	shalt  }
0x58: {  	_ =	shalt  }
0x59: {  	_ =	shalt  }
0x5a: {  	_ =	shalt  }
0x5b: {  	_ =	shalt  }
0x5c: {  	_ =	shalt  }
0x5d: {  	_ =	shalt  }
0x5e: {  	_ =	shalt  }
0x5f: {  	_ =	shalt  }
0x60: {  	_ =	shalt  }
0x61: {  	_ =	shalt  }
0x62: {  	_ =	shalt  }
0x63: {  	_ =	shalt  }
0x64: {  	_ =	shalt  }
0x65: {  	_ =	shalt  }
0x66: {  	_ =	shalt  }
0x67: {  	_ =	shalt  }
0x68: {  	_ =	shalt  }
0x69: {  	_ =	shalt  }
0x6a: {  	_ =	shalt  }
0x6b: {  	_ =	shalt  }
0x6c: {  	_ =	shalt  }
0x6d: {  	_ =	shalt  }
0x6e: {  	_ =	shalt  }
0x6f: {  	_ =	shalt  }
0x70: {  	_ =	shalt  }
0x71: {  	_ =	shalt  }
0x72: {  	_ =	shalt  }
0x73: {  	_ =	shalt  }
0x74: {  	_ =	shalt  }
0x75: {  	_ =	shalt  }
0x76: {  	_ =	shalt  }
0x77: {  	_ =	shalt  }
0x78: {  	_ =	shalt  }
0x79: {  	_ =	shalt  }
0x7a: {  	_ =	shalt  }
0x7b: {  	_ =	shalt  }
0x7c: {  	_ =	shalt  }
0x7d: {  	_ =	shalt  }
0x7e: {  	_ =	shalt  }
0x7f: {  	_ =	shalt  }
0x80: {  	_ =	shalt  }
0x81: {  	_ =	shalt  }
0x82: {  	_ =	shalt  }
0x83: {  	_ =	shalt  }
0x84: {  	_ =	shalt  }
0x85: {  	_ =	shalt  }
0x86: {  	_ =	shalt  }
0x87: {  	_ =	shalt  }
.Lfunc_end0:
.L_simem_size_0:
called_computation.1_lowered:
.L_overlay_start_0:
0x88: {  	s2 =	sld [smem:$0x3FD9]  }
0x89: {  	s3 =	sld [smem:$0x3FFE];
	_ =	sdelay $0x1  }
0x8a: {  	s1 =	srdreg.scid  }
0x8b: {  	s0 =	sand.u32 $0x1, s1  }
0x8c: {  	s17 =	sshll.u32 s0, $0xA;
	s2 =	sadd.s32 s3, s2  }
0x8d: {  	s2 =	sadd.s32 s2, s17  }
0x8e: {  	[smem:$0x3FB6] =	sst s2  }
0x8f: {  	_ = 	snop  }
0x90: {  	s2 =	sld [smem:$0x3FD0];
	(tm) =	ssettm $0x1  }
0x91: {  	s18 =	sld [smem:$0x3FFB];
	_ =	sdelay $0x3  }
0x92: {  	_ =	strace s18  }
0x93: {  	s3 =	sld [smem:$0x3FFC];
	_ =	sdelay $0x3  }
0x94: {  	_ =	strace s3  }
0x95: {  	s3 =	sld [smem:$0x3FFD];
	_ =	sdelay $0x3  }
0x96: {  	_ =	strace s3  }
0x97: {  	_ =	strace $0x8FFFFFFF  }
0x98: {  	s19 =	sld [smem:$0x3FDB];
	_ =	sdelay $0x1  }
0x99: {  	s4 =	simm.s32 $_scs_section_size  }
0x9a: {  	s5 =	simm.s32 $_size__tile_overlayer_lowered;
	s6 =	simm.s32 $_tile_overlayer_lowered  }
0x9b: {  	s22 =	simm.s32 $0x1BFF;
	s21 =	sshll.u32 s6, $0x1;
	s3 =	sadd.s32 s4, s19  }
0x9c: {  	s7 =	simm.s32 $0x0;
	s20 =	sshll.u32 s5, $0x1;
	s5 =	sadd.s32 s21, s3  }
0x9d: {  	[timem:s7], [sflag:s22] =	dma.local [hbm:s5], s20  }
0x9e: {  	_ =	swait.ge [sflag:s22], s20  }
0x9f: {  	s4 =	ssub.s32 $0x0, s20;
	[sflag:s22] =	ssyncset.done $0x0  }
0xa0: {  	[sflag:s22] =	ssyncadd.s32 s4;
	_ =	sdelay $0x1  }
0xa1: {  	s23 =	simm.s32 $0x1B8B  }
0xa2: {  	_ =	swait.ge [sflag:s23], $0x1  }
0xa3: {  	[sflag:s23] =	ssyncset.done $0x0  }
0xa4: {  	s25 =	simm.s32 $0x1B8E;
	s24 =	sld [smem:$0x3FFE];
	[sflag:s23] =	ssyncadd.s32 $0xFFFFFFFF  }
0xa5: {  	s26 =	simm.s32 $execute0_lowered;
	[smem:$0x3FD2] =	sst s25  }
0xa6: {  	s5 =	sshll.u32 s26, $0x1;
	_ =	strace $0x80000046;
	[dreg:$0x1] =	wrdreg $0xFFFFFFFF  }
0xa7: {  	s28 =	simm.s32 $_size_execute0_lowered;
	s3 =	sadd.s32 s3, s5;
	[dreg:$0x0] =	wrdreg $0x0  }
0xa8: {  	s5 =	sshll.u32 s28, $0x1;
	[dreg:$0x2] =	wrdreg s3  }
0xa9: {  	[dreg:$0x3] =	wrdreg s5  }
0xaa: {  	[dreg:$0x4] =	wrdreg $0xC0  }
0xab: {  	_ =	task [dreg:s7], $0x5FFFF  }
0xac: {  	[dreg:$0x1] =	wrdreg $0xFFFFFFFF  }
0xad: {  	[dreg:$0x0] =	wrdreg $0x60  }
0xae: {  	[dreg:$0x2] =	wrdreg s24  }
0xaf: {  	[dreg:$0x3] =	wrdreg s2  }
0xb0: {  	[dreg:$0x4] =	wrdreg $0xA  }
0xb1: {  	_ =	task.clear_ibuf [dreg:s7], $0x5FFFF;
	_ =	strace $0x90000046  }
0xb2: {  	s29 =	simm.s32 $0xA;
	_ =	strace $0x80000048  }
0xb3: {  	_ =	swait.ge [sflag:s29], $0x1  }
0xb4: {  	[sflag:s29] =	ssyncadd.s32 $0xFFFFFFFF  }
0xb5: {  	_ =	strace $0x90000048  }
0xb6: {  	_ =	sfence  }
0xb7: {  	s30 =	sld [smem:$0x0];
	_ =	sdelay $0x2  }
0xb8: {  	s31 =	sshll.u32 s1, $0xD;
	s1 =	sshrl.u32 s1, $0x2  }
0xb9: {  	s3 =	sand.u32 $0x4000, s31;
	s1 =	sadd.s32 s1, s30  }
0xba: {  	s0 =	sor.u32 s3, s0;
	s1 =	sshll.u32 s1, $0x11  }
0xbb: {  	s0 =	sor.u32 s1, s0  }
0xbc: {  	s0 =	sadd.s32 $0x8F2B, s0  }
0xbd: {  	[sflag:s0] =	ssyncadd.remote.s32 $0x1  }
0xbe: {  	_ =	sfence.sel $0xFFFF  }
0xbf: {  	[dreg:$0x0] =	wrdreg $0xFFFFFFFF;
	(pc) =	sbr.abs _section_cstart, $3  }
0xc0: {  	[dreg:$0x1] =	wrdreg $0xFFFFFFFF  }
0xc1: {  	_ =	task.clear_ibuf [dreg:s7], $0x2FFFF;
	_ =	strace $0x9FFFFFFF  }
0xc2: {  	(tm) =	ssettm $0x7FFFFFFF  }
0xc3: {  	_ =	shalt  }
tec
execute0_lowered:
.L_overlay_start_1:
0x0: {  	(tag) =	ssettag $0x1  }
0x1: {  	s0 =	rddreg [dreg:$0x0]  }
0x2: {  	s2 =	rddreg [dreg:$0x1];
	s3 =	simm.s32 $0x0;
	s1 =	srdreg.scid  }
0x3: {  	s4 =	stileid.u32;
	s17 =	simm.s32 $0x80;
	s21 =	simm.s32 $0x100  }
0x4: {  	s28 =	simm.s32 $0x2;
	s29 =	simm.s32 $0x3;
	s30 =	simm.s32 $0x4  }
0x5: {  	s31 =	simm.s32 $0x5;
	s19 =	simm.s32 $0x8;
	s14 =	simm.s32 $0x0  }
0x6: {  	[smem:$0x7FF] =	sst s3;
	s1 =	sand.u32 $0x1, s1;
	s4 =	sshll.u32 s4, $0x1  }
0x7: {  	s5 =	sadd.s32 $0x37600, s0;
	s7 =	sadd.s32 $0x5F600, s0;
	s8 =	sadd.s32 $0x4E00, s0  }
0x8: {  	s9 =	sadd.s32 $0x87600, s0;
	s6 =	sor.u32 s1, s4;
	s1 =	ssub.s32 $0x2, s1  }
0x9: {  	s10 =	sadd.s32 $0x327600, s0;
	s6 =	smul.u32 $0x1500, s6;
	s11 =	sshrl.u32 s1, $0x1  }
0xa: {  	_ =	strace $0x80000047;
	s4 =	sadd.s32 $0xF600, s0;
	s22 =	ssub.s32 s1, s11  }
0xb: {  	s11 =	simm.s32 $0x9;
	s12 =	sshrl.u32 s6, $0x3;
	s0 =	smax.u32 s22, $0x1  }
0xc: {  	s22 =	simm.s32 $0x180;
	s23 =	sadd.s32 $0x5400, s12;
	s25 =	sadd.s32 $0x5410, s12  }
0xd: {  	[dreg:$0x7] =	wrdreg s0;
	s0 =	simm.s32 $0x6;
	s24 =	sadd.s32 s2, s23  }
0xe: {  	s12 =	simm.s32 $0xA;
	s1 =	sadd.s32 s8, s23;
	[dreg:$0x3] =	wrdreg s24  }
0xf: {  	s26 =	sadd.s32 s2, s25;
	s23 =	simm.s32 $0xC200;
	[dreg:$0x4] =	wrdreg s1  }
0x10: {  	[dreg:$0x5] =	wrdreg s26;
	s1 =	sadd.s32 s8, s25;
	s25 =	simm.s32 $0x14200  }
0x11: {  	s26 =	simm.s32 $0x1;
	[dreg:$0x6] =	wrdreg s1;
	s1 =	simm.s32 $0x7  }
.LBB2_1:
0x12: {  	[dreg:$0x8] =	wrdreg s14  }
0x13: {  	s13 =	rddreg [dreg:$0x3];
	s14 =	simm.s32 $0xB  }
0x14: {  	[tilespmem:s3], [sflag:$0xB] =	stream.linear.gather [hbm4b:s13+s3], $0x80, $0x38;
	[tilespmem:$0x18200] =	vst v63  }
0x15: {  	_ =	swait.ge [sflag:s14], $0x80  }
0x16: {  	[sflag:s14] =	ssyncset.done $0x0  }
0x17: {  	s24 =	rddreg [dreg:$0x4];
	[sflag:s14] =	ssyncadd.s32 $0xFFFFFF80  }
0x18: {  	[tilespmem:s17], [sflag:$0xB] =	stream.linear.gather [hbm4b:s24+s3], $0x80, $0x38;
	[tilespmem:$0x18200] =	vst v63  }
0x19: {  	_ =	swait.ge [sflag:s14], $0x80  }
0x1a: {  	[sflag:s14] =	ssyncset.done $0x0  }
0x1b: {  	s15 =	simm.s32 $0x200;
	[sflag:s14] =	ssyncadd.s32 $0xFFFFFF80  }
0x1c: {  	[tilespmem:s15], [sflag:$0x1] =	stream.indirect.gather [hbm4b:s4+s17], $0x80, s3, s17, $0xb8;
	[tilespmem:$0x18200] =	vst v63  }
0x1d: {  	s16 =	simm.s32 $0x4200  }
0x1e: {  	[tilespmem:s16], [sflag:$0x2] =	stream.indirect.gather [hbm4b:s5+s17], $0x80, s17, s17, $0xb8;
	[tilespmem:$0x18200] =	vst v63  }
0x1f: {  	s18 =	simm.s32 $0x8200  }
0x20: {  	[tilespmem:s18], [sflag:$0x3] =	stream.indirect.gather [hbm4b:s7+s17], $0x80, s17, s17, $0xb8;
	[tilespmem:$0x18200] =	vst v63  }
0x21: {  	s20 =	rddreg [dreg:$0x5]  }
0x22: {  	[tilespmem:s21], [sflag:$0xB] =	stream.linear.gather [hbm4b:s20+s3], $0x80, $0x38;
	[tilespmem:$0x18200] =	vst v63  }
0x23: {  	_ =	swait.ge [sflag:s14], $0x80  }
0x24: {  	[sflag:s14] =	ssyncset.done $0x0  }
0x25: {  	s24 =	rddreg [dreg:$0x6];
	[sflag:s14] =	ssyncadd.s32 $0xFFFFFF80  }
0x26: {  	[tilespmem:s22], [sflag:$0xB] =	stream.linear.gather [hbm4b:s24+s3], $0x80, $0x38;
	[tilespmem:$0x18200] =	vst v63  }
0x27: {  	_ =	swait.ge [sflag:s14], $0x80  }
0x28: {  	[sflag:s14] =	ssyncset.done $0x0  }
0x29: {  	[sflag:s14] =	ssyncadd.s32 $0xFFFFFF80;
	s14 =	simm.s32 $0x0  }
.LBB2_2:
0x2a: {  	[tilespmem:s23], [sflag:$0x4] =	stream.indirect.gather [hbm4b:s4+s17], $0x80, s21, s17, $0xb8;
	[tilespmem:$0x18200] =	vst v63  }
0x2b: {  	s13 =	simm.s32 $0x10200  }
0x2c: {  	[tilespmem:s13], [sflag:$0x5] =	stream.indirect.gather [hbm4b:s5+s17], $0x80, s22, s17, $0xb8;
	[tilespmem:$0x18200] =	vst v63  }
0x2d: {  	_ = 	snop  }
0x2e: {  	[tilespmem:s25], [sflag:$0x6] =	stream.indirect.gather [hbm4b:s7+s17], $0x80, s22, s17, $0xb8;
	[tilespmem:$0x18200] =	vst v63  }
0x2f: {  	_ =	swait.ge [sflag:s26], $0x4000  }
0x30: {  	[sflag:s26] =	ssyncset.done $0x0  }
0x31: {  	[sflag:s26] =	ssyncadd.s32 $0xFFFFC000  }
0x32: {  	_ =	swait.ge [sflag:s28], $0x4000  }
0x33: {  	s24 =	sshll.u32 s14, $0x8;
	[sflag:s28] =	ssyncset.done $0x0  }
0x34: {  	p0 =	seq.s32 s14, $0x14;
	s16 =	sadd.s32 s6, s24;
	[sflag:s28] =	ssyncadd.s32 $0xFFFFC000  }
0x35: {  	s15 =	sshrl.u32 @!p0 s16, $0x3;
	_ =	swait.ge [sflag:s29], $0x4000  }
0x36: {  	s13 =	sadd.s32 @!p0 $0x5420, s15;
	[sflag:s29] =	ssyncset.done $0x0  }
0x37: {  	s18 =	simm.s32 @!p0 $0x0;
	s24 =	sadd.s32 @!p0 s2, s13;
	[sflag:s29] =	ssyncadd.s32 $0xFFFFC000  }
0x38: {  	[tilespmem:s18], [sflag:$0xB] =	stream.linear.gather @!p0 [hbm4b:s24+s18], $0x80, $0x38;
	[tilespmem:$0x18200] =	vst v63  }
0x39: {  	s24 =	simm.s32 @!p0 $0xB  }
0x3a: {  	_ =	swait.ge @!p0 [sflag:s24], $0x80  }
0x3b: {  	[sflag:s24] =	ssyncset.done @!p0 $0x0  }
0x3c: {  	s20 =	simm.s32 @!p0 $0x80;
	s13 =	sadd.s32 @!p0 s8, s13;
	[sflag:s24] =	ssyncadd.s32 @!p0 $0xFFFFFF80  }
0x3d: {  	[tilespmem:s20], [sflag:$0xB] =	stream.linear.gather @!p0 [hbm4b:s13+s18], $0x80, $0x38;
	[tilespmem:$0x18200] =	vst v63  }
0x3e: {  	_ =	swait.ge @!p0 [sflag:s24], $0x80  }
0x3f: {  	[sflag:s24] =	ssyncset.done @!p0 $0x0  }
0x40: {  	s13 =	simm.s32 $0x0;
	[sflag:s24] =	ssyncadd.s32 @!p0 $0xFFFFFF80  }
0x41: {  	v7 =	vld [tilespmem:s13+$0x4200]  }
0x42: {  	v11 =	vld [tilespmem:s13+$0x4210]  }
0x43: {  	v5 =	vld [tilespmem:s13+$0x4220]  }
0x44: {  	v4 =	vld [tilespmem:s13+$0x4230]  }
0x45: {  	v3 =	vld [tilespmem:s13+$0x4240]  }
0x46: {  	v2 =	vld [tilespmem:s13+$0x4250]  }
0x47: {  	v1 =	vld [tilespmem:s13+$0x4260]  }
0x48: {  	v0 =	vld [tilespmem:s13+$0x4270]  }
0x49: {  	v12 =	vld [tilespmem:s13+$0x200]  }
0x4a: {  	v13 =	vld [tilespmem:s13+$0x210]  }
0x4b: {  	v10 =	vld [tilespmem:s13+$0x220]  }
0x4c: {  	v9 =	vld [tilespmem:s13+$0x230]  }
0x4d: {  	v8 =	vld [tilespmem:s13+$0x240]  }
0x4e: {  	v6 =	vld [tilespmem:s13+$0x250];
	v12 =	vsub.f32 v12, v7  }
0x4f: {  	s24 =	simm.s32 $0x200;
	v11 =	vsub.f32 v13, v11;
	v7 =	vld [tilespmem:s13+$0x260]  }
.LBB2_3:
0x50: {  	s18 =	sshra.s32 s24, $0x2;
	p1 =	sne.s32 s24, $0xFE00;
	[tilespmem:s13+$0x200] =	vst v12;
	v5 =	vsub.f32 v10, v5;
	v10 =	vld [tilespmem:s13+$0x270]  }
0x51: {  	v12 =	vld [tilespmem:s18+$0x4200];
	[tilespmem:s13+$0x210] =	vst v11;
	v4 =	vsub.f32 v9, v4  }
0x52: {  	v11 =	vld [tilespmem:s18+$0x4210];
	[tilespmem:s13+$0x220] =	vst v5;
	v3 =	vsub.f32 v8, v3  }
0x53: {  	v5 =	vld [tilespmem:s18+$0x4220];
	[tilespmem:s13+$0x230] =	vst v4;
	v2 =	vsub.f32 v6, v2  }
0x54: {  	v4 =	vld [tilespmem:s18+$0x4230];
	[tilespmem:s13+$0x240] =	vst v3;
	v1 =	vsub.f32 v7, v1  }
0x55: {  	v3 =	vld [tilespmem:s18+$0x4240];
	[tilespmem:s13+$0x250] =	vst v2;
	v0 =	vsub.f32 v10, v0  }
0x56: {  	v2 =	vld [tilespmem:s18+$0x4250];
	[tilespmem:s13+$0x260] =	vst v1  }
0x57: {  	v1 =	vld [tilespmem:s18+$0x4260];
	[tilespmem:s13+$0x270] =	vst v0;
	s13 =	smov.u32 s18  }
0x58: {  	v0 =	vld [tilespmem:s13+$0x4270]  }
0x59: {  	v6 =	vld [tilespmem:s13+$0x200]  }
0x5a: {  	v7 =	vld [tilespmem:s13+$0x210]  }
.Ltmp0:
0x5b: {  	v10 =	vld [tilespmem:s13+$0x220];
	(pc) =	sbr.rel @p1 .LBB2_3-.Ltmp0, $4  }
0x5c: {  	v9 =	vld [tilespmem:s13+$0x230]  }
0x5d: {  	v8 =	vld [tilespmem:s13+$0x240]  }
0x5e: {  	v12 =	vsub.f32 v6, v12;
	v6 =	vld [tilespmem:s13+$0x250]  }
0x5f: {  	s24 =	sadd.s32 $0x200, s24;
	v11 =	vsub.f32 v7, v11;
	v7 =	vld [tilespmem:s13+$0x260]  }
0x60: {  	[tilespmem:s13+$0x200] =	vst v12;
	v5 =	vsub.f32 v10, v5;
	v10 =	vld [tilespmem:s13+$0x270]  }
0x61: {  	[tilespmem:s13+$0x210] =	vst v11;
	v4 =	vsub.f32 v9, v4  }
0x62: {  	[tilespmem:s13+$0x220] =	vst v5;
	v3 =	vsub.f32 v8, v3  }
0x63: {  	[tilespmem:s13+$0x230] =	vst v4;
	v2 =	vsub.f32 v6, v2  }
0x64: {  	[tilespmem:s13+$0x240] =	vst v3;
	v1 =	vsub.f32 v7, v1  }
0x65: {  	[tilespmem:s13+$0x250] =	vst v2;
	v0 =	vsub.f32 v10, v0  }
0x66: {  	s16 =	sshll.u32 s16, $0x4;
	[tilespmem:s13+$0x260] =	vst v1  }
0x67: {  	s18 =	simm.s32 $0x200;
	s24 =	sadd.s32 s9, s16;
	[tilespmem:s13+$0x270] =	vst v0  }
0x68: {  	[hbm4b:s24+s3] =	stream.linear.scatter [tilespmem:s18], [sflag:$0x7], $0x4000, $0x38;
	[tilespmem:$0x18200] =	vst v63  }
0x69: {  	s20 =	sadd.s32 s10, s16;
	s24 =	simm.s32 $0x8200  }
0x6a: {  	[hbm4b:s20+s3] =	stream.linear.scatter [tilespmem:s24], [sflag:$0x8], $0x4000, $0x38;
	[tilespmem:$0x18200] =	vst v63  }
0x6b: {  	_ =	swait.ge [sflag:s30], $0x4000  }
0x6c: {  	[sflag:s30] =	ssyncset.done $0x0  }
0x6d: {  	[sflag:s30] =	ssyncadd.s32 $0xFFFFC000  }
0x6e: {  	_ =	swait.ge [sflag:s31], $0x4000  }
0x6f: {  	[sflag:s31] =	ssyncset.done $0x0  }
0x70: {  	[sflag:s31] =	ssyncadd.s32 $0xFFFFC000  }
0x71: {  	s13 =	sadd.s32 @!p0 $0x5430, s15;
	_ =	swait.ge [sflag:s0], $0x4000  }
0x72: {  	s15 =	sadd.s32 @!p0 s2, s13;
	[sflag:s0] =	ssyncset.done $0x0  }
0x73: {  	s18 =	simm.s32 @!p0 $0x0;
	s20 =	simm.s32 @!p0 $0x100;
	[sflag:s0] =	ssyncadd.s32 $0xFFFFC000  }
0x74: {  	[tilespmem:s20], [sflag:$0xB] =	stream.linear.gather @!p0 [hbm4b:s15+s18], $0x80, $0x38;
	[tilespmem:$0x18200] =	vst v63  }
0x75: {  	s15 =	simm.s32 @!p0 $0xB  }
0x76: {  	_ =	swait.ge @!p0 [sflag:s15], $0x80  }
0x77: {  	[sflag:s15] =	ssyncset.done @!p0 $0x0  }
0x78: {  	s13 =	sadd.s32 @!p0 s8, s13;
	s20 =	simm.s32 @!p0 $0x180;
	[sflag:s15] =	ssyncadd.s32 @!p0 $0xFFFFFF80  }
0x79: {  	[tilespmem:s20], [sflag:$0xB] =	stream.linear.gather @!p0 [hbm4b:s13+s18], $0x80, $0x38;
	[tilespmem:$0x18200] =	vst v63  }
0x7a: {  	_ =	swait.ge @!p0 [sflag:s15], $0x80  }
0x7b: {  	[sflag:s15] =	ssyncset.done @!p0 $0x0  }
0x7c: {  	s13 =	simm.s32 $0x0;
	[sflag:s15] =	ssyncadd.s32 @!p0 $0xFFFFFF80  }
0x7d: {  	v7 =	vld [tilespmem:s13+$0x10200]  }
0x7e: {  	v11 =	vld [tilespmem:s13+$0x10210]  }
0x7f: {  	v5 =	vld [tilespmem:s13+$0x10220]  }
0x80: {  	v4 =	vld [tilespmem:s13+$0x10230]  }
0x81: {  	v3 =	vld [tilespmem:s13+$0x10240]  }
0x82: {  	v2 =	vld [tilespmem:s13+$0x10250]  }
0x83: {  	v1 =	vld [tilespmem:s13+$0x10260]  }
0x84: {  	v0 =	vld [tilespmem:s13+$0x10270]  }
0x85: {  	v12 =	vld [tilespmem:s13+$0xC200]  }
0x86: {  	v13 =	vld [tilespmem:s13+$0xC210]  }
0x87: {  	v10 =	vld [tilespmem:s13+$0xC220]  }
0x88: {  	v9 =	vld [tilespmem:s13+$0xC230]  }
0x89: {  	v8 =	vld [tilespmem:s13+$0xC240]  }
0x8a: {  	v6 =	vld [tilespmem:s13+$0xC250];
	v12 =	vsub.f32 v12, v7  }
0x8b: {  	s15 =	simm.s32 $0x200;
	v11 =	vsub.f32 v13, v11;
	v7 =	vld [tilespmem:s13+$0xC260]  }
.LBB2_5:
0x8c: {  	s18 =	sshra.s32 s15, $0x2;
	p1 =	sne.s32 s15, $0xFE00;
	[tilespmem:s13+$0xC200] =	vst v12;
	v5 =	vsub.f32 v10, v5;
	v10 =	vld [tilespmem:s13+$0xC270]  }
0x8d: {  	v12 =	vld [tilespmem:s18+$0x10200];
	[tilespmem:s13+$0xC210] =	vst v11;
	v4 =	vsub.f32 v9, v4  }
0x8e: {  	v11 =	vld [tilespmem:s18+$0x10210];
	[tilespmem:s13+$0xC220] =	vst v5;
	v3 =	vsub.f32 v8, v3  }
0x8f: {  	v5 =	vld [tilespmem:s18+$0x10220];
	[tilespmem:s13+$0xC230] =	vst v4;
	v2 =	vsub.f32 v6, v2  }
0x90: {  	v4 =	vld [tilespmem:s18+$0x10230];
	[tilespmem:s13+$0xC240] =	vst v3;
	v1 =	vsub.f32 v7, v1  }
0x91: {  	v3 =	vld [tilespmem:s18+$0x10240];
	[tilespmem:s13+$0xC250] =	vst v2;
	v0 =	vsub.f32 v10, v0  }
0x92: {  	v2 =	vld [tilespmem:s18+$0x10250];
	[tilespmem:s13+$0xC260] =	vst v1  }
0x93: {  	v1 =	vld [tilespmem:s18+$0x10260];
	[tilespmem:s13+$0xC270] =	vst v0;
	s13 =	smov.u32 s18  }
0x94: {  	v0 =	vld [tilespmem:s13+$0x10270]  }
0x95: {  	v6 =	vld [tilespmem:s13+$0xC200]  }
0x96: {  	v7 =	vld [tilespmem:s13+$0xC210]  }
.Ltmp1:
0x97: {  	v10 =	vld [tilespmem:s13+$0xC220];
	(pc) =	sbr.rel @p1 .LBB2_5-.Ltmp1, $4  }
0x98: {  	v9 =	vld [tilespmem:s13+$0xC230]  }
0x99: {  	v8 =	vld [tilespmem:s13+$0xC240]  }
0x9a: {  	v12 =	vsub.f32 v6, v12;
	v6 =	vld [tilespmem:s13+$0xC250]  }
0x9b: {  	s15 =	sadd.s32 $0x200, s15;
	v11 =	vsub.f32 v7, v11;
	v7 =	vld [tilespmem:s13+$0xC260]  }
0x9c: {  	[tilespmem:s13+$0xC200] =	vst v12;
	v5 =	vsub.f32 v10, v5;
	v63 =	vld [tilespmem:s13+$0xC270]  }
0x9d: {  	[tilespmem:s13+$0xC210] =	vst v11;
	v4 =	vsub.f32 v9, v4  }
0x9e: {  	[tilespmem:s13+$0xC220] =	vst v5;
	v3 =	vsub.f32 v8, v3  }
0x9f: {  	[tilespmem:s13+$0xC230] =	vst v4;
	v2 =	vsub.f32 v6, v2  }
0xa0: {  	[tilespmem:s13+$0xC240] =	vst v3;
	v1 =	vsub.f32 v7, v1  }
0xa1: {  	[tilespmem:s13+$0xC250] =	vst v2;
	v0 =	vsub.f32 v63, v0  }
0xa2: {  	s15 =	sor.u32 $0x800, s16;
	[tilespmem:s13+$0xC260] =	vst v1  }
0xa3: {  	s20 =	sadd.s32 s9, s15;
	[tilespmem:s13+$0xC270] =	vst v0  }
0xa4: {  	[hbm4b:s20+s3] =	stream.linear.scatter [tilespmem:s23], [sflag:$0x9], $0x4000, $0x38;
	[tilespmem:$0x18200] =	vst v63  }
0xa5: {  	s24 =	sadd.s32 s10, s15  }
0xa6: {  	[hbm4b:s24+s3] =	stream.linear.scatter [tilespmem:s25], [sflag:$0xA], $0x4000, $0x38;
	[tilespmem:$0x18200] =	vst v63  }
0xa7: {  	_ =	swait.ge [sflag:s1], $0x4000  }
0xa8: {  	[sflag:s1] =	ssyncset.done $0x0  }
0xa9: {  	[sflag:s1] =	ssyncadd.s32 $0xFFFFC000  }
0xaa: {  	_ =	swait.ge [sflag:s19], $0x4000  }
0xab: {  	s16 =	simm.s32 @!p0 $0x200;
	[sflag:s19] =	ssyncset.done $0x0  }
0xac: {  	s15 =	simm.s32 @!p0 $0x0;
	s13 =	simm.s32 @!p0 $0x80;
	[sflag:s19] =	ssyncadd.s32 $0xFFFFC000  }
0xad: {  	[tilespmem:s16], [sflag:$0x1] =	stream.indirect.gather @!p0 [hbm4b:s4+s13], $0x80, s15, s13, $0xb8;
	[tilespmem:$0x18200] =	vst v63  }
0xae: {  	s15 =	simm.s32 @!p0 $0x4200  }
0xaf: {  	[tilespmem:s15], [sflag:$0x2] =	stream.indirect.gather @!p0 [hbm4b:s5+s13], $0x80, s13, s13, $0xb8;
	[tilespmem:$0x18200] =	vst v63  }
0xb0: {  	s14 =	sadd.s32 $0x1, s14;
	s15 =	simm.s32 @!p0 $0x8200  }
0xb1: {  	[tilespmem:s15], [sflag:$0x3] =	stream.indirect.gather @!p0 [hbm4b:s7+s13], $0x80, s13, s13, $0xb8;
	[tilespmem:$0x18200] =	vst v63  }
0xb2: {  	p0 =	sne.s32 s14, $0x15;
	_ =	swait.ge [sflag:s11], $0x4000  }
.Ltmp2:
0xb3: {  	[sflag:s11] =	ssyncset.done $0x0;
	(pc) =	sbr.rel @p0 .LBB2_2-.Ltmp2, $4  }
0xb4: {  	[sflag:s11] =	ssyncadd.s32 $0xFFFFC000  }
0xb5: {  	_ =	swait.ge [sflag:s12], $0x4000  }
0xb6: {  	[sflag:s12] =	ssyncset.done $0x0  }
0xb7: {  	[sflag:s12] =	ssyncadd.s32 $0xFFFFC000  }
0xb8: {  	s14 =	rddreg [dreg:$0x8]  }
0xb9: {  	s13 =	rddreg [dreg:$0x7];
	s14 =	sadd.s32 $0x1, s14  }
0xba: {  	p0 =	sne.s32 s14, s13  }
.Ltmp3:
0xbb: {  	_ = 	snop;
	(pc) =	sbr.rel @p0 .LBB2_1-.Ltmp3, $1  }
0xbc: {  	_ =	sdelay $0x3  }
0xbd: {  	_ =	sfence.sel $0x180000  }
0xbe: {  	[bflag:$0x0] =	sbarrier.arrive $0xFFFF  }
0xbf: {  	_ =	strace $0x90000047  }
0xc0: {  	s0 =	stileid.u32;
	[bflag:$0x2] =	sbarrier.arrive $0xFFFF  }
0xc1: {  	p0 =	sne.s32 s0, $0x0;
	s0 =	rddreg [dreg:$0x2]  }
0xc2: {  	s0 =	sadd.s32 @!p0 $0x100000, s0  }
0xc3: {  	[sflag:s0] =	ssyncadd.tile.s32 @!p0 $0x1;
	_ =	shalt  }
.Lfunc_end2:
_tile_overlayer_lowered:
.L_overlay_start_2:
0xc4: {  	(tag) =	ssettag $0x2  }
0xc5: {  	s0 =	rddreg [dreg:$0x0];
	s2 =	stileid.u32  }
0xc6: {  	s1 =	rddreg [dreg:$0x1];
	p0 =	sne.s32 s2, $0x0  }
0xc7: {  	s3 =	rddreg [dreg:$0x2];
	[bflag:$0x3] =	sbarrier.arrive $0xFFFF;
	s2 =	simm.s32 @!p0 $0x1C0B  }
0xc8: {  	[timem:s3], [sflag:s2] =	dma.local @!p0 [hbm:s0], s1  }
0xc9: {  	s0 =	simm.s32 @!p0 $0xB  }
0xca: {  	_ =	swait.ge @!p0 [sflag:s0], s1  }
0xcb: {  	s1 =	ssub.s32 @!p0 $0x0, s1;
	[sflag:s0] =	ssyncset.done @!p0 $0x0  }
0xcc: {  	[sflag:s0] =	ssyncadd.s32 @!p0 s1  }
0xcd: {  	[bflag:$0x3] =	sbarrier.arrive $0xFFFF  }
0xce: {  	_ =	shalt  }

// kernel: kernel.16.cloned.1.call-start
scs
__scs_entry_jumppad:
0x0: {  	(pc) =	sbr.rel $0x88, $3  }
0x1: {  	(tag) =	ssettag $0x0;
	lr =	simm.s32 $0x1  }
0x2: {  	[smem:$0x3F8F] =	sst lr;
	_ =	strace $0xD0000000  }
0x3: {  	_ = 	snop  }
0x4: {  	_ = 	snop  }
0x5: {  	_ = 	snop  }
0x6: {  	_ = 	snop  }
0x7: {  	_ = 	snop  }
__scs_overlays_trampoline_lowered:
0x8: {  	[smem:$0x3F9E] =	sst s0  }
0x9: {  	[smem:$0x3F9F] =	sst s1  }
0xa: {  	[smem:$0x3FA0] =	sst s2  }
0xb: {  	[smem:$0x3FA1] =	sst s3  }
0xc: {  	[smem:$0x3FA2] =	sst s4  }
0xd: {  	[smem:$0x3FA3] =	sst s5  }
0xe: {  	[smem:$0x3FA4] =	sst s6  }
0xf: {  	[smem:$0x3FA5] =	sst s7  }
0x10: {  	[smem:$0x3FA6] =	sst s8  }
0x11: {  	[smem:$0x3FA7] =	sst s9;
	s0 =	simm.s32 @!p0 $0x0  }
0x12: {  	s1 =	sld [smem:$0x3F8D];
	s0 =	simm.s32 @p0 $0x1  }
0x13: {  	[smem:$0x3FA8] =	sst s0;
	s0 =	simm.s32 @!p1 $0x0  }
0x14: {  	s2 =	sld [smem:$0x3F8C];
	s0 =	simm.s32 @p1 $0x1  }
0x15: {  	[smem:$0x3FA9] =	sst s0;
	s0 =	simm.s32 @!p2 $0x0  }
0x16: {  	s3 =	sld [smem:$0x3FDB];
	s0 =	simm.s32 @p2 $0x1  }
0x17: {  	s4 =	simm.s32 $0x1BF5;
	[smem:$0x3FAB] =	sst s0  }
0x18: {  	s0 =	sld [smem:$0x3F8E];
	_ =	swait.ge [sflag:s4], $0x0  }
0x19: {  	s7 =	sld [smem:$0x3F8F]  }
0x1a: {  	s8 =	sadd.s32 $0xFFFFE003, lr  }
0x1b: {  	s9 =	sadd.s32 $0xFFFFFEF7, lr;
	s5 =	simm.s32 $0xFFFFFFFF;
	p2 =	slt.u32 s8, $0xFFFFF086  }
0x1c: {  	p1 =	slt.u32 s9, $0xF7A;
	s5 =	simm.s32 @!p2 $0x0  }
0x1d: {  	s5 =	simm.s32 @p1 $0x1;
	p0 =	seq.s32 s7, s2  }
0x1e: {  	s7 =	smul.u32 @!p0 $0xF7A, s2;
	p2 =	seq.s32 @!p0 s5, $0x0  }
0x1f: {  	s9 =	smul.u32 $0xF7A, s1;
	s8 =	simm.s32 @!p0 $0x1BF5;
	p2 =	por !p2, p0  }
0x20: {  	[sflag:s8] =	ssyncset.s32 @!p0 $0xFFFFF086;
	s6 =	sadd.s32 @!p0 s3, s7;
	s7 =	simm.s32 @!p0 $0x108  }
0x21: {  	s3 =	sadd.s32 s3, s9;
	s6 =	sadd.s32 @!p0 $0x88, s6;
	s7 =	simm.s32 @p2 $0x1082  }
0x22: {  	[simem:s7], [sflag:s8] =	dma.local @!p0 [hbm:s6], $0xF7A  }
0x23: {  	s9 =	sor.u32 $0xD0000000, s2;
	s6 =	simm.s32 $0x108;
	_ =	swait.ge @!p0 [sflag:s8], $0x0  }
0x24: {  	s3 =	sadd.s32 $0x88, s3;
	s6 =	simm.s32 @!p1 $0x1082;
	[sflag:s4] =	ssyncset.s32 $0xFFFFF086  }
0x25: {  	[simem:s6], [sflag:s4] =	dma.local [hbm:s3], $0xF7A  }
0x26: {  	[smem:$0x3F8F] =	sst s1;
	(tag) =	ssettag s2;
	_ =	strace s9  }
0x27: {  	s1 =	sld [smem:$0x3F9F]  }
0x28: {  	s2 =	sld [smem:$0x3FA0]  }
0x29: {  	s4 =	sld [smem:$0x3FA2]  }
0x2a: {  	p0 =	seq.s32 s5, $0x0;
	s5 =	sld [smem:$0x3FA3]  }
0x2b: {  	s6 =	sld [smem:$0x3FA4]  }
0x2c: {  	s7 =	sld [smem:$0x3FA5]  }
0x2d: {  	s3 =	simm.s32 $0x108;
	s8 =	sld [smem:$0x3FA6]  }
0x2e: {  	s3 =	simm.s32 @!p0 $0x1082;
	s9 =	sld [smem:$0x3FA7]  }
0x2f: {  	lr =	sadd.s32 s0, s3;
	s0 =	sld [smem:$0x3F9E]  }
0x30: {  	s3 =	sld [smem:$0x3FA1]  }
0x31: {  	[smem:$0x3FAA] =	sst s10  }
0x32: {  	s10 =	sld [smem:$0x3FA8];
	_ =	sdelay $0x3  }
0x33: {  	p0 =	seq.s32 s10, $0x1;
	s10 =	sld [smem:$0x3FAA];
	_ =	sdelay $0x3  }
0x34: {  	[smem:$0x3FAA] =	sst s10  }
0x35: {  	s10 =	sld [smem:$0x3FA9];
	_ =	sdelay $0x3  }
0x36: {  	p1 =	seq.s32 s10, $0x1;
	s10 =	sld [smem:$0x3FAA];
	_ =	sdelay $0x3  }
0x37: {  	[smem:$0x3FAA] =	sst s10  }
0x38: {  	s10 =	sld [smem:$0x3FAB]  }
0x39: {  	_ = 	snop;
	(pc) =	sbr.ind lr, $3  }
0x3a: {  	_ = 	snop  }
0x3b: {  	_ = 	snop  }
0x3c: {  	p2 =	seq.s32 s10, $0x1;
	s10 =	sld [smem:$0x3FAA]  }
0x3d: {  	_ =	shalt  }
0x3e: {  	_ =	shalt  }
0x3f: {  	_ =	shalt  }
0x40: {  	_ =	shalt  }
0x41: {  	_ =	shalt  }
0x42: {  	_ =	shalt  }
0x43: {  	_ =	shalt  }
0x44: {  	_ =	shalt  }
0x45: {  	_ =	shalt  }
0x46: {  	_ =	shalt  }
0x47: {  	_ =	shalt  }
0x48: {  	_ =	shalt  }
0x49: {  	_ =	shalt  }
0x4a: {  	_ =	shalt  }
0x4b: {  	_ =	shalt  }
0x4c: {  	_ =	shalt  }
0x4d: {  	_ =	shalt  }
0x4e: {  	_ =	shalt  }
0x4f: {  	_ =	shalt  }
0x50: {  	_ =	shalt  }
0x51: {  	_ =	shalt  }
0x52: {  	_ =	shalt  }
0x53: {  	_ =	shalt  }
0x54: {  	_ =	shalt  }
0x55: {  	_ =	shalt  }
0x56: {  	_ =	shalt  }
0x57: {  	_ =	shalt  }
0x58: {  	_ =	shalt  }
0x59: {  	_ =	shalt  }
0x5a: {  	_ =	shalt  }
0x5b: {  	_ =	shalt  }
0x5c: {  	_ =	shalt  }
0x5d: {  	_ =	shalt  }
0x5e: {  	_ =	shalt  }
0x5f: {  	_ =	shalt  }
0x60: {  	_ =	shalt  }
0x61: {  	_ =	shalt  }
0x62: {  	_ =	shalt  }
0x63: {  	_ =	shalt  }
0x64: {  	_ =	shalt  }
0x65: {  	_ =	shalt  }
0x66: {  	_ =	shalt  }
0x67: {  	_ =	shalt  }
0x68: {  	_ =	shalt  }
0x69: {  	_ =	shalt  }
0x6a: {  	_ =	shalt  }
0x6b: {  	_ =	shalt  }
0x6c: {  	_ =	shalt  }
0x6d: {  	_ =	shalt  }
0x6e: {  	_ =	shalt  }
0x6f: {  	_ =	shalt  }
0x70: {  	_ =	shalt  }
0x71: {  	_ =	shalt  }
0x72: {  	_ =	shalt  }
0x73: {  	_ =	shalt  }
0x74: {  	_ =	shalt  }
0x75: {  	_ =	shalt  }
0x76: {  	_ =	shalt  }
0x77: {  	_ =	shalt  }
0x78: {  	_ =	shalt  }
0x79: {  	_ =	shalt  }
0x7a: {  	_ =	shalt  }
0x7b: {  	_ =	shalt  }
0x7c: {  	_ =	shalt  }
0x7d: {  	_ =	shalt  }
0x7e: {  	_ =	shalt  }
0x7f: {  	_ =	shalt  }
0x80: {  	_ =	shalt  }
0x81: {  	_ =	shalt  }
0x82: {  	_ =	shalt  }
0x83: {  	_ =	shalt  }
0x84: {  	_ =	shalt  }
0x85: {  	_ =	shalt  }
0x86: {  	_ =	shalt  }
0x87: {  	_ =	shalt  }
.Lfunc_end0:
.L_simem_size_0:
called_computation.2_lowered:
.L_overlay_start_0:
0x88: {  	s2 =	sld [smem:$0x3FD9]  }
0x89: {  	s3 =	sld [smem:$0x3FFE];
	_ =	sdelay $0x1  }
0x8a: {  	s1 =	srdreg.scid  }
0x8b: {  	s0 =	sand.u32 $0x1, s1  }
0x8c: {  	s17 =	sshll.u32 s0, $0xA;
	s2 =	sadd.s32 s3, s2  }
0x8d: {  	s2 =	sadd.s32 s2, s17  }
0x8e: {  	[smem:$0x3FB6] =	sst s2  }
0x8f: {  	_ = 	snop  }
0x90: {  	s18 =	sld [smem:$0x3FD0];
	(tm) =	ssettm $0x1  }
0x91: {  	s19 =	sld [smem:$0x3FFB];
	_ =	sdelay $0x3  }
0x92: {  	_ =	strace s19  }
0x93: {  	s2 =	sld [smem:$0x3FFC];
	_ =	sdelay $0x3  }
0x94: {  	_ =	strace s2  }
0x95: {  	s2 =	sld [smem:$0x3FFD];
	_ =	sdelay $0x3  }
0x96: {  	_ =	strace s2  }
0x97: {  	_ =	strace $0x8FFFFFFF  }
0x98: {  	s20 =	sld [smem:$0x3FDB];
	_ =	sdelay $0x1  }
0x99: {  	s4 =	simm.s32 $_scs_section_size  }
0x9a: {  	s5 =	simm.s32 $_size__tile_overlayer_lowered;
	s6 =	simm.s32 $_tile_overlayer_lowered  }
0x9b: {  	s7 =	simm.s32 $0x1BFF;
	s21 =	sshll.u32 s6, $0x1;
	s4 =	sadd.s32 s4, s20  }
0x9c: {  	s22 =	simm.s32 $0x0;
	s5 =	sshll.u32 s5, $0x1;
	s6 =	sadd.s32 s21, s4  }
0x9d: {  	[timem:s22], [sflag:s7] =	dma.local [hbm:s6], s5  }
0x9e: {  	_ =	swait.ge [sflag:s7], s5  }
0x9f: {  	s5 =	ssub.s32 $0x0, s5;
	[sflag:s7] =	ssyncset.done $0x0  }
0xa0: {  	[sflag:s7] =	ssyncadd.s32 s5;
	_ =	sdelay $0x1  }
0xa1: {  	s23 =	simm.s32 $0x1B8B  }
0xa2: {  	_ =	swait.ge [sflag:s23], $0x1  }
0xa3: {  	[sflag:s23] =	ssyncset.done $0x0  }
0xa4: {  	[sflag:s23] =	ssyncadd.s32 $0xFFFFFFFF  }
0xa5: {  	s5 =	sld [smem:$0x0]  }
0xa6: {  	s6 =	sand.u32 $0xFFFFFFFE, s1  }
0xa7: {  	p0 =	sne.s32 s1, s6  }
0xa8: {  	s6 =	sshll.u32 @p0 s6, $0xE  }
0xa9: {  	s6 =	sadd.s32 @p0 $0x11B8D, s6;
	s7 =	sshll.u32 @p0 s5, $0x11  }
0xaa: {  	s6 =	sor.u32 @p0 s7, s6  }
0xab: {  	[sflag:s6] =	ssyncadd.remote.s32 @p0 $0x1;
	_ =	sdelay $0x1  }
0xac: {  	s6 =	simm.s32 @p0 $0x1B8D  }
0xad: {  	_ =	swait.eq @p0 [sflag:s6], $0x1  }
0xae: {  	[sflag:s6] =	ssyncadd.s32 @p0 $0xFFFFFFFF  }
0xaf: {  	s7 =	sshll.u32 @!p0 s1, $0xE  }
0xb0: {  	s7 =	sor.u32 @!p0 $0x4000, s7;
	s6 =	simm.s32 @!p0 $0x1B8D  }
0xb1: {  	s5 =	sshll.u32 @!p0 s5, $0x11;
	s7 =	sadd.s32 @!p0 $0x11B8D, s7;
	_ =	swait.eq @!p0 [sflag:s6], $0x1  }
0xb2: {  	s5 =	sor.u32 @!p0 s5, s7;
	[sflag:s6] =	ssyncadd.s32 @!p0 $0xFFFFFFFF  }
0xb3: {  	s25 =	simm.s32 $0x1B8E;
	s24 =	sld [smem:$0x3FFE];
	[sflag:s5] =	ssyncadd.remote.s32 @!p0 $0x1  }
0xb4: {  	s26 =	simm.s32 $execute0_lowered;
	[smem:$0x3FD2] =	sst s25  }
0xb5: {  	s6 =	sshll.u32 s26, $0x1;
	_ =	strace $0x8000004F;
	[dreg:$0x1] =	wrdreg $0xFFFFFFFF  }
0xb6: {  	s28 =	simm.s32 $_size_execute0_lowered;
	s4 =	sadd.s32 s4, s6;
	[dreg:$0x0] =	wrdreg $0x0  }
0xb7: {  	s6 =	sshll.u32 s28, $0x1;
	[dreg:$0x2] =	wrdreg s4  }
0xb8: {  	[dreg:$0x3] =	wrdreg s6  }
0xb9: {  	[dreg:$0x4] =	wrdreg $0xC0  }
0xba: {  	_ =	task [dreg:s22], $0x5FFFF  }
0xbb: {  	[dreg:$0x1] =	wrdreg $0xFFFFFFFF  }
0xbc: {  	[dreg:$0x0] =	wrdreg $0x60  }
0xbd: {  	[dreg:$0x2] =	wrdreg s24  }
0xbe: {  	[dreg:$0x3] =	wrdreg s18  }
0xbf: {  	[dreg:$0x4] =	wrdreg $0x81000  }
0xc0: {  	[dreg:$0x5] =	wrdreg $0x9  }
0xc1: {  	_ =	task.clear_ibuf [dreg:s22], $0x6FFFF;
	_ =	strace $0x9000004F  }
0xc2: {  	s29 =	simm.s32 $0x9;
	_ =	strace $0x80000051  }
0xc3: {  	_ =	swait.ge [sflag:s29], $0x1  }
0xc4: {  	[sflag:s29] =	ssyncadd.s32 $0xFFFFFFFF  }
0xc5: {  	_ =	strace $0x90000051  }
0xc6: {  	_ =	sfence  }
0xc7: {  	s30 =	sld [smem:$0x0];
	_ =	sdelay $0x2  }
0xc8: {  	s31 =	sshll.u32 s1, $0xD;
	s1 =	sshrl.u32 s1, $0x2  }
0xc9: {  	s4 =	sand.u32 $0x4000, s31;
	s1 =	sadd.s32 s1, s30  }
0xca: {  	s0 =	sor.u32 s4, s0;
	s1 =	sshll.u32 s1, $0x11  }
0xcb: {  	s0 =	sor.u32 s1, s0  }
0xcc: {  	s0 =	sadd.s32 $0x8F2B, s0  }
0xcd: {  	[sflag:s0] =	ssyncadd.remote.s32 $0x1  }
0xce: {  	_ =	sfence.sel $0xFFFF  }
0xcf: {  	[dreg:$0x0] =	wrdreg $0xFFFFFFFF;
	(pc) =	sbr.abs _section_cstart, $3  }
0xd0: {  	[dreg:$0x1] =	wrdreg $0xFFFFFFFF  }
0xd1: {  	_ =	task.clear_ibuf [dreg:s22], $0x2FFFF;
	_ =	strace $0x9FFFFFFF  }
0xd2: {  	(tm) =	ssettm $0x7FFFFFFF  }
0xd3: {  	_ =	shalt  }
tec
execute0_lowered:
.L_overlay_start_1:
0x0: {  	(tag) =	ssettag $0x1  }
0x1: {  	s4 =	rddreg [dreg:$0x0];
	s0 =	stileid.u32  }
0x2: {  	s1 =	srdreg.scid;
	s5 =	smul.u32 $0x280, s0  }
0x3: {  	s11 =	rddreg [dreg:$0x1];
	s8 =	smul.u32 $0x2A000, s0  }
0x4: {  	s2 =	rddreg [dreg:$0x2];
	s3 =	simm.s32 $0x0;
	s24 =	smul.u32 $0x50000, s0  }
0x5: {  	s15 =	simm.s32 $0x1;
	s6 =	sand.u32 $0x1, s1;
	s10 =	smul.u32 $0x2A00, s0  }
0x6: {  	s16 =	simm.s32 $0x2;
	s1 =	rddreg [dreg:$0x3];
	s7 =	smul.u32 $0x2800, s6  }
0x7: {  	s17 =	simm.s32 $0x0;
	[smem:$0x7FF] =	sst s3;
	s12 =	smul.u32 $0x1500, s6  }
0x8: {  	_ =	strace $0x80000050;
	s26 =	ssub.s32 $0x2, s6;
	s14 =	smul.u32 $0x15000, s6  }
0x9: {  	s9 =	sadd.s32 s8, s4;
	s28 =	sshrl.u32 s24, $0x2;
	s29 =	sshrl.u32 s26, $0x1  }
0xa: {  	s5 =	sadd.s32 s5, s7;
	s13 =	ssub.s32 s26, s29;
	s10 =	sadd.s32 s12, s10  }
0xb: {  	s30 =	sadd.s32 s14, s9;
	s14 =	simm.s32 $0x3;
	s5 =	sshll.u32 s5, $0x4  }
0xc: {  	s31 =	sshrl.u32 s10, $0x3;
	s9 =	smax.u32 s13, $0x1;
	s10 =	sadd.s32 $0x1047600, s30  }
0xd: {  	s12 =	sadd.s32 $0x127600, s30;
	s25 =	sadd.s32 s5, s4;
	s4 =	sadd.s32 s28, s2  }
0xe: {  	s13 =	simm.s32 $0x100;
	s11 =	sadd.s32 s31, s11;
	s5 =	sadd.s32 $0x8000, s4  }
0xf: {  	v0 =	vimm.f32 $0.0e+00;
	s6 =	sadd.s32 $0x10000, s4;
	s7 =	sadd.s32 $0x4E00, s25;
	s8 =	sadd.s32 $0x3C7600, s25  }
.LBB2_1:
0x10: {  	s18 =	simm.s32 $0x0;
	s19 =	simm.s32 $0x200  }
.LBB2_2:
0x11: {  	p0 =	sne.s32 s19, $0x1FE00;
	[tilespmem:s18+$0x170] =	vst v0  }
0x12: {  	[tilespmem:s18+$0x100] =	vst v0  }
0x13: {  	[tilespmem:s18+$0x110] =	vst v0  }
.Ltmp0:
0x14: {  	[tilespmem:s18+$0x120] =	vst v0;
	(pc) =	sbr.rel @p0 .LBB2_2-.Ltmp0, $4  }
0x15: {  	[tilespmem:s18+$0x130] =	vst v0  }
0x16: {  	[tilespmem:s18+$0x140] =	vst v0  }
0x17: {  	[tilespmem:s18+$0x150] =	vst v0  }
0x18: {  	[tilespmem:s18+$0x160] =	vst v0;
	s18 =	sshra.s32 s19, $0x2;
	s19 =	sadd.s32 $0x200, s19  }
0x19: {  	[tilespmem:s18+$0x170] =	vst v0  }
0x1a: {  	[tilespmem:s18+$0x100] =	vst v0  }
0x1b: {  	[tilespmem:s18+$0x110] =	vst v0  }
0x1c: {  	[tilespmem:s18+$0x120] =	vst v0  }
0x1d: {  	[tilespmem:s18+$0x130] =	vst v0  }
0x1e: {  	[tilespmem:s18+$0x140] =	vst v0  }
0x1f: {  	[tilespmem:s18+$0x150] =	vst v0  }
0x20: {  	[tilespmem:s18+$0x160] =	vst v0  }
0x21: {  	[spmem:s4] =	stream.linear.scatter [tilespmem:s13], [sflag:$0x3], $0x8000, $0x38;
	[tilespmem:$0x1C100] =	vst v63  }
0x22: {  	_ =	swait.ge [sflag:s14], $0x8000  }
0x23: {  	[sflag:s14] =	ssyncset.done $0x0  }
0x24: {  	[sflag:s14] =	ssyncadd.s32 $0xFFFF8000  }
0x25: {  	[spmem:s5] =	stream.linear.scatter [tilespmem:s13], [sflag:$0x3], $0x8000, $0x38;
	[tilespmem:$0x1C100] =	vst v63  }
0x26: {  	_ =	swait.ge [sflag:s14], $0x8000  }
0x27: {  	[sflag:s14] =	ssyncset.done $0x0  }
0x28: {  	[sflag:s14] =	ssyncadd.s32 $0xFFFF8000  }
0x29: {  	[spmem:s6] =	stream.linear.scatter [tilespmem:s13], [sflag:$0x3], $0x4000, $0x38;
	[tilespmem:$0x1C100] =	vst v63  }
0x2a: {  	_ =	swait.ge [sflag:s14], $0x4000  }
0x2b: {  	[sflag:s14] =	ssyncset.done $0x0  }
0x2c: {  	[sflag:s14] =	ssyncadd.s32 $0xFFFFC000  }
0x2d: {  	s31 =	sadd.s32 $0x0, s11;
	[bflag:$0x0] =	sbarrier.arrive $0xFFFF  }
0x2e: {  	[tilespmem:s3], [sflag:$0x1] =	stream.linear.gather [hbm4b:s31+s3], $0x100, $0x38;
	[tilespmem:$0x1C100] =	vst v63  }
0x2f: {  	_ = 	snop  }
0x30: {  	[tilespmem:s13], [sflag:$0x2] =	stream.linear.gather [hbm4b:s10+s3], $0x8000, $0x38;
	[tilespmem:$0x1C100] =	vst v63  }
0x31: {  	_ =	swait.ge [sflag:s15], $0x100  }
0x32: {  	[sflag:s15] =	ssyncset.done $0x0  }
0x33: {  	[sflag:s15] =	ssyncadd.s32 $0xFFFFFF00  }
0x34: {  	_ =	swait.ge [sflag:s16], $0x8000  }
0x35: {  	[sflag:s16] =	ssyncset.done $0x0  }
0x36: {  	[sflag:s16] =	ssyncadd.s32 $0xFFFF8000  }
0x37: {  	[spmem:s2] =	stream.indirect.scatter.add.f32 [tilespmem:s13], [sflag:$0x3], $0x80, s3, s13, $0xb8;
	[tilespmem:$0x1C100] =	vst v63  }
0x38: {  	s19 =	simm.s32 $0x20;
	_ =	swait.ge [sflag:s14], $0x8000  }
0x39: {  	s20 =	simm.s32 $0x40;
	s18 =	sadd.s32 $0x1000, s10;
	[sflag:s14] =	ssyncset.done $0x0  }
.LBB2_4:
0x3a: {  	s21 =	sadd.s32 s19, s11  }
0x3b: {  	[sflag:s14] =	ssyncadd.s32 $0xFFFF8000;
	s19 =	smov.u32 s20;
	s22 =	sadd.s32 $0x20, s20  }
0x3c: {  	[tilespmem:s3], [sflag:$0x1] =	stream.linear.gather [hbm4b:s21+s3], $0x100, $0x38;
	[tilespmem:$0x1C100] =	vst v63  }
0x3d: {  	p0 =	sne.s32 s20, $0x280  }
0x3e: {  	[tilespmem:s13], [sflag:$0x2] =	stream.linear.gather [hbm4b:s18+s3], $0x8000, $0x38;
	[tilespmem:$0x1C100] =	vst v63  }
0x3f: {  	_ =	swait.ge [sflag:s15], $0x100  }
0x40: {  	[sflag:s15] =	ssyncset.done $0x0  }
0x41: {  	[sflag:s15] =	ssyncadd.s32 $0xFFFFFF00  }
0x42: {  	_ =	swait.ge [sflag:s16], $0x8000  }
.Ltmp1:
0x43: {  	[sflag:s16] =	ssyncset.done $0x0;
	(pc) =	sbr.rel @p0 .LBB2_4-.Ltmp1, $4  }
0x44: {  	[sflag:s16] =	ssyncadd.s32 $0xFFFF8000  }
0x45: {  	[spmem:s2] =	stream.indirect.scatter.add.f32 [tilespmem:s13], [sflag:$0x3], $0x80, s3, s13, $0xb8;
	[tilespmem:$0x1C100] =	vst v63  }
0x46: {  	_ =	swait.ge [sflag:s14], $0x8000  }
0x47: {  	s20 =	smov.u32 s22;
	s18 =	sadd.s32 $0x1000, s18;
	[sflag:s14] =	ssyncset.done $0x0  }
0x48: {  	s19 =	sadd.s32 s19, s11;
	[sflag:s14] =	ssyncadd.s32 $0xFFFF8000  }
0x49: {  	[tilespmem:s3], [sflag:$0x1] =	stream.linear.gather [hbm4b:s19+s3], $0x100, $0x38;
	[tilespmem:$0x1C100] =	vst v63  }
0x4a: {  	_ = 	snop  }
0x4b: {  	[tilespmem:s13], [sflag:$0x2] =	stream.linear.gather [hbm4b:s18+s3], $0x8000, $0x38;
	[tilespmem:$0x1C100] =	vst v63  }
0x4c: {  	_ =	swait.ge [sflag:s15], $0x100  }
0x4d: {  	[sflag:s15] =	ssyncset.done $0x0  }
0x4e: {  	[sflag:s15] =	ssyncadd.s32 $0xFFFFFF00  }
0x4f: {  	_ =	swait.ge [sflag:s16], $0x8000  }
0x50: {  	[sflag:s16] =	ssyncset.done $0x0  }
0x51: {  	[sflag:s16] =	ssyncadd.s32 $0xFFFF8000  }
0x52: {  	[spmem:s2] =	stream.indirect.scatter.add.f32 [tilespmem:s13], [sflag:$0x3], $0x80, s3, s13, $0xb8;
	[tilespmem:$0x1C100] =	vst v63  }
0x53: {  	_ =	swait.ge [sflag:s14], $0x8000  }
0x54: {  	[sflag:s14] =	ssyncset.done $0x0  }
0x55: {  	s31 =	sshll.u32 s0, $0x6;
	[sflag:s14] =	ssyncadd.s32 $0xFFFF8000  }
0x56: {  	s19 =	sshrl.u32 s4, $0x3;
	s18 =	sor.u32 $0x1C03, s31;
	[bflag:$0x0] =	sbarrier.arrive $0xFFFF  }
0x57: {  	[hbm:s7], [sflag:s18] =	dma.local [spmem:s19], $0x2800  }
0x58: {  	_ =	swait.ge [sflag:s14], $0x2800  }
0x59: {  	[sflag:s14] =	ssyncset.done $0x0  }
0x5a: {  	[sflag:s14] =	ssyncadd.s32 $0xFFFFD800  }
0x5b: {  	s20 =	simm.s32 $0x0;
	s21 =	simm.s32 $0x200;
	[bflag:$0x0] =	sbarrier.arrive $0xFFFF  }
.LBB2_6:
0x5c: {  	p0 =	sne.s32 s21, $0x1FE00;
	[tilespmem:s20+$0x170] =	vst v0  }
0x5d: {  	[tilespmem:s20+$0x100] =	vst v0  }
0x5e: {  	[tilespmem:s20+$0x110] =	vst v0  }
.Ltmp2:
0x5f: {  	[tilespmem:s20+$0x120] =	vst v0;
	(pc) =	sbr.rel @p0 .LBB2_6-.Ltmp2, $4  }
0x60: {  	[tilespmem:s20+$0x130] =	vst v0  }
0x61: {  	[tilespmem:s20+$0x140] =	vst v0  }
0x62: {  	[tilespmem:s20+$0x150] =	vst v0  }
0x63: {  	[tilespmem:s20+$0x160] =	vst v0;
	s20 =	sshra.s32 s21, $0x2;
	s21 =	sadd.s32 $0x200, s21  }
0x64: {  	[tilespmem:s20+$0x170] =	vst v0  }
0x65: {  	[tilespmem:s20+$0x100] =	vst v0  }
0x66: {  	[tilespmem:s20+$0x110] =	vst v0  }
0x67: {  	[tilespmem:s20+$0x120] =	vst v0  }
0x68: {  	[tilespmem:s20+$0x130] =	vst v0  }
0x69: {  	[tilespmem:s20+$0x140] =	vst v0  }
0x6a: {  	[tilespmem:s20+$0x150] =	vst v0  }
0x6b: {  	[tilespmem:s20+$0x160] =	vst v0  }
0x6c: {  	[spmem:s4] =	stream.linear.scatter [tilespmem:s13], [sflag:$0x3], $0x8000, $0x38;
	[tilespmem:$0x1C100] =	vst v63  }
0x6d: {  	_ =	swait.ge [sflag:s14], $0x8000  }
0x6e: {  	[sflag:s14] =	ssyncset.done $0x0  }
0x6f: {  	[sflag:s14] =	ssyncadd.s32 $0xFFFF8000  }
0x70: {  	[spmem:s5] =	stream.linear.scatter [tilespmem:s13], [sflag:$0x3], $0x8000, $0x38;
	[tilespmem:$0x1C100] =	vst v63  }
0x71: {  	_ =	swait.ge [sflag:s14], $0x8000  }
0x72: {  	[sflag:s14] =	ssyncset.done $0x0  }
0x73: {  	[sflag:s14] =	ssyncadd.s32 $0xFFFF8000  }
0x74: {  	[spmem:s6] =	stream.linear.scatter [tilespmem:s13], [sflag:$0x3], $0x4000, $0x38;
	[tilespmem:$0x1C100] =	vst v63  }
0x75: {  	_ =	swait.ge [sflag:s14], $0x4000  }
0x76: {  	[sflag:s14] =	ssyncset.done $0x0  }
0x77: {  	[sflag:s14] =	ssyncadd.s32 $0xFFFFC000  }
0x78: {  	s31 =	sadd.s32 $0x0, s11;
	[bflag:$0x0] =	sbarrier.arrive $0xFFFF  }
0x79: {  	[tilespmem:s3], [sflag:$0x1] =	stream.linear.gather [hbm4b:s31+s3], $0x100, $0x38;
	[tilespmem:$0x1C100] =	vst v63  }
0x7a: {  	_ = 	snop  }
0x7b: {  	[tilespmem:s13], [sflag:$0x2] =	stream.linear.gather [hbm4b:s12+s3], $0x8000, $0x38;
	[tilespmem:$0x1C100] =	vst v63  }
0x7c: {  	_ =	swait.ge [sflag:s15], $0x100  }
0x7d: {  	[sflag:s15] =	ssyncset.done $0x0  }
0x7e: {  	[sflag:s15] =	ssyncadd.s32 $0xFFFFFF00  }
0x7f: {  	_ =	swait.ge [sflag:s16], $0x8000  }
0x80: {  	[sflag:s16] =	ssyncset.done $0x0  }
0x81: {  	[sflag:s16] =	ssyncadd.s32 $0xFFFF8000  }
0x82: {  	[spmem:s2] =	stream.indirect.scatter.add.f32 [tilespmem:s13], [sflag:$0x3], $0x80, s3, s13, $0xb8;
	[tilespmem:$0x1C100] =	vst v63  }
0x83: {  	s21 =	simm.s32 $0x20;
	_ =	swait.ge [sflag:s14], $0x8000  }
0x84: {  	s22 =	simm.s32 $0x40;
	s20 =	sadd.s32 $0x1000, s12;
	[sflag:s14] =	ssyncset.done $0x0  }
.LBB2_8:
0x85: {  	s23 =	sadd.s32 s21, s11  }
0x86: {  	[sflag:s14] =	ssyncadd.s32 $0xFFFF8000;
	s21 =	smov.u32 s22;
	s24 =	sadd.s32 $0x20, s22  }
0x87: {  	[tilespmem:s3], [sflag:$0x1] =	stream.linear.gather [hbm4b:s23+s3], $0x100, $0x38;
	[tilespmem:$0x1C100] =	vst v63  }
0x88: {  	p0 =	sne.s32 s22, $0x280  }
0x89: {  	[tilespmem:s13], [sflag:$0x2] =	stream.linear.gather [hbm4b:s20+s3], $0x8000, $0x38;
	[tilespmem:$0x1C100] =	vst v63  }
0x8a: {  	_ =	swait.ge [sflag:s15], $0x100  }
0x8b: {  	[sflag:s15] =	ssyncset.done $0x0  }
0x8c: {  	[sflag:s15] =	ssyncadd.s32 $0xFFFFFF00  }
0x8d: {  	_ =	swait.ge [sflag:s16], $0x8000  }
.Ltmp3:
0x8e: {  	[sflag:s16] =	ssyncset.done $0x0;
	(pc) =	sbr.rel @p0 .LBB2_8-.Ltmp3, $4  }
0x8f: {  	[sflag:s16] =	ssyncadd.s32 $0xFFFF8000  }
0x90: {  	[spmem:s2] =	stream.indirect.scatter.add.f32 [tilespmem:s13], [sflag:$0x3], $0x80, s3, s13, $0xb8;
	[tilespmem:$0x1C100] =	vst v63  }
0x91: {  	_ =	swait.ge [sflag:s14], $0x8000  }
0x92: {  	s22 =	smov.u32 s24;
	s20 =	sadd.s32 $0x1000, s20;
	[sflag:s14] =	ssyncset.done $0x0  }
0x93: {  	s21 =	sadd.s32 s21, s11;
	[sflag:s14] =	ssyncadd.s32 $0xFFFF8000  }
0x94: {  	[tilespmem:s3], [sflag:$0x1] =	stream.linear.gather [hbm4b:s21+s3], $0x100, $0x38;
	[tilespmem:$0x1C100] =	vst v63  }
0x95: {  	_ = 	snop  }
0x96: {  	[tilespmem:s13], [sflag:$0x2] =	stream.linear.gather [hbm4b:s20+s3], $0x8000, $0x38;
	[tilespmem:$0x1C100] =	vst v63  }
0x97: {  	_ =	swait.ge [sflag:s15], $0x100  }
0x98: {  	[sflag:s15] =	ssyncset.done $0x0  }
0x99: {  	[sflag:s15] =	ssyncadd.s32 $0xFFFFFF00  }
0x9a: {  	_ =	swait.ge [sflag:s16], $0x8000  }
0x9b: {  	[sflag:s16] =	ssyncset.done $0x0  }
0x9c: {  	[sflag:s16] =	ssyncadd.s32 $0xFFFF8000  }
0x9d: {  	[spmem:s2] =	stream.indirect.scatter.add.f32 [tilespmem:s13], [sflag:$0x3], $0x80, s3, s13, $0xb8;
	[tilespmem:$0x1C100] =	vst v63  }
0x9e: {  	_ =	swait.ge [sflag:s14], $0x8000  }
0x9f: {  	[sflag:s14] =	ssyncset.done $0x0  }
0xa0: {  	s17 =	sadd.s32 $0x1, s17;
	[sflag:s14] =	ssyncadd.s32 $0xFFFF8000  }
0xa1: {  	p0 =	sne.s32 s17, s9;
	[bflag:$0x0] =	sbarrier.arrive $0xFFFF  }
0xa2: {  	[hbm:s8], [sflag:s18] =	dma.local [spmem:s19], $0x2800  }
.Ltmp4:
0xa3: {  	_ =	swait.ge [sflag:s14], $0x2800;
	(pc) =	sbr.rel @p0 .LBB2_1-.Ltmp4, $3  }
0xa4: {  	[sflag:s14] =	ssyncset.done $0x0  }
0xa5: {  	[sflag:s14] =	ssyncadd.s32 $0xFFFFD800  }
0xa6: {  	[bflag:$0x0] =	sbarrier.arrive $0xFFFF;
	_ =	sdelay $0x1  }
0xa7: {  	_ =	sfence.sel $0x180000  }
0xa8: {  	[bflag:$0x0] =	sbarrier.arrive $0xFFFF  }
0xa9: {  	p0 =	sne.s32 s0, $0x0;
	_ =	strace $0x90000050  }
0xaa: {  	s0 =	sadd.s32 @!p0 $0x100000, s1;
	[bflag:$0x2] =	sbarrier.arrive $0xFFFF  }
0xab: {  	[sflag:s0] =	ssyncadd.tile.s32 @!p0 $0x1;
	_ =	shalt  }
.Lfunc_end2:
_tile_overlayer_lowered:
.L_overlay_start_2:
0xac: {  	(tag) =	ssettag $0x2  }
0xad: {  	s0 =	rddreg [dreg:$0x0];
	s2 =	stileid.u32  }
0xae: {  	s1 =	rddreg [dreg:$0x1];
	p0 =	sne.s32 s2, $0x0  }
0xaf: {  	s3 =	rddreg [dreg:$0x2];
	[bflag:$0x3] =	sbarrier.arrive $0xFFFF;
	s2 =	simm.s32 @!p0 $0x1C03  }
0xb0: {  	[timem:s3], [sflag:s2] =	dma.local @!p0 [hbm:s0], s1  }
0xb1: {  	s0 =	simm.s32 @!p0 $0x3  }
0xb2: {  	_ =	swait.ge @!p0 [sflag:s0], s1  }
0xb3: {  	s1 =	ssub.s32 @!p0 $0x0, s1;
	[sflag:s0] =	ssyncset.done @!p0 $0x0  }
0xb4: {  	[sflag:s0] =	ssyncadd.s32 @!p0 s1  }
0xb5: {  	[bflag:$0x3] =	sbarrier.arrive $0xFFFF  }
0xb6: {  	_ =	shalt  }

// kernel: kernel.19.cloned.1.call-start
scs
__scs_entry_jumppad:
0x0: {  	(pc) =	sbr.rel $0x88, $3  }
0x1: {  	(tag) =	ssettag $0x0;
	lr =	simm.s32 $0x1  }
0x2: {  	[smem:$0x3F8F] =	sst lr;
	_ =	strace $0xD0000000  }
0x3: {  	_ = 	snop  }
0x4: {  	_ = 	snop  }
0x5: {  	_ = 	snop  }
0x6: {  	_ = 	snop  }
0x7: {  	_ = 	snop  }
__scs_overlays_trampoline_lowered:
0x8: {  	[smem:$0x3F9E] =	sst s0  }
0x9: {  	[smem:$0x3F9F] =	sst s1  }
0xa: {  	[smem:$0x3FA0] =	sst s2  }
0xb: {  	[smem:$0x3FA1] =	sst s3  }
0xc: {  	[smem:$0x3FA2] =	sst s4  }
0xd: {  	[smem:$0x3FA3] =	sst s5  }
0xe: {  	[smem:$0x3FA4] =	sst s6  }
0xf: {  	[smem:$0x3FA5] =	sst s7  }
0x10: {  	[smem:$0x3FA6] =	sst s8  }
0x11: {  	[smem:$0x3FA7] =	sst s9;
	s0 =	simm.s32 @!p0 $0x0  }
0x12: {  	s1 =	sld [smem:$0x3F8D];
	s0 =	simm.s32 @p0 $0x1  }
0x13: {  	[smem:$0x3FA8] =	sst s0;
	s0 =	simm.s32 @!p1 $0x0  }
0x14: {  	s2 =	sld [smem:$0x3F8C];
	s0 =	simm.s32 @p1 $0x1  }
0x15: {  	[smem:$0x3FA9] =	sst s0;
	s0 =	simm.s32 @!p2 $0x0  }
0x16: {  	s3 =	sld [smem:$0x3FDB];
	s0 =	simm.s32 @p2 $0x1  }
0x17: {  	s4 =	simm.s32 $0x1BF5;
	[smem:$0x3FAB] =	sst s0  }
0x18: {  	s0 =	sld [smem:$0x3F8E];
	_ =	swait.ge [sflag:s4], $0x0  }
0x19: {  	s7 =	sld [smem:$0x3F8F]  }
0x1a: {  	s8 =	sadd.s32 $0xFFFFE003, lr  }
0x1b: {  	s9 =	sadd.s32 $0xFFFFFEF7, lr;
	s5 =	simm.s32 $0xFFFFFFFF;
	p2 =	slt.u32 s8, $0xFFFFF086  }
0x1c: {  	p1 =	slt.u32 s9, $0xF7A;
	s5 =	simm.s32 @!p2 $0x0  }
0x1d: {  	s5 =	simm.s32 @p1 $0x1;
	p0 =	seq.s32 s7, s2  }
0x1e: {  	s7 =	smul.u32 @!p0 $0xF7A, s2;
	p2 =	seq.s32 @!p0 s5, $0x0  }
0x1f: {  	s9 =	smul.u32 $0xF7A, s1;
	s8 =	simm.s32 @!p0 $0x1BF5;
	p2 =	por !p2, p0  }
0x20: {  	[sflag:s8] =	ssyncset.s32 @!p0 $0xFFFFF086;
	s6 =	sadd.s32 @!p0 s3, s7;
	s7 =	simm.s32 @!p0 $0x108  }
0x21: {  	s3 =	sadd.s32 s3, s9;
	s6 =	sadd.s32 @!p0 $0x88, s6;
	s7 =	simm.s32 @p2 $0x1082  }
0x22: {  	[simem:s7], [sflag:s8] =	dma.local @!p0 [hbm:s6], $0xF7A  }
0x23: {  	s9 =	sor.u32 $0xD0000000, s2;
	s6 =	simm.s32 $0x108;
	_ =	swait.ge @!p0 [sflag:s8], $0x0  }
0x24: {  	s3 =	sadd.s32 $0x88, s3;
	s6 =	simm.s32 @!p1 $0x1082;
	[sflag:s4] =	ssyncset.s32 $0xFFFFF086  }
0x25: {  	[simem:s6], [sflag:s4] =	dma.local [hbm:s3], $0xF7A  }
0x26: {  	[smem:$0x3F8F] =	sst s1;
	(tag) =	ssettag s2;
	_ =	strace s9  }
0x27: {  	s1 =	sld [smem:$0x3F9F]  }
0x28: {  	s2 =	sld [smem:$0x3FA0]  }
0x29: {  	s4 =	sld [smem:$0x3FA2]  }
0x2a: {  	p0 =	seq.s32 s5, $0x0;
	s5 =	sld [smem:$0x3FA3]  }
0x2b: {  	s6 =	sld [smem:$0x3FA4]  }
0x2c: {  	s7 =	sld [smem:$0x3FA5]  }
0x2d: {  	s3 =	simm.s32 $0x108;
	s8 =	sld [smem:$0x3FA6]  }
0x2e: {  	s3 =	simm.s32 @!p0 $0x1082;
	s9 =	sld [smem:$0x3FA7]  }
0x2f: {  	lr =	sadd.s32 s0, s3;
	s0 =	sld [smem:$0x3F9E]  }
0x30: {  	s3 =	sld [smem:$0x3FA1]  }
0x31: {  	[smem:$0x3FAA] =	sst s10  }
0x32: {  	s10 =	sld [smem:$0x3FA8];
	_ =	sdelay $0x3  }
0x33: {  	p0 =	seq.s32 s10, $0x1;
	s10 =	sld [smem:$0x3FAA];
	_ =	sdelay $0x3  }
0x34: {  	[smem:$0x3FAA] =	sst s10  }
0x35: {  	s10 =	sld [smem:$0x3FA9];
	_ =	sdelay $0x3  }
0x36: {  	p1 =	seq.s32 s10, $0x1;
	s10 =	sld [smem:$0x3FAA];
	_ =	sdelay $0x3  }
0x37: {  	[smem:$0x3FAA] =	sst s10  }
0x38: {  	s10 =	sld [smem:$0x3FAB]  }
0x39: {  	_ = 	snop;
	(pc) =	sbr.ind lr, $3  }
0x3a: {  	_ = 	snop  }
0x3b: {  	_ = 	snop  }
0x3c: {  	p2 =	seq.s32 s10, $0x1;
	s10 =	sld [smem:$0x3FAA]  }
0x3d: {  	_ =	shalt  }
0x3e: {  	_ =	shalt  }
0x3f: {  	_ =	shalt  }
0x40: {  	_ =	shalt  }
0x41: {  	_ =	shalt  }
0x42: {  	_ =	shalt  }
0x43: {  	_ =	shalt  }
0x44: {  	_ =	shalt  }
0x45: {  	_ =	shalt  }
0x46: {  	_ =	shalt  }
0x47: {  	_ =	shalt  }
0x48: {  	_ =	shalt  }
0x49: {  	_ =	shalt  }
0x4a: {  	_ =	shalt  }
0x4b: {  	_ =	shalt  }
0x4c: {  	_ =	shalt  }
0x4d: {  	_ =	shalt  }
0x4e: {  	_ =	shalt  }
0x4f: {  	_ =	shalt  }
0x50: {  	_ =	shalt  }
0x51: {  	_ =	shalt  }
0x52: {  	_ =	shalt  }
0x53: {  	_ =	shalt  }
0x54: {  	_ =	shalt  }
0x55: {  	_ =	shalt  }
0x56: {  	_ =	shalt  }
0x57: {  	_ =	shalt  }
0x58: {  	_ =	shalt  }
0x59: {  	_ =	shalt  }
0x5a: {  	_ =	shalt  }
0x5b: {  	_ =	shalt  }
0x5c: {  	_ =	shalt  }
0x5d: {  	_ =	shalt  }
0x5e: {  	_ =	shalt  }
0x5f: {  	_ =	shalt  }
0x60: {  	_ =	shalt  }
0x61: {  	_ =	shalt  }
0x62: {  	_ =	shalt  }
0x63: {  	_ =	shalt  }
0x64: {  	_ =	shalt  }
0x65: {  	_ =	shalt  }
0x66: {  	_ =	shalt  }
0x67: {  	_ =	shalt  }
0x68: {  	_ =	shalt  }
0x69: {  	_ =	shalt  }
0x6a: {  	_ =	shalt  }
0x6b: {  	_ =	shalt  }
0x6c: {  	_ =	shalt  }
0x6d: {  	_ =	shalt  }
0x6e: {  	_ =	shalt  }
0x6f: {  	_ =	shalt  }
0x70: {  	_ =	shalt  }
0x71: {  	_ =	shalt  }
0x72: {  	_ =	shalt  }
0x73: {  	_ =	shalt  }
0x74: {  	_ =	shalt  }
0x75: {  	_ =	shalt  }
0x76: {  	_ =	shalt  }
0x77: {  	_ =	shalt  }
0x78: {  	_ =	shalt  }
0x79: {  	_ =	shalt  }
0x7a: {  	_ =	shalt  }
0x7b: {  	_ =	shalt  }
0x7c: {  	_ =	shalt  }
0x7d: {  	_ =	shalt  }
0x7e: {  	_ =	shalt  }
0x7f: {  	_ =	shalt  }
0x80: {  	_ =	shalt  }
0x81: {  	_ =	shalt  }
0x82: {  	_ =	shalt  }
0x83: {  	_ =	shalt  }
0x84: {  	_ =	shalt  }
0x85: {  	_ =	shalt  }
0x86: {  	_ =	shalt  }
0x87: {  	_ =	shalt  }
.Lfunc_end0:
.L_simem_size_0:
called_computation.3_lowered:
.L_overlay_start_0:
0x88: {  	s2 =	sld [smem:$0x3FD9]  }
0x89: {  	s3 =	sld [smem:$0x3FFE];
	_ =	sdelay $0x1  }
0x8a: {  	s1 =	srdreg.scid  }
0x8b: {  	s0 =	sand.u32 $0x1, s1  }
0x8c: {  	s17 =	sshll.u32 s0, $0xA;
	s2 =	sadd.s32 s3, s2  }
0x8d: {  	s2 =	sadd.s32 s2, s17  }
0x8e: {  	[smem:$0x3FB6] =	sst s2  }
0x8f: {  	_ = 	snop  }
0x90: {  	s18 =	sld [smem:$0x3FD0];
	(tm) =	ssettm $0x1  }
0x91: {  	s19 =	sld [smem:$0x3FFB];
	_ =	sdelay $0x3  }
0x92: {  	_ =	strace s19  }
0x93: {  	s2 =	sld [smem:$0x3FFC];
	_ =	sdelay $0x3  }
0x94: {  	_ =	strace s2  }
0x95: {  	s2 =	sld [smem:$0x3FFD];
	_ =	sdelay $0x3  }
0x96: {  	_ =	strace s2  }
0x97: {  	_ =	strace $0x8FFFFFFF  }
0x98: {  	s20 =	sld [smem:$0x3FDB];
	_ =	sdelay $0x1  }
0x99: {  	s4 =	simm.s32 $_scs_section_size  }
0x9a: {  	s5 =	simm.s32 $_size__tile_overlayer_lowered;
	s6 =	simm.s32 $_tile_overlayer_lowered  }
0x9b: {  	s7 =	simm.s32 $0x1BFF;
	s21 =	sshll.u32 s6, $0x1;
	s4 =	sadd.s32 s4, s20  }
0x9c: {  	s22 =	simm.s32 $0x0;
	s5 =	sshll.u32 s5, $0x1;
	s6 =	sadd.s32 s21, s4  }
0x9d: {  	[timem:s22], [sflag:s7] =	dma.local [hbm:s6], s5  }
0x9e: {  	_ =	swait.ge [sflag:s7], s5  }
0x9f: {  	s5 =	ssub.s32 $0x0, s5;
	[sflag:s7] =	ssyncset.done $0x0  }
0xa0: {  	[sflag:s7] =	ssyncadd.s32 s5;
	_ =	sdelay $0x1  }
0xa1: {  	s23 =	simm.s32 $0x1B8B  }
0xa2: {  	_ =	swait.ge [sflag:s23], $0x1  }
0xa3: {  	[sflag:s23] =	ssyncset.done $0x0  }
0xa4: {  	[sflag:s23] =	ssyncadd.s32 $0xFFFFFFFF  }
0xa5: {  	s5 =	sld [smem:$0x0]  }
0xa6: {  	s6 =	sand.u32 $0xFFFFFFFE, s1  }
0xa7: {  	p0 =	sne.s32 s1, s6  }
0xa8: {  	s6 =	sshll.u32 @p0 s6, $0xE  }
0xa9: {  	s6 =	sadd.s32 @p0 $0x11B8D, s6;
	s7 =	sshll.u32 @p0 s5, $0x11  }
0xaa: {  	s6 =	sor.u32 @p0 s7, s6  }
0xab: {  	[sflag:s6] =	ssyncadd.remote.s32 @p0 $0x1;
	_ =	sdelay $0x1  }
0xac: {  	s6 =	simm.s32 @p0 $0x1B8D  }
0xad: {  	_ =	swait.eq @p0 [sflag:s6], $0x1  }
0xae: {  	[sflag:s6] =	ssyncadd.s32 @p0 $0xFFFFFFFF  }
0xaf: {  	s7 =	sshll.u32 @!p0 s1, $0xE  }
0xb0: {  	s7 =	sor.u32 @!p0 $0x4000, s7;
	s6 =	simm.s32 @!p0 $0x1B8D  }
0xb1: {  	s5 =	sshll.u32 @!p0 s5, $0x11;
	s7 =	sadd.s32 @!p0 $0x11B8D, s7;
	_ =	swait.eq @!p0 [sflag:s6], $0x1  }
0xb2: {  	s5 =	sor.u32 @!p0 s5, s7;
	[sflag:s6] =	ssyncadd.s32 @!p0 $0xFFFFFFFF  }
0xb3: {  	s25 =	simm.s32 $0x1B8E;
	s24 =	sld [smem:$0x3FFE];
	[sflag:s5] =	ssyncadd.remote.s32 @!p0 $0x1  }
0xb4: {  	s26 =	simm.s32 $execute0_lowered;
	[smem:$0x3FD2] =	sst s25  }
0xb5: {  	s6 =	sshll.u32 s26, $0x1;
	_ =	strace $0x8000004C;
	[dreg:$0x1] =	wrdreg $0xFFFFFFFF  }
0xb6: {  	s28 =	simm.s32 $_size_execute0_lowered;
	s4 =	sadd.s32 s4, s6;
	[dreg:$0x0] =	wrdreg $0x0  }
0xb7: {  	s6 =	sshll.u32 s28, $0x1;
	[dreg:$0x2] =	wrdreg s4  }
0xb8: {  	[dreg:$0x3] =	wrdreg s6  }
0xb9: {  	[dreg:$0x4] =	wrdreg $0xC0  }
0xba: {  	_ =	task [dreg:s22], $0x5FFFF  }
0xbb: {  	[dreg:$0x1] =	wrdreg $0xFFFFFFFF  }
0xbc: {  	[dreg:$0x0] =	wrdreg $0x60  }
0xbd: {  	[dreg:$0x2] =	wrdreg s24  }
0xbe: {  	[dreg:$0x3] =	wrdreg s18  }
0xbf: {  	[dreg:$0x4] =	wrdreg $0x81000  }
0xc0: {  	[dreg:$0x5] =	wrdreg $0xA  }
0xc1: {  	_ =	task.clear_ibuf [dreg:s22], $0x6FFFF;
	_ =	strace $0x9000004C  }
0xc2: {  	s29 =	simm.s32 $0xA;
	_ =	strace $0x8000004E  }
0xc3: {  	_ =	swait.ge [sflag:s29], $0x1  }
0xc4: {  	[sflag:s29] =	ssyncadd.s32 $0xFFFFFFFF  }
0xc5: {  	_ =	strace $0x9000004E  }
0xc6: {  	_ =	sfence  }
0xc7: {  	s30 =	sld [smem:$0x0];
	_ =	sdelay $0x2  }
0xc8: {  	s31 =	sshll.u32 s1, $0xD;
	s1 =	sshrl.u32 s1, $0x2  }
0xc9: {  	s4 =	sand.u32 $0x4000, s31;
	s1 =	sadd.s32 s1, s30  }
0xca: {  	s0 =	sor.u32 s4, s0;
	s1 =	sshll.u32 s1, $0x11  }
0xcb: {  	s0 =	sor.u32 s1, s0  }
0xcc: {  	s0 =	sadd.s32 $0x8F2B, s0  }
0xcd: {  	[sflag:s0] =	ssyncadd.remote.s32 $0x1  }
0xce: {  	_ =	sfence.sel $0xFFFF  }
0xcf: {  	[dreg:$0x0] =	wrdreg $0xFFFFFFFF;
	(pc) =	sbr.abs _section_cstart, $3  }
0xd0: {  	[dreg:$0x1] =	wrdreg $0xFFFFFFFF  }
0xd1: {  	_ =	task.clear_ibuf [dreg:s22], $0x2FFFF;
	_ =	strace $0x9FFFFFFF  }
0xd2: {  	(tm) =	ssettm $0x7FFFFFFF  }
0xd3: {  	_ =	shalt  }
tec
execute0_lowered:
.L_overlay_start_1:
0x0: {  	(tag) =	ssettag $0x1  }
0x1: {  	s4 =	rddreg [dreg:$0x0]  }
0x2: {  	s11 =	rddreg [dreg:$0x1];
	s1 =	stileid.u32  }
0x3: {  	s2 =	rddreg [dreg:$0x2];
	s5 =	smul.u32 $0x2A000, s1  }
0x4: {  	s0 =	rddreg [dreg:$0x3];
	s7 =	smul.u32 $0x280, s1  }
0x5: {  	s6 =	srdreg.scid;
	s3 =	simm.s32 $0x0;
	s26 =	smul.u32 $0x50000, s1  }
0x6: {  	s16 =	simm.s32 $0x2;
	s6 =	sand.u32 $0x1, s6;
	s10 =	smul.u32 $0x2A00, s1  }
0x7: {  	s17 =	simm.s32 $0x0;
	[smem:$0x7FF] =	sst s3;
	s8 =	smul.u32 $0x2800, s6  }
0x8: {  	_ =	strace $0x8000004D;
	s28 =	ssub.s32 $0x2, s6;
	s13 =	smul.u32 $0x1500, s6  }
0x9: {  	s15 =	smul.u32 $0x15000, s6;
	s9 =	sadd.s32 s5, s4;
	s12 =	sshrl.u32 s28, $0x1  }
0xa: {  	s25 =	sadd.s32 s7, s8;
	s7 =	sshrl.u32 s26, $0x2;
	s12 =	ssub.s32 s28, s12  }
0xb: {  	s29 =	sadd.s32 s13, s10;
	s30 =	sadd.s32 s15, s9;
	s13 =	simm.s32 $0x100  }
0xc: {  	s15 =	simm.s32 $0x1;
	s5 =	sshll.u32 s25, $0x4;
	s10 =	sadd.s32 $0x2A000, s29  }
0xd: {  	s9 =	smax.u32 s12, $0x1;
	s12 =	sadd.s32 $0xB07600, s30;
	s14 =	sadd.s32 s5, s4  }
0xe: {  	s4 =	sadd.s32 s7, s2;
	s31 =	sshrl.u32 s10, $0x3;
	s10 =	sadd.s32 $0xDA7600, s30  }
0xf: {  	s5 =	sadd.s32 $0x8000, s4;
	s6 =	sadd.s32 $0x10000, s4;
	s7 =	sadd.s32 $0x87600, s14  }
0x10: {  	v0 =	vimm.f32 $0.0e+00;
	s8 =	sadd.s32 $0xD7600, s14;
	s11 =	sadd.s32 s31, s11;
	s14 =	simm.s32 $0x3  }
.LBB2_1:
0x11: {  	s18 =	simm.s32 $0x0;
	s19 =	simm.s32 $0x200  }
.LBB2_2:
0x12: {  	p0 =	sne.s32 s19, $0x1FE00;
	[tilespmem:s18+$0x170] =	vst v0  }
0x13: {  	[tilespmem:s18+$0x100] =	vst v0  }
0x14: {  	[tilespmem:s18+$0x110] =	vst v0  }
.Ltmp0:
0x15: {  	[tilespmem:s18+$0x120] =	vst v0;
	(pc) =	sbr.rel @p0 .LBB2_2-.Ltmp0, $4  }
0x16: {  	[tilespmem:s18+$0x130] =	vst v0  }
0x17: {  	[tilespmem:s18+$0x140] =	vst v0  }
0x18: {  	[tilespmem:s18+$0x150] =	vst v0  }
0x19: {  	[tilespmem:s18+$0x160] =	vst v0;
	s18 =	sshra.s32 s19, $0x2;
	s19 =	sadd.s32 $0x200, s19  }
0x1a: {  	[tilespmem:s18+$0x170] =	vst v0  }
0x1b: {  	[tilespmem:s18+$0x100] =	vst v0  }
0x1c: {  	[tilespmem:s18+$0x110] =	vst v0  }
0x1d: {  	[tilespmem:s18+$0x120] =	vst v0  }
0x1e: {  	[tilespmem:s18+$0x130] =	vst v0  }
0x1f: {  	[tilespmem:s18+$0x140] =	vst v0  }
0x20: {  	[tilespmem:s18+$0x150] =	vst v0  }
0x21: {  	[tilespmem:s18+$0x160] =	vst v0  }
0x22: {  	[spmem:s4] =	stream.linear.scatter [tilespmem:s13], [sflag:$0x3], $0x8000, $0x38;
	[tilespmem:$0x1C100] =	vst v63  }
0x23: {  	_ =	swait.ge [sflag:s14], $0x8000  }
0x24: {  	[sflag:s14] =	ssyncset.done $0x0  }
0x25: {  	[sflag:s14] =	ssyncadd.s32 $0xFFFF8000  }
0x26: {  	[spmem:s5] =	stream.linear.scatter [tilespmem:s13], [sflag:$0x3], $0x8000, $0x38;
	[tilespmem:$0x1C100] =	vst v63  }
0x27: {  	_ =	swait.ge [sflag:s14], $0x8000  }
0x28: {  	[sflag:s14] =	ssyncset.done $0x0  }
0x29: {  	[sflag:s14] =	ssyncadd.s32 $0xFFFF8000  }
0x2a: {  	[spmem:s6] =	stream.linear.scatter [tilespmem:s13], [sflag:$0x3], $0x4000, $0x38;
	[tilespmem:$0x1C100] =	vst v63  }
0x2b: {  	_ =	swait.ge [sflag:s14], $0x4000  }
0x2c: {  	[sflag:s14] =	ssyncset.done $0x0  }
0x2d: {  	[sflag:s14] =	ssyncadd.s32 $0xFFFFC000  }
0x2e: {  	s31 =	sadd.s32 $0x0, s11;
	[bflag:$0x0] =	sbarrier.arrive $0xFFFF  }
0x2f: {  	[tilespmem:s3], [sflag:$0x1] =	stream.linear.gather [hbm4b:s31+s3], $0x100, $0x38;
	[tilespmem:$0x1C100] =	vst v63  }
0x30: {  	_ = 	snop  }
0x31: {  	[tilespmem:s13], [sflag:$0x2] =	stream.linear.gather [hbm4b:s10+s3], $0x8000, $0x38;
	[tilespmem:$0x1C100] =	vst v63  }
0x32: {  	_ =	swait.ge [sflag:s15], $0x100  }
0x33: {  	[sflag:s15] =	ssyncset.done $0x0  }
0x34: {  	[sflag:s15] =	ssyncadd.s32 $0xFFFFFF00  }
0x35: {  	_ =	swait.ge [sflag:s16], $0x8000  }
0x36: {  	[sflag:s16] =	ssyncset.done $0x0  }
0x37: {  	[sflag:s16] =	ssyncadd.s32 $0xFFFF8000  }
0x38: {  	[spmem:s2] =	stream.indirect.scatter.add.f32 [tilespmem:s13], [sflag:$0x3], $0x80, s3, s13, $0xb8;
	[tilespmem:$0x1C100] =	vst v63  }
0x39: {  	s19 =	simm.s32 $0x20;
	_ =	swait.ge [sflag:s14], $0x8000  }
0x3a: {  	s20 =	simm.s32 $0x40;
	s18 =	sadd.s32 $0x1000, s10;
	[sflag:s14] =	ssyncset.done $0x0  }
.LBB2_4:
0x3b: {  	s21 =	sadd.s32 s19, s11  }
0x3c: {  	[sflag:s14] =	ssyncadd.s32 $0xFFFF8000;
	s19 =	smov.u32 s20;
	s22 =	sadd.s32 $0x20, s20  }
0x3d: {  	[tilespmem:s3], [sflag:$0x1] =	stream.linear.gather [hbm4b:s21+s3], $0x100, $0x38;
	[tilespmem:$0x1C100] =	vst v63  }
0x3e: {  	p0 =	sne.s32 s20, $0x280  }
0x3f: {  	[tilespmem:s13], [sflag:$0x2] =	stream.linear.gather [hbm4b:s18+s3], $0x8000, $0x38;
	[tilespmem:$0x1C100] =	vst v63  }
0x40: {  	_ =	swait.ge [sflag:s15], $0x100  }
0x41: {  	[sflag:s15] =	ssyncset.done $0x0  }
0x42: {  	[sflag:s15] =	ssyncadd.s32 $0xFFFFFF00  }
0x43: {  	_ =	swait.ge [sflag:s16], $0x8000  }
.Ltmp1:
0x44: {  	[sflag:s16] =	ssyncset.done $0x0;
	(pc) =	sbr.rel @p0 .LBB2_4-.Ltmp1, $4  }
0x45: {  	[sflag:s16] =	ssyncadd.s32 $0xFFFF8000  }
0x46: {  	[spmem:s2] =	stream.indirect.scatter.add.f32 [tilespmem:s13], [sflag:$0x3], $0x80, s3, s13, $0xb8;
	[tilespmem:$0x1C100] =	vst v63  }
0x47: {  	_ =	swait.ge [sflag:s14], $0x8000  }
0x48: {  	s20 =	smov.u32 s22;
	s18 =	sadd.s32 $0x1000, s18;
	[sflag:s14] =	ssyncset.done $0x0  }
0x49: {  	s19 =	sadd.s32 s19, s11;
	[sflag:s14] =	ssyncadd.s32 $0xFFFF8000  }
0x4a: {  	[tilespmem:s3], [sflag:$0x1] =	stream.linear.gather [hbm4b:s19+s3], $0x100, $0x38;
	[tilespmem:$0x1C100] =	vst v63  }
0x4b: {  	_ = 	snop  }
0x4c: {  	[tilespmem:s13], [sflag:$0x2] =	stream.linear.gather [hbm4b:s18+s3], $0x8000, $0x38;
	[tilespmem:$0x1C100] =	vst v63  }
0x4d: {  	_ =	swait.ge [sflag:s15], $0x100  }
0x4e: {  	[sflag:s15] =	ssyncset.done $0x0  }
0x4f: {  	[sflag:s15] =	ssyncadd.s32 $0xFFFFFF00  }
0x50: {  	_ =	swait.ge [sflag:s16], $0x8000  }
0x51: {  	[sflag:s16] =	ssyncset.done $0x0  }
0x52: {  	[sflag:s16] =	ssyncadd.s32 $0xFFFF8000  }
0x53: {  	[spmem:s2] =	stream.indirect.scatter.add.f32 [tilespmem:s13], [sflag:$0x3], $0x80, s3, s13, $0xb8;
	[tilespmem:$0x1C100] =	vst v63  }
0x54: {  	_ =	swait.ge [sflag:s14], $0x8000  }
0x55: {  	[sflag:s14] =	ssyncset.done $0x0  }
0x56: {  	s31 =	sshll.u32 s1, $0x6;
	[sflag:s14] =	ssyncadd.s32 $0xFFFF8000  }
0x57: {  	s19 =	sshrl.u32 s4, $0x3;
	s18 =	sor.u32 $0x1C03, s31;
	[bflag:$0x0] =	sbarrier.arrive $0xFFFF  }
0x58: {  	[hbm:s7], [sflag:s18] =	dma.local [spmem:s19], $0x2800  }
0x59: {  	_ =	swait.ge [sflag:s14], $0x2800  }
0x5a: {  	[sflag:s14] =	ssyncset.done $0x0  }
0x5b: {  	[sflag:s14] =	ssyncadd.s32 $0xFFFFD800  }
0x5c: {  	s20 =	simm.s32 $0x0;
	s21 =	simm.s32 $0x200;
	[bflag:$0x0] =	sbarrier.arrive $0xFFFF  }
.LBB2_6:
0x5d: {  	p0 =	sne.s32 s21, $0x1FE00;
	[tilespmem:s20+$0x170] =	vst v0  }
0x5e: {  	[tilespmem:s20+$0x100] =	vst v0  }
0x5f: {  	[tilespmem:s20+$0x110] =	vst v0  }
.Ltmp2:
0x60: {  	[tilespmem:s20+$0x120] =	vst v0;
	(pc) =	sbr.rel @p0 .LBB2_6-.Ltmp2, $4  }
0x61: {  	[tilespmem:s20+$0x130] =	vst v0  }
0x62: {  	[tilespmem:s20+$0x140] =	vst v0  }
0x63: {  	[tilespmem:s20+$0x150] =	vst v0  }
0x64: {  	[tilespmem:s20+$0x160] =	vst v0;
	s20 =	sshra.s32 s21, $0x2;
	s21 =	sadd.s32 $0x200, s21  }
0x65: {  	[tilespmem:s20+$0x170] =	vst v0  }
0x66: {  	[tilespmem:s20+$0x100] =	vst v0  }
0x67: {  	[tilespmem:s20+$0x110] =	vst v0  }
0x68: {  	[tilespmem:s20+$0x120] =	vst v0  }
0x69: {  	[tilespmem:s20+$0x130] =	vst v0  }
0x6a: {  	[tilespmem:s20+$0x140] =	vst v0  }
0x6b: {  	[tilespmem:s20+$0x150] =	vst v0  }
0x6c: {  	[tilespmem:s20+$0x160] =	vst v0  }
0x6d: {  	[spmem:s4] =	stream.linear.scatter [tilespmem:s13], [sflag:$0x3], $0x8000, $0x38;
	[tilespmem:$0x1C100] =	vst v63  }
0x6e: {  	_ =	swait.ge [sflag:s14], $0x8000  }
0x6f: {  	[sflag:s14] =	ssyncset.done $0x0  }
0x70: {  	[sflag:s14] =	ssyncadd.s32 $0xFFFF8000  }
0x71: {  	[spmem:s5] =	stream.linear.scatter [tilespmem:s13], [sflag:$0x3], $0x8000, $0x38;
	[tilespmem:$0x1C100] =	vst v63  }
0x72: {  	_ =	swait.ge [sflag:s14], $0x8000  }
0x73: {  	[sflag:s14] =	ssyncset.done $0x0  }
0x74: {  	[sflag:s14] =	ssyncadd.s32 $0xFFFF8000  }
0x75: {  	[spmem:s6] =	stream.linear.scatter [tilespmem:s13], [sflag:$0x3], $0x4000, $0x38;
	[tilespmem:$0x1C100] =	vst v63  }
0x76: {  	_ =	swait.ge [sflag:s14], $0x4000  }
0x77: {  	[sflag:s14] =	ssyncset.done $0x0  }
0x78: {  	[sflag:s14] =	ssyncadd.s32 $0xFFFFC000  }
0x79: {  	s31 =	sadd.s32 $0x0, s11;
	[bflag:$0x0] =	sbarrier.arrive $0xFFFF  }
0x7a: {  	[tilespmem:s3], [sflag:$0x1] =	stream.linear.gather [hbm4b:s31+s3], $0x100, $0x38;
	[tilespmem:$0x1C100] =	vst v63  }
0x7b: {  	_ = 	snop  }
0x7c: {  	[tilespmem:s13], [sflag:$0x2] =	stream.linear.gather [hbm4b:s12+s3], $0x8000, $0x38;
	[tilespmem:$0x1C100] =	vst v63  }
0x7d: {  	_ =	swait.ge [sflag:s15], $0x100  }
0x7e: {  	[sflag:s15] =	ssyncset.done $0x0  }
0x7f: {  	[sflag:s15] =	ssyncadd.s32 $0xFFFFFF00  }
0x80: {  	_ =	swait.ge [sflag:s16], $0x8000  }
0x81: {  	[sflag:s16] =	ssyncset.done $0x0  }
0x82: {  	[sflag:s16] =	ssyncadd.s32 $0xFFFF8000  }
0x83: {  	[spmem:s2] =	stream.indirect.scatter.add.f32 [tilespmem:s13], [sflag:$0x3], $0x80, s3, s13, $0xb8;
	[tilespmem:$0x1C100] =	vst v63  }
0x84: {  	s21 =	simm.s32 $0x20;
	_ =	swait.ge [sflag:s14], $0x8000  }
0x85: {  	s22 =	simm.s32 $0x40;
	s20 =	sadd.s32 $0x1000, s12;
	[sflag:s14] =	ssyncset.done $0x0  }
.LBB2_8:
0x86: {  	s23 =	sadd.s32 s21, s11  }
0x87: {  	[sflag:s14] =	ssyncadd.s32 $0xFFFF8000;
	s21 =	smov.u32 s22;
	s24 =	sadd.s32 $0x20, s22  }
0x88: {  	[tilespmem:s3], [sflag:$0x1] =	stream.linear.gather [hbm4b:s23+s3], $0x100, $0x38;
	[tilespmem:$0x1C100] =	vst v63  }
0x89: {  	p0 =	sne.s32 s22, $0x280  }
0x8a: {  	[tilespmem:s13], [sflag:$0x2] =	stream.linear.gather [hbm4b:s20+s3], $0x8000, $0x38;
	[tilespmem:$0x1C100] =	vst v63  }
0x8b: {  	_ =	swait.ge [sflag:s15], $0x100  }
0x8c: {  	[sflag:s15] =	ssyncset.done $0x0  }
0x8d: {  	[sflag:s15] =	ssyncadd.s32 $0xFFFFFF00  }
0x8e: {  	_ =	swait.ge [sflag:s16], $0x8000  }
.Ltmp3:
0x8f: {  	[sflag:s16] =	ssyncset.done $0x0;
	(pc) =	sbr.rel @p0 .LBB2_8-.Ltmp3, $4  }
0x90: {  	[sflag:s16] =	ssyncadd.s32 $0xFFFF8000  }
0x91: {  	[spmem:s2] =	stream.indirect.scatter.add.f32 [tilespmem:s13], [sflag:$0x3], $0x80, s3, s13, $0xb8;
	[tilespmem:$0x1C100] =	vst v63  }
0x92: {  	_ =	swait.ge [sflag:s14], $0x8000  }
0x93: {  	s22 =	smov.u32 s24;
	s20 =	sadd.s32 $0x1000, s20;
	[sflag:s14] =	ssyncset.done $0x0  }
0x94: {  	s21 =	sadd.s32 s21, s11;
	[sflag:s14] =	ssyncadd.s32 $0xFFFF8000  }
0x95: {  	[tilespmem:s3], [sflag:$0x1] =	stream.linear.gather [hbm4b:s21+s3], $0x100, $0x38;
	[tilespmem:$0x1C100] =	vst v63  }
0x96: {  	_ = 	snop  }
0x97: {  	[tilespmem:s13], [sflag:$0x2] =	stream.linear.gather [hbm4b:s20+s3], $0x8000, $0x38;
	[tilespmem:$0x1C100] =	vst v63  }
0x98: {  	_ =	swait.ge [sflag:s15], $0x100  }
0x99: {  	[sflag:s15] =	ssyncset.done $0x0  }
0x9a: {  	[sflag:s15] =	ssyncadd.s32 $0xFFFFFF00  }
0x9b: {  	_ =	swait.ge [sflag:s16], $0x8000  }
0x9c: {  	[sflag:s16] =	ssyncset.done $0x0  }
0x9d: {  	[sflag:s16] =	ssyncadd.s32 $0xFFFF8000  }
0x9e: {  	[spmem:s2] =	stream.indirect.scatter.add.f32 [tilespmem:s13], [sflag:$0x3], $0x80, s3, s13, $0xb8;
	[tilespmem:$0x1C100] =	vst v63  }
0x9f: {  	_ =	swait.ge [sflag:s14], $0x8000  }
0xa0: {  	[sflag:s14] =	ssyncset.done $0x0  }
0xa1: {  	s17 =	sadd.s32 $0x1, s17;
	[sflag:s14] =	ssyncadd.s32 $0xFFFF8000  }
0xa2: {  	p0 =	sne.s32 s17, s9;
	[bflag:$0x0] =	sbarrier.arrive $0xFFFF  }
0xa3: {  	[hbm:s8], [sflag:s18] =	dma.local [spmem:s19], $0x2800  }
.Ltmp4:
0xa4: {  	_ =	swait.ge [sflag:s14], $0x2800;
	(pc) =	sbr.rel @p0 .LBB2_1-.Ltmp4, $3  }
0xa5: {  	[sflag:s14] =	ssyncset.done $0x0  }
0xa6: {  	[sflag:s14] =	ssyncadd.s32 $0xFFFFD800  }
0xa7: {  	[bflag:$0x0] =	sbarrier.arrive $0xFFFF;
	_ =	sdelay $0x1  }
0xa8: {  	_ =	sfence.sel $0x180000  }
0xa9: {  	[bflag:$0x0] =	sbarrier.arrive $0xFFFF  }
0xaa: {  	p0 =	sne.s32 s1, $0x0;
	_ =	strace $0x9000004D  }
0xab: {  	s0 =	sadd.s32 @!p0 $0x100000, s0;
	[bflag:$0x2] =	sbarrier.arrive $0xFFFF  }
0xac: {  	[sflag:s0] =	ssyncadd.tile.s32 @!p0 $0x1;
	_ =	shalt  }
.Lfunc_end2:
_tile_overlayer_lowered:
.L_overlay_start_2:
0xad: {  	(tag) =	ssettag $0x2  }
0xae: {  	s0 =	rddreg [dreg:$0x0];
	s2 =	stileid.u32  }
0xaf: {  	s1 =	rddreg [dreg:$0x1];
	p0 =	sne.s32 s2, $0x0  }
0xb0: {  	s3 =	rddreg [dreg:$0x2];
	[bflag:$0x3] =	sbarrier.arrive $0xFFFF;
	s2 =	simm.s32 @!p0 $0x1C03  }
0xb1: {  	[timem:s3], [sflag:s2] =	dma.local @!p0 [hbm:s0], s1  }
0xb2: {  	s0 =	simm.s32 @!p0 $0x3  }
0xb3: {  	_ =	swait.ge @!p0 [sflag:s0], s1  }
0xb4: {  	s1 =	ssub.s32 @!p0 $0x0, s1;
	[sflag:s0] =	ssyncset.done @!p0 $0x0  }
0xb5: {  	[sflag:s0] =	ssyncadd.s32 @!p0 s1  }
0xb6: {  	[bflag:$0x3] =	sbarrier.arrive $0xFFFF  }
0xb7: {  	_ =	shalt  }

</sc_bundles>
